<compile_context>
chip_gen: v7x
topology: tpu7x:2x2x1
jax: 0.10.2.dev20260603
libtpu: 0.0.44.dev20260713+nightly
codegen_flags: <defaults>
</compile_context>

<pallas_src>
import functools

import jax
import jax.numpy as jnp
from jax import lax
from jax.experimental import pallas as pl
from jax.experimental.pallas import tpu as pltpu
from jax.experimental.pallas import tpu_sc as plsc

VOCAB = 1000000
D = 32
BATCH = 4096
SEQ = 200
N = BATCH * SEQ

NUM_CORES = 2
NUM_SUBCORES = 16
NW = NUM_CORES * NUM_SUBCORES
BROWS_PER_W = BATCH // NW
CHUNK = 2 * SEQ
NCHUNKS = BROWS_PER_W // 2
NPAIR = NCHUNKS // 2
L = 16
NG = CHUNK // L

_mesh = plsc.VectorSubcoreMesh(core_axis_name="c", subcore_axis_name="s")


@functools.partial(
    pl.kernel,
    mesh=_mesh,
    compiler_params=pltpu.CompilerParams(use_tc_tiling_on_sc=False),
    out_type=jax.ShapeDtypeStruct((BATCH, SEQ, 2 * D), jnp.float32),
    scratch_types=[
        pltpu.VMEM((NCHUNKS, CHUNK), jnp.int32),
        pltpu.VMEM((NCHUNKS, CHUNK), jnp.int32),
        pltpu.VMEM((CHUNK, D), jnp.float32),
        pltpu.VMEM((CHUNK, D), jnp.float32),
        pltpu.VMEM((CHUNK, D), jnp.float32),
        pltpu.VMEM((CHUNK, D), jnp.float32),
        pltpu.SemaphoreType.DMA,
        pltpu.SemaphoreType.DMA,
        pltpu.SemaphoreType.DMA,
        pltpu.SemaphoreType.DMA,
    ],
)
def _embed_cat(wid_hbm, cid_hbm, ww_hbm, wc_hbm, out3_hbm,
               widx2_v, cidx2_v, wrow0, wrow1, crow0, crow1,
               gsem0, gsem1, wsem0, wsem1):
    w = lax.axis_index("s") * NUM_CORES + lax.axis_index("c")
    rbase = w * BROWS_PER_W
    wrow = (wrow0, wrow1)
    crow = (crow0, crow1)
    gsem = (gsem0, gsem1)
    wsem = (wsem0, wsem1)

    pltpu.sync_copy(wid_hbm.at[pl.ds(w * NCHUNKS, NCHUNKS)], widx2_v)
    pltpu.sync_copy(cid_hbm.at[pl.ds(w * NCHUNKS, NCHUNKS)], cidx2_v)

    def enqueue_gathers(i, b):
        for j in range(NG):
            sl = pl.ds(j * L, L)
            pltpu.async_copy(ww_hbm.at[widx2_v[i, sl]], wrow[b].at[sl], gsem[b])
            pltpu.async_copy(wc_hbm.at[cidx2_v[i, sl]], crow[b].at[sl], gsem[b])

    def drain_gathers(b):
        pltpu.make_async_copy(ww_hbm.at[pl.ds(0, CHUNK)], wrow[b], gsem[b]).wait()
        pltpu.make_async_copy(wc_hbm.at[pl.ds(0, CHUNK)], crow[b], gsem[b]).wait()

    def issue_writes(i, b):
        r = rbase + 2 * i
        h0, h1 = pl.ds(0, SEQ), pl.ds(SEQ, SEQ)
        pltpu.async_copy(wrow[b].at[h0], out3_hbm.at[r, :, pl.ds(0, D)], wsem[b])
        pltpu.async_copy(wrow[b].at[h1], out3_hbm.at[r + 1, :, pl.ds(0, D)], wsem[b])
        pltpu.async_copy(crow[b].at[h0], out3_hbm.at[r, :, pl.ds(D, D)], wsem[b])
        pltpu.async_copy(crow[b].at[h1], out3_hbm.at[r + 1, :, pl.ds(D, D)], wsem[b])

    def wait_writes(b):
        h0 = pl.ds(0, SEQ)
        for _ in range(2):
            pltpu.make_async_copy(
                wrow[b].at[h0], out3_hbm.at[rbase, :, pl.ds(0, D)], wsem[b]).wait()
            pltpu.make_async_copy(
                crow[b].at[h0], out3_hbm.at[rbase, :, pl.ds(D, D)], wsem[b]).wait()

    enqueue_gathers(0, 0)
    enqueue_gathers(1, 1)
    drain_gathers(0)
    issue_writes(0, 0)
    drain_gathers(1)
    issue_writes(1, 1)

    def pair(k, _):
        i0 = 2 * k + 2
        wait_writes(0)
        enqueue_gathers(i0, 0)
        wait_writes(1)
        enqueue_gathers(i0 + 1, 1)
        drain_gathers(0)
        issue_writes(i0, 0)
        drain_gathers(1)
        issue_writes(i0 + 1, 1)
        return ()

    lax.fori_loop(0, NPAIR - 1, pair, ())
    wait_writes(0)
    wait_writes(1)


def kernel(word_ids, char_ids, W_words, W_chars):
    wid = word_ids.astype(jnp.int32).reshape(N // CHUNK, CHUNK)
    cid = char_ids.astype(jnp.int32).reshape(N // CHUNK, CHUNK)
    return _embed_cat(wid, cid, W_words, W_chars)

# --- scband reference (transcript-rebuilt; emitter-appended) ---
"""Pipeline reference for scband-cnnmodel-85392539779570 (READ-ONLY COPY).

The authoritative reference and input builder live on the scoring server;
editing this copy changes nothing except your own understanding.
"""

import jax, jax.numpy as jnp
import numpy as np

VOCAB = 1000000
EMBED_DIM = 32
BATCH = 4096
SEQ = 200

def setup_inputs(seed: int = 0) -> dict:
    key = jax.random.key(seed)
    k1, k2, k3, k4 = jax.random.split(key, 4)
    word_ids = jax.random.randint(k1, (BATCH, SEQ), 0, VOCAB, dtype=jnp.int64 if jax.config.jax_enable_x64 else jnp.int32)
    char_ids = jax.random.randint(k2, (BATCH, SEQ), 0, VOCAB, dtype=jnp.int64 if jax.config.jax_enable_x64 else jnp.int32)
    W_words = jax.random.normal(k3, (VOCAB, EMBED_DIM), dtype=jnp.float32) * 0.02
    W_chars = jax.random.normal(k4, (VOCAB, EMBED_DIM), dtype=jnp.float32) * 0.02
    return {"word_ids": word_ids, "char_ids": char_ids, "W_words": W_words, "W_chars": W_chars}

def reference(word_ids, char_ids, W_words, W_chars):
    # words_embedding lookup
    we = jnp.take(W_words, word_ids, axis=0)   # [B, S, D]
    # chars_embedding lookup
    ce = jnp.take(W_chars, char_ids, axis=0)   # [B, S, D]
    # TextCNN concatenates word + char embeddings along the feature axis
    return jnp.concatenate([we, ce], axis=-1)  # [B, S, 2D]

if __name__ == "__main__":
    import jax
    _d = setup_inputs()
    print(jax.jit(kernel)(*tuple(_d.values())))

</pallas_src>

<mosaic_0001>
#map = affine_map<(d0, d1) -> (0, 0)>
#map1 = affine_map<(d0, d1) -> (0, 0, 0)>
module attributes {stable_mosaic.version = 14 : i64} {
  func.func @_embed_cat(%arg0: i32, %arg1: i32, %arg2: memref<2048x400xi32, #tpu.memory_space<hbm>>, %arg3: memref<2048x400xi32, #tpu.memory_space<hbm>>, %arg4: memref<1000000x32xf32, #tpu.memory_space<hbm>>, %arg5: memref<1000000x32xf32, #tpu.memory_space<hbm>>, %arg6: memref<4096x200x64xf32, #tpu.memory_space<hbm>>, %arg7: memref<64x400xi32, #tpu.memory_space<vmem>>, %arg8: memref<64x400xi32, #tpu.memory_space<vmem>>, %arg9: memref<400x32xf32, #tpu.memory_space<vmem>>, %arg10: memref<400x32xf32, #tpu.memory_space<vmem>>, %arg11: memref<400x32xf32, #tpu.memory_space<vmem>>, %arg12: memref<400x32xf32, #tpu.memory_space<vmem>>, %arg13: memref<!tpu.dma_semaphore, #tpu.memory_space<semaphore_mem>>, %arg14: memref<!tpu.dma_semaphore, #tpu.memory_space<semaphore_mem>>, %arg15: memref<!tpu.dma_semaphore, #tpu.memory_space<semaphore_mem>>, %arg16: memref<!tpu.dma_semaphore, #tpu.memory_space<semaphore_mem>>) attributes {dimension_semantics = [#tpu.dimension_semantics<core_parallel>, #tpu.dimension_semantics<subcore_parallel>], iteration_bounds = array<i64: 2, 16>, scalar_prefetch = 0 : i64, scratch_operands = 10 : i64, tpu.core_type = #tpu.core_type<sc_vector_subcore>, window_params = [{transform_indices = #map}, {transform_indices = #map}, {transform_indices = #map}, {transform_indices = #map}, {transform_indices = #map1}]} {
    %mul3A = arith.constant 2 : i32
    %mul3A_0 = arith.muli %arg1, %mul3A : i32
    %add3A = arith.addi %mul3A_0, %arg0 : i32
    %mul3A_1 = arith.constant 128 : i32
    %mul3A_2 = arith.muli %add3A, %mul3A_1 : i32
    %mul3A_3 = arith.constant 64 : i32
    %mul3A_4 = arith.muli %add3A, %mul3A_3 : i32
    "tpu.region"() ({
      %run_scoped3A = tpu.sem_alloc : memref<!tpu.dma_semaphore, #tpu.memory_space<semaphore_mem>>
      %dma_start3A_1368 = arith.constant 0 : i32
      %dma_start3A_1369 = tpu.memref_slice %arg2[%mul3A_4, %dma_start3A_1368] : memref<2048x400xi32, #tpu.memory_space<hbm>> -> memref<64x400xi32, #tpu.memory_space<hbm>>
      %dma_start3A_1370 = arith.constant 0 : i32
      %dma_start3A_1371 = tpu.memref_slice %arg2[%mul3A_4, %dma_start3A_1370] : memref<2048x400xi32, #tpu.memory_space<hbm>> -> memref<64x400xi32, #tpu.memory_space<hbm>>
      tpu.enqueue_dma source(%dma_start3A_1371 : memref<64x400xi32, #tpu.memory_space<hbm>>) target(%arg7 : memref<64x400xi32, #tpu.memory_space<vmem>>) target_semaphore(%run_scoped3A : memref<!tpu.dma_semaphore, #tpu.memory_space<semaphore_mem>>)
      %dma_wait3A_1372 = arith.constant 0 : i32
      %dma_wait3A_1373 = tpu.memref_slice %arg2[%mul3A_4, %dma_wait3A_1372] : memref<2048x400xi32, #tpu.memory_space<hbm>> -> memref<64x400xi32, #tpu.memory_space<hbm>>
      %dma_wait3A_1374 = arith.constant 0 : i32
      %dma_wait3A_1375 = tpu.memref_slice %arg2[%mul3A_4, %dma_wait3A_1374] : memref<2048x400xi32, #tpu.memory_space<hbm>> -> memref<64x400xi32, #tpu.memory_space<hbm>>
      tpu.wait_dma2 semaphore(%run_scoped3A : memref<!tpu.dma_semaphore, #tpu.memory_space<semaphore_mem>>) src(%dma_wait3A_1375 : memref<64x400xi32, #tpu.memory_space<hbm>>) dst(%arg7 : memref<64x400xi32, #tpu.memory_space<vmem>>)
      tpu.yield
    }) : () -> ()
    %mul3A_5 = arith.constant 64 : i32
    %mul3A_6 = arith.muli %add3A, %mul3A_5 : i32
    "tpu.region"() ({
      %run_scoped3A = tpu.sem_alloc : memref<!tpu.dma_semaphore, #tpu.memory_space<semaphore_mem>>
      %dma_start3A_1368 = arith.constant 0 : i32
      %dma_start3A_1369 = tpu.memref_slice %arg3[%mul3A_6, %dma_start3A_1368] : memref<2048x400xi32, #tpu.memory_space<hbm>> -> memref<64x400xi32, #tpu.memory_space<hbm>>
      %dma_start3A_1370 = arith.constant 0 : i32
      %dma_start3A_1371 = tpu.memref_slice %arg3[%mul3A_6, %dma_start3A_1370] : memref<2048x400xi32, #tpu.memory_space<hbm>> -> memref<64x400xi32, #tpu.memory_space<hbm>>
      tpu.enqueue_dma source(%dma_start3A_1371 : memref<64x400xi32, #tpu.memory_space<hbm>>) target(%arg8 : memref<64x400xi32, #tpu.memory_space<vmem>>) target_semaphore(%run_scoped3A : memref<!tpu.dma_semaphore, #tpu.memory_space<semaphore_mem>>)
      %dma_wait3A_1372 = arith.constant 0 : i32
      %dma_wait3A_1373 = tpu.memref_slice %arg3[%mul3A_6, %dma_wait3A_1372] : memref<2048x400xi32, #tpu.memory_space<hbm>> -> memref<64x400xi32, #tpu.memory_space<hbm>>
      %dma_wait3A_1374 = arith.constant 0 : i32
      %dma_wait3A_1375 = tpu.memref_slice %arg3[%mul3A_6, %dma_wait3A_1374] : memref<2048x400xi32, #tpu.memory_space<hbm>> -> memref<64x400xi32, #tpu.memory_space<hbm>>
      tpu.wait_dma2 semaphore(%run_scoped3A : memref<!tpu.dma_semaphore, #tpu.memory_space<semaphore_mem>>) src(%dma_wait3A_1375 : memref<64x400xi32, #tpu.memory_space<hbm>>) dst(%arg8 : memref<64x400xi32, #tpu.memory_space<vmem>>)
      tpu.yield
    }) : () -> ()
    %get3A = arith.constant 0 : i32
    %get3A_7 = arith.index_cast %get3A : i32 to index
    %get3A_8 = arith.constant 0 : index
    %get3A_9 = tpu.vector_load %arg7[%get3A_7, %get3A_8] {strides = array<i32>} : memref<64x400xi32, #tpu.memory_space<vmem>>, vector<1x16xi32>,
    %get3A_10 = vector.shape_cast %get3A_9 : vector<1x16xi32> to vector<16xi32>
    %dma_start3A = arith.constant 0 : i32
    %dma_start3A_11 = arith.constant 0 : i32
    %dma_start3A_12 = tpu.memref_slice %arg9[%dma_start3A, %dma_start3A_11] : memref<400x32xf32, #tpu.memory_space<vmem>> -> memref<16x32xf32, #tpu.memory_space<vmem>>
    %dma_start3A_13 = arith.constant 0 : i32
    %dma_start3A_14 = arith.constant 0 : i32
    %dma_start3A_15 = tpu.memref_slice %arg4[%dma_start3A_13, %dma_start3A_14] : memref<1000000x32xf32, #tpu.memory_space<hbm>> -> memref<1000000x32xf32, #tpu.memory_space<hbm>>
    tpu.enqueue_indirect_dma source(%dma_start3A_15 : memref<1000000x32xf32, #tpu.memory_space<hbm>>) target(%dma_start3A_12 : memref<16x32xf32, #tpu.memory_space<vmem>>) offsets(%get3A_10 : vector<16xi32>) semaphore(%arg13 : memref<!tpu.dma_semaphore, #tpu.memory_space<semaphore_mem>>)
    %get3A_16 = arith.constant 0 : i32
    %get3A_17 = arith.index_cast %get3A_16 : i32 to index
    %get3A_18 = arith.constant 0 : index
    %get3A_19 = tpu.vector_load %arg8[%get3A_17, %get3A_18] {strides = array<i32>} : memref<64x400xi32, #tpu.memory_space<vmem>>, vector<1x16xi32>,
    %get3A_20 = vector.shape_cast %get3A_19 : vector<1x16xi32> to vector<16xi32>
    %dma_start3A_21 = arith.constant 0 : i32
    %dma_start3A_22 = arith.constant 0 : i32
    %dma_start3A_23 = tpu.memref_slice %arg11[%dma_start3A_21, %dma_start3A_22] : memref<400x32xf32, #tpu.memory_space<vmem>> -> memref<16x32xf32, #tpu.memory_space<vmem>>
    %dma_start3A_24 = arith.constant 0 : i32
    %dma_start3A_25 = arith.constant 0 : i32
    %dma_start3A_26 = tpu.memref_slice %arg5[%dma_start3A_24, %dma_start3A_25] : memref<1000000x32xf32, #tpu.memory_space<hbm>> -> memref<1000000x32xf32, #tpu.memory_space<hbm>>
    tpu.enqueue_indirect_dma source(%dma_start3A_26 : memref<1000000x32xf32, #tpu.memory_space<hbm>>) target(%dma_start3A_23 : memref<16x32xf32, #tpu.memory_space<vmem>>) offsets(%get3A_20 : vector<16xi32>) semaphore(%arg13 : memref<!tpu.dma_semaphore, #tpu.memory_space<semaphore_mem>>)
    %get3A_27 = arith.constant 0 : i32
    %get3A_28 = arith.index_cast %get3A_27 : i32 to index
    %get3A_29 = arith.constant 16 : index
    %get3A_30 = tpu.vector_load %arg7[%get3A_28, %get3A_29] {strides = array<i32>} : memref<64x400xi32, #tpu.memory_space<vmem>>, vector<1x16xi32>,
    %get3A_31 = vector.shape_cast %get3A_30 : vector<1x16xi32> to vector<16xi32>
    %dma_start3A_32 = arith.constant 16 : i32
    %dma_start3A_33 = arith.constant 0 : i32
    %dma_start3A_34 = tpu.memref_slice %arg9[%dma_start3A_32, %dma_start3A_33] : memref<400x32xf32, #tpu.memory_space<vmem>> -> memref<16x32xf32, #tpu.memory_space<vmem>>
    %dma_start3A_35 = arith.constant 0 : i32
    %dma_start3A_36 = arith.constant 0 : i32
    %dma_start3A_37 = tpu.memref_slice %arg4[%dma_start3A_35, %dma_start3A_36] : memref<1000000x32xf32, #tpu.memory_space<hbm>> -> memref<1000000x32xf32, #tpu.memory_space<hbm>>
    tpu.enqueue_indirect_dma source(%dma_start3A_37 : memref<1000000x32xf32, #tpu.memory_space<hbm>>) target(%dma_start3A_34 : memref<16x32xf32, #tpu.memory_space<vmem>>) offsets(%get3A_31 : vector<16xi32>) semaphore(%arg13 : memref<!tpu.dma_semaphore, #tpu.memory_space<semaphore_mem>>)
    %get3A_38 = arith.constant 0 : i32
    %get3A_39 = arith.index_cast %get3A_38 : i32 to index
    %get3A_40 = arith.constant 16 : index
    %get3A_41 = tpu.vector_load %arg8[%get3A_39, %get3A_40] {strides = array<i32>} : memref<64x400xi32, #tpu.memory_space<vmem>>, vector<1x16xi32>,
    %get3A_42 = vector.shape_cast %get3A_41 : vector<1x16xi32> to vector<16xi32>
    %dma_start3A_43 = arith.constant 16 : i32
    %dma_start3A_44 = arith.constant 0 : i32
    %dma_start3A_45 = tpu.memref_slice %arg11[%dma_start3A_43, %dma_start3A_44] : memref<400x32xf32, #tpu.memory_space<vmem>> -> memref<16x32xf32, #tpu.memory_space<vmem>>
    %dma_start3A_46 = arith.constant 0 : i32
    %dma_start3A_47 = arith.constant 0 : i32
    %dma_start3A_48 = tpu.memref_slice %arg5[%dma_start3A_46, %dma_start3A_47] : memref<1000000x32xf32, #tpu.memory_space<hbm>> -> memref<1000000x32xf32, #tpu.memory_space<hbm>>
    tpu.enqueue_indirect_dma source(%dma_start3A_48 : memref<1000000x32xf32, #tpu.memory_space<hbm>>) target(%dma_start3A_45 : memref<16x32xf32, #tpu.memory_space<vmem>>) offsets(%get3A_42 : vector<16xi32>) semaphore(%arg13 : memref<!tpu.dma_semaphore, #tpu.memory_space<semaphore_mem>>)
    %get3A_49 = arith.constant 0 : i32
    %get3A_50 = arith.index_cast %get3A_49 : i32 to index
    %get3A_51 = arith.constant 32 : index
    %get3A_52 = tpu.vector_load %arg7[%get3A_50, %get3A_51] {strides = array<i32>} : memref<64x400xi32, #tpu.memory_space<vmem>>, vector<1x16xi32>,
    %get3A_53 = vector.shape_cast %get3A_52 : vector<1x16xi32> to vector<16xi32>
    %dma_start3A_54 = arith.constant 32 : i32
    %dma_start3A_55 = arith.constant 0 : i32
    %dma_start3A_56 = tpu.memref_slice %arg9[%dma_start3A_54, %dma_start3A_55] : memref<400x32xf32, #tpu.memory_space<vmem>> -> memref<16x32xf32, #tpu.memory_space<vmem>>
    %dma_start3A_57 = arith.constant 0 : i32
    %dma_start3A_58 = arith.constant 0 : i32
    %dma_start3A_59 = tpu.memref_slice %arg4[%dma_start3A_57, %dma_start3A_58] : memref<1000000x32xf32, #tpu.memory_space<hbm>> -> memref<1000000x32xf32, #tpu.memory_space<hbm>>
    tpu.enqueue_indirect_dma source(%dma_start3A_59 : memref<1000000x32xf32, #tpu.memory_space<hbm>>) target(%dma_start3A_56 : memref<16x32xf32, #tpu.memory_space<vmem>>) offsets(%get3A_53 : vector<16xi32>) semaphore(%arg13 : memref<!tpu.dma_semaphore, #tpu.memory_space<semaphore_mem>>)
    %get3A_60 = arith.constant 0 : i32
    %get3A_61 = arith.index_cast %get3A_60 : i32 to index
    %get3A_62 = arith.constant 32 : index
    %get3A_63 = tpu.vector_load %arg8[%get3A_61, %get3A_62] {strides = array<i32>} : memref<64x400xi32, #tpu.memory_space<vmem>>, vector<1x16xi32>,
    %get3A_64 = vector.shape_cast %get3A_63 : vector<1x16xi32> to vector<16xi32>
    %dma_start3A_65 = arith.constant 32 : i32
    %dma_start3A_66 = arith.constant 0 : i32
    %dma_start3A_67 = tpu.memref_slice %arg11[%dma_start3A_65, %dma_start3A_66] : memref<400x32xf32, #tpu.memory_space<vmem>> -> memref<16x32xf32, #tpu.memory_space<vmem>>
    %dma_start3A_68 = arith.constant 0 : i32
    %dma_start3A_69 = arith.constant 0 : i32
    %dma_start3A_70 = tpu.memref_slice %arg5[%dma_start3A_68, %dma_start3A_69] : memref<1000000x32xf32, #tpu.memory_space<hbm>> -> memref<1000000x32xf32, #tpu.memory_space<hbm>>
    tpu.enqueue_indirect_dma source(%dma_start3A_70 : memref<1000000x32xf32, #tpu.memory_space<hbm>>) target(%dma_start3A_67 : memref<16x32xf32, #tpu.memory_space<vmem>>) offsets(%get3A_64 : vector<16xi32>) semaphore(%arg13 : memref<!tpu.dma_semaphore, #tpu.memory_space<semaphore_mem>>)
    %get3A_71 = arith.constant 0 : i32
    %get3A_72 = arith.index_cast %get3A_71 : i32 to index
    %get3A_73 = arith.constant 48 : index
    %get3A_74 = tpu.vector_load %arg7[%get3A_72, %get3A_73] {strides = array<i32>} : memref<64x400xi32, #tpu.memory_space<vmem>>, vector<1x16xi32>,
    %get3A_75 = vector.shape_cast %get3A_74 : vector<1x16xi32> to vector<16xi32>
    %dma_start3A_76 = arith.constant 48 : i32
    %dma_start3A_77 = arith.constant 0 : i32
    %dma_start3A_78 = tpu.memref_slice %arg9[%dma_start3A_76, %dma_start3A_77] : memref<400x32xf32, #tpu.memory_space<vmem>> -> memref<16x32xf32, #tpu.memory_space<vmem>>
    %dma_start3A_79 = arith.constant 0 : i32
    %dma_start3A_80 = arith.constant 0 : i32
    %dma_start3A_81 = tpu.memref_slice %arg4[%dma_start3A_79, %dma_start3A_80] : memref<1000000x32xf32, #tpu.memory_space<hbm>> -> memref<1000000x32xf32, #tpu.memory_space<hbm>>
    tpu.enqueue_indirect_dma source(%dma_start3A_81 : memref<1000000x32xf32, #tpu.memory_space<hbm>>) target(%dma_start3A_78 : memref<16x32xf32, #tpu.memory_space<vmem>>) offsets(%get3A_75 : vector<16xi32>) semaphore(%arg13 : memref<!tpu.dma_semaphore, #tpu.memory_space<semaphore_mem>>)
    %get3A_82 = arith.constant 0 : i32
    %get3A_83 = arith.index_cast %get3A_82 : i32 to index
    %get3A_84 = arith.constant 48 : index
    %get3A_85 = tpu.vector_load %arg8[%get3A_83, %get3A_84] {strides = array<i32>} : memref<64x400xi32, #tpu.memory_space<vmem>>, vector<1x16xi32>,
    %get3A_86 = vector.shape_cast %get3A_85 : vector<1x16xi32> to vector<16xi32>
    %dma_start3A_87 = arith.constant 48 : i32
    %dma_start3A_88 = arith.constant 0 : i32
    %dma_start3A_89 = tpu.memref_slice %arg11[%dma_start3A_87, %dma_start3A_88] : memref<400x32xf32, #tpu.memory_space<vmem>> -> memref<16x32xf32, #tpu.memory_space<vmem>>
    %dma_start3A_90 = arith.constant 0 : i32
    %dma_start3A_91 = arith.constant 0 : i32
    %dma_start3A_92 = tpu.memref_slice %arg5[%dma_start3A_90, %dma_start3A_91] : memref<1000000x32xf32, #tpu.memory_space<hbm>> -> memref<1000000x32xf32, #tpu.memory_space<hbm>>
    tpu.enqueue_indirect_dma source(%dma_start3A_92 : memref<1000000x32xf32, #tpu.memory_space<hbm>>) target(%dma_start3A_89 : memref<16x32xf32, #tpu.memory_space<vmem>>) offsets(%get3A_86 : vector<16xi32>) semaphore(%arg13 : memref<!tpu.dma_semaphore, #tpu.memory_space<semaphore_mem>>)
    %get3A_93 = arith.constant 0 : i32
    %get3A_94 = arith.index_cast %get3A_93 : i32 to index
    %get3A_95 = arith.constant 64 : index
    %get3A_96 = tpu.vector_load %arg7[%get3A_94, %get3A_95] {strides = array<i32>} : memref<64x400xi32, #tpu.memory_space<vmem>>, vector<1x16xi32>,
    %get3A_97 = vector.shape_cast %get3A_96 : vector<1x16xi32> to vector<16xi32>
    %dma_start3A_98 = arith.constant 64 : i32
    %dma_start3A_99 = arith.constant 0 : i32
    %dma_start3A_100 = tpu.memref_slice %arg9[%dma_start3A_98, %dma_start3A_99] : memref<400x32xf32, #tpu.memory_space<vmem>> -> memref<16x32xf32, #tpu.memory_space<vmem>>
    %dma_start3A_101 = arith.constant 0 : i32
    %dma_start3A_102 = arith.constant 0 : i32
    %dma_start3A_103 = tpu.memref_slice %arg4[%dma_start3A_101, %dma_start3A_102] : memref<1000000x32xf32, #tpu.memory_space<hbm>> -> memref<1000000x32xf32, #tpu.memory_space<hbm>>
    tpu.enqueue_indirect_dma source(%dma_start3A_103 : memref<1000000x32xf32, #tpu.memory_space<hbm>>) target(%dma_start3A_100 : memref<16x32xf32, #tpu.memory_space<vmem>>) offsets(%get3A_97 : vector<16xi32>) semaphore(%arg13 : memref<!tpu.dma_semaphore, #tpu.memory_space<semaphore_mem>>)
    %get3A_104 = arith.constant 0 : i32
    %get3A_105 = arith.index_cast %get3A_104 : i32 to index
    %get3A_106 = arith.constant 64 : index
    %get3A_107 = tpu.vector_load %arg8[%get3A_105, %get3A_106] {strides = array<i32>} : memref<64x400xi32, #tpu.memory_space<vmem>>, vector<1x16xi32>,
    %get3A_108 = vector.shape_cast %get3A_107 : vector<1x16xi32> to vector<16xi32>
    %dma_start3A_109 = arith.constant 64 : i32
    %dma_start3A_110 = arith.constant 0 : i32
    %dma_start3A_111 = tpu.memref_slice %arg11[%dma_start3A_109, %dma_start3A_110] : memref<400x32xf32, #tpu.memory_space<vmem>> -> memref<16x32xf32, #tpu.memory_space<vmem>>
    %dma_start3A_112 = arith.constant 0 : i32
    %dma_start3A_113 = arith.constant 0 : i32
    %dma_start3A_114 = tpu.memref_slice %arg5[%dma_start3A_112, %dma_start3A_113] : memref<1000000x32xf32, #tpu.memory_space<hbm>> -> memref<1000000x32xf32, #tpu.memory_space<hbm>>
    tpu.enqueue_indirect_dma source(%dma_start3A_114 : memref<1000000x32xf32, #tpu.memory_space<hbm>>) target(%dma_start3A_111 : memref<16x32xf32, #tpu.memory_space<vmem>>) offsets(%get3A_108 : vector<16xi32>) semaphore(%arg13 : memref<!tpu.dma_semaphore, #tpu.memory_space<semaphore_mem>>)
    %get3A_115 = arith.constant 0 : i32
    %get3A_116 = arith.index_cast %get3A_115 : i32 to index
    %get3A_117 = arith.constant 80 : index
    %get3A_118 = tpu.vector_load %arg7[%get3A_116, %get3A_117] {strides = array<i32>} : memref<64x400xi32, #tpu.memory_space<vmem>>, vector<1x16xi32>,
    %get3A_119 = vector.shape_cast %get3A_118 : vector<1x16xi32> to vector<16xi32>
    %dma_start3A_120 = arith.constant 80 : i32
    %dma_start3A_121 = arith.constant 0 : i32
    %dma_start3A_122 = tpu.memref_slice %arg9[%dma_start3A_120, %dma_start3A_121] : memref<400x32xf32, #tpu.memory_space<vmem>> -> memref<16x32xf32, #tpu.memory_space<vmem>>
    %dma_start3A_123 = arith.constant 0 : i32
    %dma_start3A_124 = arith.constant 0 : i32
    %dma_start3A_125 = tpu.memref_slice %arg4[%dma_start3A_123, %dma_start3A_124] : memref<1000000x32xf32, #tpu.memory_space<hbm>> -> memref<1000000x32xf32, #tpu.memory_space<hbm>>
    tpu.enqueue_indirect_dma source(%dma_start3A_125 : memref<1000000x32xf32, #tpu.memory_space<hbm>>) target(%dma_start3A_122 : memref<16x32xf32, #tpu.memory_space<vmem>>) offsets(%get3A_119 : vector<16xi32>) semaphore(%arg13 : memref<!tpu.dma_semaphore, #tpu.memory_space<semaphore_mem>>)
    %get3A_126 = arith.constant 0 : i32
    %get3A_127 = arith.index_cast %get3A_126 : i32 to index
    %get3A_128 = arith.constant 80 : index
    %get3A_129 = tpu.vector_load %arg8[%get3A_127, %get3A_128] {strides = array<i32>} : memref<64x400xi32, #tpu.memory_space<vmem>>, vector<1x16xi32>,
    %get3A_130 = vector.shape_cast %get3A_129 : vector<1x16xi32> to vector<16xi32>
    %dma_start3A_131 = arith.constant 80 : i32
    %dma_start3A_132 = arith.constant 0 : i32
    %dma_start3A_133 = tpu.memref_slice %arg11[%dma_start3A_131, %dma_start3A_132] : memref<400x32xf32, #tpu.memory_space<vmem>> -> memref<16x32xf32, #tpu.memory_space<vmem>>
    %dma_start3A_134 = arith.constant 0 : i32
    %dma_start3A_135 = arith.constant 0 : i32
    %dma_start3A_136 = tpu.memref_slice %arg5[%dma_start3A_134, %dma_start3A_135] : memref<1000000x32xf32, #tpu.memory_space<hbm>> -> memref<1000000x32xf32, #tpu.memory_space<hbm>>
    tpu.enqueue_indirect_dma source(%dma_start3A_136 : memref<1000000x32xf32, #tpu.memory_space<hbm>>) target(%dma_start3A_133 : memref<16x32xf32, #tpu.memory_space<vmem>>) offsets(%get3A_130 : vector<16xi32>) semaphore(%arg13 : memref<!tpu.dma_semaphore, #tpu.memory_space<semaphore_mem>>)
    %get3A_137 = arith.constant 0 : i32
    %get3A_138 = arith.index_cast %get3A_137 : i32 to index
    %get3A_139 = arith.constant 96 : index
    %get3A_140 = tpu.vector_load %arg7[%get3A_138, %get3A_139] {strides = array<i32>} : memref<64x400xi32, #tpu.memory_space<vmem>>, vector<1x16xi32>,
    %get3A_141 = vector.shape_cast %get3A_140 : vector<1x16xi32> to vector<16xi32>
    %dma_start3A_142 = arith.constant 96 : i32
    %dma_start3A_143 = arith.constant 0 : i32
    %dma_start3A_144 = tpu.memref_slice %arg9[%dma_start3A_142, %dma_start3A_143] : memref<400x32xf32, #tpu.memory_space<vmem>> -> memref<16x32xf32, #tpu.memory_space<vmem>>
    %dma_start3A_145 = arith.constant 0 : i32
    %dma_start3A_146 = arith.constant 0 : i32
    %dma_start3A_147 = tpu.memref_slice %arg4[%dma_start3A_145, %dma_start3A_146] : memref<1000000x32xf32, #tpu.memory_space<hbm>> -> memref<1000000x32xf32, #tpu.memory_space<hbm>>
    tpu.enqueue_indirect_dma source(%dma_start3A_147 : memref<1000000x32xf32, #tpu.memory_space<hbm>>) target(%dma_start3A_144 : memref<16x32xf32, #tpu.memory_space<vmem>>) offsets(%get3A_141 : vector<16xi32>) semaphore(%arg13 : memref<!tpu.dma_semaphore, #tpu.memory_space<semaphore_mem>>)
    %get3A_148 = arith.constant 0 : i32
    %get3A_149 = arith.index_cast %get3A_148 : i32 to index
    %get3A_150 = arith.constant 96 : index
    %get3A_151 = tpu.vector_load %arg8[%get3A_149, %get3A_150] {strides = array<i32>} : memref<64x400xi32, #tpu.memory_space<vmem>>, vector<1x16xi32>,
    %get3A_152 = vector.shape_cast %get3A_151 : vector<1x16xi32> to vector<16xi32>
    %dma_start3A_153 = arith.constant 96 : i32
    %dma_start3A_154 = arith.constant 0 : i32
    %dma_start3A_155 = tpu.memref_slice %arg11[%dma_start3A_153, %dma_start3A_154] : memref<400x32xf32, #tpu.memory_space<vmem>> -> memref<16x32xf32, #tpu.memory_space<vmem>>
    %dma_start3A_156 = arith.constant 0 : i32
    %dma_start3A_157 = arith.constant 0 : i32
    %dma_start3A_158 = tpu.memref_slice %arg5[%dma_start3A_156, %dma_start3A_157] : memref<1000000x32xf32, #tpu.memory_space<hbm>> -> memref<1000000x32xf32, #tpu.memory_space<hbm>>
    tpu.enqueue_indirect_dma source(%dma_start3A_158 : memref<1000000x32xf32, #tpu.memory_space<hbm>>) target(%dma_start3A_155 : memref<16x32xf32, #tpu.memory_space<vmem>>) offsets(%get3A_152 : vector<16xi32>) semaphore(%arg13 : memref<!tpu.dma_semaphore, #tpu.memory_space<semaphore_mem>>)
    %get3A_159 = arith.constant 0 : i32
    %get3A_160 = arith.index_cast %get3A_159 : i32 to index
    %get3A_161 = arith.constant 112 : index
    %get3A_162 = tpu.vector_load %arg7[%get3A_160, %get3A_161] {strides = array<i32>} : memref<64x400xi32, #tpu.memory_space<vmem>>, vector<1x16xi32>,
    %get3A_163 = vector.shape_cast %get3A_162 : vector<1x16xi32> to vector<16xi32>
    %dma_start3A_164 = arith.constant 112 : i32
    %dma_start3A_165 = arith.constant 0 : i32
    %dma_start3A_166 = tpu.memref_slice %arg9[%dma_start3A_164, %dma_start3A_165] : memref<400x32xf32, #tpu.memory_space<vmem>> -> memref<16x32xf32, #tpu.memory_space<vmem>>
    %dma_start3A_167 = arith.constant 0 : i32
    %dma_start3A_168 = arith.constant 0 : i32
    %dma_start3A_169 = tpu.memref_slice %arg4[%dma_start3A_167, %dma_start3A_168] : memref<1000000x32xf32, #tpu.memory_space<hbm>> -> memref<1000000x32xf32, #tpu.memory_space<hbm>>
    tpu.enqueue_indirect_dma source(%dma_start3A_169 : memref<1000000x32xf32, #tpu.memory_space<hbm>>) target(%dma_start3A_166 : memref<16x32xf32, #tpu.memory_space<vmem>>) offsets(%get3A_163 : vector<16xi32>) semaphore(%arg13 : memref<!tpu.dma_semaphore, #tpu.memory_space<semaphore_mem>>)
    %get3A_170 = arith.constant 0 : i32
    %get3A_171 = arith.index_cast %get3A_170 : i32 to index
    %get3A_172 = arith.constant 112 : index
    %get3A_173 = tpu.vector_load %arg8[%get3A_171, %get3A_172] {strides = array<i32>} : memref<64x400xi32, #tpu.memory_space<vmem>>, vector<1x16xi32>,
    %get3A_174 = vector.shape_cast %get3A_173 : vector<1x16xi32> to vector<16xi32>
    %dma_start3A_175 = arith.constant 112 : i32
    %dma_start3A_176 = arith.constant 0 : i32
    %dma_start3A_177 = tpu.memref_slice %arg11[%dma_start3A_175, %dma_start3A_176] : memref<400x32xf32, #tpu.memory_space<vmem>> -> memref<16x32xf32, #tpu.memory_space<vmem>>
    %dma_start3A_178 = arith.constant 0 : i32
    %dma_start3A_179 = arith.constant 0 : i32
    %dma_start3A_180 = tpu.memref_slice %arg5[%dma_start3A_178, %dma_start3A_179] : memref<1000000x32xf32, #tpu.memory_space<hbm>> -> memref<1000000x32xf32, #tpu.memory_space<hbm>>
    tpu.enqueue_indirect_dma source(%dma_start3A_180 : memref<1000000x32xf32, #tpu.memory_space<hbm>>) target(%dma_start3A_177 : memref<16x32xf32, #tpu.memory_space<vmem>>) offsets(%get3A_174 : vector<16xi32>) semaphore(%arg13 : memref<!tpu.dma_semaphore, #tpu.memory_space<semaphore_mem>>)
    %get3A_181 = arith.constant 0 : i32
    %get3A_182 = arith.index_cast %get3A_181 : i32 to index
    %get3A_183 = arith.constant 128 : index
    %get3A_184 = tpu.vector_load %arg7[%get3A_182, %get3A_183] {strides = array<i32>} : memref<64x400xi32, #tpu.memory_space<vmem>>, vector<1x16xi32>,
    %get3A_185 = vector.shape_cast %get3A_184 : vector<1x16xi32> to vector<16xi32>
    %dma_start3A_186 = arith.constant 128 : i32
    %dma_start3A_187 = arith.constant 0 : i32
    %dma_start3A_188 = tpu.memref_slice %arg9[%dma_start3A_186, %dma_start3A_187] : memref<400x32xf32, #tpu.memory_space<vmem>> -> memref<16x32xf32, #tpu.memory_space<vmem>>
    %dma_start3A_189 = arith.constant 0 : i32
    %dma_start3A_190 = arith.constant 0 : i32
    %dma_start3A_191 = tpu.memref_slice %arg4[%dma_start3A_189, %dma_start3A_190] : memref<1000000x32xf32, #tpu.memory_space<hbm>> -> memref<1000000x32xf32, #tpu.memory_space<hbm>>
    tpu.enqueue_indirect_dma source(%dma_start3A_191 : memref<1000000x32xf32, #tpu.memory_space<hbm>>) target(%dma_start3A_188 : memref<16x32xf32, #tpu.memory_space<vmem>>) offsets(%get3A_185 : vector<16xi32>) semaphore(%arg13 : memref<!tpu.dma_semaphore, #tpu.memory_space<semaphore_mem>>)
    %get3A_192 = arith.constant 0 : i32
    %get3A_193 = arith.index_cast %get3A_192 : i32 to index
    %get3A_194 = arith.constant 128 : index
    %get3A_195 = tpu.vector_load %arg8[%get3A_193, %get3A_194] {strides = array<i32>} : memref<64x400xi32, #tpu.memory_space<vmem>>, vector<1x16xi32>,
    %get3A_196 = vector.shape_cast %get3A_195 : vector<1x16xi32> to vector<16xi32>
    %dma_start3A_197 = arith.constant 128 : i32
    %dma_start3A_198 = arith.constant 0 : i32
    %dma_start3A_199 = tpu.memref_slice %arg11[%dma_start3A_197, %dma_start3A_198] : memref<400x32xf32, #tpu.memory_space<vmem>> -> memref<16x32xf32, #tpu.memory_space<vmem>>
    %dma_start3A_200 = arith.constant 0 : i32
    %dma_start3A_201 = arith.constant 0 : i32
    %dma_start3A_202 = tpu.memref_slice %arg5[%dma_start3A_200, %dma_start3A_201] : memref<1000000x32xf32, #tpu.memory_space<hbm>> -> memref<1000000x32xf32, #tpu.memory_space<hbm>>
    tpu.enqueue_indirect_dma source(%dma_start3A_202 : memref<1000000x32xf32, #tpu.memory_space<hbm>>) target(%dma_start3A_199 : memref<16x32xf32, #tpu.memory_space<vmem>>) offsets(%get3A_196 : vector<16xi32>) semaphore(%arg13 : memref<!tpu.dma_semaphore, #tpu.memory_space<semaphore_mem>>)
    %get3A_203 = arith.constant 0 : i32
    %get3A_204 = arith.index_cast %get3A_203 : i32 to index
    %get3A_205 = arith.constant 144 : index
    %get3A_206 = tpu.vector_load %arg7[%get3A_204, %get3A_205] {strides = array<i32>} : memref<64x400xi32, #tpu.memory_space<vmem>>, vector<1x16xi32>,
    %get3A_207 = vector.shape_cast %get3A_206 : vector<1x16xi32> to vector<16xi32>
    %dma_start3A_208 = arith.constant 144 : i32
    %dma_start3A_209 = arith.constant 0 : i32
    %dma_start3A_210 = tpu.memref_slice %arg9[%dma_start3A_208, %dma_start3A_209] : memref<400x32xf32, #tpu.memory_space<vmem>> -> memref<16x32xf32, #tpu.memory_space<vmem>>
    %dma_start3A_211 = arith.constant 0 : i32
    %dma_start3A_212 = arith.constant 0 : i32
    %dma_start3A_213 = tpu.memref_slice %arg4[%dma_start3A_211, %dma_start3A_212] : memref<1000000x32xf32, #tpu.memory_space<hbm>> -> memref<1000000x32xf32, #tpu.memory_space<hbm>>
    tpu.enqueue_indirect_dma source(%dma_start3A_213 : memref<1000000x32xf32, #tpu.memory_space<hbm>>) target(%dma_start3A_210 : memref<16x32xf32, #tpu.memory_space<vmem>>) offsets(%get3A_207 : vector<16xi32>) semaphore(%arg13 : memref<!tpu.dma_semaphore, #tpu.memory_space<semaphore_mem>>)
    %get3A_214 = arith.constant 0 : i32
    %get3A_215 = arith.index_cast %get3A_214 : i32 to index
    %get3A_216 = arith.constant 144 : index
    %get3A_217 = tpu.vector_load %arg8[%get3A_215, %get3A_216] {strides = array<i32>} : memref<64x400xi32, #tpu.memory_space<vmem>>, vector<1x16xi32>,
    %get3A_218 = vector.shape_cast %get3A_217 : vector<1x16xi32> to vector<16xi32>
    %dma_start3A_219 = arith.constant 144 : i32
    %dma_start3A_220 = arith.constant 0 : i32
    %dma_start3A_221 = tpu.memref_slice %arg11[%dma_start3A_219, %dma_start3A_220] : memref<400x32xf32, #tpu.memory_space<vmem>> -> memref<16x32xf32, #tpu.memory_space<vmem>>
    %dma_start3A_222 = arith.constant 0 : i32
    %dma_start3A_223 = arith.constant 0 : i32
    %dma_start3A_224 = tpu.memref_slice %arg5[%dma_start3A_222, %dma_start3A_223] : memref<1000000x32xf32, #tpu.memory_space<hbm>> -> memref<1000000x32xf32, #tpu.memory_space<hbm>>
    tpu.enqueue_indirect_dma source(%dma_start3A_224 : memref<1000000x32xf32, #tpu.memory_space<hbm>>) target(%dma_start3A_221 : memref<16x32xf32, #tpu.memory_space<vmem>>) offsets(%get3A_218 : vector<16xi32>) semaphore(%arg13 : memref<!tpu.dma_semaphore, #tpu.memory_space<semaphore_mem>>)
    %get3A_225 = arith.constant 0 : i32
    %get3A_226 = arith.index_cast %get3A_225 : i32 to index
    %get3A_227 = arith.constant 160 : index
    %get3A_228 = tpu.vector_load %arg7[%get3A_226, %get3A_227] {strides = array<i32>} : memref<64x400xi32, #tpu.memory_space<vmem>>, vector<1x16xi32>,
    %get3A_229 = vector.shape_cast %get3A_228 : vector<1x16xi32> to vector<16xi32>
    %dma_start3A_230 = arith.constant 160 : i32
    %dma_start3A_231 = arith.constant 0 : i32
    %dma_start3A_232 = tpu.memref_slice %arg9[%dma_start3A_230, %dma_start3A_231] : memref<400x32xf32, #tpu.memory_space<vmem>> -> memref<16x32xf32, #tpu.memory_space<vmem>>
    %dma_start3A_233 = arith.constant 0 : i32
    %dma_start3A_234 = arith.constant 0 : i32
    %dma_start3A_235 = tpu.memref_slice %arg4[%dma_start3A_233, %dma_start3A_234] : memref<1000000x32xf32, #tpu.memory_space<hbm>> -> memref<1000000x32xf32, #tpu.memory_space<hbm>>
    tpu.enqueue_indirect_dma source(%dma_start3A_235 : memref<1000000x32xf32, #tpu.memory_space<hbm>>) target(%dma_start3A_232 : memref<16x32xf32, #tpu.memory_space<vmem>>) offsets(%get3A_229 : vector<16xi32>) semaphore(%arg13 : memref<!tpu.dma_semaphore, #tpu.memory_space<semaphore_mem>>)
    %get3A_236 = arith.constant 0 : i32
    %get3A_237 = arith.index_cast %get3A_236 : i32 to index
    %get3A_238 = arith.constant 160 : index
    %get3A_239 = tpu.vector_load %arg8[%get3A_237, %get3A_238] {strides = array<i32>} : memref<64x400xi32, #tpu.memory_space<vmem>>, vector<1x16xi32>,
    %get3A_240 = vector.shape_cast %get3A_239 : vector<1x16xi32> to vector<16xi32>
    %dma_start3A_241 = arith.constant 160 : i32
    %dma_start3A_242 = arith.constant 0 : i32
    %dma_start3A_243 = tpu.memref_slice %arg11[%dma_start3A_241, %dma_start3A_242] : memref<400x32xf32, #tpu.memory_space<vmem>> -> memref<16x32xf32, #tpu.memory_space<vmem>>
    %dma_start3A_244 = arith.constant 0 : i32
    %dma_start3A_245 = arith.constant 0 : i32
    %dma_start3A_246 = tpu.memref_slice %arg5[%dma_start3A_244, %dma_start3A_245] : memref<1000000x32xf32, #tpu.memory_space<hbm>> -> memref<1000000x32xf32, #tpu.memory_space<hbm>>
    tpu.enqueue_indirect_dma source(%dma_start3A_246 : memref<1000000x32xf32, #tpu.memory_space<hbm>>) target(%dma_start3A_243 : memref<16x32xf32, #tpu.memory_space<vmem>>) offsets(%get3A_240 : vector<16xi32>) semaphore(%arg13 : memref<!tpu.dma_semaphore, #tpu.memory_space<semaphore_mem>>)
    %get3A_247 = arith.constant 0 : i32
    %get3A_248 = arith.index_cast %get3A_247 : i32 to index
    %get3A_249 = arith.constant 176 : index
    %get3A_250 = tpu.vector_load %arg7[%get3A_248, %get3A_249] {strides = array<i32>} : memref<64x400xi32, #tpu.memory_space<vmem>>, vector<1x16xi32>,
    %get3A_251 = vector.shape_cast %get3A_250 : vector<1x16xi32> to vector<16xi32>
    %dma_start3A_252 = arith.constant 176 : i32
    %dma_start3A_253 = arith.constant 0 : i32
    %dma_start3A_254 = tpu.memref_slice %arg9[%dma_start3A_252, %dma_start3A_253] : memref<400x32xf32, #tpu.memory_space<vmem>> -> memref<16x32xf32, #tpu.memory_space<vmem>>
    %dma_start3A_255 = arith.constant 0 : i32
    %dma_start3A_256 = arith.constant 0 : i32
    %dma_start3A_257 = tpu.memref_slice %arg4[%dma_start3A_255, %dma_start3A_256] : memref<1000000x32xf32, #tpu.memory_space<hbm>> -> memref<1000000x32xf32, #tpu.memory_space<hbm>>
    tpu.enqueue_indirect_dma source(%dma_start3A_257 : memref<1000000x32xf32, #tpu.memory_space<hbm>>) target(%dma_start3A_254 : memref<16x32xf32, #tpu.memory_space<vmem>>) offsets(%get3A_251 : vector<16xi32>) semaphore(%arg13 : memref<!tpu.dma_semaphore, #tpu.memory_space<semaphore_mem>>)
    %get3A_258 = arith.constant 0 : i32
    %get3A_259 = arith.index_cast %get3A_258 : i32 to index
    %get3A_260 = arith.constant 176 : index
    %get3A_261 = tpu.vector_load %arg8[%get3A_259, %get3A_260] {strides = array<i32>} : memref<64x400xi32, #tpu.memory_space<vmem>>, vector<1x16xi32>,
    %get3A_262 = vector.shape_cast %get3A_261 : vector<1x16xi32> to vector<16xi32>
    %dma_start3A_263 = arith.constant 176 : i32
    %dma_start3A_264 = arith.constant 0 : i32
    %dma_start3A_265 = tpu.memref_slice %arg11[%dma_start3A_263, %dma_start3A_264] : memref<400x32xf32, #tpu.memory_space<vmem>> -> memref<16x32xf32, #tpu.memory_space<vmem>>
    %dma_start3A_266 = arith.constant 0 : i32
    %dma_start3A_267 = arith.constant 0 : i32
    %dma_start3A_268 = tpu.memref_slice %arg5[%dma_start3A_266, %dma_start3A_267] : memref<1000000x32xf32, #tpu.memory_space<hbm>> -> memref<1000000x32xf32, #tpu.memory_space<hbm>>
    tpu.enqueue_indirect_dma source(%dma_start3A_268 : memref<1000000x32xf32, #tpu.memory_space<hbm>>) target(%dma_start3A_265 : memref<16x32xf32, #tpu.memory_space<vmem>>) offsets(%get3A_262 : vector<16xi32>) semaphore(%arg13 : memref<!tpu.dma_semaphore, #tpu.memory_space<semaphore_mem>>)
    %get3A_269 = arith.constant 0 : i32
    %get3A_270 = arith.index_cast %get3A_269 : i32 to index
    %get3A_271 = arith.constant 192 : index
    %get3A_272 = tpu.vector_load %arg7[%get3A_270, %get3A_271] {strides = array<i32>} : memref<64x400xi32, #tpu.memory_space<vmem>>, vector<1x16xi32>,
    %get3A_273 = vector.shape_cast %get3A_272 : vector<1x16xi32> to vector<16xi32>
    %dma_start3A_274 = arith.constant 192 : i32
    %dma_start3A_275 = arith.constant 0 : i32
    %dma_start3A_276 = tpu.memref_slice %arg9[%dma_start3A_274, %dma_start3A_275] : memref<400x32xf32, #tpu.memory_space<vmem>> -> memref<16x32xf32, #tpu.memory_space<vmem>>
    %dma_start3A_277 = arith.constant 0 : i32
    %dma_start3A_278 = arith.constant 0 : i32
    %dma_start3A_279 = tpu.memref_slice %arg4[%dma_start3A_277, %dma_start3A_278] : memref<1000000x32xf32, #tpu.memory_space<hbm>> -> memref<1000000x32xf32, #tpu.memory_space<hbm>>
    tpu.enqueue_indirect_dma source(%dma_start3A_279 : memref<1000000x32xf32, #tpu.memory_space<hbm>>) target(%dma_start3A_276 : memref<16x32xf32, #tpu.memory_space<vmem>>) offsets(%get3A_273 : vector<16xi32>) semaphore(%arg13 : memref<!tpu.dma_semaphore, #tpu.memory_space<semaphore_mem>>)
    %get3A_280 = arith.constant 0 : i32
    %get3A_281 = arith.index_cast %get3A_280 : i32 to index
    %get3A_282 = arith.constant 192 : index
    %get3A_283 = tpu.vector_load %arg8[%get3A_281, %get3A_282] {strides = array<i32>} : memref<64x400xi32, #tpu.memory_space<vmem>>, vector<1x16xi32>,
    %get3A_284 = vector.shape_cast %get3A_283 : vector<1x16xi32> to vector<16xi32>
    %dma_start3A_285 = arith.constant 192 : i32
    %dma_start3A_286 = arith.constant 0 : i32
    %dma_start3A_287 = tpu.memref_slice %arg11[%dma_start3A_285, %dma_start3A_286] : memref<400x32xf32, #tpu.memory_space<vmem>> -> memref<16x32xf32, #tpu.memory_space<vmem>>
    %dma_start3A_288 = arith.constant 0 : i32
    %dma_start3A_289 = arith.constant 0 : i32
    %dma_start3A_290 = tpu.memref_slice %arg5[%dma_start3A_288, %dma_start3A_289] : memref<1000000x32xf32, #tpu.memory_space<hbm>> -> memref<1000000x32xf32, #tpu.memory_space<hbm>>
    tpu.enqueue_indirect_dma source(%dma_start3A_290 : memref<1000000x32xf32, #tpu.memory_space<hbm>>) target(%dma_start3A_287 : memref<16x32xf32, #tpu.memory_space<vmem>>) offsets(%get3A_284 : vector<16xi32>) semaphore(%arg13 : memref<!tpu.dma_semaphore, #tpu.memory_space<semaphore_mem>>)
    %get3A_291 = arith.constant 0 : i32
    %get3A_292 = arith.index_cast %get3A_291 : i32 to index
    %get3A_293 = arith.constant 208 : index
    %get3A_294 = tpu.vector_load %arg7[%get3A_292, %get3A_293] {strides = array<i32>} : memref<64x400xi32, #tpu.memory_space<vmem>>, vector<1x16xi32>,
    %get3A_295 = vector.shape_cast %get3A_294 : vector<1x16xi32> to vector<16xi32>
    %dma_start3A_296 = arith.constant 208 : i32
    %dma_start3A_297 = arith.constant 0 : i32
    %dma_start3A_298 = tpu.memref_slice %arg9[%dma_start3A_296, %dma_start3A_297] : memref<400x32xf32, #tpu.memory_space<vmem>> -> memref<16x32xf32, #tpu.memory_space<vmem>>
    %dma_start3A_299 = arith.constant 0 : i32
    %dma_start3A_300 = arith.constant 0 : i32
    %dma_start3A_301 = tpu.memref_slice %arg4[%dma_start3A_299, %dma_start3A_300] : memref<1000000x32xf32, #tpu.memory_space<hbm>> -> memref<1000000x32xf32, #tpu.memory_space<hbm>>
    tpu.enqueue_indirect_dma source(%dma_start3A_301 : memref<1000000x32xf32, #tpu.memory_space<hbm>>) target(%dma_start3A_298 : memref<16x32xf32, #tpu.memory_space<vmem>>) offsets(%get3A_295 : vector<16xi32>) semaphore(%arg13 : memref<!tpu.dma_semaphore, #tpu.memory_space<semaphore_mem>>)
    %get3A_302 = arith.constant 0 : i32
    %get3A_303 = arith.index_cast %get3A_302 : i32 to index
    %get3A_304 = arith.constant 208 : index
    %get3A_305 = tpu.vector_load %arg8[%get3A_303, %get3A_304] {strides = array<i32>} : memref<64x400xi32, #tpu.memory_space<vmem>>, vector<1x16xi32>,
    %get3A_306 = vector.shape_cast %get3A_305 : vector<1x16xi32> to vector<16xi32>
    %dma_start3A_307 = arith.constant 208 : i32
    %dma_start3A_308 = arith.constant 0 : i32
    %dma_start3A_309 = tpu.memref_slice %arg11[%dma_start3A_307, %dma_start3A_308] : memref<400x32xf32, #tpu.memory_space<vmem>> -> memref<16x32xf32, #tpu.memory_space<vmem>>
    %dma_start3A_310 = arith.constant 0 : i32
    %dma_start3A_311 = arith.constant 0 : i32
    %dma_start3A_312 = tpu.memref_slice %arg5[%dma_start3A_310, %dma_start3A_311] : memref<1000000x32xf32, #tpu.memory_space<hbm>> -> memref<1000000x32xf32, #tpu.memory_space<hbm>>
    tpu.enqueue_indirect_dma source(%dma_start3A_312 : memref<1000000x32xf32, #tpu.memory_space<hbm>>) target(%dma_start3A_309 : memref<16x32xf32, #tpu.memory_space<vmem>>) offsets(%get3A_306 : vector<16xi32>) semaphore(%arg13 : memref<!tpu.dma_semaphore, #tpu.memory_space<semaphore_mem>>)
    %get3A_313 = arith.constant 0 : i32
    %get3A_314 = arith.index_cast %get3A_313 : i32 to index
    %get3A_315 = arith.constant 224 : index
    %get3A_316 = tpu.vector_load %arg7[%get3A_314, %get3A_315] {strides = array<i32>} : memref<64x400xi32, #tpu.memory_space<vmem>>, vector<1x16xi32>,
    %get3A_317 = vector.shape_cast %get3A_316 : vector<1x16xi32> to vector<16xi32>
    %dma_start3A_318 = arith.constant 224 : i32
    %dma_start3A_319 = arith.constant 0 : i32
    %dma_start3A_320 = tpu.memref_slice %arg9[%dma_start3A_318, %dma_start3A_319] : memref<400x32xf32, #tpu.memory_space<vmem>> -> memref<16x32xf32, #tpu.memory_space<vmem>>
    %dma_start3A_321 = arith.constant 0 : i32
    %dma_start3A_322 = arith.constant 0 : i32
    %dma_start3A_323 = tpu.memref_slice %arg4[%dma_start3A_321, %dma_start3A_322] : memref<1000000x32xf32, #tpu.memory_space<hbm>> -> memref<1000000x32xf32, #tpu.memory_space<hbm>>
    tpu.enqueue_indirect_dma source(%dma_start3A_323 : memref<1000000x32xf32, #tpu.memory_space<hbm>>) target(%dma_start3A_320 : memref<16x32xf32, #tpu.memory_space<vmem>>) offsets(%get3A_317 : vector<16xi32>) semaphore(%arg13 : memref<!tpu.dma_semaphore, #tpu.memory_space<semaphore_mem>>)
    %get3A_324 = arith.constant 0 : i32
    %get3A_325 = arith.index_cast %get3A_324 : i32 to index
    %get3A_326 = arith.constant 224 : index
    %get3A_327 = tpu.vector_load %arg8[%get3A_325, %get3A_326] {strides = array<i32>} : memref<64x400xi32, #tpu.memory_space<vmem>>, vector<1x16xi32>,
    %get3A_328 = vector.shape_cast %get3A_327 : vector<1x16xi32> to vector<16xi32>
    %dma_start3A_329 = arith.constant 224 : i32
    %dma_start3A_330 = arith.constant 0 : i32
    %dma_start3A_331 = tpu.memref_slice %arg11[%dma_start3A_329, %dma_start3A_330] : memref<400x32xf32, #tpu.memory_space<vmem>> -> memref<16x32xf32, #tpu.memory_space<vmem>>
    %dma_start3A_332 = arith.constant 0 : i32
    %dma_start3A_333 = arith.constant 0 : i32
    %dma_start3A_334 = tpu.memref_slice %arg5[%dma_start3A_332, %dma_start3A_333] : memref<1000000x32xf32, #tpu.memory_space<hbm>> -> memref<1000000x32xf32, #tpu.memory_space<hbm>>
    tpu.enqueue_indirect_dma source(%dma_start3A_334 : memref<1000000x32xf32, #tpu.memory_space<hbm>>) target(%dma_start3A_331 : memref<16x32xf32, #tpu.memory_space<vmem>>) offsets(%get3A_328 : vector<16xi32>) semaphore(%arg13 : memref<!tpu.dma_semaphore, #tpu.memory_space<semaphore_mem>>)
    %get3A_335 = arith.constant 0 : i32
    %get3A_336 = arith.index_cast %get3A_335 : i32 to index
    %get3A_337 = arith.constant 240 : index
    %get3A_338 = tpu.vector_load %arg7[%get3A_336, %get3A_337] {strides = array<i32>} : memref<64x400xi32, #tpu.memory_space<vmem>>, vector<1x16xi32>,
    %get3A_339 = vector.shape_cast %get3A_338 : vector<1x16xi32> to vector<16xi32>
    %dma_start3A_340 = arith.constant 240 : i32
    %dma_start3A_341 = arith.constant 0 : i32
    %dma_start3A_342 = tpu.memref_slice %arg9[%dma_start3A_340, %dma_start3A_341] : memref<400x32xf32, #tpu.memory_space<vmem>> -> memref<16x32xf32, #tpu.memory_space<vmem>>
    %dma_start3A_343 = arith.constant 0 : i32
    %dma_start3A_344 = arith.constant 0 : i32
    %dma_start3A_345 = tpu.memref_slice %arg4[%dma_start3A_343, %dma_start3A_344] : memref<1000000x32xf32, #tpu.memory_space<hbm>> -> memref<1000000x32xf32, #tpu.memory_space<hbm>>
    tpu.enqueue_indirect_dma source(%dma_start3A_345 : memref<1000000x32xf32, #tpu.memory_space<hbm>>) target(%dma_start3A_342 : memref<16x32xf32, #tpu.memory_space<vmem>>) offsets(%get3A_339 : vector<16xi32>) semaphore(%arg13 : memref<!tpu.dma_semaphore, #tpu.memory_space<semaphore_mem>>)
    %get3A_346 = arith.constant 0 : i32
    %get3A_347 = arith.index_cast %get3A_346 : i32 to index
    %get3A_348 = arith.constant 240 : index
    %get3A_349 = tpu.vector_load %arg8[%get3A_347, %get3A_348] {strides = array<i32>} : memref<64x400xi32, #tpu.memory_space<vmem>>, vector<1x16xi32>,
    %get3A_350 = vector.shape_cast %get3A_349 : vector<1x16xi32> to vector<16xi32>
    %dma_start3A_351 = arith.constant 240 : i32
    %dma_start3A_352 = arith.constant 0 : i32
    %dma_start3A_353 = tpu.memref_slice %arg11[%dma_start3A_351, %dma_start3A_352] : memref<400x32xf32, #tpu.memory_space<vmem>> -> memref<16x32xf32, #tpu.memory_space<vmem>>
    %dma_start3A_354 = arith.constant 0 : i32
    %dma_start3A_355 = arith.constant 0 : i32
    %dma_start3A_356 = tpu.memref_slice %arg5[%dma_start3A_354, %dma_start3A_355] : memref<1000000x32xf32, #tpu.memory_space<hbm>> -> memref<1000000x32xf32, #tpu.memory_space<hbm>>
    tpu.enqueue_indirect_dma source(%dma_start3A_356 : memref<1000000x32xf32, #tpu.memory_space<hbm>>) target(%dma_start3A_353 : memref<16x32xf32, #tpu.memory_space<vmem>>) offsets(%get3A_350 : vector<16xi32>) semaphore(%arg13 : memref<!tpu.dma_semaphore, #tpu.memory_space<semaphore_mem>>)
    %get3A_357 = arith.constant 0 : i32
    %get3A_358 = arith.index_cast %get3A_357 : i32 to index
    %get3A_359 = arith.constant 256 : index
    %get3A_360 = tpu.vector_load %arg7[%get3A_358, %get3A_359] {strides = array<i32>} : memref<64x400xi32, #tpu.memory_space<vmem>>, vector<1x16xi32>,
    %get3A_361 = vector.shape_cast %get3A_360 : vector<1x16xi32> to vector<16xi32>
    %dma_start3A_362 = arith.constant 256 : i32
    %dma_start3A_363 = arith.constant 0 : i32
    %dma_start3A_364 = tpu.memref_slice %arg9[%dma_start3A_362, %dma_start3A_363] : memref<400x32xf32, #tpu.memory_space<vmem>> -> memref<16x32xf32, #tpu.memory_space<vmem>>
    %dma_start3A_365 = arith.constant 0 : i32
    %dma_start3A_366 = arith.constant 0 : i32
    %dma_start3A_367 = tpu.memref_slice %arg4[%dma_start3A_365, %dma_start3A_366] : memref<1000000x32xf32, #tpu.memory_space<hbm>> -> memref<1000000x32xf32, #tpu.memory_space<hbm>>
    tpu.enqueue_indirect_dma source(%dma_start3A_367 : memref<1000000x32xf32, #tpu.memory_space<hbm>>) target(%dma_start3A_364 : memref<16x32xf32, #tpu.memory_space<vmem>>) offsets(%get3A_361 : vector<16xi32>) semaphore(%arg13 : memref<!tpu.dma_semaphore, #tpu.memory_space<semaphore_mem>>)
    %get3A_368 = arith.constant 0 : i32
    %get3A_369 = arith.index_cast %get3A_368 : i32 to index
    %get3A_370 = arith.constant 256 : index
    %get3A_371 = tpu.vector_load %arg8[%get3A_369, %get3A_370] {strides = array<i32>} : memref<64x400xi32, #tpu.memory_space<vmem>>, vector<1x16xi32>,
    %get3A_372 = vector.shape_cast %get3A_371 : vector<1x16xi32> to vector<16xi32>
    %dma_start3A_373 = arith.constant 256 : i32
    %dma_start3A_374 = arith.constant 0 : i32
    %dma_start3A_375 = tpu.memref_slice %arg11[%dma_start3A_373, %dma_start3A_374] : memref<400x32xf32, #tpu.memory_space<vmem>> -> memref<16x32xf32, #tpu.memory_space<vmem>>
    %dma_start3A_376 = arith.constant 0 : i32
    %dma_start3A_377 = arith.constant 0 : i32
    %dma_start3A_378 = tpu.memref_slice %arg5[%dma_start3A_376, %dma_start3A_377] : memref<1000000x32xf32, #tpu.memory_space<hbm>> -> memref<1000000x32xf32, #tpu.memory_space<hbm>>
    tpu.enqueue_indirect_dma source(%dma_start3A_378 : memref<1000000x32xf32, #tpu.memory_space<hbm>>) target(%dma_start3A_375 : memref<16x32xf32, #tpu.memory_space<vmem>>) offsets(%get3A_372 : vector<16xi32>) semaphore(%arg13 : memref<!tpu.dma_semaphore, #tpu.memory_space<semaphore_mem>>)
    %get3A_379 = arith.constant 0 : i32
    %get3A_380 = arith.index_cast %get3A_379 : i32 to index
    %get3A_381 = arith.constant 272 : index
    %get3A_382 = tpu.vector_load %arg7[%get3A_380, %get3A_381] {strides = array<i32>} : memref<64x400xi32, #tpu.memory_space<vmem>>, vector<1x16xi32>,
    %get3A_383 = vector.shape_cast %get3A_382 : vector<1x16xi32> to vector<16xi32>
    %dma_start3A_384 = arith.constant 272 : i32
    %dma_start3A_385 = arith.constant 0 : i32
    %dma_start3A_386 = tpu.memref_slice %arg9[%dma_start3A_384, %dma_start3A_385] : memref<400x32xf32, #tpu.memory_space<vmem>> -> memref<16x32xf32, #tpu.memory_space<vmem>>
    %dma_start3A_387 = arith.constant 0 : i32
    %dma_start3A_388 = arith.constant 0 : i32
    %dma_start3A_389 = tpu.memref_slice %arg4[%dma_start3A_387, %dma_start3A_388] : memref<1000000x32xf32, #tpu.memory_space<hbm>> -> memref<1000000x32xf32, #tpu.memory_space<hbm>>
    tpu.enqueue_indirect_dma source(%dma_start3A_389 : memref<1000000x32xf32, #tpu.memory_space<hbm>>) target(%dma_start3A_386 : memref<16x32xf32, #tpu.memory_space<vmem>>) offsets(%get3A_383 : vector<16xi32>) semaphore(%arg13 : memref<!tpu.dma_semaphore, #tpu.memory_space<semaphore_mem>>)
    %get3A_390 = arith.constant 0 : i32
    %get3A_391 = arith.index_cast %get3A_390 : i32 to index
    %get3A_392 = arith.constant 272 : index
    %get3A_393 = tpu.vector_load %arg8[%get3A_391, %get3A_392] {strides = array<i32>} : memref<64x400xi32, #tpu.memory_space<vmem>>, vector<1x16xi32>,
    %get3A_394 = vector.shape_cast %get3A_393 : vector<1x16xi32> to vector<16xi32>
    %dma_start3A_395 = arith.constant 272 : i32
    %dma_start3A_396 = arith.constant 0 : i32
    %dma_start3A_397 = tpu.memref_slice %arg11[%dma_start3A_395, %dma_start3A_396] : memref<400x32xf32, #tpu.memory_space<vmem>> -> memref<16x32xf32, #tpu.memory_space<vmem>>
    %dma_start3A_398 = arith.constant 0 : i32
    %dma_start3A_399 = arith.constant 0 : i32
    %dma_start3A_400 = tpu.memref_slice %arg5[%dma_start3A_398, %dma_start3A_399] : memref<1000000x32xf32, #tpu.memory_space<hbm>> -> memref<1000000x32xf32, #tpu.memory_space<hbm>>
    tpu.enqueue_indirect_dma source(%dma_start3A_400 : memref<1000000x32xf32, #tpu.memory_space<hbm>>) target(%dma_start3A_397 : memref<16x32xf32, #tpu.memory_space<vmem>>) offsets(%get3A_394 : vector<16xi32>) semaphore(%arg13 : memref<!tpu.dma_semaphore, #tpu.memory_space<semaphore_mem>>)
    %get3A_401 = arith.constant 0 : i32
    %get3A_402 = arith.index_cast %get3A_401 : i32 to index
    %get3A_403 = arith.constant 288 : index
    %get3A_404 = tpu.vector_load %arg7[%get3A_402, %get3A_403] {strides = array<i32>} : memref<64x400xi32, #tpu.memory_space<vmem>>, vector<1x16xi32>,
    %get3A_405 = vector.shape_cast %get3A_404 : vector<1x16xi32> to vector<16xi32>
    %dma_start3A_406 = arith.constant 288 : i32
    %dma_start3A_407 = arith.constant 0 : i32
    %dma_start3A_408 = tpu.memref_slice %arg9[%dma_start3A_406, %dma_start3A_407] : memref<400x32xf32, #tpu.memory_space<vmem>> -> memref<16x32xf32, #tpu.memory_space<vmem>>
    %dma_start3A_409 = arith.constant 0 : i32
    %dma_start3A_410 = arith.constant 0 : i32
    %dma_start3A_411 = tpu.memref_slice %arg4[%dma_start3A_409, %dma_start3A_410] : memref<1000000x32xf32, #tpu.memory_space<hbm>> -> memref<1000000x32xf32, #tpu.memory_space<hbm>>
    tpu.enqueue_indirect_dma source(%dma_start3A_411 : memref<1000000x32xf32, #tpu.memory_space<hbm>>) target(%dma_start3A_408 : memref<16x32xf32, #tpu.memory_space<vmem>>) offsets(%get3A_405 : vector<16xi32>) semaphore(%arg13 : memref<!tpu.dma_semaphore, #tpu.memory_space<semaphore_mem>>)
    %get3A_412 = arith.constant 0 : i32
    %get3A_413 = arith.index_cast %get3A_412 : i32 to index
    %get3A_414 = arith.constant 288 : index
    %get3A_415 = tpu.vector_load %arg8[%get3A_413, %get3A_414] {strides = array<i32>} : memref<64x400xi32, #tpu.memory_space<vmem>>, vector<1x16xi32>,
    %get3A_416 = vector.shape_cast %get3A_415 : vector<1x16xi32> to vector<16xi32>
    %dma_start3A_417 = arith.constant 288 : i32
    %dma_start3A_418 = arith.constant 0 : i32
    %dma_start3A_419 = tpu.memref_slice %arg11[%dma_start3A_417, %dma_start3A_418] : memref<400x32xf32, #tpu.memory_space<vmem>> -> memref<16x32xf32, #tpu.memory_space<vmem>>
    %dma_start3A_420 = arith.constant 0 : i32
    %dma_start3A_421 = arith.constant 0 : i32
    %dma_start3A_422 = tpu.memref_slice %arg5[%dma_start3A_420, %dma_start3A_421] : memref<1000000x32xf32, #tpu.memory_space<hbm>> -> memref<1000000x32xf32, #tpu.memory_space<hbm>>
    tpu.enqueue_indirect_dma source(%dma_start3A_422 : memref<1000000x32xf32, #tpu.memory_space<hbm>>) target(%dma_start3A_419 : memref<16x32xf32, #tpu.memory_space<vmem>>) offsets(%get3A_416 : vector<16xi32>) semaphore(%arg13 : memref<!tpu.dma_semaphore, #tpu.memory_space<semaphore_mem>>)
    %get3A_423 = arith.constant 0 : i32
    %get3A_424 = arith.index_cast %get3A_423 : i32 to index
    %get3A_425 = arith.constant 304 : index
    %get3A_426 = tpu.vector_load %arg7[%get3A_424, %get3A_425] {strides = array<i32>} : memref<64x400xi32, #tpu.memory_space<vmem>>, vector<1x16xi32>,
    %get3A_427 = vector.shape_cast %get3A_426 : vector<1x16xi32> to vector<16xi32>
    %dma_start3A_428 = arith.constant 304 : i32
    %dma_start3A_429 = arith.constant 0 : i32
    %dma_start3A_430 = tpu.memref_slice %arg9[%dma_start3A_428, %dma_start3A_429] : memref<400x32xf32, #tpu.memory_space<vmem>> -> memref<16x32xf32, #tpu.memory_space<vmem>>
    %dma_start3A_431 = arith.constant 0 : i32
    %dma_start3A_432 = arith.constant 0 : i32
    %dma_start3A_433 = tpu.memref_slice %arg4[%dma_start3A_431, %dma_start3A_432] : memref<1000000x32xf32, #tpu.memory_space<hbm>> -> memref<1000000x32xf32, #tpu.memory_space<hbm>>
    tpu.enqueue_indirect_dma source(%dma_start3A_433 : memref<1000000x32xf32, #tpu.memory_space<hbm>>) target(%dma_start3A_430 : memref<16x32xf32, #tpu.memory_space<vmem>>) offsets(%get3A_427 : vector<16xi32>) semaphore(%arg13 : memref<!tpu.dma_semaphore, #tpu.memory_space<semaphore_mem>>)
    %get3A_434 = arith.constant 0 : i32
    %get3A_435 = arith.index_cast %get3A_434 : i32 to index
    %get3A_436 = arith.constant 304 : index
    %get3A_437 = tpu.vector_load %arg8[%get3A_435, %get3A_436] {strides = array<i32>} : memref<64x400xi32, #tpu.memory_space<vmem>>, vector<1x16xi32>,
    %get3A_438 = vector.shape_cast %get3A_437 : vector<1x16xi32> to vector<16xi32>
    %dma_start3A_439 = arith.constant 304 : i32
    %dma_start3A_440 = arith.constant 0 : i32
    %dma_start3A_441 = tpu.memref_slice %arg11[%dma_start3A_439, %dma_start3A_440] : memref<400x32xf32, #tpu.memory_space<vmem>> -> memref<16x32xf32, #tpu.memory_space<vmem>>
    %dma_start3A_442 = arith.constant 0 : i32
    %dma_start3A_443 = arith.constant 0 : i32
    %dma_start3A_444 = tpu.memref_slice %arg5[%dma_start3A_442, %dma_start3A_443] : memref<1000000x32xf32, #tpu.memory_space<hbm>> -> memref<1000000x32xf32, #tpu.memory_space<hbm>>
    tpu.enqueue_indirect_dma source(%dma_start3A_444 : memref<1000000x32xf32, #tpu.memory_space<hbm>>) target(%dma_start3A_441 : memref<16x32xf32, #tpu.memory_space<vmem>>) offsets(%get3A_438 : vector<16xi32>) semaphore(%arg13 : memref<!tpu.dma_semaphore, #tpu.memory_space<semaphore_mem>>)
    %get3A_445 = arith.constant 0 : i32
    %get3A_446 = arith.index_cast %get3A_445 : i32 to index
    %get3A_447 = arith.constant 320 : index
    %get3A_448 = tpu.vector_load %arg7[%get3A_446, %get3A_447] {strides = array<i32>} : memref<64x400xi32, #tpu.memory_space<vmem>>, vector<1x16xi32>,
    %get3A_449 = vector.shape_cast %get3A_448 : vector<1x16xi32> to vector<16xi32>
    %dma_start3A_450 = arith.constant 320 : i32
    %dma_start3A_451 = arith.constant 0 : i32
    %dma_start3A_452 = tpu.memref_slice %arg9[%dma_start3A_450, %dma_start3A_451] : memref<400x32xf32, #tpu.memory_space<vmem>> -> memref<16x32xf32, #tpu.memory_space<vmem>>
    %dma_start3A_453 = arith.constant 0 : i32
    %dma_start3A_454 = arith.constant 0 : i32
    %dma_start3A_455 = tpu.memref_slice %arg4[%dma_start3A_453, %dma_start3A_454] : memref<1000000x32xf32, #tpu.memory_space<hbm>> -> memref<1000000x32xf32, #tpu.memory_space<hbm>>
    tpu.enqueue_indirect_dma source(%dma_start3A_455 : memref<1000000x32xf32, #tpu.memory_space<hbm>>) target(%dma_start3A_452 : memref<16x32xf32, #tpu.memory_space<vmem>>) offsets(%get3A_449 : vector<16xi32>) semaphore(%arg13 : memref<!tpu.dma_semaphore, #tpu.memory_space<semaphore_mem>>)
    %get3A_456 = arith.constant 0 : i32
    %get3A_457 = arith.index_cast %get3A_456 : i32 to index
    %get3A_458 = arith.constant 320 : index
    %get3A_459 = tpu.vector_load %arg8[%get3A_457, %get3A_458] {strides = array<i32>} : memref<64x400xi32, #tpu.memory_space<vmem>>, vector<1x16xi32>,
    %get3A_460 = vector.shape_cast %get3A_459 : vector<1x16xi32> to vector<16xi32>
    %dma_start3A_461 = arith.constant 320 : i32
    %dma_start3A_462 = arith.constant 0 : i32
    %dma_start3A_463 = tpu.memref_slice %arg11[%dma_start3A_461, %dma_start3A_462] : memref<400x32xf32, #tpu.memory_space<vmem>> -> memref<16x32xf32, #tpu.memory_space<vmem>>
    %dma_start3A_464 = arith.constant 0 : i32
    %dma_start3A_465 = arith.constant 0 : i32
    %dma_start3A_466 = tpu.memref_slice %arg5[%dma_start3A_464, %dma_start3A_465] : memref<1000000x32xf32, #tpu.memory_space<hbm>> -> memref<1000000x32xf32, #tpu.memory_space<hbm>>
    tpu.enqueue_indirect_dma source(%dma_start3A_466 : memref<1000000x32xf32, #tpu.memory_space<hbm>>) target(%dma_start3A_463 : memref<16x32xf32, #tpu.memory_space<vmem>>) offsets(%get3A_460 : vector<16xi32>) semaphore(%arg13 : memref<!tpu.dma_semaphore, #tpu.memory_space<semaphore_mem>>)
    %get3A_467 = arith.constant 0 : i32
    %get3A_468 = arith.index_cast %get3A_467 : i32 to index
    %get3A_469 = arith.constant 336 : index
    %get3A_470 = tpu.vector_load %arg7[%get3A_468, %get3A_469] {strides = array<i32>} : memref<64x400xi32, #tpu.memory_space<vmem>>, vector<1x16xi32>,
    %get3A_471 = vector.shape_cast %get3A_470 : vector<1x16xi32> to vector<16xi32>
    %dma_start3A_472 = arith.constant 336 : i32
    %dma_start3A_473 = arith.constant 0 : i32
    %dma_start3A_474 = tpu.memref_slice %arg9[%dma_start3A_472, %dma_start3A_473] : memref<400x32xf32, #tpu.memory_space<vmem>> -> memref<16x32xf32, #tpu.memory_space<vmem>>
    %dma_start3A_475 = arith.constant 0 : i32
    %dma_start3A_476 = arith.constant 0 : i32
    %dma_start3A_477 = tpu.memref_slice %arg4[%dma_start3A_475, %dma_start3A_476] : memref<1000000x32xf32, #tpu.memory_space<hbm>> -> memref<1000000x32xf32, #tpu.memory_space<hbm>>
    tpu.enqueue_indirect_dma source(%dma_start3A_477 : memref<1000000x32xf32, #tpu.memory_space<hbm>>) target(%dma_start3A_474 : memref<16x32xf32, #tpu.memory_space<vmem>>) offsets(%get3A_471 : vector<16xi32>) semaphore(%arg13 : memref<!tpu.dma_semaphore, #tpu.memory_space<semaphore_mem>>)
    %get3A_478 = arith.constant 0 : i32
    %get3A_479 = arith.index_cast %get3A_478 : i32 to index
    %get3A_480 = arith.constant 336 : index
    %get3A_481 = tpu.vector_load %arg8[%get3A_479, %get3A_480] {strides = array<i32>} : memref<64x400xi32, #tpu.memory_space<vmem>>, vector<1x16xi32>,
    %get3A_482 = vector.shape_cast %get3A_481 : vector<1x16xi32> to vector<16xi32>
    %dma_start3A_483 = arith.constant 336 : i32
    %dma_start3A_484 = arith.constant 0 : i32
    %dma_start3A_485 = tpu.memref_slice %arg11[%dma_start3A_483, %dma_start3A_484] : memref<400x32xf32, #tpu.memory_space<vmem>> -> memref<16x32xf32, #tpu.memory_space<vmem>>
    %dma_start3A_486 = arith.constant 0 : i32
    %dma_start3A_487 = arith.constant 0 : i32
    %dma_start3A_488 = tpu.memref_slice %arg5[%dma_start3A_486, %dma_start3A_487] : memref<1000000x32xf32, #tpu.memory_space<hbm>> -> memref<1000000x32xf32, #tpu.memory_space<hbm>>
    tpu.enqueue_indirect_dma source(%dma_start3A_488 : memref<1000000x32xf32, #tpu.memory_space<hbm>>) target(%dma_start3A_485 : memref<16x32xf32, #tpu.memory_space<vmem>>) offsets(%get3A_482 : vector<16xi32>) semaphore(%arg13 : memref<!tpu.dma_semaphore, #tpu.memory_space<semaphore_mem>>)
    %get3A_489 = arith.constant 0 : i32
    %get3A_490 = arith.index_cast %get3A_489 : i32 to index
    %get3A_491 = arith.constant 352 : index
    %get3A_492 = tpu.vector_load %arg7[%get3A_490, %get3A_491] {strides = array<i32>} : memref<64x400xi32, #tpu.memory_space<vmem>>, vector<1x16xi32>,
    %get3A_493 = vector.shape_cast %get3A_492 : vector<1x16xi32> to vector<16xi32>
    %dma_start3A_494 = arith.constant 352 : i32
    %dma_start3A_495 = arith.constant 0 : i32
    %dma_start3A_496 = tpu.memref_slice %arg9[%dma_start3A_494, %dma_start3A_495] : memref<400x32xf32, #tpu.memory_space<vmem>> -> memref<16x32xf32, #tpu.memory_space<vmem>>
    %dma_start3A_497 = arith.constant 0 : i32
    %dma_start3A_498 = arith.constant 0 : i32
    %dma_start3A_499 = tpu.memref_slice %arg4[%dma_start3A_497, %dma_start3A_498] : memref<1000000x32xf32, #tpu.memory_space<hbm>> -> memref<1000000x32xf32, #tpu.memory_space<hbm>>
    tpu.enqueue_indirect_dma source(%dma_start3A_499 : memref<1000000x32xf32, #tpu.memory_space<hbm>>) target(%dma_start3A_496 : memref<16x32xf32, #tpu.memory_space<vmem>>) offsets(%get3A_493 : vector<16xi32>) semaphore(%arg13 : memref<!tpu.dma_semaphore, #tpu.memory_space<semaphore_mem>>)
    %get3A_500 = arith.constant 0 : i32
    %get3A_501 = arith.index_cast %get3A_500 : i32 to index
    %get3A_502 = arith.constant 352 : index
    %get3A_503 = tpu.vector_load %arg8[%get3A_501, %get3A_502] {strides = array<i32>} : memref<64x400xi32, #tpu.memory_space<vmem>>, vector<1x16xi32>,
    %get3A_504 = vector.shape_cast %get3A_503 : vector<1x16xi32> to vector<16xi32>
    %dma_start3A_505 = arith.constant 352 : i32
    %dma_start3A_506 = arith.constant 0 : i32
    %dma_start3A_507 = tpu.memref_slice %arg11[%dma_start3A_505, %dma_start3A_506] : memref<400x32xf32, #tpu.memory_space<vmem>> -> memref<16x32xf32, #tpu.memory_space<vmem>>
    %dma_start3A_508 = arith.constant 0 : i32
    %dma_start3A_509 = arith.constant 0 : i32
    %dma_start3A_510 = tpu.memref_slice %arg5[%dma_start3A_508, %dma_start3A_509] : memref<1000000x32xf32, #tpu.memory_space<hbm>> -> memref<1000000x32xf32, #tpu.memory_space<hbm>>
    tpu.enqueue_indirect_dma source(%dma_start3A_510 : memref<1000000x32xf32, #tpu.memory_space<hbm>>) target(%dma_start3A_507 : memref<16x32xf32, #tpu.memory_space<vmem>>) offsets(%get3A_504 : vector<16xi32>) semaphore(%arg13 : memref<!tpu.dma_semaphore, #tpu.memory_space<semaphore_mem>>)
    %get3A_511 = arith.constant 0 : i32
    %get3A_512 = arith.index_cast %get3A_511 : i32 to index
    %get3A_513 = arith.constant 368 : index
    %get3A_514 = tpu.vector_load %arg7[%get3A_512, %get3A_513] {strides = array<i32>} : memref<64x400xi32, #tpu.memory_space<vmem>>, vector<1x16xi32>,
    %get3A_515 = vector.shape_cast %get3A_514 : vector<1x16xi32> to vector<16xi32>
    %dma_start3A_516 = arith.constant 368 : i32
    %dma_start3A_517 = arith.constant 0 : i32
    %dma_start3A_518 = tpu.memref_slice %arg9[%dma_start3A_516, %dma_start3A_517] : memref<400x32xf32, #tpu.memory_space<vmem>> -> memref<16x32xf32, #tpu.memory_space<vmem>>
    %dma_start3A_519 = arith.constant 0 : i32
    %dma_start3A_520 = arith.constant 0 : i32
    %dma_start3A_521 = tpu.memref_slice %arg4[%dma_start3A_519, %dma_start3A_520] : memref<1000000x32xf32, #tpu.memory_space<hbm>> -> memref<1000000x32xf32, #tpu.memory_space<hbm>>
    tpu.enqueue_indirect_dma source(%dma_start3A_521 : memref<1000000x32xf32, #tpu.memory_space<hbm>>) target(%dma_start3A_518 : memref<16x32xf32, #tpu.memory_space<vmem>>) offsets(%get3A_515 : vector<16xi32>) semaphore(%arg13 : memref<!tpu.dma_semaphore, #tpu.memory_space<semaphore_mem>>)
    %get3A_522 = arith.constant 0 : i32
    %get3A_523 = arith.index_cast %get3A_522 : i32 to index
    %get3A_524 = arith.constant 368 : index
    %get3A_525 = tpu.vector_load %arg8[%get3A_523, %get3A_524] {strides = array<i32>} : memref<64x400xi32, #tpu.memory_space<vmem>>, vector<1x16xi32>,
    %get3A_526 = vector.shape_cast %get3A_525 : vector<1x16xi32> to vector<16xi32>
    %dma_start3A_527 = arith.constant 368 : i32
    %dma_start3A_528 = arith.constant 0 : i32
    %dma_start3A_529 = tpu.memref_slice %arg11[%dma_start3A_527, %dma_start3A_528] : memref<400x32xf32, #tpu.memory_space<vmem>> -> memref<16x32xf32, #tpu.memory_space<vmem>>
    %dma_start3A_530 = arith.constant 0 : i32
    %dma_start3A_531 = arith.constant 0 : i32
    %dma_start3A_532 = tpu.memref_slice %arg5[%dma_start3A_530, %dma_start3A_531] : memref<1000000x32xf32, #tpu.memory_space<hbm>> -> memref<1000000x32xf32, #tpu.memory_space<hbm>>
    tpu.enqueue_indirect_dma source(%dma_start3A_532 : memref<1000000x32xf32, #tpu.memory_space<hbm>>) target(%dma_start3A_529 : memref<16x32xf32, #tpu.memory_space<vmem>>) offsets(%get3A_526 : vector<16xi32>) semaphore(%arg13 : memref<!tpu.dma_semaphore, #tpu.memory_space<semaphore_mem>>)
    %get3A_533 = arith.constant 0 : i32
    %get3A_534 = arith.index_cast %get3A_533 : i32 to index
    %get3A_535 = arith.constant 384 : index
    %get3A_536 = tpu.vector_load %arg7[%get3A_534, %get3A_535] {strides = array<i32>} : memref<64x400xi32, #tpu.memory_space<vmem>>, vector<1x16xi32>,
    %get3A_537 = vector.shape_cast %get3A_536 : vector<1x16xi32> to vector<16xi32>
    %dma_start3A_538 = arith.constant 384 : i32
    %dma_start3A_539 = arith.constant 0 : i32
    %dma_start3A_540 = tpu.memref_slice %arg9[%dma_start3A_538, %dma_start3A_539] : memref<400x32xf32, #tpu.memory_space<vmem>> -> memref<16x32xf32, #tpu.memory_space<vmem>>
    %dma_start3A_541 = arith.constant 0 : i32
    %dma_start3A_542 = arith.constant 0 : i32
    %dma_start3A_543 = tpu.memref_slice %arg4[%dma_start3A_541, %dma_start3A_542] : memref<1000000x32xf32, #tpu.memory_space<hbm>> -> memref<1000000x32xf32, #tpu.memory_space<hbm>>
    tpu.enqueue_indirect_dma source(%dma_start3A_543 : memref<1000000x32xf32, #tpu.memory_space<hbm>>) target(%dma_start3A_540 : memref<16x32xf32, #tpu.memory_space<vmem>>) offsets(%get3A_537 : vector<16xi32>) semaphore(%arg13 : memref<!tpu.dma_semaphore, #tpu.memory_space<semaphore_mem>>)
    %get3A_544 = arith.constant 0 : i32
    %get3A_545 = arith.index_cast %get3A_544 : i32 to index
    %get3A_546 = arith.constant 384 : index
    %get3A_547 = tpu.vector_load %arg8[%get3A_545, %get3A_546] {strides = array<i32>} : memref<64x400xi32, #tpu.memory_space<vmem>>, vector<1x16xi32>,
    %get3A_548 = vector.shape_cast %get3A_547 : vector<1x16xi32> to vector<16xi32>
    %dma_start3A_549 = arith.constant 384 : i32
    %dma_start3A_550 = arith.constant 0 : i32
    %dma_start3A_551 = tpu.memref_slice %arg11[%dma_start3A_549, %dma_start3A_550] : memref<400x32xf32, #tpu.memory_space<vmem>> -> memref<16x32xf32, #tpu.memory_space<vmem>>
    %dma_start3A_552 = arith.constant 0 : i32
    %dma_start3A_553 = arith.constant 0 : i32
    %dma_start3A_554 = tpu.memref_slice %arg5[%dma_start3A_552, %dma_start3A_553] : memref<1000000x32xf32, #tpu.memory_space<hbm>> -> memref<1000000x32xf32, #tpu.memory_space<hbm>>
    tpu.enqueue_indirect_dma source(%dma_start3A_554 : memref<1000000x32xf32, #tpu.memory_space<hbm>>) target(%dma_start3A_551 : memref<16x32xf32, #tpu.memory_space<vmem>>) offsets(%get3A_548 : vector<16xi32>) semaphore(%arg13 : memref<!tpu.dma_semaphore, #tpu.memory_space<semaphore_mem>>)
    %get3A_555 = arith.constant 1 : i32
    %get3A_556 = arith.index_cast %get3A_555 : i32 to index
    %get3A_557 = arith.constant 0 : index
    %get3A_558 = tpu.vector_load %arg7[%get3A_556, %get3A_557] {strides = array<i32>} : memref<64x400xi32, #tpu.memory_space<vmem>>, vector<1x16xi32>,
    %get3A_559 = vector.shape_cast %get3A_558 : vector<1x16xi32> to vector<16xi32>
    %dma_start3A_560 = arith.constant 0 : i32
    %dma_start3A_561 = arith.constant 0 : i32
    %dma_start3A_562 = tpu.memref_slice %arg10[%dma_start3A_560, %dma_start3A_561] : memref<400x32xf32, #tpu.memory_space<vmem>> -> memref<16x32xf32, #tpu.memory_space<vmem>>
    %dma_start3A_563 = arith.constant 0 : i32
    %dma_start3A_564 = arith.constant 0 : i32
    %dma_start3A_565 = tpu.memref_slice %arg4[%dma_start3A_563, %dma_start3A_564] : memref<1000000x32xf32, #tpu.memory_space<hbm>> -> memref<1000000x32xf32, #tpu.memory_space<hbm>>
    tpu.enqueue_indirect_dma source(%dma_start3A_565 : memref<1000000x32xf32, #tpu.memory_space<hbm>>) target(%dma_start3A_562 : memref<16x32xf32, #tpu.memory_space<vmem>>) offsets(%get3A_559 : vector<16xi32>) semaphore(%arg14 : memref<!tpu.dma_semaphore, #tpu.memory_space<semaphore_mem>>)
    %get3A_566 = arith.constant 1 : i32
    %get3A_567 = arith.index_cast %get3A_566 : i32 to index
    %get3A_568 = arith.constant 0 : index
    %get3A_569 = tpu.vector_load %arg8[%get3A_567, %get3A_568] {strides = array<i32>} : memref<64x400xi32, #tpu.memory_space<vmem>>, vector<1x16xi32>,
    %get3A_570 = vector.shape_cast %get3A_569 : vector<1x16xi32> to vector<16xi32>
    %dma_start3A_571 = arith.constant 0 : i32
    %dma_start3A_572 = arith.constant 0 : i32
    %dma_start3A_573 = tpu.memref_slice %arg12[%dma_start3A_571, %dma_start3A_572] : memref<400x32xf32, #tpu.memory_space<vmem>> -> memref<16x32xf32, #tpu.memory_space<vmem>>
    %dma_start3A_574 = arith.constant 0 : i32
    %dma_start3A_575 = arith.constant 0 : i32
    %dma_start3A_576 = tpu.memref_slice %arg5[%dma_start3A_574, %dma_start3A_575] : memref<1000000x32xf32, #tpu.memory_space<hbm>> -> memref<1000000x32xf32, #tpu.memory_space<hbm>>
    tpu.enqueue_indirect_dma source(%dma_start3A_576 : memref<1000000x32xf32, #tpu.memory_space<hbm>>) target(%dma_start3A_573 : memref<16x32xf32, #tpu.memory_space<vmem>>) offsets(%get3A_570 : vector<16xi32>) semaphore(%arg14 : memref<!tpu.dma_semaphore, #tpu.memory_space<semaphore_mem>>)
    %get3A_577 = arith.constant 1 : i32
    %get3A_578 = arith.index_cast %get3A_577 : i32 to index
    %get3A_579 = arith.constant 16 : index
    %get3A_580 = tpu.vector_load %arg7[%get3A_578, %get3A_579] {strides = array<i32>} : memref<64x400xi32, #tpu.memory_space<vmem>>, vector<1x16xi32>,
    %get3A_581 = vector.shape_cast %get3A_580 : vector<1x16xi32> to vector<16xi32>
    %dma_start3A_582 = arith.constant 16 : i32
    %dma_start3A_583 = arith.constant 0 : i32
    %dma_start3A_584 = tpu.memref_slice %arg10[%dma_start3A_582, %dma_start3A_583] : memref<400x32xf32, #tpu.memory_space<vmem>> -> memref<16x32xf32, #tpu.memory_space<vmem>>
    %dma_start3A_585 = arith.constant 0 : i32
    %dma_start3A_586 = arith.constant 0 : i32
    %dma_start3A_587 = tpu.memref_slice %arg4[%dma_start3A_585, %dma_start3A_586] : memref<1000000x32xf32, #tpu.memory_space<hbm>> -> memref<1000000x32xf32, #tpu.memory_space<hbm>>
    tpu.enqueue_indirect_dma source(%dma_start3A_587 : memref<1000000x32xf32, #tpu.memory_space<hbm>>) target(%dma_start3A_584 : memref<16x32xf32, #tpu.memory_space<vmem>>) offsets(%get3A_581 : vector<16xi32>) semaphore(%arg14 : memref<!tpu.dma_semaphore, #tpu.memory_space<semaphore_mem>>)
    %get3A_588 = arith.constant 1 : i32
    %get3A_589 = arith.index_cast %get3A_588 : i32 to index
    %get3A_590 = arith.constant 16 : index
    %get3A_591 = tpu.vector_load %arg8[%get3A_589, %get3A_590] {strides = array<i32>} : memref<64x400xi32, #tpu.memory_space<vmem>>, vector<1x16xi32>,
    %get3A_592 = vector.shape_cast %get3A_591 : vector<1x16xi32> to vector<16xi32>
    %dma_start3A_593 = arith.constant 16 : i32
    %dma_start3A_594 = arith.constant 0 : i32
    %dma_start3A_595 = tpu.memref_slice %arg12[%dma_start3A_593, %dma_start3A_594] : memref<400x32xf32, #tpu.memory_space<vmem>> -> memref<16x32xf32, #tpu.memory_space<vmem>>
    %dma_start3A_596 = arith.constant 0 : i32
    %dma_start3A_597 = arith.constant 0 : i32
    %dma_start3A_598 = tpu.memref_slice %arg5[%dma_start3A_596, %dma_start3A_597] : memref<1000000x32xf32, #tpu.memory_space<hbm>> -> memref<1000000x32xf32, #tpu.memory_space<hbm>>
    tpu.enqueue_indirect_dma source(%dma_start3A_598 : memref<1000000x32xf32, #tpu.memory_space<hbm>>) target(%dma_start3A_595 : memref<16x32xf32, #tpu.memory_space<vmem>>) offsets(%get3A_592 : vector<16xi32>) semaphore(%arg14 : memref<!tpu.dma_semaphore, #tpu.memory_space<semaphore_mem>>)
    %get3A_599 = arith.constant 1 : i32
    %get3A_600 = arith.index_cast %get3A_599 : i32 to index
    %get3A_601 = arith.constant 32 : index
    %get3A_602 = tpu.vector_load %arg7[%get3A_600, %get3A_601] {strides = array<i32>} : memref<64x400xi32, #tpu.memory_space<vmem>>, vector<1x16xi32>,
    %get3A_603 = vector.shape_cast %get3A_602 : vector<1x16xi32> to vector<16xi32>
    %dma_start3A_604 = arith.constant 32 : i32
    %dma_start3A_605 = arith.constant 0 : i32
    %dma_start3A_606 = tpu.memref_slice %arg10[%dma_start3A_604, %dma_start3A_605] : memref<400x32xf32, #tpu.memory_space<vmem>> -> memref<16x32xf32, #tpu.memory_space<vmem>>
    %dma_start3A_607 = arith.constant 0 : i32
    %dma_start3A_608 = arith.constant 0 : i32
    %dma_start3A_609 = tpu.memref_slice %arg4[%dma_start3A_607, %dma_start3A_608] : memref<1000000x32xf32, #tpu.memory_space<hbm>> -> memref<1000000x32xf32, #tpu.memory_space<hbm>>
    tpu.enqueue_indirect_dma source(%dma_start3A_609 : memref<1000000x32xf32, #tpu.memory_space<hbm>>) target(%dma_start3A_606 : memref<16x32xf32, #tpu.memory_space<vmem>>) offsets(%get3A_603 : vector<16xi32>) semaphore(%arg14 : memref<!tpu.dma_semaphore, #tpu.memory_space<semaphore_mem>>)
    %get3A_610 = arith.constant 1 : i32
    %get3A_611 = arith.index_cast %get3A_610 : i32 to index
    %get3A_612 = arith.constant 32 : index
    %get3A_613 = tpu.vector_load %arg8[%get3A_611, %get3A_612] {strides = array<i32>} : memref<64x400xi32, #tpu.memory_space<vmem>>, vector<1x16xi32>,
    %get3A_614 = vector.shape_cast %get3A_613 : vector<1x16xi32> to vector<16xi32>
    %dma_start3A_615 = arith.constant 32 : i32
    %dma_start3A_616 = arith.constant 0 : i32
    %dma_start3A_617 = tpu.memref_slice %arg12[%dma_start3A_615, %dma_start3A_616] : memref<400x32xf32, #tpu.memory_space<vmem>> -> memref<16x32xf32, #tpu.memory_space<vmem>>
    %dma_start3A_618 = arith.constant 0 : i32
    %dma_start3A_619 = arith.constant 0 : i32
    %dma_start3A_620 = tpu.memref_slice %arg5[%dma_start3A_618, %dma_start3A_619] : memref<1000000x32xf32, #tpu.memory_space<hbm>> -> memref<1000000x32xf32, #tpu.memory_space<hbm>>
    tpu.enqueue_indirect_dma source(%dma_start3A_620 : memref<1000000x32xf32, #tpu.memory_space<hbm>>) target(%dma_start3A_617 : memref<16x32xf32, #tpu.memory_space<vmem>>) offsets(%get3A_614 : vector<16xi32>) semaphore(%arg14 : memref<!tpu.dma_semaphore, #tpu.memory_space<semaphore_mem>>)
    %get3A_621 = arith.constant 1 : i32
    %get3A_622 = arith.index_cast %get3A_621 : i32 to index
    %get3A_623 = arith.constant 48 : index
    %get3A_624 = tpu.vector_load %arg7[%get3A_622, %get3A_623] {strides = array<i32>} : memref<64x400xi32, #tpu.memory_space<vmem>>, vector<1x16xi32>,
    %get3A_625 = vector.shape_cast %get3A_624 : vector<1x16xi32> to vector<16xi32>
    %dma_start3A_626 = arith.constant 48 : i32
    %dma_start3A_627 = arith.constant 0 : i32
    %dma_start3A_628 = tpu.memref_slice %arg10[%dma_start3A_626, %dma_start3A_627] : memref<400x32xf32, #tpu.memory_space<vmem>> -> memref<16x32xf32, #tpu.memory_space<vmem>>
    %dma_start3A_629 = arith.constant 0 : i32
    %dma_start3A_630 = arith.constant 0 : i32
    %dma_start3A_631 = tpu.memref_slice %arg4[%dma_start3A_629, %dma_start3A_630] : memref<1000000x32xf32, #tpu.memory_space<hbm>> -> memref<1000000x32xf32, #tpu.memory_space<hbm>>
    tpu.enqueue_indirect_dma source(%dma_start3A_631 : memref<1000000x32xf32, #tpu.memory_space<hbm>>) target(%dma_start3A_628 : memref<16x32xf32, #tpu.memory_space<vmem>>) offsets(%get3A_625 : vector<16xi32>) semaphore(%arg14 : memref<!tpu.dma_semaphore, #tpu.memory_space<semaphore_mem>>)
    %get3A_632 = arith.constant 1 : i32
    %get3A_633 = arith.index_cast %get3A_632 : i32 to index
    %get3A_634 = arith.constant 48 : index
    %get3A_635 = tpu.vector_load %arg8[%get3A_633, %get3A_634] {strides = array<i32>} : memref<64x400xi32, #tpu.memory_space<vmem>>, vector<1x16xi32>,
    %get3A_636 = vector.shape_cast %get3A_635 : vector<1x16xi32> to vector<16xi32>
    %dma_start3A_637 = arith.constant 48 : i32
    %dma_start3A_638 = arith.constant 0 : i32
    %dma_start3A_639 = tpu.memref_slice %arg12[%dma_start3A_637, %dma_start3A_638] : memref<400x32xf32, #tpu.memory_space<vmem>> -> memref<16x32xf32, #tpu.memory_space<vmem>>
    %dma_start3A_640 = arith.constant 0 : i32
    %dma_start3A_641 = arith.constant 0 : i32
    %dma_start3A_642 = tpu.memref_slice %arg5[%dma_start3A_640, %dma_start3A_641] : memref<1000000x32xf32, #tpu.memory_space<hbm>> -> memref<1000000x32xf32, #tpu.memory_space<hbm>>
    tpu.enqueue_indirect_dma source(%dma_start3A_642 : memref<1000000x32xf32, #tpu.memory_space<hbm>>) target(%dma_start3A_639 : memref<16x32xf32, #tpu.memory_space<vmem>>) offsets(%get3A_636 : vector<16xi32>) semaphore(%arg14 : memref<!tpu.dma_semaphore, #tpu.memory_space<semaphore_mem>>)
    %get3A_643 = arith.constant 1 : i32
    %get3A_644 = arith.index_cast %get3A_643 : i32 to index
    %get3A_645 = arith.constant 64 : index
    %get3A_646 = tpu.vector_load %arg7[%get3A_644, %get3A_645] {strides = array<i32>} : memref<64x400xi32, #tpu.memory_space<vmem>>, vector<1x16xi32>,
    %get3A_647 = vector.shape_cast %get3A_646 : vector<1x16xi32> to vector<16xi32>
    %dma_start3A_648 = arith.constant 64 : i32
    %dma_start3A_649 = arith.constant 0 : i32
    %dma_start3A_650 = tpu.memref_slice %arg10[%dma_start3A_648, %dma_start3A_649] : memref<400x32xf32, #tpu.memory_space<vmem>> -> memref<16x32xf32, #tpu.memory_space<vmem>>
    %dma_start3A_651 = arith.constant 0 : i32
    %dma_start3A_652 = arith.constant 0 : i32
    %dma_start3A_653 = tpu.memref_slice %arg4[%dma_start3A_651, %dma_start3A_652] : memref<1000000x32xf32, #tpu.memory_space<hbm>> -> memref<1000000x32xf32, #tpu.memory_space<hbm>>
    tpu.enqueue_indirect_dma source(%dma_start3A_653 : memref<1000000x32xf32, #tpu.memory_space<hbm>>) target(%dma_start3A_650 : memref<16x32xf32, #tpu.memory_space<vmem>>) offsets(%get3A_647 : vector<16xi32>) semaphore(%arg14 : memref<!tpu.dma_semaphore, #tpu.memory_space<semaphore_mem>>)
    %get3A_654 = arith.constant 1 : i32
    %get3A_655 = arith.index_cast %get3A_654 : i32 to index
    %get3A_656 = arith.constant 64 : index
    %get3A_657 = tpu.vector_load %arg8[%get3A_655, %get3A_656] {strides = array<i32>} : memref<64x400xi32, #tpu.memory_space<vmem>>, vector<1x16xi32>,
    %get3A_658 = vector.shape_cast %get3A_657 : vector<1x16xi32> to vector<16xi32>
    %dma_start3A_659 = arith.constant 64 : i32
    %dma_start3A_660 = arith.constant 0 : i32
    %dma_start3A_661 = tpu.memref_slice %arg12[%dma_start3A_659, %dma_start3A_660] : memref<400x32xf32, #tpu.memory_space<vmem>> -> memref<16x32xf32, #tpu.memory_space<vmem>>
    %dma_start3A_662 = arith.constant 0 : i32
    %dma_start3A_663 = arith.constant 0 : i32
    %dma_start3A_664 = tpu.memref_slice %arg5[%dma_start3A_662, %dma_start3A_663] : memref<1000000x32xf32, #tpu.memory_space<hbm>> -> memref<1000000x32xf32, #tpu.memory_space<hbm>>
    tpu.enqueue_indirect_dma source(%dma_start3A_664 : memref<1000000x32xf32, #tpu.memory_space<hbm>>) target(%dma_start3A_661 : memref<16x32xf32, #tpu.memory_space<vmem>>) offsets(%get3A_658 : vector<16xi32>) semaphore(%arg14 : memref<!tpu.dma_semaphore, #tpu.memory_space<semaphore_mem>>)
    %get3A_665 = arith.constant 1 : i32
    %get3A_666 = arith.index_cast %get3A_665 : i32 to index
    %get3A_667 = arith.constant 80 : index
    %get3A_668 = tpu.vector_load %arg7[%get3A_666, %get3A_667] {strides = array<i32>} : memref<64x400xi32, #tpu.memory_space<vmem>>, vector<1x16xi32>,
    %get3A_669 = vector.shape_cast %get3A_668 : vector<1x16xi32> to vector<16xi32>
    %dma_start3A_670 = arith.constant 80 : i32
    %dma_start3A_671 = arith.constant 0 : i32
    %dma_start3A_672 = tpu.memref_slice %arg10[%dma_start3A_670, %dma_start3A_671] : memref<400x32xf32, #tpu.memory_space<vmem>> -> memref<16x32xf32, #tpu.memory_space<vmem>>
    %dma_start3A_673 = arith.constant 0 : i32
    %dma_start3A_674 = arith.constant 0 : i32
    %dma_start3A_675 = tpu.memref_slice %arg4[%dma_start3A_673, %dma_start3A_674] : memref<1000000x32xf32, #tpu.memory_space<hbm>> -> memref<1000000x32xf32, #tpu.memory_space<hbm>>
    tpu.enqueue_indirect_dma source(%dma_start3A_675 : memref<1000000x32xf32, #tpu.memory_space<hbm>>) target(%dma_start3A_672 : memref<16x32xf32, #tpu.memory_space<vmem>>) offsets(%get3A_669 : vector<16xi32>) semaphore(%arg14 : memref<!tpu.dma_semaphore, #tpu.memory_space<semaphore_mem>>)
    %get3A_676 = arith.constant 1 : i32
    %get3A_677 = arith.index_cast %get3A_676 : i32 to index
    %get3A_678 = arith.constant 80 : index
    %get3A_679 = tpu.vector_load %arg8[%get3A_677, %get3A_678] {strides = array<i32>} : memref<64x400xi32, #tpu.memory_space<vmem>>, vector<1x16xi32>,
    %get3A_680 = vector.shape_cast %get3A_679 : vector<1x16xi32> to vector<16xi32>
    %dma_start3A_681 = arith.constant 80 : i32
    %dma_start3A_682 = arith.constant 0 : i32
    %dma_start3A_683 = tpu.memref_slice %arg12[%dma_start3A_681, %dma_start3A_682] : memref<400x32xf32, #tpu.memory_space<vmem>> -> memref<16x32xf32, #tpu.memory_space<vmem>>
    %dma_start3A_684 = arith.constant 0 : i32
    %dma_start3A_685 = arith.constant 0 : i32
    %dma_start3A_686 = tpu.memref_slice %arg5[%dma_start3A_684, %dma_start3A_685] : memref<1000000x32xf32, #tpu.memory_space<hbm>> -> memref<1000000x32xf32, #tpu.memory_space<hbm>>
    tpu.enqueue_indirect_dma source(%dma_start3A_686 : memref<1000000x32xf32, #tpu.memory_space<hbm>>) target(%dma_start3A_683 : memref<16x32xf32, #tpu.memory_space<vmem>>) offsets(%get3A_680 : vector<16xi32>) semaphore(%arg14 : memref<!tpu.dma_semaphore, #tpu.memory_space<semaphore_mem>>)
    %get3A_687 = arith.constant 1 : i32
    %get3A_688 = arith.index_cast %get3A_687 : i32 to index
    %get3A_689 = arith.constant 96 : index
    %get3A_690 = tpu.vector_load %arg7[%get3A_688, %get3A_689] {strides = array<i32>} : memref<64x400xi32, #tpu.memory_space<vmem>>, vector<1x16xi32>,
    %get3A_691 = vector.shape_cast %get3A_690 : vector<1x16xi32> to vector<16xi32>
    %dma_start3A_692 = arith.constant 96 : i32
    %dma_start3A_693 = arith.constant 0 : i32
    %dma_start3A_694 = tpu.memref_slice %arg10[%dma_start3A_692, %dma_start3A_693] : memref<400x32xf32, #tpu.memory_space<vmem>> -> memref<16x32xf32, #tpu.memory_space<vmem>>
    %dma_start3A_695 = arith.constant 0 : i32
    %dma_start3A_696 = arith.constant 0 : i32
    %dma_start3A_697 = tpu.memref_slice %arg4[%dma_start3A_695, %dma_start3A_696] : memref<1000000x32xf32, #tpu.memory_space<hbm>> -> memref<1000000x32xf32, #tpu.memory_space<hbm>>
    tpu.enqueue_indirect_dma source(%dma_start3A_697 : memref<1000000x32xf32, #tpu.memory_space<hbm>>) target(%dma_start3A_694 : memref<16x32xf32, #tpu.memory_space<vmem>>) offsets(%get3A_691 : vector<16xi32>) semaphore(%arg14 : memref<!tpu.dma_semaphore, #tpu.memory_space<semaphore_mem>>)
    %get3A_698 = arith.constant 1 : i32
    %get3A_699 = arith.index_cast %get3A_698 : i32 to index
    %get3A_700 = arith.constant 96 : index
    %get3A_701 = tpu.vector_load %arg8[%get3A_699, %get3A_700] {strides = array<i32>} : memref<64x400xi32, #tpu.memory_space<vmem>>, vector<1x16xi32>,
    %get3A_702 = vector.shape_cast %get3A_701 : vector<1x16xi32> to vector<16xi32>
    %dma_start3A_703 = arith.constant 96 : i32
    %dma_start3A_704 = arith.constant 0 : i32
    %dma_start3A_705 = tpu.memref_slice %arg12[%dma_start3A_703, %dma_start3A_704] : memref<400x32xf32, #tpu.memory_space<vmem>> -> memref<16x32xf32, #tpu.memory_space<vmem>>
    %dma_start3A_706 = arith.constant 0 : i32
    %dma_start3A_707 = arith.constant 0 : i32
    %dma_start3A_708 = tpu.memref_slice %arg5[%dma_start3A_706, %dma_start3A_707] : memref<1000000x32xf32, #tpu.memory_space<hbm>> -> memref<1000000x32xf32, #tpu.memory_space<hbm>>
    tpu.enqueue_indirect_dma source(%dma_start3A_708 : memref<1000000x32xf32, #tpu.memory_space<hbm>>) target(%dma_start3A_705 : memref<16x32xf32, #tpu.memory_space<vmem>>) offsets(%get3A_702 : vector<16xi32>) semaphore(%arg14 : memref<!tpu.dma_semaphore, #tpu.memory_space<semaphore_mem>>)
    %get3A_709 = arith.constant 1 : i32
    %get3A_710 = arith.index_cast %get3A_709 : i32 to index
    %get3A_711 = arith.constant 112 : index
    %get3A_712 = tpu.vector_load %arg7[%get3A_710, %get3A_711] {strides = array<i32>} : memref<64x400xi32, #tpu.memory_space<vmem>>, vector<1x16xi32>,
    %get3A_713 = vector.shape_cast %get3A_712 : vector<1x16xi32> to vector<16xi32>
    %dma_start3A_714 = arith.constant 112 : i32
    %dma_start3A_715 = arith.constant 0 : i32
    %dma_start3A_716 = tpu.memref_slice %arg10[%dma_start3A_714, %dma_start3A_715] : memref<400x32xf32, #tpu.memory_space<vmem>> -> memref<16x32xf32, #tpu.memory_space<vmem>>
    %dma_start3A_717 = arith.constant 0 : i32
    %dma_start3A_718 = arith.constant 0 : i32
    %dma_start3A_719 = tpu.memref_slice %arg4[%dma_start3A_717, %dma_start3A_718] : memref<1000000x32xf32, #tpu.memory_space<hbm>> -> memref<1000000x32xf32, #tpu.memory_space<hbm>>
    tpu.enqueue_indirect_dma source(%dma_start3A_719 : memref<1000000x32xf32, #tpu.memory_space<hbm>>) target(%dma_start3A_716 : memref<16x32xf32, #tpu.memory_space<vmem>>) offsets(%get3A_713 : vector<16xi32>) semaphore(%arg14 : memref<!tpu.dma_semaphore, #tpu.memory_space<semaphore_mem>>)
    %get3A_720 = arith.constant 1 : i32
    %get3A_721 = arith.index_cast %get3A_720 : i32 to index
    %get3A_722 = arith.constant 112 : index
    %get3A_723 = tpu.vector_load %arg8[%get3A_721, %get3A_722] {strides = array<i32>} : memref<64x400xi32, #tpu.memory_space<vmem>>, vector<1x16xi32>,
    %get3A_724 = vector.shape_cast %get3A_723 : vector<1x16xi32> to vector<16xi32>
    %dma_start3A_725 = arith.constant 112 : i32
    %dma_start3A_726 = arith.constant 0 : i32
    %dma_start3A_727 = tpu.memref_slice %arg12[%dma_start3A_725, %dma_start3A_726] : memref<400x32xf32, #tpu.memory_space<vmem>> -> memref<16x32xf32, #tpu.memory_space<vmem>>
    %dma_start3A_728 = arith.constant 0 : i32
    %dma_start3A_729 = arith.constant 0 : i32
    %dma_start3A_730 = tpu.memref_slice %arg5[%dma_start3A_728, %dma_start3A_729] : memref<1000000x32xf32, #tpu.memory_space<hbm>> -> memref<1000000x32xf32, #tpu.memory_space<hbm>>
    tpu.enqueue_indirect_dma source(%dma_start3A_730 : memref<1000000x32xf32, #tpu.memory_space<hbm>>) target(%dma_start3A_727 : memref<16x32xf32, #tpu.memory_space<vmem>>) offsets(%get3A_724 : vector<16xi32>) semaphore(%arg14 : memref<!tpu.dma_semaphore, #tpu.memory_space<semaphore_mem>>)
    %get3A_731 = arith.constant 1 : i32
    %get3A_732 = arith.index_cast %get3A_731 : i32 to index
    %get3A_733 = arith.constant 128 : index
    %get3A_734 = tpu.vector_load %arg7[%get3A_732, %get3A_733] {strides = array<i32>} : memref<64x400xi32, #tpu.memory_space<vmem>>, vector<1x16xi32>,
    %get3A_735 = vector.shape_cast %get3A_734 : vector<1x16xi32> to vector<16xi32>
    %dma_start3A_736 = arith.constant 128 : i32
    %dma_start3A_737 = arith.constant 0 : i32
    %dma_start3A_738 = tpu.memref_slice %arg10[%dma_start3A_736, %dma_start3A_737] : memref<400x32xf32, #tpu.memory_space<vmem>> -> memref<16x32xf32, #tpu.memory_space<vmem>>
    %dma_start3A_739 = arith.constant 0 : i32
    %dma_start3A_740 = arith.constant 0 : i32
    %dma_start3A_741 = tpu.memref_slice %arg4[%dma_start3A_739, %dma_start3A_740] : memref<1000000x32xf32, #tpu.memory_space<hbm>> -> memref<1000000x32xf32, #tpu.memory_space<hbm>>
    tpu.enqueue_indirect_dma source(%dma_start3A_741 : memref<1000000x32xf32, #tpu.memory_space<hbm>>) target(%dma_start3A_738 : memref<16x32xf32, #tpu.memory_space<vmem>>) offsets(%get3A_735 : vector<16xi32>) semaphore(%arg14 : memref<!tpu.dma_semaphore, #tpu.memory_space<semaphore_mem>>)
    %get3A_742 = arith.constant 1 : i32
    %get3A_743 = arith.index_cast %get3A_742 : i32 to index
    %get3A_744 = arith.constant 128 : index
    %get3A_745 = tpu.vector_load %arg8[%get3A_743, %get3A_744] {strides = array<i32>} : memref<64x400xi32, #tpu.memory_space<vmem>>, vector<1x16xi32>,
    %get3A_746 = vector.shape_cast %get3A_745 : vector<1x16xi32> to vector<16xi32>
    %dma_start3A_747 = arith.constant 128 : i32
    %dma_start3A_748 = arith.constant 0 : i32
    %dma_start3A_749 = tpu.memref_slice %arg12[%dma_start3A_747, %dma_start3A_748] : memref<400x32xf32, #tpu.memory_space<vmem>> -> memref<16x32xf32, #tpu.memory_space<vmem>>
    %dma_start3A_750 = arith.constant 0 : i32
    %dma_start3A_751 = arith.constant 0 : i32
    %dma_start3A_752 = tpu.memref_slice %arg5[%dma_start3A_750, %dma_start3A_751] : memref<1000000x32xf32, #tpu.memory_space<hbm>> -> memref<1000000x32xf32, #tpu.memory_space<hbm>>
    tpu.enqueue_indirect_dma source(%dma_start3A_752 : memref<1000000x32xf32, #tpu.memory_space<hbm>>) target(%dma_start3A_749 : memref<16x32xf32, #tpu.memory_space<vmem>>) offsets(%get3A_746 : vector<16xi32>) semaphore(%arg14 : memref<!tpu.dma_semaphore, #tpu.memory_space<semaphore_mem>>)
    %get3A_753 = arith.constant 1 : i32
    %get3A_754 = arith.index_cast %get3A_753 : i32 to index
    %get3A_755 = arith.constant 144 : index
    %get3A_756 = tpu.vector_load %arg7[%get3A_754, %get3A_755] {strides = array<i32>} : memref<64x400xi32, #tpu.memory_space<vmem>>, vector<1x16xi32>,
    %get3A_757 = vector.shape_cast %get3A_756 : vector<1x16xi32> to vector<16xi32>
    %dma_start3A_758 = arith.constant 144 : i32
    %dma_start3A_759 = arith.constant 0 : i32
    %dma_start3A_760 = tpu.memref_slice %arg10[%dma_start3A_758, %dma_start3A_759] : memref<400x32xf32, #tpu.memory_space<vmem>> -> memref<16x32xf32, #tpu.memory_space<vmem>>
    %dma_start3A_761 = arith.constant 0 : i32
    %dma_start3A_762 = arith.constant 0 : i32
    %dma_start3A_763 = tpu.memref_slice %arg4[%dma_start3A_761, %dma_start3A_762] : memref<1000000x32xf32, #tpu.memory_space<hbm>> -> memref<1000000x32xf32, #tpu.memory_space<hbm>>
    tpu.enqueue_indirect_dma source(%dma_start3A_763 : memref<1000000x32xf32, #tpu.memory_space<hbm>>) target(%dma_start3A_760 : memref<16x32xf32, #tpu.memory_space<vmem>>) offsets(%get3A_757 : vector<16xi32>) semaphore(%arg14 : memref<!tpu.dma_semaphore, #tpu.memory_space<semaphore_mem>>)
    %get3A_764 = arith.constant 1 : i32
    %get3A_765 = arith.index_cast %get3A_764 : i32 to index
    %get3A_766 = arith.constant 144 : index
    %get3A_767 = tpu.vector_load %arg8[%get3A_765, %get3A_766] {strides = array<i32>} : memref<64x400xi32, #tpu.memory_space<vmem>>, vector<1x16xi32>,
    %get3A_768 = vector.shape_cast %get3A_767 : vector<1x16xi32> to vector<16xi32>
    %dma_start3A_769 = arith.constant 144 : i32
    %dma_start3A_770 = arith.constant 0 : i32
    %dma_start3A_771 = tpu.memref_slice %arg12[%dma_start3A_769, %dma_start3A_770] : memref<400x32xf32, #tpu.memory_space<vmem>> -> memref<16x32xf32, #tpu.memory_space<vmem>>
    %dma_start3A_772 = arith.constant 0 : i32
    %dma_start3A_773 = arith.constant 0 : i32
    %dma_start3A_774 = tpu.memref_slice %arg5[%dma_start3A_772, %dma_start3A_773] : memref<1000000x32xf32, #tpu.memory_space<hbm>> -> memref<1000000x32xf32, #tpu.memory_space<hbm>>
    tpu.enqueue_indirect_dma source(%dma_start3A_774 : memref<1000000x32xf32, #tpu.memory_space<hbm>>) target(%dma_start3A_771 : memref<16x32xf32, #tpu.memory_space<vmem>>) offsets(%get3A_768 : vector<16xi32>) semaphore(%arg14 : memref<!tpu.dma_semaphore, #tpu.memory_space<semaphore_mem>>)
    %get3A_775 = arith.constant 1 : i32
    %get3A_776 = arith.index_cast %get3A_775 : i32 to index
    %get3A_777 = arith.constant 160 : index
    %get3A_778 = tpu.vector_load %arg7[%get3A_776, %get3A_777] {strides = array<i32>} : memref<64x400xi32, #tpu.memory_space<vmem>>, vector<1x16xi32>,
    %get3A_779 = vector.shape_cast %get3A_778 : vector<1x16xi32> to vector<16xi32>
    %dma_start3A_780 = arith.constant 160 : i32
    %dma_start3A_781 = arith.constant 0 : i32
    %dma_start3A_782 = tpu.memref_slice %arg10[%dma_start3A_780, %dma_start3A_781] : memref<400x32xf32, #tpu.memory_space<vmem>> -> memref<16x32xf32, #tpu.memory_space<vmem>>
    %dma_start3A_783 = arith.constant 0 : i32
    %dma_start3A_784 = arith.constant 0 : i32
    %dma_start3A_785 = tpu.memref_slice %arg4[%dma_start3A_783, %dma_start3A_784] : memref<1000000x32xf32, #tpu.memory_space<hbm>> -> memref<1000000x32xf32, #tpu.memory_space<hbm>>
    tpu.enqueue_indirect_dma source(%dma_start3A_785 : memref<1000000x32xf32, #tpu.memory_space<hbm>>) target(%dma_start3A_782 : memref<16x32xf32, #tpu.memory_space<vmem>>) offsets(%get3A_779 : vector<16xi32>) semaphore(%arg14 : memref<!tpu.dma_semaphore, #tpu.memory_space<semaphore_mem>>)
    %get3A_786 = arith.constant 1 : i32
    %get3A_787 = arith.index_cast %get3A_786 : i32 to index
    %get3A_788 = arith.constant 160 : index
    %get3A_789 = tpu.vector_load %arg8[%get3A_787, %get3A_788] {strides = array<i32>} : memref<64x400xi32, #tpu.memory_space<vmem>>, vector<1x16xi32>,
    %get3A_790 = vector.shape_cast %get3A_789 : vector<1x16xi32> to vector<16xi32>
    %dma_start3A_791 = arith.constant 160 : i32
    %dma_start3A_792 = arith.constant 0 : i32
    %dma_start3A_793 = tpu.memref_slice %arg12[%dma_start3A_791, %dma_start3A_792] : memref<400x32xf32, #tpu.memory_space<vmem>> -> memref<16x32xf32, #tpu.memory_space<vmem>>
    %dma_start3A_794 = arith.constant 0 : i32
    %dma_start3A_795 = arith.constant 0 : i32
    %dma_start3A_796 = tpu.memref_slice %arg5[%dma_start3A_794, %dma_start3A_795] : memref<1000000x32xf32, #tpu.memory_space<hbm>> -> memref<1000000x32xf32, #tpu.memory_space<hbm>>
    tpu.enqueue_indirect_dma source(%dma_start3A_796 : memref<1000000x32xf32, #tpu.memory_space<hbm>>) target(%dma_start3A_793 : memref<16x32xf32, #tpu.memory_space<vmem>>) offsets(%get3A_790 : vector<16xi32>) semaphore(%arg14 : memref<!tpu.dma_semaphore, #tpu.memory_space<semaphore_mem>>)
    %get3A_797 = arith.constant 1 : i32
    %get3A_798 = arith.index_cast %get3A_797 : i32 to index
    %get3A_799 = arith.constant 176 : index
    %get3A_800 = tpu.vector_load %arg7[%get3A_798, %get3A_799] {strides = array<i32>} : memref<64x400xi32, #tpu.memory_space<vmem>>, vector<1x16xi32>,
    %get3A_801 = vector.shape_cast %get3A_800 : vector<1x16xi32> to vector<16xi32>
    %dma_start3A_802 = arith.constant 176 : i32
    %dma_start3A_803 = arith.constant 0 : i32
    %dma_start3A_804 = tpu.memref_slice %arg10[%dma_start3A_802, %dma_start3A_803] : memref<400x32xf32, #tpu.memory_space<vmem>> -> memref<16x32xf32, #tpu.memory_space<vmem>>
    %dma_start3A_805 = arith.constant 0 : i32
    %dma_start3A_806 = arith.constant 0 : i32
    %dma_start3A_807 = tpu.memref_slice %arg4[%dma_start3A_805, %dma_start3A_806] : memref<1000000x32xf32, #tpu.memory_space<hbm>> -> memref<1000000x32xf32, #tpu.memory_space<hbm>>
    tpu.enqueue_indirect_dma source(%dma_start3A_807 : memref<1000000x32xf32, #tpu.memory_space<hbm>>) target(%dma_start3A_804 : memref<16x32xf32, #tpu.memory_space<vmem>>) offsets(%get3A_801 : vector<16xi32>) semaphore(%arg14 : memref<!tpu.dma_semaphore, #tpu.memory_space<semaphore_mem>>)
    %get3A_808 = arith.constant 1 : i32
    %get3A_809 = arith.index_cast %get3A_808 : i32 to index
    %get3A_810 = arith.constant 176 : index
    %get3A_811 = tpu.vector_load %arg8[%get3A_809, %get3A_810] {strides = array<i32>} : memref<64x400xi32, #tpu.memory_space<vmem>>, vector<1x16xi32>,
    %get3A_812 = vector.shape_cast %get3A_811 : vector<1x16xi32> to vector<16xi32>
    %dma_start3A_813 = arith.constant 176 : i32
    %dma_start3A_814 = arith.constant 0 : i32
    %dma_start3A_815 = tpu.memref_slice %arg12[%dma_start3A_813, %dma_start3A_814] : memref<400x32xf32, #tpu.memory_space<vmem>> -> memref<16x32xf32, #tpu.memory_space<vmem>>
    %dma_start3A_816 = arith.constant 0 : i32
    %dma_start3A_817 = arith.constant 0 : i32
    %dma_start3A_818 = tpu.memref_slice %arg5[%dma_start3A_816, %dma_start3A_817] : memref<1000000x32xf32, #tpu.memory_space<hbm>> -> memref<1000000x32xf32, #tpu.memory_space<hbm>>
    tpu.enqueue_indirect_dma source(%dma_start3A_818 : memref<1000000x32xf32, #tpu.memory_space<hbm>>) target(%dma_start3A_815 : memref<16x32xf32, #tpu.memory_space<vmem>>) offsets(%get3A_812 : vector<16xi32>) semaphore(%arg14 : memref<!tpu.dma_semaphore, #tpu.memory_space<semaphore_mem>>)
    %get3A_819 = arith.constant 1 : i32
    %get3A_820 = arith.index_cast %get3A_819 : i32 to index
    %get3A_821 = arith.constant 192 : index
    %get3A_822 = tpu.vector_load %arg7[%get3A_820, %get3A_821] {strides = array<i32>} : memref<64x400xi32, #tpu.memory_space<vmem>>, vector<1x16xi32>,
    %get3A_823 = vector.shape_cast %get3A_822 : vector<1x16xi32> to vector<16xi32>
    %dma_start3A_824 = arith.constant 192 : i32
    %dma_start3A_825 = arith.constant 0 : i32
    %dma_start3A_826 = tpu.memref_slice %arg10[%dma_start3A_824, %dma_start3A_825] : memref<400x32xf32, #tpu.memory_space<vmem>> -> memref<16x32xf32, #tpu.memory_space<vmem>>
    %dma_start3A_827 = arith.constant 0 : i32
    %dma_start3A_828 = arith.constant 0 : i32
    %dma_start3A_829 = tpu.memref_slice %arg4[%dma_start3A_827, %dma_start3A_828] : memref<1000000x32xf32, #tpu.memory_space<hbm>> -> memref<1000000x32xf32, #tpu.memory_space<hbm>>
    tpu.enqueue_indirect_dma source(%dma_start3A_829 : memref<1000000x32xf32, #tpu.memory_space<hbm>>) target(%dma_start3A_826 : memref<16x32xf32, #tpu.memory_space<vmem>>) offsets(%get3A_823 : vector<16xi32>) semaphore(%arg14 : memref<!tpu.dma_semaphore, #tpu.memory_space<semaphore_mem>>)
    %get3A_830 = arith.constant 1 : i32
    %get3A_831 = arith.index_cast %get3A_830 : i32 to index
    %get3A_832 = arith.constant 192 : index
    %get3A_833 = tpu.vector_load %arg8[%get3A_831, %get3A_832] {strides = array<i32>} : memref<64x400xi32, #tpu.memory_space<vmem>>, vector<1x16xi32>,
    %get3A_834 = vector.shape_cast %get3A_833 : vector<1x16xi32> to vector<16xi32>
    %dma_start3A_835 = arith.constant 192 : i32
    %dma_start3A_836 = arith.constant 0 : i32
    %dma_start3A_837 = tpu.memref_slice %arg12[%dma_start3A_835, %dma_start3A_836] : memref<400x32xf32, #tpu.memory_space<vmem>> -> memref<16x32xf32, #tpu.memory_space<vmem>>
    %dma_start3A_838 = arith.constant 0 : i32
    %dma_start3A_839 = arith.constant 0 : i32
    %dma_start3A_840 = tpu.memref_slice %arg5[%dma_start3A_838, %dma_start3A_839] : memref<1000000x32xf32, #tpu.memory_space<hbm>> -> memref<1000000x32xf32, #tpu.memory_space<hbm>>
    tpu.enqueue_indirect_dma source(%dma_start3A_840 : memref<1000000x32xf32, #tpu.memory_space<hbm>>) target(%dma_start3A_837 : memref<16x32xf32, #tpu.memory_space<vmem>>) offsets(%get3A_834 : vector<16xi32>) semaphore(%arg14 : memref<!tpu.dma_semaphore, #tpu.memory_space<semaphore_mem>>)
    %get3A_841 = arith.constant 1 : i32
    %get3A_842 = arith.index_cast %get3A_841 : i32 to index
    %get3A_843 = arith.constant 208 : index
    %get3A_844 = tpu.vector_load %arg7[%get3A_842, %get3A_843] {strides = array<i32>} : memref<64x400xi32, #tpu.memory_space<vmem>>, vector<1x16xi32>,
    %get3A_845 = vector.shape_cast %get3A_844 : vector<1x16xi32> to vector<16xi32>
    %dma_start3A_846 = arith.constant 208 : i32
    %dma_start3A_847 = arith.constant 0 : i32
    %dma_start3A_848 = tpu.memref_slice %arg10[%dma_start3A_846, %dma_start3A_847] : memref<400x32xf32, #tpu.memory_space<vmem>> -> memref<16x32xf32, #tpu.memory_space<vmem>>
    %dma_start3A_849 = arith.constant 0 : i32
    %dma_start3A_850 = arith.constant 0 : i32
    %dma_start3A_851 = tpu.memref_slice %arg4[%dma_start3A_849, %dma_start3A_850] : memref<1000000x32xf32, #tpu.memory_space<hbm>> -> memref<1000000x32xf32, #tpu.memory_space<hbm>>
    tpu.enqueue_indirect_dma source(%dma_start3A_851 : memref<1000000x32xf32, #tpu.memory_space<hbm>>) target(%dma_start3A_848 : memref<16x32xf32, #tpu.memory_space<vmem>>) offsets(%get3A_845 : vector<16xi32>) semaphore(%arg14 : memref<!tpu.dma_semaphore, #tpu.memory_space<semaphore_mem>>)
    %get3A_852 = arith.constant 1 : i32
    %get3A_853 = arith.index_cast %get3A_852 : i32 to index
    %get3A_854 = arith.constant 208 : index
    %get3A_855 = tpu.vector_load %arg8[%get3A_853, %get3A_854] {strides = array<i32>} : memref<64x400xi32, #tpu.memory_space<vmem>>, vector<1x16xi32>,
    %get3A_856 = vector.shape_cast %get3A_855 : vector<1x16xi32> to vector<16xi32>
    %dma_start3A_857 = arith.constant 208 : i32
    %dma_start3A_858 = arith.constant 0 : i32
    %dma_start3A_859 = tpu.memref_slice %arg12[%dma_start3A_857, %dma_start3A_858] : memref<400x32xf32, #tpu.memory_space<vmem>> -> memref<16x32xf32, #tpu.memory_space<vmem>>
    %dma_start3A_860 = arith.constant 0 : i32
    %dma_start3A_861 = arith.constant 0 : i32
    %dma_start3A_862 = tpu.memref_slice %arg5[%dma_start3A_860, %dma_start3A_861] : memref<1000000x32xf32, #tpu.memory_space<hbm>> -> memref<1000000x32xf32, #tpu.memory_space<hbm>>
    tpu.enqueue_indirect_dma source(%dma_start3A_862 : memref<1000000x32xf32, #tpu.memory_space<hbm>>) target(%dma_start3A_859 : memref<16x32xf32, #tpu.memory_space<vmem>>) offsets(%get3A_856 : vector<16xi32>) semaphore(%arg14 : memref<!tpu.dma_semaphore, #tpu.memory_space<semaphore_mem>>)
    %get3A_863 = arith.constant 1 : i32
    %get3A_864 = arith.index_cast %get3A_863 : i32 to index
    %get3A_865 = arith.constant 224 : index
    %get3A_866 = tpu.vector_load %arg7[%get3A_864, %get3A_865] {strides = array<i32>} : memref<64x400xi32, #tpu.memory_space<vmem>>, vector<1x16xi32>,
    %get3A_867 = vector.shape_cast %get3A_866 : vector<1x16xi32> to vector<16xi32>
    %dma_start3A_868 = arith.constant 224 : i32
    %dma_start3A_869 = arith.constant 0 : i32
    %dma_start3A_870 = tpu.memref_slice %arg10[%dma_start3A_868, %dma_start3A_869] : memref<400x32xf32, #tpu.memory_space<vmem>> -> memref<16x32xf32, #tpu.memory_space<vmem>>
    %dma_start3A_871 = arith.constant 0 : i32
    %dma_start3A_872 = arith.constant 0 : i32
    %dma_start3A_873 = tpu.memref_slice %arg4[%dma_start3A_871, %dma_start3A_872] : memref<1000000x32xf32, #tpu.memory_space<hbm>> -> memref<1000000x32xf32, #tpu.memory_space<hbm>>
    tpu.enqueue_indirect_dma source(%dma_start3A_873 : memref<1000000x32xf32, #tpu.memory_space<hbm>>) target(%dma_start3A_870 : memref<16x32xf32, #tpu.memory_space<vmem>>) offsets(%get3A_867 : vector<16xi32>) semaphore(%arg14 : memref<!tpu.dma_semaphore, #tpu.memory_space<semaphore_mem>>)
    %get3A_874 = arith.constant 1 : i32
    %get3A_875 = arith.index_cast %get3A_874 : i32 to index
    %get3A_876 = arith.constant 224 : index
    %get3A_877 = tpu.vector_load %arg8[%get3A_875, %get3A_876] {strides = array<i32>} : memref<64x400xi32, #tpu.memory_space<vmem>>, vector<1x16xi32>,
    %get3A_878 = vector.shape_cast %get3A_877 : vector<1x16xi32> to vector<16xi32>
    %dma_start3A_879 = arith.constant 224 : i32
    %dma_start3A_880 = arith.constant 0 : i32
    %dma_start3A_881 = tpu.memref_slice %arg12[%dma_start3A_879, %dma_start3A_880] : memref<400x32xf32, #tpu.memory_space<vmem>> -> memref<16x32xf32, #tpu.memory_space<vmem>>
    %dma_start3A_882 = arith.constant 0 : i32
    %dma_start3A_883 = arith.constant 0 : i32
    %dma_start3A_884 = tpu.memref_slice %arg5[%dma_start3A_882, %dma_start3A_883] : memref<1000000x32xf32, #tpu.memory_space<hbm>> -> memref<1000000x32xf32, #tpu.memory_space<hbm>>
    tpu.enqueue_indirect_dma source(%dma_start3A_884 : memref<1000000x32xf32, #tpu.memory_space<hbm>>) target(%dma_start3A_881 : memref<16x32xf32, #tpu.memory_space<vmem>>) offsets(%get3A_878 : vector<16xi32>) semaphore(%arg14 : memref<!tpu.dma_semaphore, #tpu.memory_space<semaphore_mem>>)
    %get3A_885 = arith.constant 1 : i32
    %get3A_886 = arith.index_cast %get3A_885 : i32 to index
    %get3A_887 = arith.constant 240 : index
    %get3A_888 = tpu.vector_load %arg7[%get3A_886, %get3A_887] {strides = array<i32>} : memref<64x400xi32, #tpu.memory_space<vmem>>, vector<1x16xi32>,
    %get3A_889 = vector.shape_cast %get3A_888 : vector<1x16xi32> to vector<16xi32>
    %dma_start3A_890 = arith.constant 240 : i32
    %dma_start3A_891 = arith.constant 0 : i32
    %dma_start3A_892 = tpu.memref_slice %arg10[%dma_start3A_890, %dma_start3A_891] : memref<400x32xf32, #tpu.memory_space<vmem>> -> memref<16x32xf32, #tpu.memory_space<vmem>>
    %dma_start3A_893 = arith.constant 0 : i32
    %dma_start3A_894 = arith.constant 0 : i32
    %dma_start3A_895 = tpu.memref_slice %arg4[%dma_start3A_893, %dma_start3A_894] : memref<1000000x32xf32, #tpu.memory_space<hbm>> -> memref<1000000x32xf32, #tpu.memory_space<hbm>>
    tpu.enqueue_indirect_dma source(%dma_start3A_895 : memref<1000000x32xf32, #tpu.memory_space<hbm>>) target(%dma_start3A_892 : memref<16x32xf32, #tpu.memory_space<vmem>>) offsets(%get3A_889 : vector<16xi32>) semaphore(%arg14 : memref<!tpu.dma_semaphore, #tpu.memory_space<semaphore_mem>>)
    %get3A_896 = arith.constant 1 : i32
    %get3A_897 = arith.index_cast %get3A_896 : i32 to index
    %get3A_898 = arith.constant 240 : index
    %get3A_899 = tpu.vector_load %arg8[%get3A_897, %get3A_898] {strides = array<i32>} : memref<64x400xi32, #tpu.memory_space<vmem>>, vector<1x16xi32>,
    %get3A_900 = vector.shape_cast %get3A_899 : vector<1x16xi32> to vector<16xi32>
    %dma_start3A_901 = arith.constant 240 : i32
    %dma_start3A_902 = arith.constant 0 : i32
    %dma_start3A_903 = tpu.memref_slice %arg12[%dma_start3A_901, %dma_start3A_902] : memref<400x32xf32, #tpu.memory_space<vmem>> -> memref<16x32xf32, #tpu.memory_space<vmem>>
    %dma_start3A_904 = arith.constant 0 : i32
    %dma_start3A_905 = arith.constant 0 : i32
    %dma_start3A_906 = tpu.memref_slice %arg5[%dma_start3A_904, %dma_start3A_905] : memref<1000000x32xf32, #tpu.memory_space<hbm>> -> memref<1000000x32xf32, #tpu.memory_space<hbm>>
    tpu.enqueue_indirect_dma source(%dma_start3A_906 : memref<1000000x32xf32, #tpu.memory_space<hbm>>) target(%dma_start3A_903 : memref<16x32xf32, #tpu.memory_space<vmem>>) offsets(%get3A_900 : vector<16xi32>) semaphore(%arg14 : memref<!tpu.dma_semaphore, #tpu.memory_space<semaphore_mem>>)
    %get3A_907 = arith.constant 1 : i32
    %get3A_908 = arith.index_cast %get3A_907 : i32 to index
    %get3A_909 = arith.constant 256 : index
    %get3A_910 = tpu.vector_load %arg7[%get3A_908, %get3A_909] {strides = array<i32>} : memref<64x400xi32, #tpu.memory_space<vmem>>, vector<1x16xi32>,
    %get3A_911 = vector.shape_cast %get3A_910 : vector<1x16xi32> to vector<16xi32>
    %dma_start3A_912 = arith.constant 256 : i32
    %dma_start3A_913 = arith.constant 0 : i32
    %dma_start3A_914 = tpu.memref_slice %arg10[%dma_start3A_912, %dma_start3A_913] : memref<400x32xf32, #tpu.memory_space<vmem>> -> memref<16x32xf32, #tpu.memory_space<vmem>>
    %dma_start3A_915 = arith.constant 0 : i32
    %dma_start3A_916 = arith.constant 0 : i32
    %dma_start3A_917 = tpu.memref_slice %arg4[%dma_start3A_915, %dma_start3A_916] : memref<1000000x32xf32, #tpu.memory_space<hbm>> -> memref<1000000x32xf32, #tpu.memory_space<hbm>>
    tpu.enqueue_indirect_dma source(%dma_start3A_917 : memref<1000000x32xf32, #tpu.memory_space<hbm>>) target(%dma_start3A_914 : memref<16x32xf32, #tpu.memory_space<vmem>>) offsets(%get3A_911 : vector<16xi32>) semaphore(%arg14 : memref<!tpu.dma_semaphore, #tpu.memory_space<semaphore_mem>>)
    %get3A_918 = arith.constant 1 : i32
    %get3A_919 = arith.index_cast %get3A_918 : i32 to index
    %get3A_920 = arith.constant 256 : index
    %get3A_921 = tpu.vector_load %arg8[%get3A_919, %get3A_920] {strides = array<i32>} : memref<64x400xi32, #tpu.memory_space<vmem>>, vector<1x16xi32>,
    %get3A_922 = vector.shape_cast %get3A_921 : vector<1x16xi32> to vector<16xi32>
    %dma_start3A_923 = arith.constant 256 : i32
    %dma_start3A_924 = arith.constant 0 : i32
    %dma_start3A_925 = tpu.memref_slice %arg12[%dma_start3A_923, %dma_start3A_924] : memref<400x32xf32, #tpu.memory_space<vmem>> -> memref<16x32xf32, #tpu.memory_space<vmem>>
    %dma_start3A_926 = arith.constant 0 : i32
    %dma_start3A_927 = arith.constant 0 : i32
    %dma_start3A_928 = tpu.memref_slice %arg5[%dma_start3A_926, %dma_start3A_927] : memref<1000000x32xf32, #tpu.memory_space<hbm>> -> memref<1000000x32xf32, #tpu.memory_space<hbm>>
    tpu.enqueue_indirect_dma source(%dma_start3A_928 : memref<1000000x32xf32, #tpu.memory_space<hbm>>) target(%dma_start3A_925 : memref<16x32xf32, #tpu.memory_space<vmem>>) offsets(%get3A_922 : vector<16xi32>) semaphore(%arg14 : memref<!tpu.dma_semaphore, #tpu.memory_space<semaphore_mem>>)
    %get3A_929 = arith.constant 1 : i32
    %get3A_930 = arith.index_cast %get3A_929 : i32 to index
    %get3A_931 = arith.constant 272 : index
    %get3A_932 = tpu.vector_load %arg7[%get3A_930, %get3A_931] {strides = array<i32>} : memref<64x400xi32, #tpu.memory_space<vmem>>, vector<1x16xi32>,
    %get3A_933 = vector.shape_cast %get3A_932 : vector<1x16xi32> to vector<16xi32>
    %dma_start3A_934 = arith.constant 272 : i32
    %dma_start3A_935 = arith.constant 0 : i32
    %dma_start3A_936 = tpu.memref_slice %arg10[%dma_start3A_934, %dma_start3A_935] : memref<400x32xf32, #tpu.memory_space<vmem>> -> memref<16x32xf32, #tpu.memory_space<vmem>>
    %dma_start3A_937 = arith.constant 0 : i32
    %dma_start3A_938 = arith.constant 0 : i32
    %dma_start3A_939 = tpu.memref_slice %arg4[%dma_start3A_937, %dma_start3A_938] : memref<1000000x32xf32, #tpu.memory_space<hbm>> -> memref<1000000x32xf32, #tpu.memory_space<hbm>>
    tpu.enqueue_indirect_dma source(%dma_start3A_939 : memref<1000000x32xf32, #tpu.memory_space<hbm>>) target(%dma_start3A_936 : memref<16x32xf32, #tpu.memory_space<vmem>>) offsets(%get3A_933 : vector<16xi32>) semaphore(%arg14 : memref<!tpu.dma_semaphore, #tpu.memory_space<semaphore_mem>>)
    %get3A_940 = arith.constant 1 : i32
    %get3A_941 = arith.index_cast %get3A_940 : i32 to index
    %get3A_942 = arith.constant 272 : index
    %get3A_943 = tpu.vector_load %arg8[%get3A_941, %get3A_942] {strides = array<i32>} : memref<64x400xi32, #tpu.memory_space<vmem>>, vector<1x16xi32>,
    %get3A_944 = vector.shape_cast %get3A_943 : vector<1x16xi32> to vector<16xi32>
    %dma_start3A_945 = arith.constant 272 : i32
    %dma_start3A_946 = arith.constant 0 : i32
    %dma_start3A_947 = tpu.memref_slice %arg12[%dma_start3A_945, %dma_start3A_946] : memref<400x32xf32, #tpu.memory_space<vmem>> -> memref<16x32xf32, #tpu.memory_space<vmem>>
    %dma_start3A_948 = arith.constant 0 : i32
    %dma_start3A_949 = arith.constant 0 : i32
    %dma_start3A_950 = tpu.memref_slice %arg5[%dma_start3A_948, %dma_start3A_949] : memref<1000000x32xf32, #tpu.memory_space<hbm>> -> memref<1000000x32xf32, #tpu.memory_space<hbm>>
    tpu.enqueue_indirect_dma source(%dma_start3A_950 : memref<1000000x32xf32, #tpu.memory_space<hbm>>) target(%dma_start3A_947 : memref<16x32xf32, #tpu.memory_space<vmem>>) offsets(%get3A_944 : vector<16xi32>) semaphore(%arg14 : memref<!tpu.dma_semaphore, #tpu.memory_space<semaphore_mem>>)
    %get3A_951 = arith.constant 1 : i32
    %get3A_952 = arith.index_cast %get3A_951 : i32 to index
    %get3A_953 = arith.constant 288 : index
    %get3A_954 = tpu.vector_load %arg7[%get3A_952, %get3A_953] {strides = array<i32>} : memref<64x400xi32, #tpu.memory_space<vmem>>, vector<1x16xi32>,
    %get3A_955 = vector.shape_cast %get3A_954 : vector<1x16xi32> to vector<16xi32>
    %dma_start3A_956 = arith.constant 288 : i32
    %dma_start3A_957 = arith.constant 0 : i32
    %dma_start3A_958 = tpu.memref_slice %arg10[%dma_start3A_956, %dma_start3A_957] : memref<400x32xf32, #tpu.memory_space<vmem>> -> memref<16x32xf32, #tpu.memory_space<vmem>>
    %dma_start3A_959 = arith.constant 0 : i32
    %dma_start3A_960 = arith.constant 0 : i32
    %dma_start3A_961 = tpu.memref_slice %arg4[%dma_start3A_959, %dma_start3A_960] : memref<1000000x32xf32, #tpu.memory_space<hbm>> -> memref<1000000x32xf32, #tpu.memory_space<hbm>>
    tpu.enqueue_indirect_dma source(%dma_start3A_961 : memref<1000000x32xf32, #tpu.memory_space<hbm>>) target(%dma_start3A_958 : memref<16x32xf32, #tpu.memory_space<vmem>>) offsets(%get3A_955 : vector<16xi32>) semaphore(%arg14 : memref<!tpu.dma_semaphore, #tpu.memory_space<semaphore_mem>>)
    %get3A_962 = arith.constant 1 : i32
    %get3A_963 = arith.index_cast %get3A_962 : i32 to index
    %get3A_964 = arith.constant 288 : index
    %get3A_965 = tpu.vector_load %arg8[%get3A_963, %get3A_964] {strides = array<i32>} : memref<64x400xi32, #tpu.memory_space<vmem>>, vector<1x16xi32>,
    %get3A_966 = vector.shape_cast %get3A_965 : vector<1x16xi32> to vector<16xi32>
    %dma_start3A_967 = arith.constant 288 : i32
    %dma_start3A_968 = arith.constant 0 : i32
    %dma_start3A_969 = tpu.memref_slice %arg12[%dma_start3A_967, %dma_start3A_968] : memref<400x32xf32, #tpu.memory_space<vmem>> -> memref<16x32xf32, #tpu.memory_space<vmem>>
    %dma_start3A_970 = arith.constant 0 : i32
    %dma_start3A_971 = arith.constant 0 : i32
    %dma_start3A_972 = tpu.memref_slice %arg5[%dma_start3A_970, %dma_start3A_971] : memref<1000000x32xf32, #tpu.memory_space<hbm>> -> memref<1000000x32xf32, #tpu.memory_space<hbm>>
    tpu.enqueue_indirect_dma source(%dma_start3A_972 : memref<1000000x32xf32, #tpu.memory_space<hbm>>) target(%dma_start3A_969 : memref<16x32xf32, #tpu.memory_space<vmem>>) offsets(%get3A_966 : vector<16xi32>) semaphore(%arg14 : memref<!tpu.dma_semaphore, #tpu.memory_space<semaphore_mem>>)
    %get3A_973 = arith.constant 1 : i32
    %get3A_974 = arith.index_cast %get3A_973 : i32 to index
    %get3A_975 = arith.constant 304 : index
    %get3A_976 = tpu.vector_load %arg7[%get3A_974, %get3A_975] {strides = array<i32>} : memref<64x400xi32, #tpu.memory_space<vmem>>, vector<1x16xi32>,
    %get3A_977 = vector.shape_cast %get3A_976 : vector<1x16xi32> to vector<16xi32>
    %dma_start3A_978 = arith.constant 304 : i32
    %dma_start3A_979 = arith.constant 0 : i32
    %dma_start3A_980 = tpu.memref_slice %arg10[%dma_start3A_978, %dma_start3A_979] : memref<400x32xf32, #tpu.memory_space<vmem>> -> memref<16x32xf32, #tpu.memory_space<vmem>>
    %dma_start3A_981 = arith.constant 0 : i32
    %dma_start3A_982 = arith.constant 0 : i32
    %dma_start3A_983 = tpu.memref_slice %arg4[%dma_start3A_981, %dma_start3A_982] : memref<1000000x32xf32, #tpu.memory_space<hbm>> -> memref<1000000x32xf32, #tpu.memory_space<hbm>>
    tpu.enqueue_indirect_dma source(%dma_start3A_983 : memref<1000000x32xf32, #tpu.memory_space<hbm>>) target(%dma_start3A_980 : memref<16x32xf32, #tpu.memory_space<vmem>>) offsets(%get3A_977 : vector<16xi32>) semaphore(%arg14 : memref<!tpu.dma_semaphore, #tpu.memory_space<semaphore_mem>>)
    %get3A_984 = arith.constant 1 : i32
    %get3A_985 = arith.index_cast %get3A_984 : i32 to index
    %get3A_986 = arith.constant 304 : index
    %get3A_987 = tpu.vector_load %arg8[%get3A_985, %get3A_986] {strides = array<i32>} : memref<64x400xi32, #tpu.memory_space<vmem>>, vector<1x16xi32>,
    %get3A_988 = vector.shape_cast %get3A_987 : vector<1x16xi32> to vector<16xi32>
    %dma_start3A_989 = arith.constant 304 : i32
    %dma_start3A_990 = arith.constant 0 : i32
    %dma_start3A_991 = tpu.memref_slice %arg12[%dma_start3A_989, %dma_start3A_990] : memref<400x32xf32, #tpu.memory_space<vmem>> -> memref<16x32xf32, #tpu.memory_space<vmem>>
    %dma_start3A_992 = arith.constant 0 : i32
    %dma_start3A_993 = arith.constant 0 : i32
    %dma_start3A_994 = tpu.memref_slice %arg5[%dma_start3A_992, %dma_start3A_993] : memref<1000000x32xf32, #tpu.memory_space<hbm>> -> memref<1000000x32xf32, #tpu.memory_space<hbm>>
    tpu.enqueue_indirect_dma source(%dma_start3A_994 : memref<1000000x32xf32, #tpu.memory_space<hbm>>) target(%dma_start3A_991 : memref<16x32xf32, #tpu.memory_space<vmem>>) offsets(%get3A_988 : vector<16xi32>) semaphore(%arg14 : memref<!tpu.dma_semaphore, #tpu.memory_space<semaphore_mem>>)
    %get3A_995 = arith.constant 1 : i32
    %get3A_996 = arith.index_cast %get3A_995 : i32 to index
    %get3A_997 = arith.constant 320 : index
    %get3A_998 = tpu.vector_load %arg7[%get3A_996, %get3A_997] {strides = array<i32>} : memref<64x400xi32, #tpu.memory_space<vmem>>, vector<1x16xi32>,
    %get3A_999 = vector.shape_cast %get3A_998 : vector<1x16xi32> to vector<16xi32>
    %dma_start3A_1000 = arith.constant 320 : i32
    %dma_start3A_1001 = arith.constant 0 : i32
    %dma_start3A_1002 = tpu.memref_slice %arg10[%dma_start3A_1000, %dma_start3A_1001] : memref<400x32xf32, #tpu.memory_space<vmem>> -> memref<16x32xf32, #tpu.memory_space<vmem>>
    %dma_start3A_1003 = arith.constant 0 : i32
    %dma_start3A_1004 = arith.constant 0 : i32
    %dma_start3A_1005 = tpu.memref_slice %arg4[%dma_start3A_1003, %dma_start3A_1004] : memref<1000000x32xf32, #tpu.memory_space<hbm>> -> memref<1000000x32xf32, #tpu.memory_space<hbm>>
    tpu.enqueue_indirect_dma source(%dma_start3A_1005 : memref<1000000x32xf32, #tpu.memory_space<hbm>>) target(%dma_start3A_1002 : memref<16x32xf32, #tpu.memory_space<vmem>>) offsets(%get3A_999 : vector<16xi32>) semaphore(%arg14 : memref<!tpu.dma_semaphore, #tpu.memory_space<semaphore_mem>>)
    %get3A_1006 = arith.constant 1 : i32
    %get3A_1007 = arith.index_cast %get3A_1006 : i32 to index
    %get3A_1008 = arith.constant 320 : index
    %get3A_1009 = tpu.vector_load %arg8[%get3A_1007, %get3A_1008] {strides = array<i32>} : memref<64x400xi32, #tpu.memory_space<vmem>>, vector<1x16xi32>,
    %get3A_1010 = vector.shape_cast %get3A_1009 : vector<1x16xi32> to vector<16xi32>
    %dma_start3A_1011 = arith.constant 320 : i32
    %dma_start3A_1012 = arith.constant 0 : i32
    %dma_start3A_1013 = tpu.memref_slice %arg12[%dma_start3A_1011, %dma_start3A_1012] : memref<400x32xf32, #tpu.memory_space<vmem>> -> memref<16x32xf32, #tpu.memory_space<vmem>>
    %dma_start3A_1014 = arith.constant 0 : i32
    %dma_start3A_1015 = arith.constant 0 : i32
    %dma_start3A_1016 = tpu.memref_slice %arg5[%dma_start3A_1014, %dma_start3A_1015] : memref<1000000x32xf32, #tpu.memory_space<hbm>> -> memref<1000000x32xf32, #tpu.memory_space<hbm>>
    tpu.enqueue_indirect_dma source(%dma_start3A_1016 : memref<1000000x32xf32, #tpu.memory_space<hbm>>) target(%dma_start3A_1013 : memref<16x32xf32, #tpu.memory_space<vmem>>) offsets(%get3A_1010 : vector<16xi32>) semaphore(%arg14 : memref<!tpu.dma_semaphore, #tpu.memory_space<semaphore_mem>>)
    %get3A_1017 = arith.constant 1 : i32
    %get3A_1018 = arith.index_cast %get3A_1017 : i32 to index
    %get3A_1019 = arith.constant 336 : index
    %get3A_1020 = tpu.vector_load %arg7[%get3A_1018, %get3A_1019] {strides = array<i32>} : memref<64x400xi32, #tpu.memory_space<vmem>>, vector<1x16xi32>,
    %get3A_1021 = vector.shape_cast %get3A_1020 : vector<1x16xi32> to vector<16xi32>
    %dma_start3A_1022 = arith.constant 336 : i32
    %dma_start3A_1023 = arith.constant 0 : i32
    %dma_start3A_1024 = tpu.memref_slice %arg10[%dma_start3A_1022, %dma_start3A_1023] : memref<400x32xf32, #tpu.memory_space<vmem>> -> memref<16x32xf32, #tpu.memory_space<vmem>>
    %dma_start3A_1025 = arith.constant 0 : i32
    %dma_start3A_1026 = arith.constant 0 : i32
    %dma_start3A_1027 = tpu.memref_slice %arg4[%dma_start3A_1025, %dma_start3A_1026] : memref<1000000x32xf32, #tpu.memory_space<hbm>> -> memref<1000000x32xf32, #tpu.memory_space<hbm>>
    tpu.enqueue_indirect_dma source(%dma_start3A_1027 : memref<1000000x32xf32, #tpu.memory_space<hbm>>) target(%dma_start3A_1024 : memref<16x32xf32, #tpu.memory_space<vmem>>) offsets(%get3A_1021 : vector<16xi32>) semaphore(%arg14 : memref<!tpu.dma_semaphore, #tpu.memory_space<semaphore_mem>>)
    %get3A_1028 = arith.constant 1 : i32
    %get3A_1029 = arith.index_cast %get3A_1028 : i32 to index
    %get3A_1030 = arith.constant 336 : index
    %get3A_1031 = tpu.vector_load %arg8[%get3A_1029, %get3A_1030] {strides = array<i32>} : memref<64x400xi32, #tpu.memory_space<vmem>>, vector<1x16xi32>,
    %get3A_1032 = vector.shape_cast %get3A_1031 : vector<1x16xi32> to vector<16xi32>
    %dma_start3A_1033 = arith.constant 336 : i32
    %dma_start3A_1034 = arith.constant 0 : i32
    %dma_start3A_1035 = tpu.memref_slice %arg12[%dma_start3A_1033, %dma_start3A_1034] : memref<400x32xf32, #tpu.memory_space<vmem>> -> memref<16x32xf32, #tpu.memory_space<vmem>>
    %dma_start3A_1036 = arith.constant 0 : i32
    %dma_start3A_1037 = arith.constant 0 : i32
    %dma_start3A_1038 = tpu.memref_slice %arg5[%dma_start3A_1036, %dma_start3A_1037] : memref<1000000x32xf32, #tpu.memory_space<hbm>> -> memref<1000000x32xf32, #tpu.memory_space<hbm>>
    tpu.enqueue_indirect_dma source(%dma_start3A_1038 : memref<1000000x32xf32, #tpu.memory_space<hbm>>) target(%dma_start3A_1035 : memref<16x32xf32, #tpu.memory_space<vmem>>) offsets(%get3A_1032 : vector<16xi32>) semaphore(%arg14 : memref<!tpu.dma_semaphore, #tpu.memory_space<semaphore_mem>>)
    %get3A_1039 = arith.constant 1 : i32
    %get3A_1040 = arith.index_cast %get3A_1039 : i32 to index
    %get3A_1041 = arith.constant 352 : index
    %get3A_1042 = tpu.vector_load %arg7[%get3A_1040, %get3A_1041] {strides = array<i32>} : memref<64x400xi32, #tpu.memory_space<vmem>>, vector<1x16xi32>,
    %get3A_1043 = vector.shape_cast %get3A_1042 : vector<1x16xi32> to vector<16xi32>
    %dma_start3A_1044 = arith.constant 352 : i32
    %dma_start3A_1045 = arith.constant 0 : i32
    %dma_start3A_1046 = tpu.memref_slice %arg10[%dma_start3A_1044, %dma_start3A_1045] : memref<400x32xf32, #tpu.memory_space<vmem>> -> memref<16x32xf32, #tpu.memory_space<vmem>>
    %dma_start3A_1047 = arith.constant 0 : i32
    %dma_start3A_1048 = arith.constant 0 : i32
    %dma_start3A_1049 = tpu.memref_slice %arg4[%dma_start3A_1047, %dma_start3A_1048] : memref<1000000x32xf32, #tpu.memory_space<hbm>> -> memref<1000000x32xf32, #tpu.memory_space<hbm>>
    tpu.enqueue_indirect_dma source(%dma_start3A_1049 : memref<1000000x32xf32, #tpu.memory_space<hbm>>) target(%dma_start3A_1046 : memref<16x32xf32, #tpu.memory_space<vmem>>) offsets(%get3A_1043 : vector<16xi32>) semaphore(%arg14 : memref<!tpu.dma_semaphore, #tpu.memory_space<semaphore_mem>>)
    %get3A_1050 = arith.constant 1 : i32
    %get3A_1051 = arith.index_cast %get3A_1050 : i32 to index
    %get3A_1052 = arith.constant 352 : index
    %get3A_1053 = tpu.vector_load %arg8[%get3A_1051, %get3A_1052] {strides = array<i32>} : memref<64x400xi32, #tpu.memory_space<vmem>>, vector<1x16xi32>,
    %get3A_1054 = vector.shape_cast %get3A_1053 : vector<1x16xi32> to vector<16xi32>
    %dma_start3A_1055 = arith.constant 352 : i32
    %dma_start3A_1056 = arith.constant 0 : i32
    %dma_start3A_1057 = tpu.memref_slice %arg12[%dma_start3A_1055, %dma_start3A_1056] : memref<400x32xf32, #tpu.memory_space<vmem>> -> memref<16x32xf32, #tpu.memory_space<vmem>>
    %dma_start3A_1058 = arith.constant 0 : i32
    %dma_start3A_1059 = arith.constant 0 : i32
    %dma_start3A_1060 = tpu.memref_slice %arg5[%dma_start3A_1058, %dma_start3A_1059] : memref<1000000x32xf32, #tpu.memory_space<hbm>> -> memref<1000000x32xf32, #tpu.memory_space<hbm>>
    tpu.enqueue_indirect_dma source(%dma_start3A_1060 : memref<1000000x32xf32, #tpu.memory_space<hbm>>) target(%dma_start3A_1057 : memref<16x32xf32, #tpu.memory_space<vmem>>) offsets(%get3A_1054 : vector<16xi32>) semaphore(%arg14 : memref<!tpu.dma_semaphore, #tpu.memory_space<semaphore_mem>>)
    %get3A_1061 = arith.constant 1 : i32
    %get3A_1062 = arith.index_cast %get3A_1061 : i32 to index
    %get3A_1063 = arith.constant 368 : index
    %get3A_1064 = tpu.vector_load %arg7[%get3A_1062, %get3A_1063] {strides = array<i32>} : memref<64x400xi32, #tpu.memory_space<vmem>>, vector<1x16xi32>,
    %get3A_1065 = vector.shape_cast %get3A_1064 : vector<1x16xi32> to vector<16xi32>
    %dma_start3A_1066 = arith.constant 368 : i32
    %dma_start3A_1067 = arith.constant 0 : i32
    %dma_start3A_1068 = tpu.memref_slice %arg10[%dma_start3A_1066, %dma_start3A_1067] : memref<400x32xf32, #tpu.memory_space<vmem>> -> memref<16x32xf32, #tpu.memory_space<vmem>>
    %dma_start3A_1069 = arith.constant 0 : i32
    %dma_start3A_1070 = arith.constant 0 : i32
    %dma_start3A_1071 = tpu.memref_slice %arg4[%dma_start3A_1069, %dma_start3A_1070] : memref<1000000x32xf32, #tpu.memory_space<hbm>> -> memref<1000000x32xf32, #tpu.memory_space<hbm>>
    tpu.enqueue_indirect_dma source(%dma_start3A_1071 : memref<1000000x32xf32, #tpu.memory_space<hbm>>) target(%dma_start3A_1068 : memref<16x32xf32, #tpu.memory_space<vmem>>) offsets(%get3A_1065 : vector<16xi32>) semaphore(%arg14 : memref<!tpu.dma_semaphore, #tpu.memory_space<semaphore_mem>>)
    %get3A_1072 = arith.constant 1 : i32
    %get3A_1073 = arith.index_cast %get3A_1072 : i32 to index
    %get3A_1074 = arith.constant 368 : index
    %get3A_1075 = tpu.vector_load %arg8[%get3A_1073, %get3A_1074] {strides = array<i32>} : memref<64x400xi32, #tpu.memory_space<vmem>>, vector<1x16xi32>,
    %get3A_1076 = vector.shape_cast %get3A_1075 : vector<1x16xi32> to vector<16xi32>
    %dma_start3A_1077 = arith.constant 368 : i32
    %dma_start3A_1078 = arith.constant 0 : i32
    %dma_start3A_1079 = tpu.memref_slice %arg12[%dma_start3A_1077, %dma_start3A_1078] : memref<400x32xf32, #tpu.memory_space<vmem>> -> memref<16x32xf32, #tpu.memory_space<vmem>>
    %dma_start3A_1080 = arith.constant 0 : i32
    %dma_start3A_1081 = arith.constant 0 : i32
    %dma_start3A_1082 = tpu.memref_slice %arg5[%dma_start3A_1080, %dma_start3A_1081] : memref<1000000x32xf32, #tpu.memory_space<hbm>> -> memref<1000000x32xf32, #tpu.memory_space<hbm>>
    tpu.enqueue_indirect_dma source(%dma_start3A_1082 : memref<1000000x32xf32, #tpu.memory_space<hbm>>) target(%dma_start3A_1079 : memref<16x32xf32, #tpu.memory_space<vmem>>) offsets(%get3A_1076 : vector<16xi32>) semaphore(%arg14 : memref<!tpu.dma_semaphore, #tpu.memory_space<semaphore_mem>>)
    %get3A_1083 = arith.constant 1 : i32
    %get3A_1084 = arith.index_cast %get3A_1083 : i32 to index
    %get3A_1085 = arith.constant 384 : index
    %get3A_1086 = tpu.vector_load %arg7[%get3A_1084, %get3A_1085] {strides = array<i32>} : memref<64x400xi32, #tpu.memory_space<vmem>>, vector<1x16xi32>,
    %get3A_1087 = vector.shape_cast %get3A_1086 : vector<1x16xi32> to vector<16xi32>
    %dma_start3A_1088 = arith.constant 384 : i32
    %dma_start3A_1089 = arith.constant 0 : i32
    %dma_start3A_1090 = tpu.memref_slice %arg10[%dma_start3A_1088, %dma_start3A_1089] : memref<400x32xf32, #tpu.memory_space<vmem>> -> memref<16x32xf32, #tpu.memory_space<vmem>>
    %dma_start3A_1091 = arith.constant 0 : i32
    %dma_start3A_1092 = arith.constant 0 : i32
    %dma_start3A_1093 = tpu.memref_slice %arg4[%dma_start3A_1091, %dma_start3A_1092] : memref<1000000x32xf32, #tpu.memory_space<hbm>> -> memref<1000000x32xf32, #tpu.memory_space<hbm>>
    tpu.enqueue_indirect_dma source(%dma_start3A_1093 : memref<1000000x32xf32, #tpu.memory_space<hbm>>) target(%dma_start3A_1090 : memref<16x32xf32, #tpu.memory_space<vmem>>) offsets(%get3A_1087 : vector<16xi32>) semaphore(%arg14 : memref<!tpu.dma_semaphore, #tpu.memory_space<semaphore_mem>>)
    %get3A_1094 = arith.constant 1 : i32
    %get3A_1095 = arith.index_cast %get3A_1094 : i32 to index
    %get3A_1096 = arith.constant 384 : index
    %get3A_1097 = tpu.vector_load %arg8[%get3A_1095, %get3A_1096] {strides = array<i32>} : memref<64x400xi32, #tpu.memory_space<vmem>>, vector<1x16xi32>,
    %get3A_1098 = vector.shape_cast %get3A_1097 : vector<1x16xi32> to vector<16xi32>
    %dma_start3A_1099 = arith.constant 384 : i32
    %dma_start3A_1100 = arith.constant 0 : i32
    %dma_start3A_1101 = tpu.memref_slice %arg12[%dma_start3A_1099, %dma_start3A_1100] : memref<400x32xf32, #tpu.memory_space<vmem>> -> memref<16x32xf32, #tpu.memory_space<vmem>>
    %dma_start3A_1102 = arith.constant 0 : i32
    %dma_start3A_1103 = arith.constant 0 : i32
    %dma_start3A_1104 = tpu.memref_slice %arg5[%dma_start3A_1102, %dma_start3A_1103] : memref<1000000x32xf32, #tpu.memory_space<hbm>> -> memref<1000000x32xf32, #tpu.memory_space<hbm>>
    tpu.enqueue_indirect_dma source(%dma_start3A_1104 : memref<1000000x32xf32, #tpu.memory_space<hbm>>) target(%dma_start3A_1101 : memref<16x32xf32, #tpu.memory_space<vmem>>) offsets(%get3A_1098 : vector<16xi32>) semaphore(%arg14 : memref<!tpu.dma_semaphore, #tpu.memory_space<semaphore_mem>>)
    %dma_wait3A = arith.constant 0 : i32
    %dma_wait3A_1105 = arith.constant 0 : i32
    %dma_wait3A_1106 = tpu.memref_slice %arg4[%dma_wait3A, %dma_wait3A_1105] : memref<1000000x32xf32, #tpu.memory_space<hbm>> -> memref<400x32xf32, #tpu.memory_space<hbm>>
    %dma_wait3A_1107 = arith.constant 0 : i32
    %dma_wait3A_1108 = arith.constant 0 : i32
    %dma_wait3A_1109 = tpu.memref_slice %arg4[%dma_wait3A_1107, %dma_wait3A_1108] : memref<1000000x32xf32, #tpu.memory_space<hbm>> -> memref<400x32xf32, #tpu.memory_space<hbm>>
    tpu.wait_dma2 semaphore(%arg13 : memref<!tpu.dma_semaphore, #tpu.memory_space<semaphore_mem>>) src(%dma_wait3A_1109 : memref<400x32xf32, #tpu.memory_space<hbm>>) dst(%arg9 : memref<400x32xf32, #tpu.memory_space<vmem>>)
    %dma_wait3A_1110 = arith.constant 0 : i32
    %dma_wait3A_1111 = arith.constant 0 : i32
    %dma_wait3A_1112 = tpu.memref_slice %arg5[%dma_wait3A_1110, %dma_wait3A_1111] : memref<1000000x32xf32, #tpu.memory_space<hbm>> -> memref<400x32xf32, #tpu.memory_space<hbm>>
    %dma_wait3A_1113 = arith.constant 0 : i32
    %dma_wait3A_1114 = arith.constant 0 : i32
    %dma_wait3A_1115 = tpu.memref_slice %arg5[%dma_wait3A_1113, %dma_wait3A_1114] : memref<1000000x32xf32, #tpu.memory_space<hbm>> -> memref<400x32xf32, #tpu.memory_space<hbm>>
    tpu.wait_dma2 semaphore(%arg13 : memref<!tpu.dma_semaphore, #tpu.memory_space<semaphore_mem>>) src(%dma_wait3A_1115 : memref<400x32xf32, #tpu.memory_space<hbm>>) dst(%arg11 : memref<400x32xf32, #tpu.memory_space<vmem>>)
    %add3A_1116 = arith.constant 0 : i32
    %add3A_1117 = arith.addi %mul3A_2, %add3A_1116 : i32
    %dma_start3A_1118 = arith.constant 0 : i32
    %dma_start3A_1119 = arith.constant 0 : i32
    %dma_start3A_1120 = tpu.memref_slice %arg9[%dma_start3A_1118, %dma_start3A_1119] : memref<400x32xf32, #tpu.memory_space<vmem>> -> memref<200x32xf32, #tpu.memory_space<vmem>>
    %dma_start3A_1121 = arith.constant 0 : i32
    %dma_start3A_1122 = arith.constant 0 : i32
    %dma_start3A_1123 = tpu.memref_slice %arg6[%add3A_1117, %dma_start3A_1121, %dma_start3A_1122] : memref<4096x200x64xf32, #tpu.memory_space<hbm>> -> memref<1x200x32xf32, #tpu.memory_space<hbm>>
    %dma_start3A_1124 = tpu.memref_squeeze %dma_start3A_1123 : memref<1x200x32xf32, #tpu.memory_space<hbm>> -> memref<200x32xf32, #tpu.memory_space<hbm>>
    %dma_start3A_1125 = arith.constant 0 : i32
    %dma_start3A_1126 = arith.constant 0 : i32
    %dma_start3A_1127 = tpu.memref_slice %arg6[%add3A_1117, %dma_start3A_1125, %dma_start3A_1126] : memref<4096x200x64xf32, #tpu.memory_space<hbm>> -> memref<1x200x32xf32, #tpu.memory_space<hbm>>
    %dma_start3A_1128 = tpu.memref_squeeze %dma_start3A_1127 : memref<1x200x32xf32, #tpu.memory_space<hbm>> -> memref<200x32xf32, #tpu.memory_space<hbm>>
    %dma_start3A_1129 = arith.constant 0 : i32
    %dma_start3A_1130 = arith.constant 0 : i32
    %dma_start3A_1131 = tpu.memref_slice %arg9[%dma_start3A_1129, %dma_start3A_1130] : memref<400x32xf32, #tpu.memory_space<vmem>> -> memref<200x32xf32, #tpu.memory_space<vmem>>
    tpu.enqueue_dma source(%dma_start3A_1131 : memref<200x32xf32, #tpu.memory_space<vmem>>) target(%dma_start3A_1128 : memref<200x32xf32, #tpu.memory_space<hbm>>) target_semaphore(%arg15 : memref<!tpu.dma_semaphore, #tpu.memory_space<semaphore_mem>>)
    %add3A_1132 = arith.constant 1 : i32
    %add3A_1133 = arith.addi %add3A_1117, %add3A_1132 : i32
    %dma_start3A_1134 = arith.constant 200 : i32
    %dma_start3A_1135 = arith.constant 0 : i32
    %dma_start3A_1136 = tpu.memref_slice %arg9[%dma_start3A_1134, %dma_start3A_1135] : memref<400x32xf32, #tpu.memory_space<vmem>> -> memref<200x32xf32, #tpu.memory_space<vmem>>
    %dma_start3A_1137 = arith.constant 0 : i32
    %dma_start3A_1138 = arith.constant 0 : i32
    %dma_start3A_1139 = tpu.memref_slice %arg6[%add3A_1133, %dma_start3A_1137, %dma_start3A_1138] : memref<4096x200x64xf32, #tpu.memory_space<hbm>> -> memref<1x200x32xf32, #tpu.memory_space<hbm>>
    %dma_start3A_1140 = tpu.memref_squeeze %dma_start3A_1139 : memref<1x200x32xf32, #tpu.memory_space<hbm>> -> memref<200x32xf32, #tpu.memory_space<hbm>>
    %dma_start3A_1141 = arith.constant 0 : i32
    %dma_start3A_1142 = arith.constant 0 : i32
    %dma_start3A_1143 = tpu.memref_slice %arg6[%add3A_1133, %dma_start3A_1141, %dma_start3A_1142] : memref<4096x200x64xf32, #tpu.memory_space<hbm>> -> memref<1x200x32xf32, #tpu.memory_space<hbm>>
    %dma_start3A_1144 = tpu.memref_squeeze %dma_start3A_1143 : memref<1x200x32xf32, #tpu.memory_space<hbm>> -> memref<200x32xf32, #tpu.memory_space<hbm>>
    %dma_start3A_1145 = arith.constant 200 : i32
    %dma_start3A_1146 = arith.constant 0 : i32
    %dma_start3A_1147 = tpu.memref_slice %arg9[%dma_start3A_1145, %dma_start3A_1146] : memref<400x32xf32, #tpu.memory_space<vmem>> -> memref<200x32xf32, #tpu.memory_space<vmem>>
    tpu.enqueue_dma source(%dma_start3A_1147 : memref<200x32xf32, #tpu.memory_space<vmem>>) target(%dma_start3A_1144 : memref<200x32xf32, #tpu.memory_space<hbm>>) target_semaphore(%arg15 : memref<!tpu.dma_semaphore, #tpu.memory_space<semaphore_mem>>)
    %dma_start3A_1148 = arith.constant 0 : i32
    %dma_start3A_1149 = arith.constant 0 : i32
    %dma_start3A_1150 = tpu.memref_slice %arg11[%dma_start3A_1148, %dma_start3A_1149] : memref<400x32xf32, #tpu.memory_space<vmem>> -> memref<200x32xf32, #tpu.memory_space<vmem>>
    %dma_start3A_1151 = arith.constant 0 : i32
    %dma_start3A_1152 = arith.constant 32 : i32
    %dma_start3A_1153 = tpu.memref_slice %arg6[%add3A_1117, %dma_start3A_1151, %dma_start3A_1152] : memref<4096x200x64xf32, #tpu.memory_space<hbm>> -> memref<1x200x32xf32, #tpu.memory_space<hbm>>
    %dma_start3A_1154 = tpu.memref_squeeze %dma_start3A_1153 : memref<1x200x32xf32, #tpu.memory_space<hbm>> -> memref<200x32xf32, #tpu.memory_space<hbm>>
    %dma_start3A_1155 = arith.constant 0 : i32
    %dma_start3A_1156 = arith.constant 32 : i32
    %dma_start3A_1157 = tpu.memref_slice %arg6[%add3A_1117, %dma_start3A_1155, %dma_start3A_1156] : memref<4096x200x64xf32, #tpu.memory_space<hbm>> -> memref<1x200x32xf32, #tpu.memory_space<hbm>>
    %dma_start3A_1158 = tpu.memref_squeeze %dma_start3A_1157 : memref<1x200x32xf32, #tpu.memory_space<hbm>> -> memref<200x32xf32, #tpu.memory_space<hbm>>
    %dma_start3A_1159 = arith.constant 0 : i32
    %dma_start3A_1160 = arith.constant 0 : i32
    %dma_start3A_1161 = tpu.memref_slice %arg11[%dma_start3A_1159, %dma_start3A_1160] : memref<400x32xf32, #tpu.memory_space<vmem>> -> memref<200x32xf32, #tpu.memory_space<vmem>>
    tpu.enqueue_dma source(%dma_start3A_1161 : memref<200x32xf32, #tpu.memory_space<vmem>>) target(%dma_start3A_1158 : memref<200x32xf32, #tpu.memory_space<hbm>>) target_semaphore(%arg15 : memref<!tpu.dma_semaphore, #tpu.memory_space<semaphore_mem>>)
    %add3A_1162 = arith.constant 1 : i32
    %add3A_1163 = arith.addi %add3A_1117, %add3A_1162 : i32
    %dma_start3A_1164 = arith.constant 200 : i32
    %dma_start3A_1165 = arith.constant 0 : i32
    %dma_start3A_1166 = tpu.memref_slice %arg11[%dma_start3A_1164, %dma_start3A_1165] : memref<400x32xf32, #tpu.memory_space<vmem>> -> memref<200x32xf32, #tpu.memory_space<vmem>>
    %dma_start3A_1167 = arith.constant 0 : i32
    %dma_start3A_1168 = arith.constant 32 : i32
    %dma_start3A_1169 = tpu.memref_slice %arg6[%add3A_1163, %dma_start3A_1167, %dma_start3A_1168] : memref<4096x200x64xf32, #tpu.memory_space<hbm>> -> memref<1x200x32xf32, #tpu.memory_space<hbm>>
    %dma_start3A_1170 = tpu.memref_squeeze %dma_start3A_1169 : memref<1x200x32xf32, #tpu.memory_space<hbm>> -> memref<200x32xf32, #tpu.memory_space<hbm>>
    %dma_start3A_1171 = arith.constant 0 : i32
    %dma_start3A_1172 = arith.constant 32 : i32
    %dma_start3A_1173 = tpu.memref_slice %arg6[%add3A_1163, %dma_start3A_1171, %dma_start3A_1172] : memref<4096x200x64xf32, #tpu.memory_space<hbm>> -> memref<1x200x32xf32, #tpu.memory_space<hbm>>
    %dma_start3A_1174 = tpu.memref_squeeze %dma_start3A_1173 : memref<1x200x32xf32, #tpu.memory_space<hbm>> -> memref<200x32xf32, #tpu.memory_space<hbm>>
    %dma_start3A_1175 = arith.constant 200 : i32
    %dma_start3A_1176 = arith.constant 0 : i32
    %dma_start3A_1177 = tpu.memref_slice %arg11[%dma_start3A_1175, %dma_start3A_1176] : memref<400x32xf32, #tpu.memory_space<vmem>> -> memref<200x32xf32, #tpu.memory_space<vmem>>
    tpu.enqueue_dma source(%dma_start3A_1177 : memref<200x32xf32, #tpu.memory_space<vmem>>) target(%dma_start3A_1174 : memref<200x32xf32, #tpu.memory_space<hbm>>) target_semaphore(%arg15 : memref<!tpu.dma_semaphore, #tpu.memory_space<semaphore_mem>>)
    %dma_wait3A_1178 = arith.constant 0 : i32
    %dma_wait3A_1179 = arith.constant 0 : i32
    %dma_wait3A_1180 = tpu.memref_slice %arg4[%dma_wait3A_1178, %dma_wait3A_1179] : memref<1000000x32xf32, #tpu.memory_space<hbm>> -> memref<400x32xf32, #tpu.memory_space<hbm>>
    %dma_wait3A_1181 = arith.constant 0 : i32
    %dma_wait3A_1182 = arith.constant 0 : i32
    %dma_wait3A_1183 = tpu.memref_slice %arg4[%dma_wait3A_1181, %dma_wait3A_1182] : memref<1000000x32xf32, #tpu.memory_space<hbm>> -> memref<400x32xf32, #tpu.memory_space<hbm>>
    tpu.wait_dma2 semaphore(%arg14 : memref<!tpu.dma_semaphore, #tpu.memory_space<semaphore_mem>>) src(%dma_wait3A_1183 : memref<400x32xf32, #tpu.memory_space<hbm>>) dst(%arg10 : memref<400x32xf32, #tpu.memory_space<vmem>>)
    %dma_wait3A_1184 = arith.constant 0 : i32
    %dma_wait3A_1185 = arith.constant 0 : i32
    %dma_wait3A_1186 = tpu.memref_slice %arg5[%dma_wait3A_1184, %dma_wait3A_1185] : memref<1000000x32xf32, #tpu.memory_space<hbm>> -> memref<400x32xf32, #tpu.memory_space<hbm>>
    %dma_wait3A_1187 = arith.constant 0 : i32
    %dma_wait3A_1188 = arith.constant 0 : i32
    %dma_wait3A_1189 = tpu.memref_slice %arg5[%dma_wait3A_1187, %dma_wait3A_1188] : memref<1000000x32xf32, #tpu.memory_space<hbm>> -> memref<400x32xf32, #tpu.memory_space<hbm>>
    tpu.wait_dma2 semaphore(%arg14 : memref<!tpu.dma_semaphore, #tpu.memory_space<semaphore_mem>>) src(%dma_wait3A_1189 : memref<400x32xf32, #tpu.memory_space<hbm>>) dst(%arg12 : memref<400x32xf32, #tpu.memory_space<vmem>>)
    %add3A_1190 = arith.constant 2 : i32
    %add3A_1191 = arith.addi %mul3A_2, %add3A_1190 : i32
    %dma_start3A_1192 = arith.constant 0 : i32
    %dma_start3A_1193 = arith.constant 0 : i32
    %dma_start3A_1194 = tpu.memref_slice %arg10[%dma_start3A_1192, %dma_start3A_1193] : memref<400x32xf32, #tpu.memory_space<vmem>> -> memref<200x32xf32, #tpu.memory_space<vmem>>
    %dma_start3A_1195 = arith.constant 0 : i32
    %dma_start3A_1196 = arith.constant 0 : i32
    %dma_start3A_1197 = tpu.memref_slice %arg6[%add3A_1191, %dma_start3A_1195, %dma_start3A_1196] : memref<4096x200x64xf32, #tpu.memory_space<hbm>> -> memref<1x200x32xf32, #tpu.memory_space<hbm>>
    %dma_start3A_1198 = tpu.memref_squeeze %dma_start3A_1197 : memref<1x200x32xf32, #tpu.memory_space<hbm>> -> memref<200x32xf32, #tpu.memory_space<hbm>>
    %dma_start3A_1199 = arith.constant 0 : i32
    %dma_start3A_1200 = arith.constant 0 : i32
    %dma_start3A_1201 = tpu.memref_slice %arg6[%add3A_1191, %dma_start3A_1199, %dma_start3A_1200] : memref<4096x200x64xf32, #tpu.memory_space<hbm>> -> memref<1x200x32xf32, #tpu.memory_space<hbm>>
    %dma_start3A_1202 = tpu.memref_squeeze %dma_start3A_1201 : memref<1x200x32xf32, #tpu.memory_space<hbm>> -> memref<200x32xf32, #tpu.memory_space<hbm>>
    %dma_start3A_1203 = arith.constant 0 : i32
    %dma_start3A_1204 = arith.constant 0 : i32
    %dma_start3A_1205 = tpu.memref_slice %arg10[%dma_start3A_1203, %dma_start3A_1204] : memref<400x32xf32, #tpu.memory_space<vmem>> -> memref<200x32xf32, #tpu.memory_space<vmem>>
    tpu.enqueue_dma source(%dma_start3A_1205 : memref<200x32xf32, #tpu.memory_space<vmem>>) target(%dma_start3A_1202 : memref<200x32xf32, #tpu.memory_space<hbm>>) target_semaphore(%arg16 : memref<!tpu.dma_semaphore, #tpu.memory_space<semaphore_mem>>)
    %add3A_1206 = arith.constant 1 : i32
    %add3A_1207 = arith.addi %add3A_1191, %add3A_1206 : i32
    %dma_start3A_1208 = arith.constant 200 : i32
    %dma_start3A_1209 = arith.constant 0 : i32
    %dma_start3A_1210 = tpu.memref_slice %arg10[%dma_start3A_1208, %dma_start3A_1209] : memref<400x32xf32, #tpu.memory_space<vmem>> -> memref<200x32xf32, #tpu.memory_space<vmem>>
    %dma_start3A_1211 = arith.constant 0 : i32
    %dma_start3A_1212 = arith.constant 0 : i32
    %dma_start3A_1213 = tpu.memref_slice %arg6[%add3A_1207, %dma_start3A_1211, %dma_start3A_1212] : memref<4096x200x64xf32, #tpu.memory_space<hbm>> -> memref<1x200x32xf32, #tpu.memory_space<hbm>>
    %dma_start3A_1214 = tpu.memref_squeeze %dma_start3A_1213 : memref<1x200x32xf32, #tpu.memory_space<hbm>> -> memref<200x32xf32, #tpu.memory_space<hbm>>
    %dma_start3A_1215 = arith.constant 0 : i32
    %dma_start3A_1216 = arith.constant 0 : i32
    %dma_start3A_1217 = tpu.memref_slice %arg6[%add3A_1207, %dma_start3A_1215, %dma_start3A_1216] : memref<4096x200x64xf32, #tpu.memory_space<hbm>> -> memref<1x200x32xf32, #tpu.memory_space<hbm>>
    %dma_start3A_1218 = tpu.memref_squeeze %dma_start3A_1217 : memref<1x200x32xf32, #tpu.memory_space<hbm>> -> memref<200x32xf32, #tpu.memory_space<hbm>>
    %dma_start3A_1219 = arith.constant 200 : i32
    %dma_start3A_1220 = arith.constant 0 : i32
    %dma_start3A_1221 = tpu.memref_slice %arg10[%dma_start3A_1219, %dma_start3A_1220] : memref<400x32xf32, #tpu.memory_space<vmem>> -> memref<200x32xf32, #tpu.memory_space<vmem>>
    tpu.enqueue_dma source(%dma_start3A_1221 : memref<200x32xf32, #tpu.memory_space<vmem>>) target(%dma_start3A_1218 : memref<200x32xf32, #tpu.memory_space<hbm>>) target_semaphore(%arg16 : memref<!tpu.dma_semaphore, #tpu.memory_space<semaphore_mem>>)
    %dma_start3A_1222 = arith.constant 0 : i32
    %dma_start3A_1223 = arith.constant 0 : i32
    %dma_start3A_1224 = tpu.memref_slice %arg12[%dma_start3A_1222, %dma_start3A_1223] : memref<400x32xf32, #tpu.memory_space<vmem>> -> memref<200x32xf32, #tpu.memory_space<vmem>>
    %dma_start3A_1225 = arith.constant 0 : i32
    %dma_start3A_1226 = arith.constant 32 : i32
    %dma_start3A_1227 = tpu.memref_slice %arg6[%add3A_1191, %dma_start3A_1225, %dma_start3A_1226] : memref<4096x200x64xf32, #tpu.memory_space<hbm>> -> memref<1x200x32xf32, #tpu.memory_space<hbm>>
    %dma_start3A_1228 = tpu.memref_squeeze %dma_start3A_1227 : memref<1x200x32xf32, #tpu.memory_space<hbm>> -> memref<200x32xf32, #tpu.memory_space<hbm>>
    %dma_start3A_1229 = arith.constant 0 : i32
    %dma_start3A_1230 = arith.constant 32 : i32
    %dma_start3A_1231 = tpu.memref_slice %arg6[%add3A_1191, %dma_start3A_1229, %dma_start3A_1230] : memref<4096x200x64xf32, #tpu.memory_space<hbm>> -> memref<1x200x32xf32, #tpu.memory_space<hbm>>
    %dma_start3A_1232 = tpu.memref_squeeze %dma_start3A_1231 : memref<1x200x32xf32, #tpu.memory_space<hbm>> -> memref<200x32xf32, #tpu.memory_space<hbm>>
    %dma_start3A_1233 = arith.constant 0 : i32
    %dma_start3A_1234 = arith.constant 0 : i32
    %dma_start3A_1235 = tpu.memref_slice %arg12[%dma_start3A_1233, %dma_start3A_1234] : memref<400x32xf32, #tpu.memory_space<vmem>> -> memref<200x32xf32, #tpu.memory_space<vmem>>
    tpu.enqueue_dma source(%dma_start3A_1235 : memref<200x32xf32, #tpu.memory_space<vmem>>) target(%dma_start3A_1232 : memref<200x32xf32, #tpu.memory_space<hbm>>) target_semaphore(%arg16 : memref<!tpu.dma_semaphore, #tpu.memory_space<semaphore_mem>>)
    %add3A_1236 = arith.constant 1 : i32
    %add3A_1237 = arith.addi %add3A_1191, %add3A_1236 : i32
    %dma_start3A_1238 = arith.constant 200 : i32
    %dma_start3A_1239 = arith.constant 0 : i32
    %dma_start3A_1240 = tpu.memref_slice %arg12[%dma_start3A_1238, %dma_start3A_1239] : memref<400x32xf32, #tpu.memory_space<vmem>> -> memref<200x32xf32, #tpu.memory_space<vmem>>
    %dma_start3A_1241 = arith.constant 0 : i32
    %dma_start3A_1242 = arith.constant 32 : i32
    %dma_start3A_1243 = tpu.memref_slice %arg6[%add3A_1237, %dma_start3A_1241, %dma_start3A_1242] : memref<4096x200x64xf32, #tpu.memory_space<hbm>> -> memref<1x200x32xf32, #tpu.memory_space<hbm>>
    %dma_start3A_1244 = tpu.memref_squeeze %dma_start3A_1243 : memref<1x200x32xf32, #tpu.memory_space<hbm>> -> memref<200x32xf32, #tpu.memory_space<hbm>>
    %dma_start3A_1245 = arith.constant 0 : i32
    %dma_start3A_1246 = arith.constant 32 : i32
    %dma_start3A_1247 = tpu.memref_slice %arg6[%add3A_1237, %dma_start3A_1245, %dma_start3A_1246] : memref<4096x200x64xf32, #tpu.memory_space<hbm>> -> memref<1x200x32xf32, #tpu.memory_space<hbm>>
    %dma_start3A_1248 = tpu.memref_squeeze %dma_start3A_1247 : memref<1x200x32xf32, #tpu.memory_space<hbm>> -> memref<200x32xf32, #tpu.memory_space<hbm>>
    %dma_start3A_1249 = arith.constant 200 : i32
    %dma_start3A_1250 = arith.constant 0 : i32
    %dma_start3A_1251 = tpu.memref_slice %arg12[%dma_start3A_1249, %dma_start3A_1250] : memref<400x32xf32, #tpu.memory_space<vmem>> -> memref<200x32xf32, #tpu.memory_space<vmem>>
    tpu.enqueue_dma source(%dma_start3A_1251 : memref<200x32xf32, #tpu.memory_space<vmem>>) target(%dma_start3A_1248 : memref<200x32xf32, #tpu.memory_space<hbm>>) target_semaphore(%arg16 : memref<!tpu.dma_semaphore, #tpu.memory_space<semaphore_mem>>)
    %scan3A = arith.constant 0 : i32
    %scan3A_1252 = arith.constant 31 : i32
    %scan3A_1253 = arith.addi %scan3A, %scan3A_1252 : i32
    %scan3A_1254 = arith.constant 1 : i32
    scf.for %scan3A_1368 = %scan3A to %scan3A_1253 step %scan3A_1254  : i32 {
      %mul3A_1369 = arith.constant 2 : i32
      %mul3A_1370 = arith.muli %mul3A_1369, %scan3A_1368 : i32
      %add3A_1371 = arith.constant 2 : i32
      %add3A_1372 = arith.addi %mul3A_1370, %add3A_1371 : i32
      %dma_wait3A_1373 = arith.constant 0 : i32
      %dma_wait3A_1374 = arith.constant 0 : i32
      %dma_wait3A_1375 = tpu.memref_slice %arg9[%dma_wait3A_1373, %dma_wait3A_1374] : memref<400x32xf32, #tpu.memory_space<vmem>> -> memref<200x32xf32, #tpu.memory_space<vmem>>
      %dma_wait3A_1376 = arith.constant 0 : i32
      %dma_wait3A_1377 = arith.constant 0 : i32
      %dma_wait3A_1378 = tpu.memref_slice %arg6[%mul3A_2, %dma_wait3A_1376, %dma_wait3A_1377] : memref<4096x200x64xf32, #tpu.memory_space<hbm>> -> memref<1x200x32xf32, #tpu.memory_space<hbm>>
      %dma_wait3A_1379 = tpu.memref_squeeze %dma_wait3A_1378 : memref<1x200x32xf32, #tpu.memory_space<hbm>> -> memref<200x32xf32, #tpu.memory_space<hbm>>
      %dma_wait3A_1380 = arith.constant 0 : i32
      %dma_wait3A_1381 = arith.constant 0 : i32
      %dma_wait3A_1382 = tpu.memref_slice %arg6[%mul3A_2, %dma_wait3A_1380, %dma_wait3A_1381] : memref<4096x200x64xf32, #tpu.memory_space<hbm>> -> memref<1x200x32xf32, #tpu.memory_space<hbm>>
      %dma_wait3A_1383 = tpu.memref_squeeze %dma_wait3A_1382 : memref<1x200x32xf32, #tpu.memory_space<hbm>> -> memref<200x32xf32, #tpu.memory_space<hbm>>
      %dma_wait3A_1384 = arith.constant 0 : i32
      %dma_wait3A_1385 = arith.constant 0 : i32
      %dma_wait3A_1386 = tpu.memref_slice %arg9[%dma_wait3A_1384, %dma_wait3A_1385] : memref<400x32xf32, #tpu.memory_space<vmem>> -> memref<200x32xf32, #tpu.memory_space<vmem>>
      tpu.wait_dma2 semaphore(%arg15 : memref<!tpu.dma_semaphore, #tpu.memory_space<semaphore_mem>>) src(%dma_wait3A_1386 : memref<200x32xf32, #tpu.memory_space<vmem>>) dst(%dma_wait3A_1383 : memref<200x32xf32, #tpu.memory_space<hbm>>)
      %dma_wait3A_1387 = arith.constant 0 : i32
      %dma_wait3A_1388 = arith.constant 0 : i32
      %dma_wait3A_1389 = tpu.memref_slice %arg11[%dma_wait3A_1387, %dma_wait3A_1388] : memref<400x32xf32, #tpu.memory_space<vmem>> -> memref<200x32xf32, #tpu.memory_space<vmem>>
      %dma_wait3A_1390 = arith.constant 0 : i32
      %dma_wait3A_1391 = arith.constant 32 : i32
      %dma_wait3A_1392 = tpu.memref_slice %arg6[%mul3A_2, %dma_wait3A_1390, %dma_wait3A_1391] : memref<4096x200x64xf32, #tpu.memory_space<hbm>> -> memref<1x200x32xf32, #tpu.memory_space<hbm>>
      %dma_wait3A_1393 = tpu.memref_squeeze %dma_wait3A_1392 : memref<1x200x32xf32, #tpu.memory_space<hbm>> -> memref<200x32xf32, #tpu.memory_space<hbm>>
      %dma_wait3A_1394 = arith.constant 0 : i32
      %dma_wait3A_1395 = arith.constant 32 : i32
      %dma_wait3A_1396 = tpu.memref_slice %arg6[%mul3A_2, %dma_wait3A_1394, %dma_wait3A_1395] : memref<4096x200x64xf32, #tpu.memory_space<hbm>> -> memref<1x200x32xf32, #tpu.memory_space<hbm>>
      %dma_wait3A_1397 = tpu.memref_squeeze %dma_wait3A_1396 : memref<1x200x32xf32, #tpu.memory_space<hbm>> -> memref<200x32xf32, #tpu.memory_space<hbm>>
      %dma_wait3A_1398 = arith.constant 0 : i32
      %dma_wait3A_1399 = arith.constant 0 : i32
      %dma_wait3A_1400 = tpu.memref_slice %arg11[%dma_wait3A_1398, %dma_wait3A_1399] : memref<400x32xf32, #tpu.memory_space<vmem>> -> memref<200x32xf32, #tpu.memory_space<vmem>>
      tpu.wait_dma2 semaphore(%arg15 : memref<!tpu.dma_semaphore, #tpu.memory_space<semaphore_mem>>) src(%dma_wait3A_1400 : memref<200x32xf32, #tpu.memory_space<vmem>>) dst(%dma_wait3A_1397 : memref<200x32xf32, #tpu.memory_space<hbm>>)
      %dma_wait3A_1401 = arith.constant 0 : i32
      %dma_wait3A_1402 = arith.constant 0 : i32
      %dma_wait3A_1403 = tpu.memref_slice %arg9[%dma_wait3A_1401, %dma_wait3A_1402] : memref<400x32xf32, #tpu.memory_space<vmem>> -> memref<200x32xf32, #tpu.memory_space<vmem>>
      %dma_wait3A_1404 = arith.constant 0 : i32
      %dma_wait3A_1405 = arith.constant 0 : i32
      %dma_wait3A_1406 = tpu.memref_slice %arg6[%mul3A_2, %dma_wait3A_1404, %dma_wait3A_1405] : memref<4096x200x64xf32, #tpu.memory_space<hbm>> -> memref<1x200x32xf32, #tpu.memory_space<hbm>>
      %dma_wait3A_1407 = tpu.memref_squeeze %dma_wait3A_1406 : memref<1x200x32xf32, #tpu.memory_space<hbm>> -> memref<200x32xf32, #tpu.memory_space<hbm>>
      %dma_wait3A_1408 = arith.constant 0 : i32
      %dma_wait3A_1409 = arith.constant 0 : i32
      %dma_wait3A_1410 = tpu.memref_slice %arg6[%mul3A_2, %dma_wait3A_1408, %dma_wait3A_1409] : memref<4096x200x64xf32, #tpu.memory_space<hbm>> -> memref<1x200x32xf32, #tpu.memory_space<hbm>>
      %dma_wait3A_1411 = tpu.memref_squeeze %dma_wait3A_1410 : memref<1x200x32xf32, #tpu.memory_space<hbm>> -> memref<200x32xf32, #tpu.memory_space<hbm>>
      %dma_wait3A_1412 = arith.constant 0 : i32
      %dma_wait3A_1413 = arith.constant 0 : i32
      %dma_wait3A_1414 = tpu.memref_slice %arg9[%dma_wait3A_1412, %dma_wait3A_1413] : memref<400x32xf32, #tpu.memory_space<vmem>> -> memref<200x32xf32, #tpu.memory_space<vmem>>
      tpu.wait_dma2 semaphore(%arg15 : memref<!tpu.dma_semaphore, #tpu.memory_space<semaphore_mem>>) src(%dma_wait3A_1414 : memref<200x32xf32, #tpu.memory_space<vmem>>) dst(%dma_wait3A_1411 : memref<200x32xf32, #tpu.memory_space<hbm>>)
      %dma_wait3A_1415 = arith.constant 0 : i32
      %dma_wait3A_1416 = arith.constant 0 : i32
      %dma_wait3A_1417 = tpu.memref_slice %arg11[%dma_wait3A_1415, %dma_wait3A_1416] : memref<400x32xf32, #tpu.memory_space<vmem>> -> memref<200x32xf32, #tpu.memory_space<vmem>>
      %dma_wait3A_1418 = arith.constant 0 : i32
      %dma_wait3A_1419 = arith.constant 32 : i32
      %dma_wait3A_1420 = tpu.memref_slice %arg6[%mul3A_2, %dma_wait3A_1418, %dma_wait3A_1419] : memref<4096x200x64xf32, #tpu.memory_space<hbm>> -> memref<1x200x32xf32, #tpu.memory_space<hbm>>
      %dma_wait3A_1421 = tpu.memref_squeeze %dma_wait3A_1420 : memref<1x200x32xf32, #tpu.memory_space<hbm>> -> memref<200x32xf32, #tpu.memory_space<hbm>>
      %dma_wait3A_1422 = arith.constant 0 : i32
      %dma_wait3A_1423 = arith.constant 32 : i32
      %dma_wait3A_1424 = tpu.memref_slice %arg6[%mul3A_2, %dma_wait3A_1422, %dma_wait3A_1423] : memref<4096x200x64xf32, #tpu.memory_space<hbm>> -> memref<1x200x32xf32, #tpu.memory_space<hbm>>
      %dma_wait3A_1425 = tpu.memref_squeeze %dma_wait3A_1424 : memref<1x200x32xf32, #tpu.memory_space<hbm>> -> memref<200x32xf32, #tpu.memory_space<hbm>>
      %dma_wait3A_1426 = arith.constant 0 : i32
      %dma_wait3A_1427 = arith.constant 0 : i32
      %dma_wait3A_1428 = tpu.memref_slice %arg11[%dma_wait3A_1426, %dma_wait3A_1427] : memref<400x32xf32, #tpu.memory_space<vmem>> -> memref<200x32xf32, #tpu.memory_space<vmem>>
      tpu.wait_dma2 semaphore(%arg15 : memref<!tpu.dma_semaphore, #tpu.memory_space<semaphore_mem>>) src(%dma_wait3A_1428 : memref<200x32xf32, #tpu.memory_space<vmem>>) dst(%dma_wait3A_1425 : memref<200x32xf32, #tpu.memory_space<hbm>>)
      %get3A_1429 = arith.index_cast %add3A_1372 : i32 to index
      %get3A_1430 = arith.constant 0 : index
      %get3A_1431 = tpu.vector_load %arg7[%get3A_1429, %get3A_1430] {strides = array<i32>} : memref<64x400xi32, #tpu.memory_space<vmem>>, vector<1x16xi32>,
      %get3A_1432 = vector.shape_cast %get3A_1431 : vector<1x16xi32> to vector<16xi32>
      %dma_start3A_1433 = arith.constant 0 : i32
      %dma_start3A_1434 = arith.constant 0 : i32
      %dma_start3A_1435 = tpu.memref_slice %arg9[%dma_start3A_1433, %dma_start3A_1434] : memref<400x32xf32, #tpu.memory_space<vmem>> -> memref<16x32xf32, #tpu.memory_space<vmem>>
      %dma_start3A_1436 = arith.constant 0 : i32
      %dma_start3A_1437 = arith.constant 0 : i32
      %dma_start3A_1438 = tpu.memref_slice %arg4[%dma_start3A_1436, %dma_start3A_1437] : memref<1000000x32xf32, #tpu.memory_space<hbm>> -> memref<1000000x32xf32, #tpu.memory_space<hbm>>
      tpu.enqueue_indirect_dma source(%dma_start3A_1438 : memref<1000000x32xf32, #tpu.memory_space<hbm>>) target(%dma_start3A_1435 : memref<16x32xf32, #tpu.memory_space<vmem>>) offsets(%get3A_1432 : vector<16xi32>) semaphore(%arg13 : memref<!tpu.dma_semaphore, #tpu.memory_space<semaphore_mem>>)
      %get3A_1439 = arith.index_cast %add3A_1372 : i32 to index
      %get3A_1440 = arith.constant 0 : index
      %get3A_1441 = tpu.vector_load %arg8[%get3A_1439, %get3A_1440] {strides = array<i32>} : memref<64x400xi32, #tpu.memory_space<vmem>>, vector<1x16xi32>,
      %get3A_1442 = vector.shape_cast %get3A_1441 : vector<1x16xi32> to vector<16xi32>
      %dma_start3A_1443 = arith.constant 0 : i32
      %dma_start3A_1444 = arith.constant 0 : i32
      %dma_start3A_1445 = tpu.memref_slice %arg11[%dma_start3A_1443, %dma_start3A_1444] : memref<400x32xf32, #tpu.memory_space<vmem>> -> memref<16x32xf32, #tpu.memory_space<vmem>>
      %dma_start3A_1446 = arith.constant 0 : i32
      %dma_start3A_1447 = arith.constant 0 : i32
      %dma_start3A_1448 = tpu.memref_slice %arg5[%dma_start3A_1446, %dma_start3A_1447] : memref<1000000x32xf32, #tpu.memory_space<hbm>> -> memref<1000000x32xf32, #tpu.memory_space<hbm>>
      tpu.enqueue_indirect_dma source(%dma_start3A_1448 : memref<1000000x32xf32, #tpu.memory_space<hbm>>) target(%dma_start3A_1445 : memref<16x32xf32, #tpu.memory_space<vmem>>) offsets(%get3A_1442 : vector<16xi32>) semaphore(%arg13 : memref<!tpu.dma_semaphore, #tpu.memory_space<semaphore_mem>>)
      %get3A_1449 = arith.index_cast %add3A_1372 : i32 to index
      %get3A_1450 = arith.constant 16 : index
      %get3A_1451 = tpu.vector_load %arg7[%get3A_1449, %get3A_1450] {strides = array<i32>} : memref<64x400xi32, #tpu.memory_space<vmem>>, vector<1x16xi32>,
      %get3A_1452 = vector.shape_cast %get3A_1451 : vector<1x16xi32> to vector<16xi32>
      %dma_start3A_1453 = arith.constant 16 : i32
      %dma_start3A_1454 = arith.constant 0 : i32
      %dma_start3A_1455 = tpu.memref_slice %arg9[%dma_start3A_1453, %dma_start3A_1454] : memref<400x32xf32, #tpu.memory_space<vmem>> -> memref<16x32xf32, #tpu.memory_space<vmem>>
      %dma_start3A_1456 = arith.constant 0 : i32
      %dma_start3A_1457 = arith.constant 0 : i32
      %dma_start3A_1458 = tpu.memref_slice %arg4[%dma_start3A_1456, %dma_start3A_1457] : memref<1000000x32xf32, #tpu.memory_space<hbm>> -> memref<1000000x32xf32, #tpu.memory_space<hbm>>
      tpu.enqueue_indirect_dma source(%dma_start3A_1458 : memref<1000000x32xf32, #tpu.memory_space<hbm>>) target(%dma_start3A_1455 : memref<16x32xf32, #tpu.memory_space<vmem>>) offsets(%get3A_1452 : vector<16xi32>) semaphore(%arg13 : memref<!tpu.dma_semaphore, #tpu.memory_space<semaphore_mem>>)
      %get3A_1459 = arith.index_cast %add3A_1372 : i32 to index
      %get3A_1460 = arith.constant 16 : index
      %get3A_1461 = tpu.vector_load %arg8[%get3A_1459, %get3A_1460] {strides = array<i32>} : memref<64x400xi32, #tpu.memory_space<vmem>>, vector<1x16xi32>,
      %get3A_1462 = vector.shape_cast %get3A_1461 : vector<1x16xi32> to vector<16xi32>
      %dma_start3A_1463 = arith.constant 16 : i32
      %dma_start3A_1464 = arith.constant 0 : i32
      %dma_start3A_1465 = tpu.memref_slice %arg11[%dma_start3A_1463, %dma_start3A_1464] : memref<400x32xf32, #tpu.memory_space<vmem>> -> memref<16x32xf32, #tpu.memory_space<vmem>>
      %dma_start3A_1466 = arith.constant 0 : i32
      %dma_start3A_1467 = arith.constant 0 : i32
      %dma_start3A_1468 = tpu.memref_slice %arg5[%dma_start3A_1466, %dma_start3A_1467] : memref<1000000x32xf32, #tpu.memory_space<hbm>> -> memref<1000000x32xf32, #tpu.memory_space<hbm>>
      tpu.enqueue_indirect_dma source(%dma_start3A_1468 : memref<1000000x32xf32, #tpu.memory_space<hbm>>) target(%dma_start3A_1465 : memref<16x32xf32, #tpu.memory_space<vmem>>) offsets(%get3A_1462 : vector<16xi32>) semaphore(%arg13 : memref<!tpu.dma_semaphore, #tpu.memory_space<semaphore_mem>>)
      %get3A_1469 = arith.index_cast %add3A_1372 : i32 to index
      %get3A_1470 = arith.constant 32 : index
      %get3A_1471 = tpu.vector_load %arg7[%get3A_1469, %get3A_1470] {strides = array<i32>} : memref<64x400xi32, #tpu.memory_space<vmem>>, vector<1x16xi32>,
      %get3A_1472 = vector.shape_cast %get3A_1471 : vector<1x16xi32> to vector<16xi32>
      %dma_start3A_1473 = arith.constant 32 : i32
      %dma_start3A_1474 = arith.constant 0 : i32
      %dma_start3A_1475 = tpu.memref_slice %arg9[%dma_start3A_1473, %dma_start3A_1474] : memref<400x32xf32, #tpu.memory_space<vmem>> -> memref<16x32xf32, #tpu.memory_space<vmem>>
      %dma_start3A_1476 = arith.constant 0 : i32
      %dma_start3A_1477 = arith.constant 0 : i32
      %dma_start3A_1478 = tpu.memref_slice %arg4[%dma_start3A_1476, %dma_start3A_1477] : memref<1000000x32xf32, #tpu.memory_space<hbm>> -> memref<1000000x32xf32, #tpu.memory_space<hbm>>
      tpu.enqueue_indirect_dma source(%dma_start3A_1478 : memref<1000000x32xf32, #tpu.memory_space<hbm>>) target(%dma_start3A_1475 : memref<16x32xf32, #tpu.memory_space<vmem>>) offsets(%get3A_1472 : vector<16xi32>) semaphore(%arg13 : memref<!tpu.dma_semaphore, #tpu.memory_space<semaphore_mem>>)
      %get3A_1479 = arith.index_cast %add3A_1372 : i32 to index
      %get3A_1480 = arith.constant 32 : index
      %get3A_1481 = tpu.vector_load %arg8[%get3A_1479, %get3A_1480] {strides = array<i32>} : memref<64x400xi32, #tpu.memory_space<vmem>>, vector<1x16xi32>,
      %get3A_1482 = vector.shape_cast %get3A_1481 : vector<1x16xi32> to vector<16xi32>
      %dma_start3A_1483 = arith.constant 32 : i32
      %dma_start3A_1484 = arith.constant 0 : i32
      %dma_start3A_1485 = tpu.memref_slice %arg11[%dma_start3A_1483, %dma_start3A_1484] : memref<400x32xf32, #tpu.memory_space<vmem>> -> memref<16x32xf32, #tpu.memory_space<vmem>>
      %dma_start3A_1486 = arith.constant 0 : i32
      %dma_start3A_1487 = arith.constant 0 : i32
      %dma_start3A_1488 = tpu.memref_slice %arg5[%dma_start3A_1486, %dma_start3A_1487] : memref<1000000x32xf32, #tpu.memory_space<hbm>> -> memref<1000000x32xf32, #tpu.memory_space<hbm>>
      tpu.enqueue_indirect_dma source(%dma_start3A_1488 : memref<1000000x32xf32, #tpu.memory_space<hbm>>) target(%dma_start3A_1485 : memref<16x32xf32, #tpu.memory_space<vmem>>) offsets(%get3A_1482 : vector<16xi32>) semaphore(%arg13 : memref<!tpu.dma_semaphore, #tpu.memory_space<semaphore_mem>>)
      %get3A_1489 = arith.index_cast %add3A_1372 : i32 to index
      %get3A_1490 = arith.constant 48 : index
      %get3A_1491 = tpu.vector_load %arg7[%get3A_1489, %get3A_1490] {strides = array<i32>} : memref<64x400xi32, #tpu.memory_space<vmem>>, vector<1x16xi32>,
      %get3A_1492 = vector.shape_cast %get3A_1491 : vector<1x16xi32> to vector<16xi32>
      %dma_start3A_1493 = arith.constant 48 : i32
      %dma_start3A_1494 = arith.constant 0 : i32
      %dma_start3A_1495 = tpu.memref_slice %arg9[%dma_start3A_1493, %dma_start3A_1494] : memref<400x32xf32, #tpu.memory_space<vmem>> -> memref<16x32xf32, #tpu.memory_space<vmem>>
      %dma_start3A_1496 = arith.constant 0 : i32
      %dma_start3A_1497 = arith.constant 0 : i32
      %dma_start3A_1498 = tpu.memref_slice %arg4[%dma_start3A_1496, %dma_start3A_1497] : memref<1000000x32xf32, #tpu.memory_space<hbm>> -> memref<1000000x32xf32, #tpu.memory_space<hbm>>
      tpu.enqueue_indirect_dma source(%dma_start3A_1498 : memref<1000000x32xf32, #tpu.memory_space<hbm>>) target(%dma_start3A_1495 : memref<16x32xf32, #tpu.memory_space<vmem>>) offsets(%get3A_1492 : vector<16xi32>) semaphore(%arg13 : memref<!tpu.dma_semaphore, #tpu.memory_space<semaphore_mem>>)
      %get3A_1499 = arith.index_cast %add3A_1372 : i32 to index
      %get3A_1500 = arith.constant 48 : index
      %get3A_1501 = tpu.vector_load %arg8[%get3A_1499, %get3A_1500] {strides = array<i32>} : memref<64x400xi32, #tpu.memory_space<vmem>>, vector<1x16xi32>,
      %get3A_1502 = vector.shape_cast %get3A_1501 : vector<1x16xi32> to vector<16xi32>
      %dma_start3A_1503 = arith.constant 48 : i32
      %dma_start3A_1504 = arith.constant 0 : i32
      %dma_start3A_1505 = tpu.memref_slice %arg11[%dma_start3A_1503, %dma_start3A_1504] : memref<400x32xf32, #tpu.memory_space<vmem>> -> memref<16x32xf32, #tpu.memory_space<vmem>>
      %dma_start3A_1506 = arith.constant 0 : i32
      %dma_start3A_1507 = arith.constant 0 : i32
      %dma_start3A_1508 = tpu.memref_slice %arg5[%dma_start3A_1506, %dma_start3A_1507] : memref<1000000x32xf32, #tpu.memory_space<hbm>> -> memref<1000000x32xf32, #tpu.memory_space<hbm>>
      tpu.enqueue_indirect_dma source(%dma_start3A_1508 : memref<1000000x32xf32, #tpu.memory_space<hbm>>) target(%dma_start3A_1505 : memref<16x32xf32, #tpu.memory_space<vmem>>) offsets(%get3A_1502 : vector<16xi32>) semaphore(%arg13 : memref<!tpu.dma_semaphore, #tpu.memory_space<semaphore_mem>>)
      %get3A_1509 = arith.index_cast %add3A_1372 : i32 to index
      %get3A_1510 = arith.constant 64 : index
      %get3A_1511 = tpu.vector_load %arg7[%get3A_1509, %get3A_1510] {strides = array<i32>} : memref<64x400xi32, #tpu.memory_space<vmem>>, vector<1x16xi32>,
      %get3A_1512 = vector.shape_cast %get3A_1511 : vector<1x16xi32> to vector<16xi32>
      %dma_start3A_1513 = arith.constant 64 : i32
      %dma_start3A_1514 = arith.constant 0 : i32
      %dma_start3A_1515 = tpu.memref_slice %arg9[%dma_start3A_1513, %dma_start3A_1514] : memref<400x32xf32, #tpu.memory_space<vmem>> -> memref<16x32xf32, #tpu.memory_space<vmem>>
      %dma_start3A_1516 = arith.constant 0 : i32
      %dma_start3A_1517 = arith.constant 0 : i32
      %dma_start3A_1518 = tpu.memref_slice %arg4[%dma_start3A_1516, %dma_start3A_1517] : memref<1000000x32xf32, #tpu.memory_space<hbm>> -> memref<1000000x32xf32, #tpu.memory_space<hbm>>
      tpu.enqueue_indirect_dma source(%dma_start3A_1518 : memref<1000000x32xf32, #tpu.memory_space<hbm>>) target(%dma_start3A_1515 : memref<16x32xf32, #tpu.memory_space<vmem>>) offsets(%get3A_1512 : vector<16xi32>) semaphore(%arg13 : memref<!tpu.dma_semaphore, #tpu.memory_space<semaphore_mem>>)
      %get3A_1519 = arith.index_cast %add3A_1372 : i32 to index
      %get3A_1520 = arith.constant 64 : index
      %get3A_1521 = tpu.vector_load %arg8[%get3A_1519, %get3A_1520] {strides = array<i32>} : memref<64x400xi32, #tpu.memory_space<vmem>>, vector<1x16xi32>,
      %get3A_1522 = vector.shape_cast %get3A_1521 : vector<1x16xi32> to vector<16xi32>
      %dma_start3A_1523 = arith.constant 64 : i32
      %dma_start3A_1524 = arith.constant 0 : i32
      %dma_start3A_1525 = tpu.memref_slice %arg11[%dma_start3A_1523, %dma_start3A_1524] : memref<400x32xf32, #tpu.memory_space<vmem>> -> memref<16x32xf32, #tpu.memory_space<vmem>>
      %dma_start3A_1526 = arith.constant 0 : i32
      %dma_start3A_1527 = arith.constant 0 : i32
      %dma_start3A_1528 = tpu.memref_slice %arg5[%dma_start3A_1526, %dma_start3A_1527] : memref<1000000x32xf32, #tpu.memory_space<hbm>> -> memref<1000000x32xf32, #tpu.memory_space<hbm>>
      tpu.enqueue_indirect_dma source(%dma_start3A_1528 : memref<1000000x32xf32, #tpu.memory_space<hbm>>) target(%dma_start3A_1525 : memref<16x32xf32, #tpu.memory_space<vmem>>) offsets(%get3A_1522 : vector<16xi32>) semaphore(%arg13 : memref<!tpu.dma_semaphore, #tpu.memory_space<semaphore_mem>>)
      %get3A_1529 = arith.index_cast %add3A_1372 : i32 to index
      %get3A_1530 = arith.constant 80 : index
      %get3A_1531 = tpu.vector_load %arg7[%get3A_1529, %get3A_1530] {strides = array<i32>} : memref<64x400xi32, #tpu.memory_space<vmem>>, vector<1x16xi32>,
      %get3A_1532 = vector.shape_cast %get3A_1531 : vector<1x16xi32> to vector<16xi32>
      %dma_start3A_1533 = arith.constant 80 : i32
      %dma_start3A_1534 = arith.constant 0 : i32
      %dma_start3A_1535 = tpu.memref_slice %arg9[%dma_start3A_1533, %dma_start3A_1534] : memref<400x32xf32, #tpu.memory_space<vmem>> -> memref<16x32xf32, #tpu.memory_space<vmem>>
      %dma_start3A_1536 = arith.constant 0 : i32
      %dma_start3A_1537 = arith.constant 0 : i32
      %dma_start3A_1538 = tpu.memref_slice %arg4[%dma_start3A_1536, %dma_start3A_1537] : memref<1000000x32xf32, #tpu.memory_space<hbm>> -> memref<1000000x32xf32, #tpu.memory_space<hbm>>
      tpu.enqueue_indirect_dma source(%dma_start3A_1538 : memref<1000000x32xf32, #tpu.memory_space<hbm>>) target(%dma_start3A_1535 : memref<16x32xf32, #tpu.memory_space<vmem>>) offsets(%get3A_1532 : vector<16xi32>) semaphore(%arg13 : memref<!tpu.dma_semaphore, #tpu.memory_space<semaphore_mem>>)
      %get3A_1539 = arith.index_cast %add3A_1372 : i32 to index
      %get3A_1540 = arith.constant 80 : index
      %get3A_1541 = tpu.vector_load %arg8[%get3A_1539, %get3A_1540] {strides = array<i32>} : memref<64x400xi32, #tpu.memory_space<vmem>>, vector<1x16xi32>,
      %get3A_1542 = vector.shape_cast %get3A_1541 : vector<1x16xi32> to vector<16xi32>
      %dma_start3A_1543 = arith.constant 80 : i32
      %dma_start3A_1544 = arith.constant 0 : i32
      %dma_start3A_1545 = tpu.memref_slice %arg11[%dma_start3A_1543, %dma_start3A_1544] : memref<400x32xf32, #tpu.memory_space<vmem>> -> memref<16x32xf32, #tpu.memory_space<vmem>>
      %dma_start3A_1546 = arith.constant 0 : i32
      %dma_start3A_1547 = arith.constant 0 : i32
      %dma_start3A_1548 = tpu.memref_slice %arg5[%dma_start3A_1546, %dma_start3A_1547] : memref<1000000x32xf32, #tpu.memory_space<hbm>> -> memref<1000000x32xf32, #tpu.memory_space<hbm>>
      tpu.enqueue_indirect_dma source(%dma_start3A_1548 : memref<1000000x32xf32, #tpu.memory_space<hbm>>) target(%dma_start3A_1545 : memref<16x32xf32, #tpu.memory_space<vmem>>) offsets(%get3A_1542 : vector<16xi32>) semaphore(%arg13 : memref<!tpu.dma_semaphore, #tpu.memory_space<semaphore_mem>>)
      %get3A_1549 = arith.index_cast %add3A_1372 : i32 to index
      %get3A_1550 = arith.constant 96 : index
      %get3A_1551 = tpu.vector_load %arg7[%get3A_1549, %get3A_1550] {strides = array<i32>} : memref<64x400xi32, #tpu.memory_space<vmem>>, vector<1x16xi32>,
      %get3A_1552 = vector.shape_cast %get3A_1551 : vector<1x16xi32> to vector<16xi32>
      %dma_start3A_1553 = arith.constant 96 : i32
      %dma_start3A_1554 = arith.constant 0 : i32
      %dma_start3A_1555 = tpu.memref_slice %arg9[%dma_start3A_1553, %dma_start3A_1554] : memref<400x32xf32, #tpu.memory_space<vmem>> -> memref<16x32xf32, #tpu.memory_space<vmem>>
      %dma_start3A_1556 = arith.constant 0 : i32
      %dma_start3A_1557 = arith.constant 0 : i32
      %dma_start3A_1558 = tpu.memref_slice %arg4[%dma_start3A_1556, %dma_start3A_1557] : memref<1000000x32xf32, #tpu.memory_space<hbm>> -> memref<1000000x32xf32, #tpu.memory_space<hbm>>
      tpu.enqueue_indirect_dma source(%dma_start3A_1558 : memref<1000000x32xf32, #tpu.memory_space<hbm>>) target(%dma_start3A_1555 : memref<16x32xf32, #tpu.memory_space<vmem>>) offsets(%get3A_1552 : vector<16xi32>) semaphore(%arg13 : memref<!tpu.dma_semaphore, #tpu.memory_space<semaphore_mem>>)
      %get3A_1559 = arith.index_cast %add3A_1372 : i32 to index
      %get3A_1560 = arith.constant 96 : index
      %get3A_1561 = tpu.vector_load %arg8[%get3A_1559, %get3A_1560] {strides = array<i32>} : memref<64x400xi32, #tpu.memory_space<vmem>>, vector<1x16xi32>,
      %get3A_1562 = vector.shape_cast %get3A_1561 : vector<1x16xi32> to vector<16xi32>
      %dma_start3A_1563 = arith.constant 96 : i32
      %dma_start3A_1564 = arith.constant 0 : i32
      %dma_start3A_1565 = tpu.memref_slice %arg11[%dma_start3A_1563, %dma_start3A_1564] : memref<400x32xf32, #tpu.memory_space<vmem>> -> memref<16x32xf32, #tpu.memory_space<vmem>>
      %dma_start3A_1566 = arith.constant 0 : i32
      %dma_start3A_1567 = arith.constant 0 : i32
      %dma_start3A_1568 = tpu.memref_slice %arg5[%dma_start3A_1566, %dma_start3A_1567] : memref<1000000x32xf32, #tpu.memory_space<hbm>> -> memref<1000000x32xf32, #tpu.memory_space<hbm>>
      tpu.enqueue_indirect_dma source(%dma_start3A_1568 : memref<1000000x32xf32, #tpu.memory_space<hbm>>) target(%dma_start3A_1565 : memref<16x32xf32, #tpu.memory_space<vmem>>) offsets(%get3A_1562 : vector<16xi32>) semaphore(%arg13 : memref<!tpu.dma_semaphore, #tpu.memory_space<semaphore_mem>>)
      %get3A_1569 = arith.index_cast %add3A_1372 : i32 to index
      %get3A_1570 = arith.constant 112 : index
      %get3A_1571 = tpu.vector_load %arg7[%get3A_1569, %get3A_1570] {strides = array<i32>} : memref<64x400xi32, #tpu.memory_space<vmem>>, vector<1x16xi32>,
      %get3A_1572 = vector.shape_cast %get3A_1571 : vector<1x16xi32> to vector<16xi32>
      %dma_start3A_1573 = arith.constant 112 : i32
      %dma_start3A_1574 = arith.constant 0 : i32
      %dma_start3A_1575 = tpu.memref_slice %arg9[%dma_start3A_1573, %dma_start3A_1574] : memref<400x32xf32, #tpu.memory_space<vmem>> -> memref<16x32xf32, #tpu.memory_space<vmem>>
      %dma_start3A_1576 = arith.constant 0 : i32
      %dma_start3A_1577 = arith.constant 0 : i32
      %dma_start3A_1578 = tpu.memref_slice %arg4[%dma_start3A_1576, %dma_start3A_1577] : memref<1000000x32xf32, #tpu.memory_space<hbm>> -> memref<1000000x32xf32, #tpu.memory_space<hbm>>
      tpu.enqueue_indirect_dma source(%dma_start3A_1578 : memref<1000000x32xf32, #tpu.memory_space<hbm>>) target(%dma_start3A_1575 : memref<16x32xf32, #tpu.memory_space<vmem>>) offsets(%get3A_1572 : vector<16xi32>) semaphore(%arg13 : memref<!tpu.dma_semaphore, #tpu.memory_space<semaphore_mem>>)
      %get3A_1579 = arith.index_cast %add3A_1372 : i32 to index
      %get3A_1580 = arith.constant 112 : index
      %get3A_1581 = tpu.vector_load %arg8[%get3A_1579, %get3A_1580] {strides = array<i32>} : memref<64x400xi32, #tpu.memory_space<vmem>>, vector<1x16xi32>,
      %get3A_1582 = vector.shape_cast %get3A_1581 : vector<1x16xi32> to vector<16xi32>
      %dma_start3A_1583 = arith.constant 112 : i32
      %dma_start3A_1584 = arith.constant 0 : i32
      %dma_start3A_1585 = tpu.memref_slice %arg11[%dma_start3A_1583, %dma_start3A_1584] : memref<400x32xf32, #tpu.memory_space<vmem>> -> memref<16x32xf32, #tpu.memory_space<vmem>>
      %dma_start3A_1586 = arith.constant 0 : i32
      %dma_start3A_1587 = arith.constant 0 : i32
      %dma_start3A_1588 = tpu.memref_slice %arg5[%dma_start3A_1586, %dma_start3A_1587] : memref<1000000x32xf32, #tpu.memory_space<hbm>> -> memref<1000000x32xf32, #tpu.memory_space<hbm>>
      tpu.enqueue_indirect_dma source(%dma_start3A_1588 : memref<1000000x32xf32, #tpu.memory_space<hbm>>) target(%dma_start3A_1585 : memref<16x32xf32, #tpu.memory_space<vmem>>) offsets(%get3A_1582 : vector<16xi32>) semaphore(%arg13 : memref<!tpu.dma_semaphore, #tpu.memory_space<semaphore_mem>>)
      %get3A_1589 = arith.index_cast %add3A_1372 : i32 to index
      %get3A_1590 = arith.constant 128 : index
      %get3A_1591 = tpu.vector_load %arg7[%get3A_1589, %get3A_1590] {strides = array<i32>} : memref<64x400xi32, #tpu.memory_space<vmem>>, vector<1x16xi32>,
      %get3A_1592 = vector.shape_cast %get3A_1591 : vector<1x16xi32> to vector<16xi32>
      %dma_start3A_1593 = arith.constant 128 : i32
      %dma_start3A_1594 = arith.constant 0 : i32
      %dma_start3A_1595 = tpu.memref_slice %arg9[%dma_start3A_1593, %dma_start3A_1594] : memref<400x32xf32, #tpu.memory_space<vmem>> -> memref<16x32xf32, #tpu.memory_space<vmem>>
      %dma_start3A_1596 = arith.constant 0 : i32
      %dma_start3A_1597 = arith.constant 0 : i32
      %dma_start3A_1598 = tpu.memref_slice %arg4[%dma_start3A_1596, %dma_start3A_1597] : memref<1000000x32xf32, #tpu.memory_space<hbm>> -> memref<1000000x32xf32, #tpu.memory_space<hbm>>
      tpu.enqueue_indirect_dma source(%dma_start3A_1598 : memref<1000000x32xf32, #tpu.memory_space<hbm>>) target(%dma_start3A_1595 : memref<16x32xf32, #tpu.memory_space<vmem>>) offsets(%get3A_1592 : vector<16xi32>) semaphore(%arg13 : memref<!tpu.dma_semaphore, #tpu.memory_space<semaphore_mem>>)
      %get3A_1599 = arith.index_cast %add3A_1372 : i32 to index
      %get3A_1600 = arith.constant 128 : index
      %get3A_1601 = tpu.vector_load %arg8[%get3A_1599, %get3A_1600] {strides = array<i32>} : memref<64x400xi32, #tpu.memory_space<vmem>>, vector<1x16xi32>,
      %get3A_1602 = vector.shape_cast %get3A_1601 : vector<1x16xi32> to vector<16xi32>
      %dma_start3A_1603 = arith.constant 128 : i32
      %dma_start3A_1604 = arith.constant 0 : i32
      %dma_start3A_1605 = tpu.memref_slice %arg11[%dma_start3A_1603, %dma_start3A_1604] : memref<400x32xf32, #tpu.memory_space<vmem>> -> memref<16x32xf32, #tpu.memory_space<vmem>>
      %dma_start3A_1606 = arith.constant 0 : i32
      %dma_start3A_1607 = arith.constant 0 : i32
      %dma_start3A_1608 = tpu.memref_slice %arg5[%dma_start3A_1606, %dma_start3A_1607] : memref<1000000x32xf32, #tpu.memory_space<hbm>> -> memref<1000000x32xf32, #tpu.memory_space<hbm>>
      tpu.enqueue_indirect_dma source(%dma_start3A_1608 : memref<1000000x32xf32, #tpu.memory_space<hbm>>) target(%dma_start3A_1605 : memref<16x32xf32, #tpu.memory_space<vmem>>) offsets(%get3A_1602 : vector<16xi32>) semaphore(%arg13 : memref<!tpu.dma_semaphore, #tpu.memory_space<semaphore_mem>>)
      %get3A_1609 = arith.index_cast %add3A_1372 : i32 to index
      %get3A_1610 = arith.constant 144 : index
      %get3A_1611 = tpu.vector_load %arg7[%get3A_1609, %get3A_1610] {strides = array<i32>} : memref<64x400xi32, #tpu.memory_space<vmem>>, vector<1x16xi32>,
      %get3A_1612 = vector.shape_cast %get3A_1611 : vector<1x16xi32> to vector<16xi32>
      %dma_start3A_1613 = arith.constant 144 : i32
      %dma_start3A_1614 = arith.constant 0 : i32
      %dma_start3A_1615 = tpu.memref_slice %arg9[%dma_start3A_1613, %dma_start3A_1614] : memref<400x32xf32, #tpu.memory_space<vmem>> -> memref<16x32xf32, #tpu.memory_space<vmem>>
      %dma_start3A_1616 = arith.constant 0 : i32
      %dma_start3A_1617 = arith.constant 0 : i32
      %dma_start3A_1618 = tpu.memref_slice %arg4[%dma_start3A_1616, %dma_start3A_1617] : memref<1000000x32xf32, #tpu.memory_space<hbm>> -> memref<1000000x32xf32, #tpu.memory_space<hbm>>
      tpu.enqueue_indirect_dma source(%dma_start3A_1618 : memref<1000000x32xf32, #tpu.memory_space<hbm>>) target(%dma_start3A_1615 : memref<16x32xf32, #tpu.memory_space<vmem>>) offsets(%get3A_1612 : vector<16xi32>) semaphore(%arg13 : memref<!tpu.dma_semaphore, #tpu.memory_space<semaphore_mem>>)
      %get3A_1619 = arith.index_cast %add3A_1372 : i32 to index
      %get3A_1620 = arith.constant 144 : index
      %get3A_1621 = tpu.vector_load %arg8[%get3A_1619, %get3A_1620] {strides = array<i32>} : memref<64x400xi32, #tpu.memory_space<vmem>>, vector<1x16xi32>,
      %get3A_1622 = vector.shape_cast %get3A_1621 : vector<1x16xi32> to vector<16xi32>
      %dma_start3A_1623 = arith.constant 144 : i32
      %dma_start3A_1624 = arith.constant 0 : i32
      %dma_start3A_1625 = tpu.memref_slice %arg11[%dma_start3A_1623, %dma_start3A_1624] : memref<400x32xf32, #tpu.memory_space<vmem>> -> memref<16x32xf32, #tpu.memory_space<vmem>>
      %dma_start3A_1626 = arith.constant 0 : i32
      %dma_start3A_1627 = arith.constant 0 : i32
      %dma_start3A_1628 = tpu.memref_slice %arg5[%dma_start3A_1626, %dma_start3A_1627] : memref<1000000x32xf32, #tpu.memory_space<hbm>> -> memref<1000000x32xf32, #tpu.memory_space<hbm>>
      tpu.enqueue_indirect_dma source(%dma_start3A_1628 : memref<1000000x32xf32, #tpu.memory_space<hbm>>) target(%dma_start3A_1625 : memref<16x32xf32, #tpu.memory_space<vmem>>) offsets(%get3A_1622 : vector<16xi32>) semaphore(%arg13 : memref<!tpu.dma_semaphore, #tpu.memory_space<semaphore_mem>>)
      %get3A_1629 = arith.index_cast %add3A_1372 : i32 to index
      %get3A_1630 = arith.constant 160 : index
      %get3A_1631 = tpu.vector_load %arg7[%get3A_1629, %get3A_1630] {strides = array<i32>} : memref<64x400xi32, #tpu.memory_space<vmem>>, vector<1x16xi32>,
      %get3A_1632 = vector.shape_cast %get3A_1631 : vector<1x16xi32> to vector<16xi32>
      %dma_start3A_1633 = arith.constant 160 : i32
      %dma_start3A_1634 = arith.constant 0 : i32
      %dma_start3A_1635 = tpu.memref_slice %arg9[%dma_start3A_1633, %dma_start3A_1634] : memref<400x32xf32, #tpu.memory_space<vmem>> -> memref<16x32xf32, #tpu.memory_space<vmem>>
      %dma_start3A_1636 = arith.constant 0 : i32
      %dma_start3A_1637 = arith.constant 0 : i32
      %dma_start3A_1638 = tpu.memref_slice %arg4[%dma_start3A_1636, %dma_start3A_1637] : memref<1000000x32xf32, #tpu.memory_space<hbm>> -> memref<1000000x32xf32, #tpu.memory_space<hbm>>
      tpu.enqueue_indirect_dma source(%dma_start3A_1638 : memref<1000000x32xf32, #tpu.memory_space<hbm>>) target(%dma_start3A_1635 : memref<16x32xf32, #tpu.memory_space<vmem>>) offsets(%get3A_1632 : vector<16xi32>) semaphore(%arg13 : memref<!tpu.dma_semaphore, #tpu.memory_space<semaphore_mem>>)
      %get3A_1639 = arith.index_cast %add3A_1372 : i32 to index
      %get3A_1640 = arith.constant 160 : index
      %get3A_1641 = tpu.vector_load %arg8[%get3A_1639, %get3A_1640] {strides = array<i32>} : memref<64x400xi32, #tpu.memory_space<vmem>>, vector<1x16xi32>,
      %get3A_1642 = vector.shape_cast %get3A_1641 : vector<1x16xi32> to vector<16xi32>
      %dma_start3A_1643 = arith.constant 160 : i32
      %dma_start3A_1644 = arith.constant 0 : i32
      %dma_start3A_1645 = tpu.memref_slice %arg11[%dma_start3A_1643, %dma_start3A_1644] : memref<400x32xf32, #tpu.memory_space<vmem>> -> memref<16x32xf32, #tpu.memory_space<vmem>>
      %dma_start3A_1646 = arith.constant 0 : i32
      %dma_start3A_1647 = arith.constant 0 : i32
      %dma_start3A_1648 = tpu.memref_slice %arg5[%dma_start3A_1646, %dma_start3A_1647] : memref<1000000x32xf32, #tpu.memory_space<hbm>> -> memref<1000000x32xf32, #tpu.memory_space<hbm>>
      tpu.enqueue_indirect_dma source(%dma_start3A_1648 : memref<1000000x32xf32, #tpu.memory_space<hbm>>) target(%dma_start3A_1645 : memref<16x32xf32, #tpu.memory_space<vmem>>) offsets(%get3A_1642 : vector<16xi32>) semaphore(%arg13 : memref<!tpu.dma_semaphore, #tpu.memory_space<semaphore_mem>>)
      %get3A_1649 = arith.index_cast %add3A_1372 : i32 to index
      %get3A_1650 = arith.constant 176 : index
      %get3A_1651 = tpu.vector_load %arg7[%get3A_1649, %get3A_1650] {strides = array<i32>} : memref<64x400xi32, #tpu.memory_space<vmem>>, vector<1x16xi32>,
      %get3A_1652 = vector.shape_cast %get3A_1651 : vector<1x16xi32> to vector<16xi32>
      %dma_start3A_1653 = arith.constant 176 : i32
      %dma_start3A_1654 = arith.constant 0 : i32
      %dma_start3A_1655 = tpu.memref_slice %arg9[%dma_start3A_1653, %dma_start3A_1654] : memref<400x32xf32, #tpu.memory_space<vmem>> -> memref<16x32xf32, #tpu.memory_space<vmem>>
      %dma_start3A_1656 = arith.constant 0 : i32
      %dma_start3A_1657 = arith.constant 0 : i32
      %dma_start3A_1658 = tpu.memref_slice %arg4[%dma_start3A_1656, %dma_start3A_1657] : memref<1000000x32xf32, #tpu.memory_space<hbm>> -> memref<1000000x32xf32, #tpu.memory_space<hbm>>
      tpu.enqueue_indirect_dma source(%dma_start3A_1658 : memref<1000000x32xf32, #tpu.memory_space<hbm>>) target(%dma_start3A_1655 : memref<16x32xf32, #tpu.memory_space<vmem>>) offsets(%get3A_1652 : vector<16xi32>) semaphore(%arg13 : memref<!tpu.dma_semaphore, #tpu.memory_space<semaphore_mem>>)
      %get3A_1659 = arith.index_cast %add3A_1372 : i32 to index
      %get3A_1660 = arith.constant 176 : index
      %get3A_1661 = tpu.vector_load %arg8[%get3A_1659, %get3A_1660] {strides = array<i32>} : memref<64x400xi32, #tpu.memory_space<vmem>>, vector<1x16xi32>,
      %get3A_1662 = vector.shape_cast %get3A_1661 : vector<1x16xi32> to vector<16xi32>
      %dma_start3A_1663 = arith.constant 176 : i32
      %dma_start3A_1664 = arith.constant 0 : i32
      %dma_start3A_1665 = tpu.memref_slice %arg11[%dma_start3A_1663, %dma_start3A_1664] : memref<400x32xf32, #tpu.memory_space<vmem>> -> memref<16x32xf32, #tpu.memory_space<vmem>>
      %dma_start3A_1666 = arith.constant 0 : i32
      %dma_start3A_1667 = arith.constant 0 : i32
      %dma_start3A_1668 = tpu.memref_slice %arg5[%dma_start3A_1666, %dma_start3A_1667] : memref<1000000x32xf32, #tpu.memory_space<hbm>> -> memref<1000000x32xf32, #tpu.memory_space<hbm>>
      tpu.enqueue_indirect_dma source(%dma_start3A_1668 : memref<1000000x32xf32, #tpu.memory_space<hbm>>) target(%dma_start3A_1665 : memref<16x32xf32, #tpu.memory_space<vmem>>) offsets(%get3A_1662 : vector<16xi32>) semaphore(%arg13 : memref<!tpu.dma_semaphore, #tpu.memory_space<semaphore_mem>>)
      %get3A_1669 = arith.index_cast %add3A_1372 : i32 to index
      %get3A_1670 = arith.constant 192 : index
      %get3A_1671 = tpu.vector_load %arg7[%get3A_1669, %get3A_1670] {strides = array<i32>} : memref<64x400xi32, #tpu.memory_space<vmem>>, vector<1x16xi32>,
      %get3A_1672 = vector.shape_cast %get3A_1671 : vector<1x16xi32> to vector<16xi32>
      %dma_start3A_1673 = arith.constant 192 : i32
      %dma_start3A_1674 = arith.constant 0 : i32
      %dma_start3A_1675 = tpu.memref_slice %arg9[%dma_start3A_1673, %dma_start3A_1674] : memref<400x32xf32, #tpu.memory_space<vmem>> -> memref<16x32xf32, #tpu.memory_space<vmem>>
      %dma_start3A_1676 = arith.constant 0 : i32
      %dma_start3A_1677 = arith.constant 0 : i32
      %dma_start3A_1678 = tpu.memref_slice %arg4[%dma_start3A_1676, %dma_start3A_1677] : memref<1000000x32xf32, #tpu.memory_space<hbm>> -> memref<1000000x32xf32, #tpu.memory_space<hbm>>
      tpu.enqueue_indirect_dma source(%dma_start3A_1678 : memref<1000000x32xf32, #tpu.memory_space<hbm>>) target(%dma_start3A_1675 : memref<16x32xf32, #tpu.memory_space<vmem>>) offsets(%get3A_1672 : vector<16xi32>) semaphore(%arg13 : memref<!tpu.dma_semaphore, #tpu.memory_space<semaphore_mem>>)
      %get3A_1679 = arith.index_cast %add3A_1372 : i32 to index
      %get3A_1680 = arith.constant 192 : index
      %get3A_1681 = tpu.vector_load %arg8[%get3A_1679, %get3A_1680] {strides = array<i32>} : memref<64x400xi32, #tpu.memory_space<vmem>>, vector<1x16xi32>,
      %get3A_1682 = vector.shape_cast %get3A_1681 : vector<1x16xi32> to vector<16xi32>
      %dma_start3A_1683 = arith.constant 192 : i32
      %dma_start3A_1684 = arith.constant 0 : i32
      %dma_start3A_1685 = tpu.memref_slice %arg11[%dma_start3A_1683, %dma_start3A_1684] : memref<400x32xf32, #tpu.memory_space<vmem>> -> memref<16x32xf32, #tpu.memory_space<vmem>>
      %dma_start3A_1686 = arith.constant 0 : i32
      %dma_start3A_1687 = arith.constant 0 : i32
      %dma_start3A_1688 = tpu.memref_slice %arg5[%dma_start3A_1686, %dma_start3A_1687] : memref<1000000x32xf32, #tpu.memory_space<hbm>> -> memref<1000000x32xf32, #tpu.memory_space<hbm>>
      tpu.enqueue_indirect_dma source(%dma_start3A_1688 : memref<1000000x32xf32, #tpu.memory_space<hbm>>) target(%dma_start3A_1685 : memref<16x32xf32, #tpu.memory_space<vmem>>) offsets(%get3A_1682 : vector<16xi32>) semaphore(%arg13 : memref<!tpu.dma_semaphore, #tpu.memory_space<semaphore_mem>>)
      %get3A_1689 = arith.index_cast %add3A_1372 : i32 to index
      %get3A_1690 = arith.constant 208 : index
      %get3A_1691 = tpu.vector_load %arg7[%get3A_1689, %get3A_1690] {strides = array<i32>} : memref<64x400xi32, #tpu.memory_space<vmem>>, vector<1x16xi32>,
      %get3A_1692 = vector.shape_cast %get3A_1691 : vector<1x16xi32> to vector<16xi32>
      %dma_start3A_1693 = arith.constant 208 : i32
      %dma_start3A_1694 = arith.constant 0 : i32
      %dma_start3A_1695 = tpu.memref_slice %arg9[%dma_start3A_1693, %dma_start3A_1694] : memref<400x32xf32, #tpu.memory_space<vmem>> -> memref<16x32xf32, #tpu.memory_space<vmem>>
      %dma_start3A_1696 = arith.constant 0 : i32
      %dma_start3A_1697 = arith.constant 0 : i32
      %dma_start3A_1698 = tpu.memref_slice %arg4[%dma_start3A_1696, %dma_start3A_1697] : memref<1000000x32xf32, #tpu.memory_space<hbm>> -> memref<1000000x32xf32, #tpu.memory_space<hbm>>
      tpu.enqueue_indirect_dma source(%dma_start3A_1698 : memref<1000000x32xf32, #tpu.memory_space<hbm>>) target(%dma_start3A_1695 : memref<16x32xf32, #tpu.memory_space<vmem>>) offsets(%get3A_1692 : vector<16xi32>) semaphore(%arg13 : memref<!tpu.dma_semaphore, #tpu.memory_space<semaphore_mem>>)
      %get3A_1699 = arith.index_cast %add3A_1372 : i32 to index
      %get3A_1700 = arith.constant 208 : index
      %get3A_1701 = tpu.vector_load %arg8[%get3A_1699, %get3A_1700] {strides = array<i32>} : memref<64x400xi32, #tpu.memory_space<vmem>>, vector<1x16xi32>,
      %get3A_1702 = vector.shape_cast %get3A_1701 : vector<1x16xi32> to vector<16xi32>
      %dma_start3A_1703 = arith.constant 208 : i32
      %dma_start3A_1704 = arith.constant 0 : i32
      %dma_start3A_1705 = tpu.memref_slice %arg11[%dma_start3A_1703, %dma_start3A_1704] : memref<400x32xf32, #tpu.memory_space<vmem>> -> memref<16x32xf32, #tpu.memory_space<vmem>>
      %dma_start3A_1706 = arith.constant 0 : i32
      %dma_start3A_1707 = arith.constant 0 : i32
      %dma_start3A_1708 = tpu.memref_slice %arg5[%dma_start3A_1706, %dma_start3A_1707] : memref<1000000x32xf32, #tpu.memory_space<hbm>> -> memref<1000000x32xf32, #tpu.memory_space<hbm>>
      tpu.enqueue_indirect_dma source(%dma_start3A_1708 : memref<1000000x32xf32, #tpu.memory_space<hbm>>) target(%dma_start3A_1705 : memref<16x32xf32, #tpu.memory_space<vmem>>) offsets(%get3A_1702 : vector<16xi32>) semaphore(%arg13 : memref<!tpu.dma_semaphore, #tpu.memory_space<semaphore_mem>>)
      %get3A_1709 = arith.index_cast %add3A_1372 : i32 to index
      %get3A_1710 = arith.constant 224 : index
      %get3A_1711 = tpu.vector_load %arg7[%get3A_1709, %get3A_1710] {strides = array<i32>} : memref<64x400xi32, #tpu.memory_space<vmem>>, vector<1x16xi32>,
      %get3A_1712 = vector.shape_cast %get3A_1711 : vector<1x16xi32> to vector<16xi32>
      %dma_start3A_1713 = arith.constant 224 : i32
      %dma_start3A_1714 = arith.constant 0 : i32
      %dma_start3A_1715 = tpu.memref_slice %arg9[%dma_start3A_1713, %dma_start3A_1714] : memref<400x32xf32, #tpu.memory_space<vmem>> -> memref<16x32xf32, #tpu.memory_space<vmem>>
      %dma_start3A_1716 = arith.constant 0 : i32
      %dma_start3A_1717 = arith.constant 0 : i32
      %dma_start3A_1718 = tpu.memref_slice %arg4[%dma_start3A_1716, %dma_start3A_1717] : memref<1000000x32xf32, #tpu.memory_space<hbm>> -> memref<1000000x32xf32, #tpu.memory_space<hbm>>
      tpu.enqueue_indirect_dma source(%dma_start3A_1718 : memref<1000000x32xf32, #tpu.memory_space<hbm>>) target(%dma_start3A_1715 : memref<16x32xf32, #tpu.memory_space<vmem>>) offsets(%get3A_1712 : vector<16xi32>) semaphore(%arg13 : memref<!tpu.dma_semaphore, #tpu.memory_space<semaphore_mem>>)
      %get3A_1719 = arith.index_cast %add3A_1372 : i32 to index
      %get3A_1720 = arith.constant 224 : index
      %get3A_1721 = tpu.vector_load %arg8[%get3A_1719, %get3A_1720] {strides = array<i32>} : memref<64x400xi32, #tpu.memory_space<vmem>>, vector<1x16xi32>,
      %get3A_1722 = vector.shape_cast %get3A_1721 : vector<1x16xi32> to vector<16xi32>
      %dma_start3A_1723 = arith.constant 224 : i32
      %dma_start3A_1724 = arith.constant 0 : i32
      %dma_start3A_1725 = tpu.memref_slice %arg11[%dma_start3A_1723, %dma_start3A_1724] : memref<400x32xf32, #tpu.memory_space<vmem>> -> memref<16x32xf32, #tpu.memory_space<vmem>>
      %dma_start3A_1726 = arith.constant 0 : i32
      %dma_start3A_1727 = arith.constant 0 : i32
      %dma_start3A_1728 = tpu.memref_slice %arg5[%dma_start3A_1726, %dma_start3A_1727] : memref<1000000x32xf32, #tpu.memory_space<hbm>> -> memref<1000000x32xf32, #tpu.memory_space<hbm>>
      tpu.enqueue_indirect_dma source(%dma_start3A_1728 : memref<1000000x32xf32, #tpu.memory_space<hbm>>) target(%dma_start3A_1725 : memref<16x32xf32, #tpu.memory_space<vmem>>) offsets(%get3A_1722 : vector<16xi32>) semaphore(%arg13 : memref<!tpu.dma_semaphore, #tpu.memory_space<semaphore_mem>>)
      %get3A_1729 = arith.index_cast %add3A_1372 : i32 to index
      %get3A_1730 = arith.constant 240 : index
      %get3A_1731 = tpu.vector_load %arg7[%get3A_1729, %get3A_1730] {strides = array<i32>} : memref<64x400xi32, #tpu.memory_space<vmem>>, vector<1x16xi32>,
      %get3A_1732 = vector.shape_cast %get3A_1731 : vector<1x16xi32> to vector<16xi32>
      %dma_start3A_1733 = arith.constant 240 : i32
      %dma_start3A_1734 = arith.constant 0 : i32
      %dma_start3A_1735 = tpu.memref_slice %arg9[%dma_start3A_1733, %dma_start3A_1734] : memref<400x32xf32, #tpu.memory_space<vmem>> -> memref<16x32xf32, #tpu.memory_space<vmem>>
      %dma_start3A_1736 = arith.constant 0 : i32
      %dma_start3A_1737 = arith.constant 0 : i32
      %dma_start3A_1738 = tpu.memref_slice %arg4[%dma_start3A_1736, %dma_start3A_1737] : memref<1000000x32xf32, #tpu.memory_space<hbm>> -> memref<1000000x32xf32, #tpu.memory_space<hbm>>
      tpu.enqueue_indirect_dma source(%dma_start3A_1738 : memref<1000000x32xf32, #tpu.memory_space<hbm>>) target(%dma_start3A_1735 : memref<16x32xf32, #tpu.memory_space<vmem>>) offsets(%get3A_1732 : vector<16xi32>) semaphore(%arg13 : memref<!tpu.dma_semaphore, #tpu.memory_space<semaphore_mem>>)
      %get3A_1739 = arith.index_cast %add3A_1372 : i32 to index
      %get3A_1740 = arith.constant 240 : index
      %get3A_1741 = tpu.vector_load %arg8[%get3A_1739, %get3A_1740] {strides = array<i32>} : memref<64x400xi32, #tpu.memory_space<vmem>>, vector<1x16xi32>,
      %get3A_1742 = vector.shape_cast %get3A_1741 : vector<1x16xi32> to vector<16xi32>
      %dma_start3A_1743 = arith.constant 240 : i32
      %dma_start3A_1744 = arith.constant 0 : i32
      %dma_start3A_1745 = tpu.memref_slice %arg11[%dma_start3A_1743, %dma_start3A_1744] : memref<400x32xf32, #tpu.memory_space<vmem>> -> memref<16x32xf32, #tpu.memory_space<vmem>>
      %dma_start3A_1746 = arith.constant 0 : i32
      %dma_start3A_1747 = arith.constant 0 : i32
      %dma_start3A_1748 = tpu.memref_slice %arg5[%dma_start3A_1746, %dma_start3A_1747] : memref<1000000x32xf32, #tpu.memory_space<hbm>> -> memref<1000000x32xf32, #tpu.memory_space<hbm>>
      tpu.enqueue_indirect_dma source(%dma_start3A_1748 : memref<1000000x32xf32, #tpu.memory_space<hbm>>) target(%dma_start3A_1745 : memref<16x32xf32, #tpu.memory_space<vmem>>) offsets(%get3A_1742 : vector<16xi32>) semaphore(%arg13 : memref<!tpu.dma_semaphore, #tpu.memory_space<semaphore_mem>>)
      %get3A_1749 = arith.index_cast %add3A_1372 : i32 to index
      %get3A_1750 = arith.constant 256 : index
      %get3A_1751 = tpu.vector_load %arg7[%get3A_1749, %get3A_1750] {strides = array<i32>} : memref<64x400xi32, #tpu.memory_space<vmem>>, vector<1x16xi32>,
      %get3A_1752 = vector.shape_cast %get3A_1751 : vector<1x16xi32> to vector<16xi32>
      %dma_start3A_1753 = arith.constant 256 : i32
      %dma_start3A_1754 = arith.constant 0 : i32
      %dma_start3A_1755 = tpu.memref_slice %arg9[%dma_start3A_1753, %dma_start3A_1754] : memref<400x32xf32, #tpu.memory_space<vmem>> -> memref<16x32xf32, #tpu.memory_space<vmem>>
      %dma_start3A_1756 = arith.constant 0 : i32
      %dma_start3A_1757 = arith.constant 0 : i32
      %dma_start3A_1758 = tpu.memref_slice %arg4[%dma_start3A_1756, %dma_start3A_1757] : memref<1000000x32xf32, #tpu.memory_space<hbm>> -> memref<1000000x32xf32, #tpu.memory_space<hbm>>
      tpu.enqueue_indirect_dma source(%dma_start3A_1758 : memref<1000000x32xf32, #tpu.memory_space<hbm>>) target(%dma_start3A_1755 : memref<16x32xf32, #tpu.memory_space<vmem>>) offsets(%get3A_1752 : vector<16xi32>) semaphore(%arg13 : memref<!tpu.dma_semaphore, #tpu.memory_space<semaphore_mem>>)
      %get3A_1759 = arith.index_cast %add3A_1372 : i32 to index
      %get3A_1760 = arith.constant 256 : index
      %get3A_1761 = tpu.vector_load %arg8[%get3A_1759, %get3A_1760] {strides = array<i32>} : memref<64x400xi32, #tpu.memory_space<vmem>>, vector<1x16xi32>,
      %get3A_1762 = vector.shape_cast %get3A_1761 : vector<1x16xi32> to vector<16xi32>
      %dma_start3A_1763 = arith.constant 256 : i32
      %dma_start3A_1764 = arith.constant 0 : i32
      %dma_start3A_1765 = tpu.memref_slice %arg11[%dma_start3A_1763, %dma_start3A_1764] : memref<400x32xf32, #tpu.memory_space<vmem>> -> memref<16x32xf32, #tpu.memory_space<vmem>>
      %dma_start3A_1766 = arith.constant 0 : i32
      %dma_start3A_1767 = arith.constant 0 : i32
      %dma_start3A_1768 = tpu.memref_slice %arg5[%dma_start3A_1766, %dma_start3A_1767] : memref<1000000x32xf32, #tpu.memory_space<hbm>> -> memref<1000000x32xf32, #tpu.memory_space<hbm>>
      tpu.enqueue_indirect_dma source(%dma_start3A_1768 : memref<1000000x32xf32, #tpu.memory_space<hbm>>) target(%dma_start3A_1765 : memref<16x32xf32, #tpu.memory_space<vmem>>) offsets(%get3A_1762 : vector<16xi32>) semaphore(%arg13 : memref<!tpu.dma_semaphore, #tpu.memory_space<semaphore_mem>>)
      %get3A_1769 = arith.index_cast %add3A_1372 : i32 to index
      %get3A_1770 = arith.constant 272 : index
      %get3A_1771 = tpu.vector_load %arg7[%get3A_1769, %get3A_1770] {strides = array<i32>} : memref<64x400xi32, #tpu.memory_space<vmem>>, vector<1x16xi32>,
      %get3A_1772 = vector.shape_cast %get3A_1771 : vector<1x16xi32> to vector<16xi32>
      %dma_start3A_1773 = arith.constant 272 : i32
      %dma_start3A_1774 = arith.constant 0 : i32
      %dma_start3A_1775 = tpu.memref_slice %arg9[%dma_start3A_1773, %dma_start3A_1774] : memref<400x32xf32, #tpu.memory_space<vmem>> -> memref<16x32xf32, #tpu.memory_space<vmem>>
      %dma_start3A_1776 = arith.constant 0 : i32
      %dma_start3A_1777 = arith.constant 0 : i32
      %dma_start3A_1778 = tpu.memref_slice %arg4[%dma_start3A_1776, %dma_start3A_1777] : memref<1000000x32xf32, #tpu.memory_space<hbm>> -> memref<1000000x32xf32, #tpu.memory_space<hbm>>
      tpu.enqueue_indirect_dma source(%dma_start3A_1778 : memref<1000000x32xf32, #tpu.memory_space<hbm>>) target(%dma_start3A_1775 : memref<16x32xf32, #tpu.memory_space<vmem>>) offsets(%get3A_1772 : vector<16xi32>) semaphore(%arg13 : memref<!tpu.dma_semaphore, #tpu.memory_space<semaphore_mem>>)
      %get3A_1779 = arith.index_cast %add3A_1372 : i32 to index
      %get3A_1780 = arith.constant 272 : index
      %get3A_1781 = tpu.vector_load %arg8[%get3A_1779, %get3A_1780] {strides = array<i32>} : memref<64x400xi32, #tpu.memory_space<vmem>>, vector<1x16xi32>,
      %get3A_1782 = vector.shape_cast %get3A_1781 : vector<1x16xi32> to vector<16xi32>
      %dma_start3A_1783 = arith.constant 272 : i32
      %dma_start3A_1784 = arith.constant 0 : i32
      %dma_start3A_1785 = tpu.memref_slice %arg11[%dma_start3A_1783, %dma_start3A_1784] : memref<400x32xf32, #tpu.memory_space<vmem>> -> memref<16x32xf32, #tpu.memory_space<vmem>>
      %dma_start3A_1786 = arith.constant 0 : i32
      %dma_start3A_1787 = arith.constant 0 : i32
      %dma_start3A_1788 = tpu.memref_slice %arg5[%dma_start3A_1786, %dma_start3A_1787] : memref<1000000x32xf32, #tpu.memory_space<hbm>> -> memref<1000000x32xf32, #tpu.memory_space<hbm>>
      tpu.enqueue_indirect_dma source(%dma_start3A_1788 : memref<1000000x32xf32, #tpu.memory_space<hbm>>) target(%dma_start3A_1785 : memref<16x32xf32, #tpu.memory_space<vmem>>) offsets(%get3A_1782 : vector<16xi32>) semaphore(%arg13 : memref<!tpu.dma_semaphore, #tpu.memory_space<semaphore_mem>>)
      %get3A_1789 = arith.index_cast %add3A_1372 : i32 to index
      %get3A_1790 = arith.constant 288 : index
      %get3A_1791 = tpu.vector_load %arg7[%get3A_1789, %get3A_1790] {strides = array<i32>} : memref<64x400xi32, #tpu.memory_space<vmem>>, vector<1x16xi32>,
      %get3A_1792 = vector.shape_cast %get3A_1791 : vector<1x16xi32> to vector<16xi32>
      %dma_start3A_1793 = arith.constant 288 : i32
      %dma_start3A_1794 = arith.constant 0 : i32
      %dma_start3A_1795 = tpu.memref_slice %arg9[%dma_start3A_1793, %dma_start3A_1794] : memref<400x32xf32, #tpu.memory_space<vmem>> -> memref<16x32xf32, #tpu.memory_space<vmem>>
      %dma_start3A_1796 = arith.constant 0 : i32
      %dma_start3A_1797 = arith.constant 0 : i32
      %dma_start3A_1798 = tpu.memref_slice %arg4[%dma_start3A_1796, %dma_start3A_1797] : memref<1000000x32xf32, #tpu.memory_space<hbm>> -> memref<1000000x32xf32, #tpu.memory_space<hbm>>
      tpu.enqueue_indirect_dma source(%dma_start3A_1798 : memref<1000000x32xf32, #tpu.memory_space<hbm>>) target(%dma_start3A_1795 : memref<16x32xf32, #tpu.memory_space<vmem>>) offsets(%get3A_1792 : vector<16xi32>) semaphore(%arg13 : memref<!tpu.dma_semaphore, #tpu.memory_space<semaphore_mem>>)
      %get3A_1799 = arith.index_cast %add3A_1372 : i32 to index
      %get3A_1800 = arith.constant 288 : index
      %get3A_1801 = tpu.vector_load %arg8[%get3A_1799, %get3A_1800] {strides = array<i32>} : memref<64x400xi32, #tpu.memory_space<vmem>>, vector<1x16xi32>,
      %get3A_1802 = vector.shape_cast %get3A_1801 : vector<1x16xi32> to vector<16xi32>
      %dma_start3A_1803 = arith.constant 288 : i32
      %dma_start3A_1804 = arith.constant 0 : i32
      %dma_start3A_1805 = tpu.memref_slice %arg11[%dma_start3A_1803, %dma_start3A_1804] : memref<400x32xf32, #tpu.memory_space<vmem>> -> memref<16x32xf32, #tpu.memory_space<vmem>>
      %dma_start3A_1806 = arith.constant 0 : i32
      %dma_start3A_1807 = arith.constant 0 : i32
      %dma_start3A_1808 = tpu.memref_slice %arg5[%dma_start3A_1806, %dma_start3A_1807] : memref<1000000x32xf32, #tpu.memory_space<hbm>> -> memref<1000000x32xf32, #tpu.memory_space<hbm>>
      tpu.enqueue_indirect_dma source(%dma_start3A_1808 : memref<1000000x32xf32, #tpu.memory_space<hbm>>) target(%dma_start3A_1805 : memref<16x32xf32, #tpu.memory_space<vmem>>) offsets(%get3A_1802 : vector<16xi32>) semaphore(%arg13 : memref<!tpu.dma_semaphore, #tpu.memory_space<semaphore_mem>>)
      %get3A_1809 = arith.index_cast %add3A_1372 : i32 to index
      %get3A_1810 = arith.constant 304 : index
      %get3A_1811 = tpu.vector_load %arg7[%get3A_1809, %get3A_1810] {strides = array<i32>} : memref<64x400xi32, #tpu.memory_space<vmem>>, vector<1x16xi32>,
      %get3A_1812 = vector.shape_cast %get3A_1811 : vector<1x16xi32> to vector<16xi32>
      %dma_start3A_1813 = arith.constant 304 : i32
      %dma_start3A_1814 = arith.constant 0 : i32
      %dma_start3A_1815 = tpu.memref_slice %arg9[%dma_start3A_1813, %dma_start3A_1814] : memref<400x32xf32, #tpu.memory_space<vmem>> -> memref<16x32xf32, #tpu.memory_space<vmem>>
      %dma_start3A_1816 = arith.constant 0 : i32
      %dma_start3A_1817 = arith.constant 0 : i32
      %dma_start3A_1818 = tpu.memref_slice %arg4[%dma_start3A_1816, %dma_start3A_1817] : memref<1000000x32xf32, #tpu.memory_space<hbm>> -> memref<1000000x32xf32, #tpu.memory_space<hbm>>
      tpu.enqueue_indirect_dma source(%dma_start3A_1818 : memref<1000000x32xf32, #tpu.memory_space<hbm>>) target(%dma_start3A_1815 : memref<16x32xf32, #tpu.memory_space<vmem>>) offsets(%get3A_1812 : vector<16xi32>) semaphore(%arg13 : memref<!tpu.dma_semaphore, #tpu.memory_space<semaphore_mem>>)
      %get3A_1819 = arith.index_cast %add3A_1372 : i32 to index
      %get3A_1820 = arith.constant 304 : index
      %get3A_1821 = tpu.vector_load %arg8[%get3A_1819, %get3A_1820] {strides = array<i32>} : memref<64x400xi32, #tpu.memory_space<vmem>>, vector<1x16xi32>,
      %get3A_1822 = vector.shape_cast %get3A_1821 : vector<1x16xi32> to vector<16xi32>
      %dma_start3A_1823 = arith.constant 304 : i32
      %dma_start3A_1824 = arith.constant 0 : i32
      %dma_start3A_1825 = tpu.memref_slice %arg11[%dma_start3A_1823, %dma_start3A_1824] : memref<400x32xf32, #tpu.memory_space<vmem>> -> memref<16x32xf32, #tpu.memory_space<vmem>>
      %dma_start3A_1826 = arith.constant 0 : i32
      %dma_start3A_1827 = arith.constant 0 : i32
      %dma_start3A_1828 = tpu.memref_slice %arg5[%dma_start3A_1826, %dma_start3A_1827] : memref<1000000x32xf32, #tpu.memory_space<hbm>> -> memref<1000000x32xf32, #tpu.memory_space<hbm>>
      tpu.enqueue_indirect_dma source(%dma_start3A_1828 : memref<1000000x32xf32, #tpu.memory_space<hbm>>) target(%dma_start3A_1825 : memref<16x32xf32, #tpu.memory_space<vmem>>) offsets(%get3A_1822 : vector<16xi32>) semaphore(%arg13 : memref<!tpu.dma_semaphore, #tpu.memory_space<semaphore_mem>>)
      %get3A_1829 = arith.index_cast %add3A_1372 : i32 to index
      %get3A_1830 = arith.constant 320 : index
      %get3A_1831 = tpu.vector_load %arg7[%get3A_1829, %get3A_1830] {strides = array<i32>} : memref<64x400xi32, #tpu.memory_space<vmem>>, vector<1x16xi32>,
      %get3A_1832 = vector.shape_cast %get3A_1831 : vector<1x16xi32> to vector<16xi32>
      %dma_start3A_1833 = arith.constant 320 : i32
      %dma_start3A_1834 = arith.constant 0 : i32
      %dma_start3A_1835 = tpu.memref_slice %arg9[%dma_start3A_1833, %dma_start3A_1834] : memref<400x32xf32, #tpu.memory_space<vmem>> -> memref<16x32xf32, #tpu.memory_space<vmem>>
      %dma_start3A_1836 = arith.constant 0 : i32
      %dma_start3A_1837 = arith.constant 0 : i32
      %dma_start3A_1838 = tpu.memref_slice %arg4[%dma_start3A_1836, %dma_start3A_1837] : memref<1000000x32xf32, #tpu.memory_space<hbm>> -> memref<1000000x32xf32, #tpu.memory_space<hbm>>
      tpu.enqueue_indirect_dma source(%dma_start3A_1838 : memref<1000000x32xf32, #tpu.memory_space<hbm>>) target(%dma_start3A_1835 : memref<16x32xf32, #tpu.memory_space<vmem>>) offsets(%get3A_1832 : vector<16xi32>) semaphore(%arg13 : memref<!tpu.dma_semaphore, #tpu.memory_space<semaphore_mem>>)
      %get3A_1839 = arith.index_cast %add3A_1372 : i32 to index
      %get3A_1840 = arith.constant 320 : index
      %get3A_1841 = tpu.vector_load %arg8[%get3A_1839, %get3A_1840] {strides = array<i32>} : memref<64x400xi32, #tpu.memory_space<vmem>>, vector<1x16xi32>,
      %get3A_1842 = vector.shape_cast %get3A_1841 : vector<1x16xi32> to vector<16xi32>
      %dma_start3A_1843 = arith.constant 320 : i32
      %dma_start3A_1844 = arith.constant 0 : i32
      %dma_start3A_1845 = tpu.memref_slice %arg11[%dma_start3A_1843, %dma_start3A_1844] : memref<400x32xf32, #tpu.memory_space<vmem>> -> memref<16x32xf32, #tpu.memory_space<vmem>>
      %dma_start3A_1846 = arith.constant 0 : i32
      %dma_start3A_1847 = arith.constant 0 : i32
      %dma_start3A_1848 = tpu.memref_slice %arg5[%dma_start3A_1846, %dma_start3A_1847] : memref<1000000x32xf32, #tpu.memory_space<hbm>> -> memref<1000000x32xf32, #tpu.memory_space<hbm>>
      tpu.enqueue_indirect_dma source(%dma_start3A_1848 : memref<1000000x32xf32, #tpu.memory_space<hbm>>) target(%dma_start3A_1845 : memref<16x32xf32, #tpu.memory_space<vmem>>) offsets(%get3A_1842 : vector<16xi32>) semaphore(%arg13 : memref<!tpu.dma_semaphore, #tpu.memory_space<semaphore_mem>>)
      %get3A_1849 = arith.index_cast %add3A_1372 : i32 to index
      %get3A_1850 = arith.constant 336 : index
      %get3A_1851 = tpu.vector_load %arg7[%get3A_1849, %get3A_1850] {strides = array<i32>} : memref<64x400xi32, #tpu.memory_space<vmem>>, vector<1x16xi32>,
      %get3A_1852 = vector.shape_cast %get3A_1851 : vector<1x16xi32> to vector<16xi32>
      %dma_start3A_1853 = arith.constant 336 : i32
      %dma_start3A_1854 = arith.constant 0 : i32
      %dma_start3A_1855 = tpu.memref_slice %arg9[%dma_start3A_1853, %dma_start3A_1854] : memref<400x32xf32, #tpu.memory_space<vmem>> -> memref<16x32xf32, #tpu.memory_space<vmem>>
      %dma_start3A_1856 = arith.constant 0 : i32
      %dma_start3A_1857 = arith.constant 0 : i32
      %dma_start3A_1858 = tpu.memref_slice %arg4[%dma_start3A_1856, %dma_start3A_1857] : memref<1000000x32xf32, #tpu.memory_space<hbm>> -> memref<1000000x32xf32, #tpu.memory_space<hbm>>
      tpu.enqueue_indirect_dma source(%dma_start3A_1858 : memref<1000000x32xf32, #tpu.memory_space<hbm>>) target(%dma_start3A_1855 : memref<16x32xf32, #tpu.memory_space<vmem>>) offsets(%get3A_1852 : vector<16xi32>) semaphore(%arg13 : memref<!tpu.dma_semaphore, #tpu.memory_space<semaphore_mem>>)
      %get3A_1859 = arith.index_cast %add3A_1372 : i32 to index
      %get3A_1860 = arith.constant 336 : index
      %get3A_1861 = tpu.vector_load %arg8[%get3A_1859, %get3A_1860] {strides = array<i32>} : memref<64x400xi32, #tpu.memory_space<vmem>>, vector<1x16xi32>,
      %get3A_1862 = vector.shape_cast %get3A_1861 : vector<1x16xi32> to vector<16xi32>
      %dma_start3A_1863 = arith.constant 336 : i32
      %dma_start3A_1864 = arith.constant 0 : i32
      %dma_start3A_1865 = tpu.memref_slice %arg11[%dma_start3A_1863, %dma_start3A_1864] : memref<400x32xf32, #tpu.memory_space<vmem>> -> memref<16x32xf32, #tpu.memory_space<vmem>>
      %dma_start3A_1866 = arith.constant 0 : i32
      %dma_start3A_1867 = arith.constant 0 : i32
      %dma_start3A_1868 = tpu.memref_slice %arg5[%dma_start3A_1866, %dma_start3A_1867] : memref<1000000x32xf32, #tpu.memory_space<hbm>> -> memref<1000000x32xf32, #tpu.memory_space<hbm>>
      tpu.enqueue_indirect_dma source(%dma_start3A_1868 : memref<1000000x32xf32, #tpu.memory_space<hbm>>) target(%dma_start3A_1865 : memref<16x32xf32, #tpu.memory_space<vmem>>) offsets(%get3A_1862 : vector<16xi32>) semaphore(%arg13 : memref<!tpu.dma_semaphore, #tpu.memory_space<semaphore_mem>>)
      %get3A_1869 = arith.index_cast %add3A_1372 : i32 to index
      %get3A_1870 = arith.constant 352 : index
      %get3A_1871 = tpu.vector_load %arg7[%get3A_1869, %get3A_1870] {strides = array<i32>} : memref<64x400xi32, #tpu.memory_space<vmem>>, vector<1x16xi32>,
      %get3A_1872 = vector.shape_cast %get3A_1871 : vector<1x16xi32> to vector<16xi32>
      %dma_start3A_1873 = arith.constant 352 : i32
      %dma_start3A_1874 = arith.constant 0 : i32
      %dma_start3A_1875 = tpu.memref_slice %arg9[%dma_start3A_1873, %dma_start3A_1874] : memref<400x32xf32, #tpu.memory_space<vmem>> -> memref<16x32xf32, #tpu.memory_space<vmem>>
      %dma_start3A_1876 = arith.constant 0 : i32
      %dma_start3A_1877 = arith.constant 0 : i32
      %dma_start3A_1878 = tpu.memref_slice %arg4[%dma_start3A_1876, %dma_start3A_1877] : memref<1000000x32xf32, #tpu.memory_space<hbm>> -> memref<1000000x32xf32, #tpu.memory_space<hbm>>
      tpu.enqueue_indirect_dma source(%dma_start3A_1878 : memref<1000000x32xf32, #tpu.memory_space<hbm>>) target(%dma_start3A_1875 : memref<16x32xf32, #tpu.memory_space<vmem>>) offsets(%get3A_1872 : vector<16xi32>) semaphore(%arg13 : memref<!tpu.dma_semaphore, #tpu.memory_space<semaphore_mem>>)
      %get3A_1879 = arith.index_cast %add3A_1372 : i32 to index
      %get3A_1880 = arith.constant 352 : index
      %get3A_1881 = tpu.vector_load %arg8[%get3A_1879, %get3A_1880] {strides = array<i32>} : memref<64x400xi32, #tpu.memory_space<vmem>>, vector<1x16xi32>,
      %get3A_1882 = vector.shape_cast %get3A_1881 : vector<1x16xi32> to vector<16xi32>
      %dma_start3A_1883 = arith.constant 352 : i32
      %dma_start3A_1884 = arith.constant 0 : i32
      %dma_start3A_1885 = tpu.memref_slice %arg11[%dma_start3A_1883, %dma_start3A_1884] : memref<400x32xf32, #tpu.memory_space<vmem>> -> memref<16x32xf32, #tpu.memory_space<vmem>>
      %dma_start3A_1886 = arith.constant 0 : i32
      %dma_start3A_1887 = arith.constant 0 : i32
      %dma_start3A_1888 = tpu.memref_slice %arg5[%dma_start3A_1886, %dma_start3A_1887] : memref<1000000x32xf32, #tpu.memory_space<hbm>> -> memref<1000000x32xf32, #tpu.memory_space<hbm>>
      tpu.enqueue_indirect_dma source(%dma_start3A_1888 : memref<1000000x32xf32, #tpu.memory_space<hbm>>) target(%dma_start3A_1885 : memref<16x32xf32, #tpu.memory_space<vmem>>) offsets(%get3A_1882 : vector<16xi32>) semaphore(%arg13 : memref<!tpu.dma_semaphore, #tpu.memory_space<semaphore_mem>>)
      %get3A_1889 = arith.index_cast %add3A_1372 : i32 to index
      %get3A_1890 = arith.constant 368 : index
      %get3A_1891 = tpu.vector_load %arg7[%get3A_1889, %get3A_1890] {strides = array<i32>} : memref<64x400xi32, #tpu.memory_space<vmem>>, vector<1x16xi32>,
      %get3A_1892 = vector.shape_cast %get3A_1891 : vector<1x16xi32> to vector<16xi32>
      %dma_start3A_1893 = arith.constant 368 : i32
      %dma_start3A_1894 = arith.constant 0 : i32
      %dma_start3A_1895 = tpu.memref_slice %arg9[%dma_start3A_1893, %dma_start3A_1894] : memref<400x32xf32, #tpu.memory_space<vmem>> -> memref<16x32xf32, #tpu.memory_space<vmem>>
      %dma_start3A_1896 = arith.constant 0 : i32
      %dma_start3A_1897 = arith.constant 0 : i32
      %dma_start3A_1898 = tpu.memref_slice %arg4[%dma_start3A_1896, %dma_start3A_1897] : memref<1000000x32xf32, #tpu.memory_space<hbm>> -> memref<1000000x32xf32, #tpu.memory_space<hbm>>
      tpu.enqueue_indirect_dma source(%dma_start3A_1898 : memref<1000000x32xf32, #tpu.memory_space<hbm>>) target(%dma_start3A_1895 : memref<16x32xf32, #tpu.memory_space<vmem>>) offsets(%get3A_1892 : vector<16xi32>) semaphore(%arg13 : memref<!tpu.dma_semaphore, #tpu.memory_space<semaphore_mem>>)
      %get3A_1899 = arith.index_cast %add3A_1372 : i32 to index
      %get3A_1900 = arith.constant 368 : index
      %get3A_1901 = tpu.vector_load %arg8[%get3A_1899, %get3A_1900] {strides = array<i32>} : memref<64x400xi32, #tpu.memory_space<vmem>>, vector<1x16xi32>,
      %get3A_1902 = vector.shape_cast %get3A_1901 : vector<1x16xi32> to vector<16xi32>
      %dma_start3A_1903 = arith.constant 368 : i32
      %dma_start3A_1904 = arith.constant 0 : i32
      %dma_start3A_1905 = tpu.memref_slice %arg11[%dma_start3A_1903, %dma_start3A_1904] : memref<400x32xf32, #tpu.memory_space<vmem>> -> memref<16x32xf32, #tpu.memory_space<vmem>>
      %dma_start3A_1906 = arith.constant 0 : i32
      %dma_start3A_1907 = arith.constant 0 : i32
      %dma_start3A_1908 = tpu.memref_slice %arg5[%dma_start3A_1906, %dma_start3A_1907] : memref<1000000x32xf32, #tpu.memory_space<hbm>> -> memref<1000000x32xf32, #tpu.memory_space<hbm>>
      tpu.enqueue_indirect_dma source(%dma_start3A_1908 : memref<1000000x32xf32, #tpu.memory_space<hbm>>) target(%dma_start3A_1905 : memref<16x32xf32, #tpu.memory_space<vmem>>) offsets(%get3A_1902 : vector<16xi32>) semaphore(%arg13 : memref<!tpu.dma_semaphore, #tpu.memory_space<semaphore_mem>>)
      %get3A_1909 = arith.index_cast %add3A_1372 : i32 to index
      %get3A_1910 = arith.constant 384 : index
      %get3A_1911 = tpu.vector_load %arg7[%get3A_1909, %get3A_1910] {strides = array<i32>} : memref<64x400xi32, #tpu.memory_space<vmem>>, vector<1x16xi32>,
      %get3A_1912 = vector.shape_cast %get3A_1911 : vector<1x16xi32> to vector<16xi32>
      %dma_start3A_1913 = arith.constant 384 : i32
      %dma_start3A_1914 = arith.constant 0 : i32
      %dma_start3A_1915 = tpu.memref_slice %arg9[%dma_start3A_1913, %dma_start3A_1914] : memref<400x32xf32, #tpu.memory_space<vmem>> -> memref<16x32xf32, #tpu.memory_space<vmem>>
      %dma_start3A_1916 = arith.constant 0 : i32
      %dma_start3A_1917 = arith.constant 0 : i32
      %dma_start3A_1918 = tpu.memref_slice %arg4[%dma_start3A_1916, %dma_start3A_1917] : memref<1000000x32xf32, #tpu.memory_space<hbm>> -> memref<1000000x32xf32, #tpu.memory_space<hbm>>
      tpu.enqueue_indirect_dma source(%dma_start3A_1918 : memref<1000000x32xf32, #tpu.memory_space<hbm>>) target(%dma_start3A_1915 : memref<16x32xf32, #tpu.memory_space<vmem>>) offsets(%get3A_1912 : vector<16xi32>) semaphore(%arg13 : memref<!tpu.dma_semaphore, #tpu.memory_space<semaphore_mem>>)
      %get3A_1919 = arith.index_cast %add3A_1372 : i32 to index
      %get3A_1920 = arith.constant 384 : index
      %get3A_1921 = tpu.vector_load %arg8[%get3A_1919, %get3A_1920] {strides = array<i32>} : memref<64x400xi32, #tpu.memory_space<vmem>>, vector<1x16xi32>,
      %get3A_1922 = vector.shape_cast %get3A_1921 : vector<1x16xi32> to vector<16xi32>
      %dma_start3A_1923 = arith.constant 384 : i32
      %dma_start3A_1924 = arith.constant 0 : i32
      %dma_start3A_1925 = tpu.memref_slice %arg11[%dma_start3A_1923, %dma_start3A_1924] : memref<400x32xf32, #tpu.memory_space<vmem>> -> memref<16x32xf32, #tpu.memory_space<vmem>>
      %dma_start3A_1926 = arith.constant 0 : i32
      %dma_start3A_1927 = arith.constant 0 : i32
      %dma_start3A_1928 = tpu.memref_slice %arg5[%dma_start3A_1926, %dma_start3A_1927] : memref<1000000x32xf32, #tpu.memory_space<hbm>> -> memref<1000000x32xf32, #tpu.memory_space<hbm>>
      tpu.enqueue_indirect_dma source(%dma_start3A_1928 : memref<1000000x32xf32, #tpu.memory_space<hbm>>) target(%dma_start3A_1925 : memref<16x32xf32, #tpu.memory_space<vmem>>) offsets(%get3A_1922 : vector<16xi32>) semaphore(%arg13 : memref<!tpu.dma_semaphore, #tpu.memory_space<semaphore_mem>>)
      %dma_wait3A_1929 = arith.constant 0 : i32
      %dma_wait3A_1930 = arith.constant 0 : i32
      %dma_wait3A_1931 = tpu.memref_slice %arg10[%dma_wait3A_1929, %dma_wait3A_1930] : memref<400x32xf32, #tpu.memory_space<vmem>> -> memref<200x32xf32, #tpu.memory_space<vmem>>
      %dma_wait3A_1932 = arith.constant 0 : i32
      %dma_wait3A_1933 = arith.constant 0 : i32
      %dma_wait3A_1934 = tpu.memref_slice %arg6[%mul3A_2, %dma_wait3A_1932, %dma_wait3A_1933] : memref<4096x200x64xf32, #tpu.memory_space<hbm>> -> memref<1x200x32xf32, #tpu.memory_space<hbm>>
      %dma_wait3A_1935 = tpu.memref_squeeze %dma_wait3A_1934 : memref<1x200x32xf32, #tpu.memory_space<hbm>> -> memref<200x32xf32, #tpu.memory_space<hbm>>
      %dma_wait3A_1936 = arith.constant 0 : i32
      %dma_wait3A_1937 = arith.constant 0 : i32
      %dma_wait3A_1938 = tpu.memref_slice %arg6[%mul3A_2, %dma_wait3A_1936, %dma_wait3A_1937] : memref<4096x200x64xf32, #tpu.memory_space<hbm>> -> memref<1x200x32xf32, #tpu.memory_space<hbm>>
      %dma_wait3A_1939 = tpu.memref_squeeze %dma_wait3A_1938 : memref<1x200x32xf32, #tpu.memory_space<hbm>> -> memref<200x32xf32, #tpu.memory_space<hbm>>
      %dma_wait3A_1940 = arith.constant 0 : i32
      %dma_wait3A_1941 = arith.constant 0 : i32
      %dma_wait3A_1942 = tpu.memref_slice %arg10[%dma_wait3A_1940, %dma_wait3A_1941] : memref<400x32xf32, #tpu.memory_space<vmem>> -> memref<200x32xf32, #tpu.memory_space<vmem>>
      tpu.wait_dma2 semaphore(%arg16 : memref<!tpu.dma_semaphore, #tpu.memory_space<semaphore_mem>>) src(%dma_wait3A_1942 : memref<200x32xf32, #tpu.memory_space<vmem>>) dst(%dma_wait3A_1939 : memref<200x32xf32, #tpu.memory_space<hbm>>)
      %dma_wait3A_1943 = arith.constant 0 : i32
      %dma_wait3A_1944 = arith.constant 0 : i32
      %dma_wait3A_1945 = tpu.memref_slice %arg12[%dma_wait3A_1943, %dma_wait3A_1944] : memref<400x32xf32, #tpu.memory_space<vmem>> -> memref<200x32xf32, #tpu.memory_space<vmem>>
      %dma_wait3A_1946 = arith.constant 0 : i32
      %dma_wait3A_1947 = arith.constant 32 : i32
      %dma_wait3A_1948 = tpu.memref_slice %arg6[%mul3A_2, %dma_wait3A_1946, %dma_wait3A_1947] : memref<4096x200x64xf32, #tpu.memory_space<hbm>> -> memref<1x200x32xf32, #tpu.memory_space<hbm>>
      %dma_wait3A_1949 = tpu.memref_squeeze %dma_wait3A_1948 : memref<1x200x32xf32, #tpu.memory_space<hbm>> -> memref<200x32xf32, #tpu.memory_space<hbm>>
      %dma_wait3A_1950 = arith.constant 0 : i32
      %dma_wait3A_1951 = arith.constant 32 : i32
      %dma_wait3A_1952 = tpu.memref_slice %arg6[%mul3A_2, %dma_wait3A_1950, %dma_wait3A_1951] : memref<4096x200x64xf32, #tpu.memory_space<hbm>> -> memref<1x200x32xf32, #tpu.memory_space<hbm>>
      %dma_wait3A_1953 = tpu.memref_squeeze %dma_wait3A_1952 : memref<1x200x32xf32, #tpu.memory_space<hbm>> -> memref<200x32xf32, #tpu.memory_space<hbm>>
      %dma_wait3A_1954 = arith.constant 0 : i32
      %dma_wait3A_1955 = arith.constant 0 : i32
      %dma_wait3A_1956 = tpu.memref_slice %arg12[%dma_wait3A_1954, %dma_wait3A_1955] : memref<400x32xf32, #tpu.memory_space<vmem>> -> memref<200x32xf32, #tpu.memory_space<vmem>>
      tpu.wait_dma2 semaphore(%arg16 : memref<!tpu.dma_semaphore, #tpu.memory_space<semaphore_mem>>) src(%dma_wait3A_1956 : memref<200x32xf32, #tpu.memory_space<vmem>>) dst(%dma_wait3A_1953 : memref<200x32xf32, #tpu.memory_space<hbm>>)
      %dma_wait3A_1957 = arith.constant 0 : i32
      %dma_wait3A_1958 = arith.constant 0 : i32
      %dma_wait3A_1959 = tpu.memref_slice %arg10[%dma_wait3A_1957, %dma_wait3A_1958] : memref<400x32xf32, #tpu.memory_space<vmem>> -> memref<200x32xf32, #tpu.memory_space<vmem>>
      %dma_wait3A_1960 = arith.constant 0 : i32
      %dma_wait3A_1961 = arith.constant 0 : i32
      %dma_wait3A_1962 = tpu.memref_slice %arg6[%mul3A_2, %dma_wait3A_1960, %dma_wait3A_1961] : memref<4096x200x64xf32, #tpu.memory_space<hbm>> -> memref<1x200x32xf32, #tpu.memory_space<hbm>>
      %dma_wait3A_1963 = tpu.memref_squeeze %dma_wait3A_1962 : memref<1x200x32xf32, #tpu.memory_space<hbm>> -> memref<200x32xf32, #tpu.memory_space<hbm>>
      %dma_wait3A_1964 = arith.constant 0 : i32
      %dma_wait3A_1965 = arith.constant 0 : i32
      %dma_wait3A_1966 = tpu.memref_slice %arg6[%mul3A_2, %dma_wait3A_1964, %dma_wait3A_1965] : memref<4096x200x64xf32, #tpu.memory_space<hbm>> -> memref<1x200x32xf32, #tpu.memory_space<hbm>>
      %dma_wait3A_1967 = tpu.memref_squeeze %dma_wait3A_1966 : memref<1x200x32xf32, #tpu.memory_space<hbm>> -> memref<200x32xf32, #tpu.memory_space<hbm>>
      %dma_wait3A_1968 = arith.constant 0 : i32
      %dma_wait3A_1969 = arith.constant 0 : i32
      %dma_wait3A_1970 = tpu.memref_slice %arg10[%dma_wait3A_1968, %dma_wait3A_1969] : memref<400x32xf32, #tpu.memory_space<vmem>> -> memref<200x32xf32, #tpu.memory_space<vmem>>
      tpu.wait_dma2 semaphore(%arg16 : memref<!tpu.dma_semaphore, #tpu.memory_space<semaphore_mem>>) src(%dma_wait3A_1970 : memref<200x32xf32, #tpu.memory_space<vmem>>) dst(%dma_wait3A_1967 : memref<200x32xf32, #tpu.memory_space<hbm>>)
      %dma_wait3A_1971 = arith.constant 0 : i32
      %dma_wait3A_1972 = arith.constant 0 : i32
      %dma_wait3A_1973 = tpu.memref_slice %arg12[%dma_wait3A_1971, %dma_wait3A_1972] : memref<400x32xf32, #tpu.memory_space<vmem>> -> memref<200x32xf32, #tpu.memory_space<vmem>>
      %dma_wait3A_1974 = arith.constant 0 : i32
      %dma_wait3A_1975 = arith.constant 32 : i32
      %dma_wait3A_1976 = tpu.memref_slice %arg6[%mul3A_2, %dma_wait3A_1974, %dma_wait3A_1975] : memref<4096x200x64xf32, #tpu.memory_space<hbm>> -> memref<1x200x32xf32, #tpu.memory_space<hbm>>
      %dma_wait3A_1977 = tpu.memref_squeeze %dma_wait3A_1976 : memref<1x200x32xf32, #tpu.memory_space<hbm>> -> memref<200x32xf32, #tpu.memory_space<hbm>>
      %dma_wait3A_1978 = arith.constant 0 : i32
      %dma_wait3A_1979 = arith.constant 32 : i32
      %dma_wait3A_1980 = tpu.memref_slice %arg6[%mul3A_2, %dma_wait3A_1978, %dma_wait3A_1979] : memref<4096x200x64xf32, #tpu.memory_space<hbm>> -> memref<1x200x32xf32, #tpu.memory_space<hbm>>
      %dma_wait3A_1981 = tpu.memref_squeeze %dma_wait3A_1980 : memref<1x200x32xf32, #tpu.memory_space<hbm>> -> memref<200x32xf32, #tpu.memory_space<hbm>>
      %dma_wait3A_1982 = arith.constant 0 : i32
      %dma_wait3A_1983 = arith.constant 0 : i32
      %dma_wait3A_1984 = tpu.memref_slice %arg12[%dma_wait3A_1982, %dma_wait3A_1983] : memref<400x32xf32, #tpu.memory_space<vmem>> -> memref<200x32xf32, #tpu.memory_space<vmem>>
      tpu.wait_dma2 semaphore(%arg16 : memref<!tpu.dma_semaphore, #tpu.memory_space<semaphore_mem>>) src(%dma_wait3A_1984 : memref<200x32xf32, #tpu.memory_space<vmem>>) dst(%dma_wait3A_1981 : memref<200x32xf32, #tpu.memory_space<hbm>>)
      %add3A_1985 = arith.constant 1 : i32
      %add3A_1986 = arith.addi %add3A_1372, %add3A_1985 : i32
      %get3A_1987 = arith.index_cast %add3A_1986 : i32 to index
      %get3A_1988 = arith.constant 0 : index
      %get3A_1989 = tpu.vector_load %arg7[%get3A_1987, %get3A_1988] {strides = array<i32>} : memref<64x400xi32, #tpu.memory_space<vmem>>, vector<1x16xi32>,
      %get3A_1990 = vector.shape_cast %get3A_1989 : vector<1x16xi32> to vector<16xi32>
      %dma_start3A_1991 = arith.constant 0 : i32
      %dma_start3A_1992 = arith.constant 0 : i32
      %dma_start3A_1993 = tpu.memref_slice %arg10[%dma_start3A_1991, %dma_start3A_1992] : memref<400x32xf32, #tpu.memory_space<vmem>> -> memref<16x32xf32, #tpu.memory_space<vmem>>
      %dma_start3A_1994 = arith.constant 0 : i32
      %dma_start3A_1995 = arith.constant 0 : i32
      %dma_start3A_1996 = tpu.memref_slice %arg4[%dma_start3A_1994, %dma_start3A_1995] : memref<1000000x32xf32, #tpu.memory_space<hbm>> -> memref<1000000x32xf32, #tpu.memory_space<hbm>>
      tpu.enqueue_indirect_dma source(%dma_start3A_1996 : memref<1000000x32xf32, #tpu.memory_space<hbm>>) target(%dma_start3A_1993 : memref<16x32xf32, #tpu.memory_space<vmem>>) offsets(%get3A_1990 : vector<16xi32>) semaphore(%arg14 : memref<!tpu.dma_semaphore, #tpu.memory_space<semaphore_mem>>)
      %get3A_1997 = arith.index_cast %add3A_1986 : i32 to index
      %get3A_1998 = arith.constant 0 : index
      %get3A_1999 = tpu.vector_load %arg8[%get3A_1997, %get3A_1998] {strides = array<i32>} : memref<64x400xi32, #tpu.memory_space<vmem>>, vector<1x16xi32>,
      %get3A_2000 = vector.shape_cast %get3A_1999 : vector<1x16xi32> to vector<16xi32>
      %dma_start3A_2001 = arith.constant 0 : i32
      %dma_start3A_2002 = arith.constant 0 : i32
      %dma_start3A_2003 = tpu.memref_slice %arg12[%dma_start3A_2001, %dma_start3A_2002] : memref<400x32xf32, #tpu.memory_space<vmem>> -> memref<16x32xf32, #tpu.memory_space<vmem>>
      %dma_start3A_2004 = arith.constant 0 : i32
      %dma_start3A_2005 = arith.constant 0 : i32
      %dma_start3A_2006 = tpu.memref_slice %arg5[%dma_start3A_2004, %dma_start3A_2005] : memref<1000000x32xf32, #tpu.memory_space<hbm>> -> memref<1000000x32xf32, #tpu.memory_space<hbm>>
      tpu.enqueue_indirect_dma source(%dma_start3A_2006 : memref<1000000x32xf32, #tpu.memory_space<hbm>>) target(%dma_start3A_2003 : memref<16x32xf32, #tpu.memory_space<vmem>>) offsets(%get3A_2000 : vector<16xi32>) semaphore(%arg14 : memref<!tpu.dma_semaphore, #tpu.memory_space<semaphore_mem>>)
      %get3A_2007 = arith.index_cast %add3A_1986 : i32 to index
      %get3A_2008 = arith.constant 16 : index
      %get3A_2009 = tpu.vector_load %arg7[%get3A_2007, %get3A_2008] {strides = array<i32>} : memref<64x400xi32, #tpu.memory_space<vmem>>, vector<1x16xi32>,
      %get3A_2010 = vector.shape_cast %get3A_2009 : vector<1x16xi32> to vector<16xi32>
      %dma_start3A_2011 = arith.constant 16 : i32
      %dma_start3A_2012 = arith.constant 0 : i32
      %dma_start3A_2013 = tpu.memref_slice %arg10[%dma_start3A_2011, %dma_start3A_2012] : memref<400x32xf32, #tpu.memory_space<vmem>> -> memref<16x32xf32, #tpu.memory_space<vmem>>
      %dma_start3A_2014 = arith.constant 0 : i32
      %dma_start3A_2015 = arith.constant 0 : i32
      %dma_start3A_2016 = tpu.memref_slice %arg4[%dma_start3A_2014, %dma_start3A_2015] : memref<1000000x32xf32, #tpu.memory_space<hbm>> -> memref<1000000x32xf32, #tpu.memory_space<hbm>>
      tpu.enqueue_indirect_dma source(%dma_start3A_2016 : memref<1000000x32xf32, #tpu.memory_space<hbm>>) target(%dma_start3A_2013 : memref<16x32xf32, #tpu.memory_space<vmem>>) offsets(%get3A_2010 : vector<16xi32>) semaphore(%arg14 : memref<!tpu.dma_semaphore, #tpu.memory_space<semaphore_mem>>)
      %get3A_2017 = arith.index_cast %add3A_1986 : i32 to index
      %get3A_2018 = arith.constant 16 : index
      %get3A_2019 = tpu.vector_load %arg8[%get3A_2017, %get3A_2018] {strides = array<i32>} : memref<64x400xi32, #tpu.memory_space<vmem>>, vector<1x16xi32>,
      %get3A_2020 = vector.shape_cast %get3A_2019 : vector<1x16xi32> to vector<16xi32>
      %dma_start3A_2021 = arith.constant 16 : i32
      %dma_start3A_2022 = arith.constant 0 : i32
      %dma_start3A_2023 = tpu.memref_slice %arg12[%dma_start3A_2021, %dma_start3A_2022] : memref<400x32xf32, #tpu.memory_space<vmem>> -> memref<16x32xf32, #tpu.memory_space<vmem>>
      %dma_start3A_2024 = arith.constant 0 : i32
      %dma_start3A_2025 = arith.constant 0 : i32
      %dma_start3A_2026 = tpu.memref_slice %arg5[%dma_start3A_2024, %dma_start3A_2025] : memref<1000000x32xf32, #tpu.memory_space<hbm>> -> memref<1000000x32xf32, #tpu.memory_space<hbm>>
      tpu.enqueue_indirect_dma source(%dma_start3A_2026 : memref<1000000x32xf32, #tpu.memory_space<hbm>>) target(%dma_start3A_2023 : memref<16x32xf32, #tpu.memory_space<vmem>>) offsets(%get3A_2020 : vector<16xi32>) semaphore(%arg14 : memref<!tpu.dma_semaphore, #tpu.memory_space<semaphore_mem>>)
      %get3A_2027 = arith.index_cast %add3A_1986 : i32 to index
      %get3A_2028 = arith.constant 32 : index
      %get3A_2029 = tpu.vector_load %arg7[%get3A_2027, %get3A_2028] {strides = array<i32>} : memref<64x400xi32, #tpu.memory_space<vmem>>, vector<1x16xi32>,
      %get3A_2030 = vector.shape_cast %get3A_2029 : vector<1x16xi32> to vector<16xi32>
      %dma_start3A_2031 = arith.constant 32 : i32
      %dma_start3A_2032 = arith.constant 0 : i32
      %dma_start3A_2033 = tpu.memref_slice %arg10[%dma_start3A_2031, %dma_start3A_2032] : memref<400x32xf32, #tpu.memory_space<vmem>> -> memref<16x32xf32, #tpu.memory_space<vmem>>
      %dma_start3A_2034 = arith.constant 0 : i32
      %dma_start3A_2035 = arith.constant 0 : i32
      %dma_start3A_2036 = tpu.memref_slice %arg4[%dma_start3A_2034, %dma_start3A_2035] : memref<1000000x32xf32, #tpu.memory_space<hbm>> -> memref<1000000x32xf32, #tpu.memory_space<hbm>>
      tpu.enqueue_indirect_dma source(%dma_start3A_2036 : memref<1000000x32xf32, #tpu.memory_space<hbm>>) target(%dma_start3A_2033 : memref<16x32xf32, #tpu.memory_space<vmem>>) offsets(%get3A_2030 : vector<16xi32>) semaphore(%arg14 : memref<!tpu.dma_semaphore, #tpu.memory_space<semaphore_mem>>)
      %get3A_2037 = arith.index_cast %add3A_1986 : i32 to index
      %get3A_2038 = arith.constant 32 : index
      %get3A_2039 = tpu.vector_load %arg8[%get3A_2037, %get3A_2038] {strides = array<i32>} : memref<64x400xi32, #tpu.memory_space<vmem>>, vector<1x16xi32>,
      %get3A_2040 = vector.shape_cast %get3A_2039 : vector<1x16xi32> to vector<16xi32>
      %dma_start3A_2041 = arith.constant 32 : i32
      %dma_start3A_2042 = arith.constant 0 : i32
      %dma_start3A_2043 = tpu.memref_slice %arg12[%dma_start3A_2041, %dma_start3A_2042] : memref<400x32xf32, #tpu.memory_space<vmem>> -> memref<16x32xf32, #tpu.memory_space<vmem>>
      %dma_start3A_2044 = arith.constant 0 : i32
      %dma_start3A_2045 = arith.constant 0 : i32
      %dma_start3A_2046 = tpu.memref_slice %arg5[%dma_start3A_2044, %dma_start3A_2045] : memref<1000000x32xf32, #tpu.memory_space<hbm>> -> memref<1000000x32xf32, #tpu.memory_space<hbm>>
      tpu.enqueue_indirect_dma source(%dma_start3A_2046 : memref<1000000x32xf32, #tpu.memory_space<hbm>>) target(%dma_start3A_2043 : memref<16x32xf32, #tpu.memory_space<vmem>>) offsets(%get3A_2040 : vector<16xi32>) semaphore(%arg14 : memref<!tpu.dma_semaphore, #tpu.memory_space<semaphore_mem>>)
      %get3A_2047 = arith.index_cast %add3A_1986 : i32 to index
      %get3A_2048 = arith.constant 48 : index
      %get3A_2049 = tpu.vector_load %arg7[%get3A_2047, %get3A_2048] {strides = array<i32>} : memref<64x400xi32, #tpu.memory_space<vmem>>, vector<1x16xi32>,
      %get3A_2050 = vector.shape_cast %get3A_2049 : vector<1x16xi32> to vector<16xi32>
      %dma_start3A_2051 = arith.constant 48 : i32
      %dma_start3A_2052 = arith.constant 0 : i32
      %dma_start3A_2053 = tpu.memref_slice %arg10[%dma_start3A_2051, %dma_start3A_2052] : memref<400x32xf32, #tpu.memory_space<vmem>> -> memref<16x32xf32, #tpu.memory_space<vmem>>
      %dma_start3A_2054 = arith.constant 0 : i32
      %dma_start3A_2055 = arith.constant 0 : i32
      %dma_start3A_2056 = tpu.memref_slice %arg4[%dma_start3A_2054, %dma_start3A_2055] : memref<1000000x32xf32, #tpu.memory_space<hbm>> -> memref<1000000x32xf32, #tpu.memory_space<hbm>>
      tpu.enqueue_indirect_dma source(%dma_start3A_2056 : memref<1000000x32xf32, #tpu.memory_space<hbm>>) target(%dma_start3A_2053 : memref<16x32xf32, #tpu.memory_space<vmem>>) offsets(%get3A_2050 : vector<16xi32>) semaphore(%arg14 : memref<!tpu.dma_semaphore, #tpu.memory_space<semaphore_mem>>)
      %get3A_2057 = arith.index_cast %add3A_1986 : i32 to index
      %get3A_2058 = arith.constant 48 : index
      %get3A_2059 = tpu.vector_load %arg8[%get3A_2057, %get3A_2058] {strides = array<i32>} : memref<64x400xi32, #tpu.memory_space<vmem>>, vector<1x16xi32>,
      %get3A_2060 = vector.shape_cast %get3A_2059 : vector<1x16xi32> to vector<16xi32>
      %dma_start3A_2061 = arith.constant 48 : i32
      %dma_start3A_2062 = arith.constant 0 : i32
      %dma_start3A_2063 = tpu.memref_slice %arg12[%dma_start3A_2061, %dma_start3A_2062] : memref<400x32xf32, #tpu.memory_space<vmem>> -> memref<16x32xf32, #tpu.memory_space<vmem>>
      %dma_start3A_2064 = arith.constant 0 : i32
      %dma_start3A_2065 = arith.constant 0 : i32
      %dma_start3A_2066 = tpu.memref_slice %arg5[%dma_start3A_2064, %dma_start3A_2065] : memref<1000000x32xf32, #tpu.memory_space<hbm>> -> memref<1000000x32xf32, #tpu.memory_space<hbm>>
      tpu.enqueue_indirect_dma source(%dma_start3A_2066 : memref<1000000x32xf32, #tpu.memory_space<hbm>>) target(%dma_start3A_2063 : memref<16x32xf32, #tpu.memory_space<vmem>>) offsets(%get3A_2060 : vector<16xi32>) semaphore(%arg14 : memref<!tpu.dma_semaphore, #tpu.memory_space<semaphore_mem>>)
      %get3A_2067 = arith.index_cast %add3A_1986 : i32 to index
      %get3A_2068 = arith.constant 64 : index
      %get3A_2069 = tpu.vector_load %arg7[%get3A_2067, %get3A_2068] {strides = array<i32>} : memref<64x400xi32, #tpu.memory_space<vmem>>, vector<1x16xi32>,
      %get3A_2070 = vector.shape_cast %get3A_2069 : vector<1x16xi32> to vector<16xi32>
      %dma_start3A_2071 = arith.constant 64 : i32
      %dma_start3A_2072 = arith.constant 0 : i32
      %dma_start3A_2073 = tpu.memref_slice %arg10[%dma_start3A_2071, %dma_start3A_2072] : memref<400x32xf32, #tpu.memory_space<vmem>> -> memref<16x32xf32, #tpu.memory_space<vmem>>
      %dma_start3A_2074 = arith.constant 0 : i32
      %dma_start3A_2075 = arith.constant 0 : i32
      %dma_start3A_2076 = tpu.memref_slice %arg4[%dma_start3A_2074, %dma_start3A_2075] : memref<1000000x32xf32, #tpu.memory_space<hbm>> -> memref<1000000x32xf32, #tpu.memory_space<hbm>>
      tpu.enqueue_indirect_dma source(%dma_start3A_2076 : memref<1000000x32xf32, #tpu.memory_space<hbm>>) target(%dma_start3A_2073 : memref<16x32xf32, #tpu.memory_space<vmem>>) offsets(%get3A_2070 : vector<16xi32>) semaphore(%arg14 : memref<!tpu.dma_semaphore, #tpu.memory_space<semaphore_mem>>)
      %get3A_2077 = arith.index_cast %add3A_1986 : i32 to index
      %get3A_2078 = arith.constant 64 : index
      %get3A_2079 = tpu.vector_load %arg8[%get3A_2077, %get3A_2078] {strides = array<i32>} : memref<64x400xi32, #tpu.memory_space<vmem>>, vector<1x16xi32>,
      %get3A_2080 = vector.shape_cast %get3A_2079 : vector<1x16xi32> to vector<16xi32>
      %dma_start3A_2081 = arith.constant 64 : i32
      %dma_start3A_2082 = arith.constant 0 : i32
      %dma_start3A_2083 = tpu.memref_slice %arg12[%dma_start3A_2081, %dma_start3A_2082] : memref<400x32xf32, #tpu.memory_space<vmem>> -> memref<16x32xf32, #tpu.memory_space<vmem>>
      %dma_start3A_2084 = arith.constant 0 : i32
      %dma_start3A_2085 = arith.constant 0 : i32
      %dma_start3A_2086 = tpu.memref_slice %arg5[%dma_start3A_2084, %dma_start3A_2085] : memref<1000000x32xf32, #tpu.memory_space<hbm>> -> memref<1000000x32xf32, #tpu.memory_space<hbm>>
      tpu.enqueue_indirect_dma source(%dma_start3A_2086 : memref<1000000x32xf32, #tpu.memory_space<hbm>>) target(%dma_start3A_2083 : memref<16x32xf32, #tpu.memory_space<vmem>>) offsets(%get3A_2080 : vector<16xi32>) semaphore(%arg14 : memref<!tpu.dma_semaphore, #tpu.memory_space<semaphore_mem>>)
      %get3A_2087 = arith.index_cast %add3A_1986 : i32 to index
      %get3A_2088 = arith.constant 80 : index
      %get3A_2089 = tpu.vector_load %arg7[%get3A_2087, %get3A_2088] {strides = array<i32>} : memref<64x400xi32, #tpu.memory_space<vmem>>, vector<1x16xi32>,
      %get3A_2090 = vector.shape_cast %get3A_2089 : vector<1x16xi32> to vector<16xi32>
      %dma_start3A_2091 = arith.constant 80 : i32
      %dma_start3A_2092 = arith.constant 0 : i32
      %dma_start3A_2093 = tpu.memref_slice %arg10[%dma_start3A_2091, %dma_start3A_2092] : memref<400x32xf32, #tpu.memory_space<vmem>> -> memref<16x32xf32, #tpu.memory_space<vmem>>
      %dma_start3A_2094 = arith.constant 0 : i32
      %dma_start3A_2095 = arith.constant 0 : i32
      %dma_start3A_2096 = tpu.memref_slice %arg4[%dma_start3A_2094, %dma_start3A_2095] : memref<1000000x32xf32, #tpu.memory_space<hbm>> -> memref<1000000x32xf32, #tpu.memory_space<hbm>>
      tpu.enqueue_indirect_dma source(%dma_start3A_2096 : memref<1000000x32xf32, #tpu.memory_space<hbm>>) target(%dma_start3A_2093 : memref<16x32xf32, #tpu.memory_space<vmem>>) offsets(%get3A_2090 : vector<16xi32>) semaphore(%arg14 : memref<!tpu.dma_semaphore, #tpu.memory_space<semaphore_mem>>)
      %get3A_2097 = arith.index_cast %add3A_1986 : i32 to index
      %get3A_2098 = arith.constant 80 : index
      %get3A_2099 = tpu.vector_load %arg8[%get3A_2097, %get3A_2098] {strides = array<i32>} : memref<64x400xi32, #tpu.memory_space<vmem>>, vector<1x16xi32>,
      %get3A_2100 = vector.shape_cast %get3A_2099 : vector<1x16xi32> to vector<16xi32>
      %dma_start3A_2101 = arith.constant 80 : i32
      %dma_start3A_2102 = arith.constant 0 : i32
      %dma_start3A_2103 = tpu.memref_slice %arg12[%dma_start3A_2101, %dma_start3A_2102] : memref<400x32xf32, #tpu.memory_space<vmem>> -> memref<16x32xf32, #tpu.memory_space<vmem>>
      %dma_start3A_2104 = arith.constant 0 : i32
      %dma_start3A_2105 = arith.constant 0 : i32
      %dma_start3A_2106 = tpu.memref_slice %arg5[%dma_start3A_2104, %dma_start3A_2105] : memref<1000000x32xf32, #tpu.memory_space<hbm>> -> memref<1000000x32xf32, #tpu.memory_space<hbm>>
      tpu.enqueue_indirect_dma source(%dma_start3A_2106 : memref<1000000x32xf32, #tpu.memory_space<hbm>>) target(%dma_start3A_2103 : memref<16x32xf32, #tpu.memory_space<vmem>>) offsets(%get3A_2100 : vector<16xi32>) semaphore(%arg14 : memref<!tpu.dma_semaphore, #tpu.memory_space<semaphore_mem>>)
      %get3A_2107 = arith.index_cast %add3A_1986 : i32 to index
      %get3A_2108 = arith.constant 96 : index
      %get3A_2109 = tpu.vector_load %arg7[%get3A_2107, %get3A_2108] {strides = array<i32>} : memref<64x400xi32, #tpu.memory_space<vmem>>, vector<1x16xi32>,
      %get3A_2110 = vector.shape_cast %get3A_2109 : vector<1x16xi32> to vector<16xi32>
      %dma_start3A_2111 = arith.constant 96 : i32
      %dma_start3A_2112 = arith.constant 0 : i32
      %dma_start3A_2113 = tpu.memref_slice %arg10[%dma_start3A_2111, %dma_start3A_2112] : memref<400x32xf32, #tpu.memory_space<vmem>> -> memref<16x32xf32, #tpu.memory_space<vmem>>
      %dma_start3A_2114 = arith.constant 0 : i32
      %dma_start3A_2115 = arith.constant 0 : i32
      %dma_start3A_2116 = tpu.memref_slice %arg4[%dma_start3A_2114, %dma_start3A_2115] : memref<1000000x32xf32, #tpu.memory_space<hbm>> -> memref<1000000x32xf32, #tpu.memory_space<hbm>>
      tpu.enqueue_indirect_dma source(%dma_start3A_2116 : memref<1000000x32xf32, #tpu.memory_space<hbm>>) target(%dma_start3A_2113 : memref<16x32xf32, #tpu.memory_space<vmem>>) offsets(%get3A_2110 : vector<16xi32>) semaphore(%arg14 : memref<!tpu.dma_semaphore, #tpu.memory_space<semaphore_mem>>)
      %get3A_2117 = arith.index_cast %add3A_1986 : i32 to index
      %get3A_2118 = arith.constant 96 : index
      %get3A_2119 = tpu.vector_load %arg8[%get3A_2117, %get3A_2118] {strides = array<i32>} : memref<64x400xi32, #tpu.memory_space<vmem>>, vector<1x16xi32>,
      %get3A_2120 = vector.shape_cast %get3A_2119 : vector<1x16xi32> to vector<16xi32>
      %dma_start3A_2121 = arith.constant 96 : i32
      %dma_start3A_2122 = arith.constant 0 : i32
      %dma_start3A_2123 = tpu.memref_slice %arg12[%dma_start3A_2121, %dma_start3A_2122] : memref<400x32xf32, #tpu.memory_space<vmem>> -> memref<16x32xf32, #tpu.memory_space<vmem>>
      %dma_start3A_2124 = arith.constant 0 : i32
      %dma_start3A_2125 = arith.constant 0 : i32
      %dma_start3A_2126 = tpu.memref_slice %arg5[%dma_start3A_2124, %dma_start3A_2125] : memref<1000000x32xf32, #tpu.memory_space<hbm>> -> memref<1000000x32xf32, #tpu.memory_space<hbm>>
      tpu.enqueue_indirect_dma source(%dma_start3A_2126 : memref<1000000x32xf32, #tpu.memory_space<hbm>>) target(%dma_start3A_2123 : memref<16x32xf32, #tpu.memory_space<vmem>>) offsets(%get3A_2120 : vector<16xi32>) semaphore(%arg14 : memref<!tpu.dma_semaphore, #tpu.memory_space<semaphore_mem>>)
      %get3A_2127 = arith.index_cast %add3A_1986 : i32 to index
      %get3A_2128 = arith.constant 112 : index
      %get3A_2129 = tpu.vector_load %arg7[%get3A_2127, %get3A_2128] {strides = array<i32>} : memref<64x400xi32, #tpu.memory_space<vmem>>, vector<1x16xi32>,
      %get3A_2130 = vector.shape_cast %get3A_2129 : vector<1x16xi32> to vector<16xi32>
      %dma_start3A_2131 = arith.constant 112 : i32
      %dma_start3A_2132 = arith.constant 0 : i32
      %dma_start3A_2133 = tpu.memref_slice %arg10[%dma_start3A_2131, %dma_start3A_2132] : memref<400x32xf32, #tpu.memory_space<vmem>> -> memref<16x32xf32, #tpu.memory_space<vmem>>
      %dma_start3A_2134 = arith.constant 0 : i32
      %dma_start3A_2135 = arith.constant 0 : i32
      %dma_start3A_2136 = tpu.memref_slice %arg4[%dma_start3A_2134, %dma_start3A_2135] : memref<1000000x32xf32, #tpu.memory_space<hbm>> -> memref<1000000x32xf32, #tpu.memory_space<hbm>>
      tpu.enqueue_indirect_dma source(%dma_start3A_2136 : memref<1000000x32xf32, #tpu.memory_space<hbm>>) target(%dma_start3A_2133 : memref<16x32xf32, #tpu.memory_space<vmem>>) offsets(%get3A_2130 : vector<16xi32>) semaphore(%arg14 : memref<!tpu.dma_semaphore, #tpu.memory_space<semaphore_mem>>)
      %get3A_2137 = arith.index_cast %add3A_1986 : i32 to index
      %get3A_2138 = arith.constant 112 : index
      %get3A_2139 = tpu.vector_load %arg8[%get3A_2137, %get3A_2138] {strides = array<i32>} : memref<64x400xi32, #tpu.memory_space<vmem>>, vector<1x16xi32>,
      %get3A_2140 = vector.shape_cast %get3A_2139 : vector<1x16xi32> to vector<16xi32>
      %dma_start3A_2141 = arith.constant 112 : i32
      %dma_start3A_2142 = arith.constant 0 : i32
      %dma_start3A_2143 = tpu.memref_slice %arg12[%dma_start3A_2141, %dma_start3A_2142] : memref<400x32xf32, #tpu.memory_space<vmem>> -> memref<16x32xf32, #tpu.memory_space<vmem>>
      %dma_start3A_2144 = arith.constant 0 : i32
      %dma_start3A_2145 = arith.constant 0 : i32
      %dma_start3A_2146 = tpu.memref_slice %arg5[%dma_start3A_2144, %dma_start3A_2145] : memref<1000000x32xf32, #tpu.memory_space<hbm>> -> memref<1000000x32xf32, #tpu.memory_space<hbm>>
      tpu.enqueue_indirect_dma source(%dma_start3A_2146 : memref<1000000x32xf32, #tpu.memory_space<hbm>>) target(%dma_start3A_2143 : memref<16x32xf32, #tpu.memory_space<vmem>>) offsets(%get3A_2140 : vector<16xi32>) semaphore(%arg14 : memref<!tpu.dma_semaphore, #tpu.memory_space<semaphore_mem>>)
      %get3A_2147 = arith.index_cast %add3A_1986 : i32 to index
      %get3A_2148 = arith.constant 128 : index
      %get3A_2149 = tpu.vector_load %arg7[%get3A_2147, %get3A_2148] {strides = array<i32>} : memref<64x400xi32, #tpu.memory_space<vmem>>, vector<1x16xi32>,
      %get3A_2150 = vector.shape_cast %get3A_2149 : vector<1x16xi32> to vector<16xi32>
      %dma_start3A_2151 = arith.constant 128 : i32
      %dma_start3A_2152 = arith.constant 0 : i32
      %dma_start3A_2153 = tpu.memref_slice %arg10[%dma_start3A_2151, %dma_start3A_2152] : memref<400x32xf32, #tpu.memory_space<vmem>> -> memref<16x32xf32, #tpu.memory_space<vmem>>
      %dma_start3A_2154 = arith.constant 0 : i32
      %dma_start3A_2155 = arith.constant 0 : i32
      %dma_start3A_2156 = tpu.memref_slice %arg4[%dma_start3A_2154, %dma_start3A_2155] : memref<1000000x32xf32, #tpu.memory_space<hbm>> -> memref<1000000x32xf32, #tpu.memory_space<hbm>>
      tpu.enqueue_indirect_dma source(%dma_start3A_2156 : memref<1000000x32xf32, #tpu.memory_space<hbm>>) target(%dma_start3A_2153 : memref<16x32xf32, #tpu.memory_space<vmem>>) offsets(%get3A_2150 : vector<16xi32>) semaphore(%arg14 : memref<!tpu.dma_semaphore, #tpu.memory_space<semaphore_mem>>)
      %get3A_2157 = arith.index_cast %add3A_1986 : i32 to index
      %get3A_2158 = arith.constant 128 : index
      %get3A_2159 = tpu.vector_load %arg8[%get3A_2157, %get3A_2158] {strides = array<i32>} : memref<64x400xi32, #tpu.memory_space<vmem>>, vector<1x16xi32>,
      %get3A_2160 = vector.shape_cast %get3A_2159 : vector<1x16xi32> to vector<16xi32>
      %dma_start3A_2161 = arith.constant 128 : i32
      %dma_start3A_2162 = arith.constant 0 : i32
      %dma_start3A_2163 = tpu.memref_slice %arg12[%dma_start3A_2161, %dma_start3A_2162] : memref<400x32xf32, #tpu.memory_space<vmem>> -> memref<16x32xf32, #tpu.memory_space<vmem>>
      %dma_start3A_2164 = arith.constant 0 : i32
      %dma_start3A_2165 = arith.constant 0 : i32
      %dma_start3A_2166 = tpu.memref_slice %arg5[%dma_start3A_2164, %dma_start3A_2165] : memref<1000000x32xf32, #tpu.memory_space<hbm>> -> memref<1000000x32xf32, #tpu.memory_space<hbm>>
      tpu.enqueue_indirect_dma source(%dma_start3A_2166 : memref<1000000x32xf32, #tpu.memory_space<hbm>>) target(%dma_start3A_2163 : memref<16x32xf32, #tpu.memory_space<vmem>>) offsets(%get3A_2160 : vector<16xi32>) semaphore(%arg14 : memref<!tpu.dma_semaphore, #tpu.memory_space<semaphore_mem>>)
      %get3A_2167 = arith.index_cast %add3A_1986 : i32 to index
      %get3A_2168 = arith.constant 144 : index
      %get3A_2169 = tpu.vector_load %arg7[%get3A_2167, %get3A_2168] {strides = array<i32>} : memref<64x400xi32, #tpu.memory_space<vmem>>, vector<1x16xi32>,
      %get3A_2170 = vector.shape_cast %get3A_2169 : vector<1x16xi32> to vector<16xi32>
      %dma_start3A_2171 = arith.constant 144 : i32
      %dma_start3A_2172 = arith.constant 0 : i32
      %dma_start3A_2173 = tpu.memref_slice %arg10[%dma_start3A_2171, %dma_start3A_2172] : memref<400x32xf32, #tpu.memory_space<vmem>> -> memref<16x32xf32, #tpu.memory_space<vmem>>
      %dma_start3A_2174 = arith.constant 0 : i32
      %dma_start3A_2175 = arith.constant 0 : i32
      %dma_start3A_2176 = tpu.memref_slice %arg4[%dma_start3A_2174, %dma_start3A_2175] : memref<1000000x32xf32, #tpu.memory_space<hbm>> -> memref<1000000x32xf32, #tpu.memory_space<hbm>>
      tpu.enqueue_indirect_dma source(%dma_start3A_2176 : memref<1000000x32xf32, #tpu.memory_space<hbm>>) target(%dma_start3A_2173 : memref<16x32xf32, #tpu.memory_space<vmem>>) offsets(%get3A_2170 : vector<16xi32>) semaphore(%arg14 : memref<!tpu.dma_semaphore, #tpu.memory_space<semaphore_mem>>)
      %get3A_2177 = arith.index_cast %add3A_1986 : i32 to index
      %get3A_2178 = arith.constant 144 : index
      %get3A_2179 = tpu.vector_load %arg8[%get3A_2177, %get3A_2178] {strides = array<i32>} : memref<64x400xi32, #tpu.memory_space<vmem>>, vector<1x16xi32>,
      %get3A_2180 = vector.shape_cast %get3A_2179 : vector<1x16xi32> to vector<16xi32>
      %dma_start3A_2181 = arith.constant 144 : i32
      %dma_start3A_2182 = arith.constant 0 : i32
      %dma_start3A_2183 = tpu.memref_slice %arg12[%dma_start3A_2181, %dma_start3A_2182] : memref<400x32xf32, #tpu.memory_space<vmem>> -> memref<16x32xf32, #tpu.memory_space<vmem>>
      %dma_start3A_2184 = arith.constant 0 : i32
      %dma_start3A_2185 = arith.constant 0 : i32
      %dma_start3A_2186 = tpu.memref_slice %arg5[%dma_start3A_2184, %dma_start3A_2185] : memref<1000000x32xf32, #tpu.memory_space<hbm>> -> memref<1000000x32xf32, #tpu.memory_space<hbm>>
      tpu.enqueue_indirect_dma source(%dma_start3A_2186 : memref<1000000x32xf32, #tpu.memory_space<hbm>>) target(%dma_start3A_2183 : memref<16x32xf32, #tpu.memory_space<vmem>>) offsets(%get3A_2180 : vector<16xi32>) semaphore(%arg14 : memref<!tpu.dma_semaphore, #tpu.memory_space<semaphore_mem>>)
      %get3A_2187 = arith.index_cast %add3A_1986 : i32 to index
      %get3A_2188 = arith.constant 160 : index
      %get3A_2189 = tpu.vector_load %arg7[%get3A_2187, %get3A_2188] {strides = array<i32>} : memref<64x400xi32, #tpu.memory_space<vmem>>, vector<1x16xi32>,
      %get3A_2190 = vector.shape_cast %get3A_2189 : vector<1x16xi32> to vector<16xi32>
      %dma_start3A_2191 = arith.constant 160 : i32
      %dma_start3A_2192 = arith.constant 0 : i32
      %dma_start3A_2193 = tpu.memref_slice %arg10[%dma_start3A_2191, %dma_start3A_2192] : memref<400x32xf32, #tpu.memory_space<vmem>> -> memref<16x32xf32, #tpu.memory_space<vmem>>
      %dma_start3A_2194 = arith.constant 0 : i32
      %dma_start3A_2195 = arith.constant 0 : i32
      %dma_start3A_2196 = tpu.memref_slice %arg4[%dma_start3A_2194, %dma_start3A_2195] : memref<1000000x32xf32, #tpu.memory_space<hbm>> -> memref<1000000x32xf32, #tpu.memory_space<hbm>>
      tpu.enqueue_indirect_dma source(%dma_start3A_2196 : memref<1000000x32xf32, #tpu.memory_space<hbm>>) target(%dma_start3A_2193 : memref<16x32xf32, #tpu.memory_space<vmem>>) offsets(%get3A_2190 : vector<16xi32>) semaphore(%arg14 : memref<!tpu.dma_semaphore, #tpu.memory_space<semaphore_mem>>)
      %get3A_2197 = arith.index_cast %add3A_1986 : i32 to index
      %get3A_2198 = arith.constant 160 : index
      %get3A_2199 = tpu.vector_load %arg8[%get3A_2197, %get3A_2198] {strides = array<i32>} : memref<64x400xi32, #tpu.memory_space<vmem>>, vector<1x16xi32>,
      %get3A_2200 = vector.shape_cast %get3A_2199 : vector<1x16xi32> to vector<16xi32>
      %dma_start3A_2201 = arith.constant 160 : i32
      %dma_start3A_2202 = arith.constant 0 : i32
      %dma_start3A_2203 = tpu.memref_slice %arg12[%dma_start3A_2201, %dma_start3A_2202] : memref<400x32xf32, #tpu.memory_space<vmem>> -> memref<16x32xf32, #tpu.memory_space<vmem>>
      %dma_start3A_2204 = arith.constant 0 : i32
      %dma_start3A_2205 = arith.constant 0 : i32
      %dma_start3A_2206 = tpu.memref_slice %arg5[%dma_start3A_2204, %dma_start3A_2205] : memref<1000000x32xf32, #tpu.memory_space<hbm>> -> memref<1000000x32xf32, #tpu.memory_space<hbm>>
      tpu.enqueue_indirect_dma source(%dma_start3A_2206 : memref<1000000x32xf32, #tpu.memory_space<hbm>>) target(%dma_start3A_2203 : memref<16x32xf32, #tpu.memory_space<vmem>>) offsets(%get3A_2200 : vector<16xi32>) semaphore(%arg14 : memref<!tpu.dma_semaphore, #tpu.memory_space<semaphore_mem>>)
      %get3A_2207 = arith.index_cast %add3A_1986 : i32 to index
      %get3A_2208 = arith.constant 176 : index
      %get3A_2209 = tpu.vector_load %arg7[%get3A_2207, %get3A_2208] {strides = array<i32>} : memref<64x400xi32, #tpu.memory_space<vmem>>, vector<1x16xi32>,
      %get3A_2210 = vector.shape_cast %get3A_2209 : vector<1x16xi32> to vector<16xi32>
      %dma_start3A_2211 = arith.constant 176 : i32
      %dma_start3A_2212 = arith.constant 0 : i32
      %dma_start3A_2213 = tpu.memref_slice %arg10[%dma_start3A_2211, %dma_start3A_2212] : memref<400x32xf32, #tpu.memory_space<vmem>> -> memref<16x32xf32, #tpu.memory_space<vmem>>
      %dma_start3A_2214 = arith.constant 0 : i32
      %dma_start3A_2215 = arith.constant 0 : i32
      %dma_start3A_2216 = tpu.memref_slice %arg4[%dma_start3A_2214, %dma_start3A_2215] : memref<1000000x32xf32, #tpu.memory_space<hbm>> -> memref<1000000x32xf32, #tpu.memory_space<hbm>>
      tpu.enqueue_indirect_dma source(%dma_start3A_2216 : memref<1000000x32xf32, #tpu.memory_space<hbm>>) target(%dma_start3A_2213 : memref<16x32xf32, #tpu.memory_space<vmem>>) offsets(%get3A_2210 : vector<16xi32>) semaphore(%arg14 : memref<!tpu.dma_semaphore, #tpu.memory_space<semaphore_mem>>)
      %get3A_2217 = arith.index_cast %add3A_1986 : i32 to index
      %get3A_2218 = arith.constant 176 : index
      %get3A_2219 = tpu.vector_load %arg8[%get3A_2217, %get3A_2218] {strides = array<i32>} : memref<64x400xi32, #tpu.memory_space<vmem>>, vector<1x16xi32>,
      %get3A_2220 = vector.shape_cast %get3A_2219 : vector<1x16xi32> to vector<16xi32>
      %dma_start3A_2221 = arith.constant 176 : i32
      %dma_start3A_2222 = arith.constant 0 : i32
      %dma_start3A_2223 = tpu.memref_slice %arg12[%dma_start3A_2221, %dma_start3A_2222] : memref<400x32xf32, #tpu.memory_space<vmem>> -> memref<16x32xf32, #tpu.memory_space<vmem>>
      %dma_start3A_2224 = arith.constant 0 : i32
      %dma_start3A_2225 = arith.constant 0 : i32
      %dma_start3A_2226 = tpu.memref_slice %arg5[%dma_start3A_2224, %dma_start3A_2225] : memref<1000000x32xf32, #tpu.memory_space<hbm>> -> memref<1000000x32xf32, #tpu.memory_space<hbm>>
      tpu.enqueue_indirect_dma source(%dma_start3A_2226 : memref<1000000x32xf32, #tpu.memory_space<hbm>>) target(%dma_start3A_2223 : memref<16x32xf32, #tpu.memory_space<vmem>>) offsets(%get3A_2220 : vector<16xi32>) semaphore(%arg14 : memref<!tpu.dma_semaphore, #tpu.memory_space<semaphore_mem>>)
      %get3A_2227 = arith.index_cast %add3A_1986 : i32 to index
      %get3A_2228 = arith.constant 192 : index
      %get3A_2229 = tpu.vector_load %arg7[%get3A_2227, %get3A_2228] {strides = array<i32>} : memref<64x400xi32, #tpu.memory_space<vmem>>, vector<1x16xi32>,
      %get3A_2230 = vector.shape_cast %get3A_2229 : vector<1x16xi32> to vector<16xi32>
      %dma_start3A_2231 = arith.constant 192 : i32
      %dma_start3A_2232 = arith.constant 0 : i32
      %dma_start3A_2233 = tpu.memref_slice %arg10[%dma_start3A_2231, %dma_start3A_2232] : memref<400x32xf32, #tpu.memory_space<vmem>> -> memref<16x32xf32, #tpu.memory_space<vmem>>
      %dma_start3A_2234 = arith.constant 0 : i32
      %dma_start3A_2235 = arith.constant 0 : i32
      %dma_start3A_2236 = tpu.memref_slice %arg4[%dma_start3A_2234, %dma_start3A_2235] : memref<1000000x32xf32, #tpu.memory_space<hbm>> -> memref<1000000x32xf32, #tpu.memory_space<hbm>>
      tpu.enqueue_indirect_dma source(%dma_start3A_2236 : memref<1000000x32xf32, #tpu.memory_space<hbm>>) target(%dma_start3A_2233 : memref<16x32xf32, #tpu.memory_space<vmem>>) offsets(%get3A_2230 : vector<16xi32>) semaphore(%arg14 : memref<!tpu.dma_semaphore, #tpu.memory_space<semaphore_mem>>)
      %get3A_2237 = arith.index_cast %add3A_1986 : i32 to index
      %get3A_2238 = arith.constant 192 : index
      %get3A_2239 = tpu.vector_load %arg8[%get3A_2237, %get3A_2238] {strides = array<i32>} : memref<64x400xi32, #tpu.memory_space<vmem>>, vector<1x16xi32>,
      %get3A_2240 = vector.shape_cast %get3A_2239 : vector<1x16xi32> to vector<16xi32>
      %dma_start3A_2241 = arith.constant 192 : i32
      %dma_start3A_2242 = arith.constant 0 : i32
      %dma_start3A_2243 = tpu.memref_slice %arg12[%dma_start3A_2241, %dma_start3A_2242] : memref<400x32xf32, #tpu.memory_space<vmem>> -> memref<16x32xf32, #tpu.memory_space<vmem>>
      %dma_start3A_2244 = arith.constant 0 : i32
      %dma_start3A_2245 = arith.constant 0 : i32
      %dma_start3A_2246 = tpu.memref_slice %arg5[%dma_start3A_2244, %dma_start3A_2245] : memref<1000000x32xf32, #tpu.memory_space<hbm>> -> memref<1000000x32xf32, #tpu.memory_space<hbm>>
      tpu.enqueue_indirect_dma source(%dma_start3A_2246 : memref<1000000x32xf32, #tpu.memory_space<hbm>>) target(%dma_start3A_2243 : memref<16x32xf32, #tpu.memory_space<vmem>>) offsets(%get3A_2240 : vector<16xi32>) semaphore(%arg14 : memref<!tpu.dma_semaphore, #tpu.memory_space<semaphore_mem>>)
      %get3A_2247 = arith.index_cast %add3A_1986 : i32 to index
      %get3A_2248 = arith.constant 208 : index
      %get3A_2249 = tpu.vector_load %arg7[%get3A_2247, %get3A_2248] {strides = array<i32>} : memref<64x400xi32, #tpu.memory_space<vmem>>, vector<1x16xi32>,
      %get3A_2250 = vector.shape_cast %get3A_2249 : vector<1x16xi32> to vector<16xi32>
      %dma_start3A_2251 = arith.constant 208 : i32
      %dma_start3A_2252 = arith.constant 0 : i32
      %dma_start3A_2253 = tpu.memref_slice %arg10[%dma_start3A_2251, %dma_start3A_2252] : memref<400x32xf32, #tpu.memory_space<vmem>> -> memref<16x32xf32, #tpu.memory_space<vmem>>
      %dma_start3A_2254 = arith.constant 0 : i32
      %dma_start3A_2255 = arith.constant 0 : i32
      %dma_start3A_2256 = tpu.memref_slice %arg4[%dma_start3A_2254, %dma_start3A_2255] : memref<1000000x32xf32, #tpu.memory_space<hbm>> -> memref<1000000x32xf32, #tpu.memory_space<hbm>>
      tpu.enqueue_indirect_dma source(%dma_start3A_2256 : memref<1000000x32xf32, #tpu.memory_space<hbm>>) target(%dma_start3A_2253 : memref<16x32xf32, #tpu.memory_space<vmem>>) offsets(%get3A_2250 : vector<16xi32>) semaphore(%arg14 : memref<!tpu.dma_semaphore, #tpu.memory_space<semaphore_mem>>)
      %get3A_2257 = arith.index_cast %add3A_1986 : i32 to index
      %get3A_2258 = arith.constant 208 : index
      %get3A_2259 = tpu.vector_load %arg8[%get3A_2257, %get3A_2258] {strides = array<i32>} : memref<64x400xi32, #tpu.memory_space<vmem>>, vector<1x16xi32>,
      %get3A_2260 = vector.shape_cast %get3A_2259 : vector<1x16xi32> to vector<16xi32>
      %dma_start3A_2261 = arith.constant 208 : i32
      %dma_start3A_2262 = arith.constant 0 : i32
      %dma_start3A_2263 = tpu.memref_slice %arg12[%dma_start3A_2261, %dma_start3A_2262] : memref<400x32xf32, #tpu.memory_space<vmem>> -> memref<16x32xf32, #tpu.memory_space<vmem>>
      %dma_start3A_2264 = arith.constant 0 : i32
      %dma_start3A_2265 = arith.constant 0 : i32
      %dma_start3A_2266 = tpu.memref_slice %arg5[%dma_start3A_2264, %dma_start3A_2265] : memref<1000000x32xf32, #tpu.memory_space<hbm>> -> memref<1000000x32xf32, #tpu.memory_space<hbm>>
      tpu.enqueue_indirect_dma source(%dma_start3A_2266 : memref<1000000x32xf32, #tpu.memory_space<hbm>>) target(%dma_start3A_2263 : memref<16x32xf32, #tpu.memory_space<vmem>>) offsets(%get3A_2260 : vector<16xi32>) semaphore(%arg14 : memref<!tpu.dma_semaphore, #tpu.memory_space<semaphore_mem>>)
      %get3A_2267 = arith.index_cast %add3A_1986 : i32 to index
      %get3A_2268 = arith.constant 224 : index
      %get3A_2269 = tpu.vector_load %arg7[%get3A_2267, %get3A_2268] {strides = array<i32>} : memref<64x400xi32, #tpu.memory_space<vmem>>, vector<1x16xi32>,
      %get3A_2270 = vector.shape_cast %get3A_2269 : vector<1x16xi32> to vector<16xi32>
      %dma_start3A_2271 = arith.constant 224 : i32
      %dma_start3A_2272 = arith.constant 0 : i32
      %dma_start3A_2273 = tpu.memref_slice %arg10[%dma_start3A_2271, %dma_start3A_2272] : memref<400x32xf32, #tpu.memory_space<vmem>> -> memref<16x32xf32, #tpu.memory_space<vmem>>
      %dma_start3A_2274 = arith.constant 0 : i32
      %dma_start3A_2275 = arith.constant 0 : i32
      %dma_start3A_2276 = tpu.memref_slice %arg4[%dma_start3A_2274, %dma_start3A_2275] : memref<1000000x32xf32, #tpu.memory_space<hbm>> -> memref<1000000x32xf32, #tpu.memory_space<hbm>>
      tpu.enqueue_indirect_dma source(%dma_start3A_2276 : memref<1000000x32xf32, #tpu.memory_space<hbm>>) target(%dma_start3A_2273 : memref<16x32xf32, #tpu.memory_space<vmem>>) offsets(%get3A_2270 : vector<16xi32>) semaphore(%arg14 : memref<!tpu.dma_semaphore, #tpu.memory_space<semaphore_mem>>)
      %get3A_2277 = arith.index_cast %add3A_1986 : i32 to index
      %get3A_2278 = arith.constant 224 : index
      %get3A_2279 = tpu.vector_load %arg8[%get3A_2277, %get3A_2278] {strides = array<i32>} : memref<64x400xi32, #tpu.memory_space<vmem>>, vector<1x16xi32>,
      %get3A_2280 = vector.shape_cast %get3A_2279 : vector<1x16xi32> to vector<16xi32>
      %dma_start3A_2281 = arith.constant 224 : i32
      %dma_start3A_2282 = arith.constant 0 : i32
      %dma_start3A_2283 = tpu.memref_slice %arg12[%dma_start3A_2281, %dma_start3A_2282] : memref<400x32xf32, #tpu.memory_space<vmem>> -> memref<16x32xf32, #tpu.memory_space<vmem>>
      %dma_start3A_2284 = arith.constant 0 : i32
      %dma_start3A_2285 = arith.constant 0 : i32
      %dma_start3A_2286 = tpu.memref_slice %arg5[%dma_start3A_2284, %dma_start3A_2285] : memref<1000000x32xf32, #tpu.memory_space<hbm>> -> memref<1000000x32xf32, #tpu.memory_space<hbm>>
      tpu.enqueue_indirect_dma source(%dma_start3A_2286 : memref<1000000x32xf32, #tpu.memory_space<hbm>>) target(%dma_start3A_2283 : memref<16x32xf32, #tpu.memory_space<vmem>>) offsets(%get3A_2280 : vector<16xi32>) semaphore(%arg14 : memref<!tpu.dma_semaphore, #tpu.memory_space<semaphore_mem>>)
      %get3A_2287 = arith.index_cast %add3A_1986 : i32 to index
      %get3A_2288 = arith.constant 240 : index
      %get3A_2289 = tpu.vector_load %arg7[%get3A_2287, %get3A_2288] {strides = array<i32>} : memref<64x400xi32, #tpu.memory_space<vmem>>, vector<1x16xi32>,
      %get3A_2290 = vector.shape_cast %get3A_2289 : vector<1x16xi32> to vector<16xi32>
      %dma_start3A_2291 = arith.constant 240 : i32
      %dma_start3A_2292 = arith.constant 0 : i32
      %dma_start3A_2293 = tpu.memref_slice %arg10[%dma_start3A_2291, %dma_start3A_2292] : memref<400x32xf32, #tpu.memory_space<vmem>> -> memref<16x32xf32, #tpu.memory_space<vmem>>
      %dma_start3A_2294 = arith.constant 0 : i32
      %dma_start3A_2295 = arith.constant 0 : i32
      %dma_start3A_2296 = tpu.memref_slice %arg4[%dma_start3A_2294, %dma_start3A_2295] : memref<1000000x32xf32, #tpu.memory_space<hbm>> -> memref<1000000x32xf32, #tpu.memory_space<hbm>>
      tpu.enqueue_indirect_dma source(%dma_start3A_2296 : memref<1000000x32xf32, #tpu.memory_space<hbm>>) target(%dma_start3A_2293 : memref<16x32xf32, #tpu.memory_space<vmem>>) offsets(%get3A_2290 : vector<16xi32>) semaphore(%arg14 : memref<!tpu.dma_semaphore, #tpu.memory_space<semaphore_mem>>)
      %get3A_2297 = arith.index_cast %add3A_1986 : i32 to index
      %get3A_2298 = arith.constant 240 : index
      %get3A_2299 = tpu.vector_load %arg8[%get3A_2297, %get3A_2298] {strides = array<i32>} : memref<64x400xi32, #tpu.memory_space<vmem>>, vector<1x16xi32>,
      %get3A_2300 = vector.shape_cast %get3A_2299 : vector<1x16xi32> to vector<16xi32>
      %dma_start3A_2301 = arith.constant 240 : i32
      %dma_start3A_2302 = arith.constant 0 : i32
      %dma_start3A_2303 = tpu.memref_slice %arg12[%dma_start3A_2301, %dma_start3A_2302] : memref<400x32xf32, #tpu.memory_space<vmem>> -> memref<16x32xf32, #tpu.memory_space<vmem>>
      %dma_start3A_2304 = arith.constant 0 : i32
      %dma_start3A_2305 = arith.constant 0 : i32
      %dma_start3A_2306 = tpu.memref_slice %arg5[%dma_start3A_2304, %dma_start3A_2305] : memref<1000000x32xf32, #tpu.memory_space<hbm>> -> memref<1000000x32xf32, #tpu.memory_space<hbm>>
      tpu.enqueue_indirect_dma source(%dma_start3A_2306 : memref<1000000x32xf32, #tpu.memory_space<hbm>>) target(%dma_start3A_2303 : memref<16x32xf32, #tpu.memory_space<vmem>>) offsets(%get3A_2300 : vector<16xi32>) semaphore(%arg14 : memref<!tpu.dma_semaphore, #tpu.memory_space<semaphore_mem>>)
      %get3A_2307 = arith.index_cast %add3A_1986 : i32 to index
      %get3A_2308 = arith.constant 256 : index
      %get3A_2309 = tpu.vector_load %arg7[%get3A_2307, %get3A_2308] {strides = array<i32>} : memref<64x400xi32, #tpu.memory_space<vmem>>, vector<1x16xi32>,
      %get3A_2310 = vector.shape_cast %get3A_2309 : vector<1x16xi32> to vector<16xi32>
      %dma_start3A_2311 = arith.constant 256 : i32
      %dma_start3A_2312 = arith.constant 0 : i32
      %dma_start3A_2313 = tpu.memref_slice %arg10[%dma_start3A_2311, %dma_start3A_2312] : memref<400x32xf32, #tpu.memory_space<vmem>> -> memref<16x32xf32, #tpu.memory_space<vmem>>
      %dma_start3A_2314 = arith.constant 0 : i32
      %dma_start3A_2315 = arith.constant 0 : i32
      %dma_start3A_2316 = tpu.memref_slice %arg4[%dma_start3A_2314, %dma_start3A_2315] : memref<1000000x32xf32, #tpu.memory_space<hbm>> -> memref<1000000x32xf32, #tpu.memory_space<hbm>>
      tpu.enqueue_indirect_dma source(%dma_start3A_2316 : memref<1000000x32xf32, #tpu.memory_space<hbm>>) target(%dma_start3A_2313 : memref<16x32xf32, #tpu.memory_space<vmem>>) offsets(%get3A_2310 : vector<16xi32>) semaphore(%arg14 : memref<!tpu.dma_semaphore, #tpu.memory_space<semaphore_mem>>)
      %get3A_2317 = arith.index_cast %add3A_1986 : i32 to index
      %get3A_2318 = arith.constant 256 : index
      %get3A_2319 = tpu.vector_load %arg8[%get3A_2317, %get3A_2318] {strides = array<i32>} : memref<64x400xi32, #tpu.memory_space<vmem>>, vector<1x16xi32>,
      %get3A_2320 = vector.shape_cast %get3A_2319 : vector<1x16xi32> to vector<16xi32>
      %dma_start3A_2321 = arith.constant 256 : i32
      %dma_start3A_2322 = arith.constant 0 : i32
      %dma_start3A_2323 = tpu.memref_slice %arg12[%dma_start3A_2321, %dma_start3A_2322] : memref<400x32xf32, #tpu.memory_space<vmem>> -> memref<16x32xf32, #tpu.memory_space<vmem>>
      %dma_start3A_2324 = arith.constant 0 : i32
      %dma_start3A_2325 = arith.constant 0 : i32
      %dma_start3A_2326 = tpu.memref_slice %arg5[%dma_start3A_2324, %dma_start3A_2325] : memref<1000000x32xf32, #tpu.memory_space<hbm>> -> memref<1000000x32xf32, #tpu.memory_space<hbm>>
      tpu.enqueue_indirect_dma source(%dma_start3A_2326 : memref<1000000x32xf32, #tpu.memory_space<hbm>>) target(%dma_start3A_2323 : memref<16x32xf32, #tpu.memory_space<vmem>>) offsets(%get3A_2320 : vector<16xi32>) semaphore(%arg14 : memref<!tpu.dma_semaphore, #tpu.memory_space<semaphore_mem>>)
      %get3A_2327 = arith.index_cast %add3A_1986 : i32 to index
      %get3A_2328 = arith.constant 272 : index
      %get3A_2329 = tpu.vector_load %arg7[%get3A_2327, %get3A_2328] {strides = array<i32>} : memref<64x400xi32, #tpu.memory_space<vmem>>, vector<1x16xi32>,
      %get3A_2330 = vector.shape_cast %get3A_2329 : vector<1x16xi32> to vector<16xi32>
      %dma_start3A_2331 = arith.constant 272 : i32
      %dma_start3A_2332 = arith.constant 0 : i32
      %dma_start3A_2333 = tpu.memref_slice %arg10[%dma_start3A_2331, %dma_start3A_2332] : memref<400x32xf32, #tpu.memory_space<vmem>> -> memref<16x32xf32, #tpu.memory_space<vmem>>
      %dma_start3A_2334 = arith.constant 0 : i32
      %dma_start3A_2335 = arith.constant 0 : i32
      %dma_start3A_2336 = tpu.memref_slice %arg4[%dma_start3A_2334, %dma_start3A_2335] : memref<1000000x32xf32, #tpu.memory_space<hbm>> -> memref<1000000x32xf32, #tpu.memory_space<hbm>>
      tpu.enqueue_indirect_dma source(%dma_start3A_2336 : memref<1000000x32xf32, #tpu.memory_space<hbm>>) target(%dma_start3A_2333 : memref<16x32xf32, #tpu.memory_space<vmem>>) offsets(%get3A_2330 : vector<16xi32>) semaphore(%arg14 : memref<!tpu.dma_semaphore, #tpu.memory_space<semaphore_mem>>)
      %get3A_2337 = arith.index_cast %add3A_1986 : i32 to index
      %get3A_2338 = arith.constant 272 : index
      %get3A_2339 = tpu.vector_load %arg8[%get3A_2337, %get3A_2338] {strides = array<i32>} : memref<64x400xi32, #tpu.memory_space<vmem>>, vector<1x16xi32>,
      %get3A_2340 = vector.shape_cast %get3A_2339 : vector<1x16xi32> to vector<16xi32>
      %dma_start3A_2341 = arith.constant 272 : i32
      %dma_start3A_2342 = arith.constant 0 : i32
      %dma_start3A_2343 = tpu.memref_slice %arg12[%dma_start3A_2341, %dma_start3A_2342] : memref<400x32xf32, #tpu.memory_space<vmem>> -> memref<16x32xf32, #tpu.memory_space<vmem>>
      %dma_start3A_2344 = arith.constant 0 : i32
      %dma_start3A_2345 = arith.constant 0 : i32
      %dma_start3A_2346 = tpu.memref_slice %arg5[%dma_start3A_2344, %dma_start3A_2345] : memref<1000000x32xf32, #tpu.memory_space<hbm>> -> memref<1000000x32xf32, #tpu.memory_space<hbm>>
      tpu.enqueue_indirect_dma source(%dma_start3A_2346 : memref<1000000x32xf32, #tpu.memory_space<hbm>>) target(%dma_start3A_2343 : memref<16x32xf32, #tpu.memory_space<vmem>>) offsets(%get3A_2340 : vector<16xi32>) semaphore(%arg14 : memref<!tpu.dma_semaphore, #tpu.memory_space<semaphore_mem>>)
      %get3A_2347 = arith.index_cast %add3A_1986 : i32 to index
      %get3A_2348 = arith.constant 288 : index
      %get3A_2349 = tpu.vector_load %arg7[%get3A_2347, %get3A_2348] {strides = array<i32>} : memref<64x400xi32, #tpu.memory_space<vmem>>, vector<1x16xi32>,
      %get3A_2350 = vector.shape_cast %get3A_2349 : vector<1x16xi32> to vector<16xi32>
      %dma_start3A_2351 = arith.constant 288 : i32
      %dma_start3A_2352 = arith.constant 0 : i32
      %dma_start3A_2353 = tpu.memref_slice %arg10[%dma_start3A_2351, %dma_start3A_2352] : memref<400x32xf32, #tpu.memory_space<vmem>> -> memref<16x32xf32, #tpu.memory_space<vmem>>
      %dma_start3A_2354 = arith.constant 0 : i32
      %dma_start3A_2355 = arith.constant 0 : i32
      %dma_start3A_2356 = tpu.memref_slice %arg4[%dma_start3A_2354, %dma_start3A_2355] : memref<1000000x32xf32, #tpu.memory_space<hbm>> -> memref<1000000x32xf32, #tpu.memory_space<hbm>>
      tpu.enqueue_indirect_dma source(%dma_start3A_2356 : memref<1000000x32xf32, #tpu.memory_space<hbm>>) target(%dma_start3A_2353 : memref<16x32xf32, #tpu.memory_space<vmem>>) offsets(%get3A_2350 : vector<16xi32>) semaphore(%arg14 : memref<!tpu.dma_semaphore, #tpu.memory_space<semaphore_mem>>)
      %get3A_2357 = arith.index_cast %add3A_1986 : i32 to index
      %get3A_2358 = arith.constant 288 : index
      %get3A_2359 = tpu.vector_load %arg8[%get3A_2357, %get3A_2358] {strides = array<i32>} : memref<64x400xi32, #tpu.memory_space<vmem>>, vector<1x16xi32>,
      %get3A_2360 = vector.shape_cast %get3A_2359 : vector<1x16xi32> to vector<16xi32>
      %dma_start3A_2361 = arith.constant 288 : i32
      %dma_start3A_2362 = arith.constant 0 : i32
      %dma_start3A_2363 = tpu.memref_slice %arg12[%dma_start3A_2361, %dma_start3A_2362] : memref<400x32xf32, #tpu.memory_space<vmem>> -> memref<16x32xf32, #tpu.memory_space<vmem>>
      %dma_start3A_2364 = arith.constant 0 : i32
      %dma_start3A_2365 = arith.constant 0 : i32
      %dma_start3A_2366 = tpu.memref_slice %arg5[%dma_start3A_2364, %dma_start3A_2365] : memref<1000000x32xf32, #tpu.memory_space<hbm>> -> memref<1000000x32xf32, #tpu.memory_space<hbm>>
      tpu.enqueue_indirect_dma source(%dma_start3A_2366 : memref<1000000x32xf32, #tpu.memory_space<hbm>>) target(%dma_start3A_2363 : memref<16x32xf32, #tpu.memory_space<vmem>>) offsets(%get3A_2360 : vector<16xi32>) semaphore(%arg14 : memref<!tpu.dma_semaphore, #tpu.memory_space<semaphore_mem>>)
      %get3A_2367 = arith.index_cast %add3A_1986 : i32 to index
      %get3A_2368 = arith.constant 304 : index
      %get3A_2369 = tpu.vector_load %arg7[%get3A_2367, %get3A_2368] {strides = array<i32>} : memref<64x400xi32, #tpu.memory_space<vmem>>, vector<1x16xi32>,
      %get3A_2370 = vector.shape_cast %get3A_2369 : vector<1x16xi32> to vector<16xi32>
      %dma_start3A_2371 = arith.constant 304 : i32
      %dma_start3A_2372 = arith.constant 0 : i32
      %dma_start3A_2373 = tpu.memref_slice %arg10[%dma_start3A_2371, %dma_start3A_2372] : memref<400x32xf32, #tpu.memory_space<vmem>> -> memref<16x32xf32, #tpu.memory_space<vmem>>
      %dma_start3A_2374 = arith.constant 0 : i32
      %dma_start3A_2375 = arith.constant 0 : i32
      %dma_start3A_2376 = tpu.memref_slice %arg4[%dma_start3A_2374, %dma_start3A_2375] : memref<1000000x32xf32, #tpu.memory_space<hbm>> -> memref<1000000x32xf32, #tpu.memory_space<hbm>>
      tpu.enqueue_indirect_dma source(%dma_start3A_2376 : memref<1000000x32xf32, #tpu.memory_space<hbm>>) target(%dma_start3A_2373 : memref<16x32xf32, #tpu.memory_space<vmem>>) offsets(%get3A_2370 : vector<16xi32>) semaphore(%arg14 : memref<!tpu.dma_semaphore, #tpu.memory_space<semaphore_mem>>)
      %get3A_2377 = arith.index_cast %add3A_1986 : i32 to index
      %get3A_2378 = arith.constant 304 : index
      %get3A_2379 = tpu.vector_load %arg8[%get3A_2377, %get3A_2378] {strides = array<i32>} : memref<64x400xi32, #tpu.memory_space<vmem>>, vector<1x16xi32>,
      %get3A_2380 = vector.shape_cast %get3A_2379 : vector<1x16xi32> to vector<16xi32>
      %dma_start3A_2381 = arith.constant 304 : i32
      %dma_start3A_2382 = arith.constant 0 : i32
      %dma_start3A_2383 = tpu.memref_slice %arg12[%dma_start3A_2381, %dma_start3A_2382] : memref<400x32xf32, #tpu.memory_space<vmem>> -> memref<16x32xf32, #tpu.memory_space<vmem>>
      %dma_start3A_2384 = arith.constant 0 : i32
      %dma_start3A_2385 = arith.constant 0 : i32
      %dma_start3A_2386 = tpu.memref_slice %arg5[%dma_start3A_2384, %dma_start3A_2385] : memref<1000000x32xf32, #tpu.memory_space<hbm>> -> memref<1000000x32xf32, #tpu.memory_space<hbm>>
      tpu.enqueue_indirect_dma source(%dma_start3A_2386 : memref<1000000x32xf32, #tpu.memory_space<hbm>>) target(%dma_start3A_2383 : memref<16x32xf32, #tpu.memory_space<vmem>>) offsets(%get3A_2380 : vector<16xi32>) semaphore(%arg14 : memref<!tpu.dma_semaphore, #tpu.memory_space<semaphore_mem>>)
      %get3A_2387 = arith.index_cast %add3A_1986 : i32 to index
      %get3A_2388 = arith.constant 320 : index
      %get3A_2389 = tpu.vector_load %arg7[%get3A_2387, %get3A_2388] {strides = array<i32>} : memref<64x400xi32, #tpu.memory_space<vmem>>, vector<1x16xi32>,
      %get3A_2390 = vector.shape_cast %get3A_2389 : vector<1x16xi32> to vector<16xi32>
      %dma_start3A_2391 = arith.constant 320 : i32
      %dma_start3A_2392 = arith.constant 0 : i32
      %dma_start3A_2393 = tpu.memref_slice %arg10[%dma_start3A_2391, %dma_start3A_2392] : memref<400x32xf32, #tpu.memory_space<vmem>> -> memref<16x32xf32, #tpu.memory_space<vmem>>
      %dma_start3A_2394 = arith.constant 0 : i32
      %dma_start3A_2395 = arith.constant 0 : i32
      %dma_start3A_2396 = tpu.memref_slice %arg4[%dma_start3A_2394, %dma_start3A_2395] : memref<1000000x32xf32, #tpu.memory_space<hbm>> -> memref<1000000x32xf32, #tpu.memory_space<hbm>>
      tpu.enqueue_indirect_dma source(%dma_start3A_2396 : memref<1000000x32xf32, #tpu.memory_space<hbm>>) target(%dma_start3A_2393 : memref<16x32xf32, #tpu.memory_space<vmem>>) offsets(%get3A_2390 : vector<16xi32>) semaphore(%arg14 : memref<!tpu.dma_semaphore, #tpu.memory_space<semaphore_mem>>)
      %get3A_2397 = arith.index_cast %add3A_1986 : i32 to index
      %get3A_2398 = arith.constant 320 : index
      %get3A_2399 = tpu.vector_load %arg8[%get3A_2397, %get3A_2398] {strides = array<i32>} : memref<64x400xi32, #tpu.memory_space<vmem>>, vector<1x16xi32>,
      %get3A_2400 = vector.shape_cast %get3A_2399 : vector<1x16xi32> to vector<16xi32>
      %dma_start3A_2401 = arith.constant 320 : i32
      %dma_start3A_2402 = arith.constant 0 : i32
      %dma_start3A_2403 = tpu.memref_slice %arg12[%dma_start3A_2401, %dma_start3A_2402] : memref<400x32xf32, #tpu.memory_space<vmem>> -> memref<16x32xf32, #tpu.memory_space<vmem>>
      %dma_start3A_2404 = arith.constant 0 : i32
      %dma_start3A_2405 = arith.constant 0 : i32
      %dma_start3A_2406 = tpu.memref_slice %arg5[%dma_start3A_2404, %dma_start3A_2405] : memref<1000000x32xf32, #tpu.memory_space<hbm>> -> memref<1000000x32xf32, #tpu.memory_space<hbm>>
      tpu.enqueue_indirect_dma source(%dma_start3A_2406 : memref<1000000x32xf32, #tpu.memory_space<hbm>>) target(%dma_start3A_2403 : memref<16x32xf32, #tpu.memory_space<vmem>>) offsets(%get3A_2400 : vector<16xi32>) semaphore(%arg14 : memref<!tpu.dma_semaphore, #tpu.memory_space<semaphore_mem>>)
      %get3A_2407 = arith.index_cast %add3A_1986 : i32 to index
      %get3A_2408 = arith.constant 336 : index
      %get3A_2409 = tpu.vector_load %arg7[%get3A_2407, %get3A_2408] {strides = array<i32>} : memref<64x400xi32, #tpu.memory_space<vmem>>, vector<1x16xi32>,
      %get3A_2410 = vector.shape_cast %get3A_2409 : vector<1x16xi32> to vector<16xi32>
      %dma_start3A_2411 = arith.constant 336 : i32
      %dma_start3A_2412 = arith.constant 0 : i32
      %dma_start3A_2413 = tpu.memref_slice %arg10[%dma_start3A_2411, %dma_start3A_2412] : memref<400x32xf32, #tpu.memory_space<vmem>> -> memref<16x32xf32, #tpu.memory_space<vmem>>
      %dma_start3A_2414 = arith.constant 0 : i32
      %dma_start3A_2415 = arith.constant 0 : i32
      %dma_start3A_2416 = tpu.memref_slice %arg4[%dma_start3A_2414, %dma_start3A_2415] : memref<1000000x32xf32, #tpu.memory_space<hbm>> -> memref<1000000x32xf32, #tpu.memory_space<hbm>>
      tpu.enqueue_indirect_dma source(%dma_start3A_2416 : memref<1000000x32xf32, #tpu.memory_space<hbm>>) target(%dma_start3A_2413 : memref<16x32xf32, #tpu.memory_space<vmem>>) offsets(%get3A_2410 : vector<16xi32>) semaphore(%arg14 : memref<!tpu.dma_semaphore, #tpu.memory_space<semaphore_mem>>)
      %get3A_2417 = arith.index_cast %add3A_1986 : i32 to index
      %get3A_2418 = arith.constant 336 : index
      %get3A_2419 = tpu.vector_load %arg8[%get3A_2417, %get3A_2418] {strides = array<i32>} : memref<64x400xi32, #tpu.memory_space<vmem>>, vector<1x16xi32>,
      %get3A_2420 = vector.shape_cast %get3A_2419 : vector<1x16xi32> to vector<16xi32>
      %dma_start3A_2421 = arith.constant 336 : i32
      %dma_start3A_2422 = arith.constant 0 : i32
      %dma_start3A_2423 = tpu.memref_slice %arg12[%dma_start3A_2421, %dma_start3A_2422] : memref<400x32xf32, #tpu.memory_space<vmem>> -> memref<16x32xf32, #tpu.memory_space<vmem>>
      %dma_start3A_2424 = arith.constant 0 : i32
      %dma_start3A_2425 = arith.constant 0 : i32
      %dma_start3A_2426 = tpu.memref_slice %arg5[%dma_start3A_2424, %dma_start3A_2425] : memref<1000000x32xf32, #tpu.memory_space<hbm>> -> memref<1000000x32xf32, #tpu.memory_space<hbm>>
      tpu.enqueue_indirect_dma source(%dma_start3A_2426 : memref<1000000x32xf32, #tpu.memory_space<hbm>>) target(%dma_start3A_2423 : memref<16x32xf32, #tpu.memory_space<vmem>>) offsets(%get3A_2420 : vector<16xi32>) semaphore(%arg14 : memref<!tpu.dma_semaphore, #tpu.memory_space<semaphore_mem>>)
      %get3A_2427 = arith.index_cast %add3A_1986 : i32 to index
      %get3A_2428 = arith.constant 352 : index
      %get3A_2429 = tpu.vector_load %arg7[%get3A_2427, %get3A_2428] {strides = array<i32>} : memref<64x400xi32, #tpu.memory_space<vmem>>, vector<1x16xi32>,
      %get3A_2430 = vector.shape_cast %get3A_2429 : vector<1x16xi32> to vector<16xi32>
      %dma_start3A_2431 = arith.constant 352 : i32
      %dma_start3A_2432 = arith.constant 0 : i32
      %dma_start3A_2433 = tpu.memref_slice %arg10[%dma_start3A_2431, %dma_start3A_2432] : memref<400x32xf32, #tpu.memory_space<vmem>> -> memref<16x32xf32, #tpu.memory_space<vmem>>
      %dma_start3A_2434 = arith.constant 0 : i32
      %dma_start3A_2435 = arith.constant 0 : i32
      %dma_start3A_2436 = tpu.memref_slice %arg4[%dma_start3A_2434, %dma_start3A_2435] : memref<1000000x32xf32, #tpu.memory_space<hbm>> -> memref<1000000x32xf32, #tpu.memory_space<hbm>>
      tpu.enqueue_indirect_dma source(%dma_start3A_2436 : memref<1000000x32xf32, #tpu.memory_space<hbm>>) target(%dma_start3A_2433 : memref<16x32xf32, #tpu.memory_space<vmem>>) offsets(%get3A_2430 : vector<16xi32>) semaphore(%arg14 : memref<!tpu.dma_semaphore, #tpu.memory_space<semaphore_mem>>)
      %get3A_2437 = arith.index_cast %add3A_1986 : i32 to index
      %get3A_2438 = arith.constant 352 : index
      %get3A_2439 = tpu.vector_load %arg8[%get3A_2437, %get3A_2438] {strides = array<i32>} : memref<64x400xi32, #tpu.memory_space<vmem>>, vector<1x16xi32>,
      %get3A_2440 = vector.shape_cast %get3A_2439 : vector<1x16xi32> to vector<16xi32>
      %dma_start3A_2441 = arith.constant 352 : i32
      %dma_start3A_2442 = arith.constant 0 : i32
      %dma_start3A_2443 = tpu.memref_slice %arg12[%dma_start3A_2441, %dma_start3A_2442] : memref<400x32xf32, #tpu.memory_space<vmem>> -> memref<16x32xf32, #tpu.memory_space<vmem>>
      %dma_start3A_2444 = arith.constant 0 : i32
      %dma_start3A_2445 = arith.constant 0 : i32
      %dma_start3A_2446 = tpu.memref_slice %arg5[%dma_start3A_2444, %dma_start3A_2445] : memref<1000000x32xf32, #tpu.memory_space<hbm>> -> memref<1000000x32xf32, #tpu.memory_space<hbm>>
      tpu.enqueue_indirect_dma source(%dma_start3A_2446 : memref<1000000x32xf32, #tpu.memory_space<hbm>>) target(%dma_start3A_2443 : memref<16x32xf32, #tpu.memory_space<vmem>>) offsets(%get3A_2440 : vector<16xi32>) semaphore(%arg14 : memref<!tpu.dma_semaphore, #tpu.memory_space<semaphore_mem>>)
      %get3A_2447 = arith.index_cast %add3A_1986 : i32 to index
      %get3A_2448 = arith.constant 368 : index
      %get3A_2449 = tpu.vector_load %arg7[%get3A_2447, %get3A_2448] {strides = array<i32>} : memref<64x400xi32, #tpu.memory_space<vmem>>, vector<1x16xi32>,
      %get3A_2450 = vector.shape_cast %get3A_2449 : vector<1x16xi32> to vector<16xi32>
      %dma_start3A_2451 = arith.constant 368 : i32
      %dma_start3A_2452 = arith.constant 0 : i32
      %dma_start3A_2453 = tpu.memref_slice %arg10[%dma_start3A_2451, %dma_start3A_2452] : memref<400x32xf32, #tpu.memory_space<vmem>> -> memref<16x32xf32, #tpu.memory_space<vmem>>
      %dma_start3A_2454 = arith.constant 0 : i32
      %dma_start3A_2455 = arith.constant 0 : i32
      %dma_start3A_2456 = tpu.memref_slice %arg4[%dma_start3A_2454, %dma_start3A_2455] : memref<1000000x32xf32, #tpu.memory_space<hbm>> -> memref<1000000x32xf32, #tpu.memory_space<hbm>>
      tpu.enqueue_indirect_dma source(%dma_start3A_2456 : memref<1000000x32xf32, #tpu.memory_space<hbm>>) target(%dma_start3A_2453 : memref<16x32xf32, #tpu.memory_space<vmem>>) offsets(%get3A_2450 : vector<16xi32>) semaphore(%arg14 : memref<!tpu.dma_semaphore, #tpu.memory_space<semaphore_mem>>)
      %get3A_2457 = arith.index_cast %add3A_1986 : i32 to index
      %get3A_2458 = arith.constant 368 : index
      %get3A_2459 = tpu.vector_load %arg8[%get3A_2457, %get3A_2458] {strides = array<i32>} : memref<64x400xi32, #tpu.memory_space<vmem>>, vector<1x16xi32>,
      %get3A_2460 = vector.shape_cast %get3A_2459 : vector<1x16xi32> to vector<16xi32>
      %dma_start3A_2461 = arith.constant 368 : i32
      %dma_start3A_2462 = arith.constant 0 : i32
      %dma_start3A_2463 = tpu.memref_slice %arg12[%dma_start3A_2461, %dma_start3A_2462] : memref<400x32xf32, #tpu.memory_space<vmem>> -> memref<16x32xf32, #tpu.memory_space<vmem>>
      %dma_start3A_2464 = arith.constant 0 : i32
      %dma_start3A_2465 = arith.constant 0 : i32
      %dma_start3A_2466 = tpu.memref_slice %arg5[%dma_start3A_2464, %dma_start3A_2465] : memref<1000000x32xf32, #tpu.memory_space<hbm>> -> memref<1000000x32xf32, #tpu.memory_space<hbm>>
      tpu.enqueue_indirect_dma source(%dma_start3A_2466 : memref<1000000x32xf32, #tpu.memory_space<hbm>>) target(%dma_start3A_2463 : memref<16x32xf32, #tpu.memory_space<vmem>>) offsets(%get3A_2460 : vector<16xi32>) semaphore(%arg14 : memref<!tpu.dma_semaphore, #tpu.memory_space<semaphore_mem>>)
      %get3A_2467 = arith.index_cast %add3A_1986 : i32 to index
      %get3A_2468 = arith.constant 384 : index
      %get3A_2469 = tpu.vector_load %arg7[%get3A_2467, %get3A_2468] {strides = array<i32>} : memref<64x400xi32, #tpu.memory_space<vmem>>, vector<1x16xi32>,
      %get3A_2470 = vector.shape_cast %get3A_2469 : vector<1x16xi32> to vector<16xi32>
      %dma_start3A_2471 = arith.constant 384 : i32
      %dma_start3A_2472 = arith.constant 0 : i32
      %dma_start3A_2473 = tpu.memref_slice %arg10[%dma_start3A_2471, %dma_start3A_2472] : memref<400x32xf32, #tpu.memory_space<vmem>> -> memref<16x32xf32, #tpu.memory_space<vmem>>
      %dma_start3A_2474 = arith.constant 0 : i32
      %dma_start3A_2475 = arith.constant 0 : i32
      %dma_start3A_2476 = tpu.memref_slice %arg4[%dma_start3A_2474, %dma_start3A_2475] : memref<1000000x32xf32, #tpu.memory_space<hbm>> -> memref<1000000x32xf32, #tpu.memory_space<hbm>>
      tpu.enqueue_indirect_dma source(%dma_start3A_2476 : memref<1000000x32xf32, #tpu.memory_space<hbm>>) target(%dma_start3A_2473 : memref<16x32xf32, #tpu.memory_space<vmem>>) offsets(%get3A_2470 : vector<16xi32>) semaphore(%arg14 : memref<!tpu.dma_semaphore, #tpu.memory_space<semaphore_mem>>)
      %get3A_2477 = arith.index_cast %add3A_1986 : i32 to index
      %get3A_2478 = arith.constant 384 : index
      %get3A_2479 = tpu.vector_load %arg8[%get3A_2477, %get3A_2478] {strides = array<i32>} : memref<64x400xi32, #tpu.memory_space<vmem>>, vector<1x16xi32>,
      %get3A_2480 = vector.shape_cast %get3A_2479 : vector<1x16xi32> to vector<16xi32>
      %dma_start3A_2481 = arith.constant 384 : i32
      %dma_start3A_2482 = arith.constant 0 : i32
      %dma_start3A_2483 = tpu.memref_slice %arg12[%dma_start3A_2481, %dma_start3A_2482] : memref<400x32xf32, #tpu.memory_space<vmem>> -> memref<16x32xf32, #tpu.memory_space<vmem>>
      %dma_start3A_2484 = arith.constant 0 : i32
      %dma_start3A_2485 = arith.constant 0 : i32
      %dma_start3A_2486 = tpu.memref_slice %arg5[%dma_start3A_2484, %dma_start3A_2485] : memref<1000000x32xf32, #tpu.memory_space<hbm>> -> memref<1000000x32xf32, #tpu.memory_space<hbm>>
      tpu.enqueue_indirect_dma source(%dma_start3A_2486 : memref<1000000x32xf32, #tpu.memory_space<hbm>>) target(%dma_start3A_2483 : memref<16x32xf32, #tpu.memory_space<vmem>>) offsets(%get3A_2480 : vector<16xi32>) semaphore(%arg14 : memref<!tpu.dma_semaphore, #tpu.memory_space<semaphore_mem>>)
      %dma_wait3A_2487 = arith.constant 0 : i32
      %dma_wait3A_2488 = arith.constant 0 : i32
      %dma_wait3A_2489 = tpu.memref_slice %arg4[%dma_wait3A_2487, %dma_wait3A_2488] : memref<1000000x32xf32, #tpu.memory_space<hbm>> -> memref<400x32xf32, #tpu.memory_space<hbm>>
      %dma_wait3A_2490 = arith.constant 0 : i32
      %dma_wait3A_2491 = arith.constant 0 : i32
      %dma_wait3A_2492 = tpu.memref_slice %arg4[%dma_wait3A_2490, %dma_wait3A_2491] : memref<1000000x32xf32, #tpu.memory_space<hbm>> -> memref<400x32xf32, #tpu.memory_space<hbm>>
      tpu.wait_dma2 semaphore(%arg13 : memref<!tpu.dma_semaphore, #tpu.memory_space<semaphore_mem>>) src(%dma_wait3A_2492 : memref<400x32xf32, #tpu.memory_space<hbm>>) dst(%arg9 : memref<400x32xf32, #tpu.memory_space<vmem>>)
      %dma_wait3A_2493 = arith.constant 0 : i32
      %dma_wait3A_2494 = arith.constant 0 : i32
      %dma_wait3A_2495 = tpu.memref_slice %arg5[%dma_wait3A_2493, %dma_wait3A_2494] : memref<1000000x32xf32, #tpu.memory_space<hbm>> -> memref<400x32xf32, #tpu.memory_space<hbm>>
      %dma_wait3A_2496 = arith.constant 0 : i32
      %dma_wait3A_2497 = arith.constant 0 : i32
      %dma_wait3A_2498 = tpu.memref_slice %arg5[%dma_wait3A_2496, %dma_wait3A_2497] : memref<1000000x32xf32, #tpu.memory_space<hbm>> -> memref<400x32xf32, #tpu.memory_space<hbm>>
      tpu.wait_dma2 semaphore(%arg13 : memref<!tpu.dma_semaphore, #tpu.memory_space<semaphore_mem>>) src(%dma_wait3A_2498 : memref<400x32xf32, #tpu.memory_space<hbm>>) dst(%arg11 : memref<400x32xf32, #tpu.memory_space<vmem>>)
      %mul3A_2499 = arith.constant 2 : i32
      %mul3A_2500 = arith.muli %mul3A_2499, %add3A_1372 : i32
      %add3A_2501 = arith.addi %mul3A_2, %mul3A_2500 : i32
      %dma_start3A_2502 = arith.constant 0 : i32
      %dma_start3A_2503 = arith.constant 0 : i32
      %dma_start3A_2504 = tpu.memref_slice %arg9[%dma_start3A_2502, %dma_start3A_2503] : memref<400x32xf32, #tpu.memory_space<vmem>> -> memref<200x32xf32, #tpu.memory_space<vmem>>
      %dma_start3A_2505 = arith.constant 0 : i32
      %dma_start3A_2506 = arith.constant 0 : i32
      %dma_start3A_2507 = tpu.memref_slice %arg6[%add3A_2501, %dma_start3A_2505, %dma_start3A_2506] : memref<4096x200x64xf32, #tpu.memory_space<hbm>> -> memref<1x200x32xf32, #tpu.memory_space<hbm>>
      %dma_start3A_2508 = tpu.memref_squeeze %dma_start3A_2507 : memref<1x200x32xf32, #tpu.memory_space<hbm>> -> memref<200x32xf32, #tpu.memory_space<hbm>>
      %dma_start3A_2509 = arith.constant 0 : i32
      %dma_start3A_2510 = arith.constant 0 : i32
      %dma_start3A_2511 = tpu.memref_slice %arg6[%add3A_2501, %dma_start3A_2509, %dma_start3A_2510] : memref<4096x200x64xf32, #tpu.memory_space<hbm>> -> memref<1x200x32xf32, #tpu.memory_space<hbm>>
      %dma_start3A_2512 = tpu.memref_squeeze %dma_start3A_2511 : memref<1x200x32xf32, #tpu.memory_space<hbm>> -> memref<200x32xf32, #tpu.memory_space<hbm>>
      %dma_start3A_2513 = arith.constant 0 : i32
      %dma_start3A_2514 = arith.constant 0 : i32
      %dma_start3A_2515 = tpu.memref_slice %arg9[%dma_start3A_2513, %dma_start3A_2514] : memref<400x32xf32, #tpu.memory_space<vmem>> -> memref<200x32xf32, #tpu.memory_space<vmem>>
      tpu.enqueue_dma source(%dma_start3A_2515 : memref<200x32xf32, #tpu.memory_space<vmem>>) target(%dma_start3A_2512 : memref<200x32xf32, #tpu.memory_space<hbm>>) target_semaphore(%arg15 : memref<!tpu.dma_semaphore, #tpu.memory_space<semaphore_mem>>)
      %add3A_2516 = arith.constant 1 : i32
      %add3A_2517 = arith.addi %add3A_2501, %add3A_2516 : i32
      %dma_start3A_2518 = arith.constant 200 : i32
      %dma_start3A_2519 = arith.constant 0 : i32
      %dma_start3A_2520 = tpu.memref_slice %arg9[%dma_start3A_2518, %dma_start3A_2519] : memref<400x32xf32, #tpu.memory_space<vmem>> -> memref<200x32xf32, #tpu.memory_space<vmem>>
      %dma_start3A_2521 = arith.constant 0 : i32
      %dma_start3A_2522 = arith.constant 0 : i32
      %dma_start3A_2523 = tpu.memref_slice %arg6[%add3A_2517, %dma_start3A_2521, %dma_start3A_2522] : memref<4096x200x64xf32, #tpu.memory_space<hbm>> -> memref<1x200x32xf32, #tpu.memory_space<hbm>>
      %dma_start3A_2524 = tpu.memref_squeeze %dma_start3A_2523 : memref<1x200x32xf32, #tpu.memory_space<hbm>> -> memref<200x32xf32, #tpu.memory_space<hbm>>
      %dma_start3A_2525 = arith.constant 0 : i32
      %dma_start3A_2526 = arith.constant 0 : i32
      %dma_start3A_2527 = tpu.memref_slice %arg6[%add3A_2517, %dma_start3A_2525, %dma_start3A_2526] : memref<4096x200x64xf32, #tpu.memory_space<hbm>> -> memref<1x200x32xf32, #tpu.memory_space<hbm>>
      %dma_start3A_2528 = tpu.memref_squeeze %dma_start3A_2527 : memref<1x200x32xf32, #tpu.memory_space<hbm>> -> memref<200x32xf32, #tpu.memory_space<hbm>>
      %dma_start3A_2529 = arith.constant 200 : i32
      %dma_start3A_2530 = arith.constant 0 : i32
      %dma_start3A_2531 = tpu.memref_slice %arg9[%dma_start3A_2529, %dma_start3A_2530] : memref<400x32xf32, #tpu.memory_space<vmem>> -> memref<200x32xf32, #tpu.memory_space<vmem>>
      tpu.enqueue_dma source(%dma_start3A_2531 : memref<200x32xf32, #tpu.memory_space<vmem>>) target(%dma_start3A_2528 : memref<200x32xf32, #tpu.memory_space<hbm>>) target_semaphore(%arg15 : memref<!tpu.dma_semaphore, #tpu.memory_space<semaphore_mem>>)
      %dma_start3A_2532 = arith.constant 0 : i32
      %dma_start3A_2533 = arith.constant 0 : i32
      %dma_start3A_2534 = tpu.memref_slice %arg11[%dma_start3A_2532, %dma_start3A_2533] : memref<400x32xf32, #tpu.memory_space<vmem>> -> memref<200x32xf32, #tpu.memory_space<vmem>>
      %dma_start3A_2535 = arith.constant 0 : i32
      %dma_start3A_2536 = arith.constant 32 : i32
      %dma_start3A_2537 = tpu.memref_slice %arg6[%add3A_2501, %dma_start3A_2535, %dma_start3A_2536] : memref<4096x200x64xf32, #tpu.memory_space<hbm>> -> memref<1x200x32xf32, #tpu.memory_space<hbm>>
      %dma_start3A_2538 = tpu.memref_squeeze %dma_start3A_2537 : memref<1x200x32xf32, #tpu.memory_space<hbm>> -> memref<200x32xf32, #tpu.memory_space<hbm>>
      %dma_start3A_2539 = arith.constant 0 : i32
      %dma_start3A_2540 = arith.constant 32 : i32
      %dma_start3A_2541 = tpu.memref_slice %arg6[%add3A_2501, %dma_start3A_2539, %dma_start3A_2540] : memref<4096x200x64xf32, #tpu.memory_space<hbm>> -> memref<1x200x32xf32, #tpu.memory_space<hbm>>
      %dma_start3A_2542 = tpu.memref_squeeze %dma_start3A_2541 : memref<1x200x32xf32, #tpu.memory_space<hbm>> -> memref<200x32xf32, #tpu.memory_space<hbm>>
      %dma_start3A_2543 = arith.constant 0 : i32
      %dma_start3A_2544 = arith.constant 0 : i32
      %dma_start3A_2545 = tpu.memref_slice %arg11[%dma_start3A_2543, %dma_start3A_2544] : memref<400x32xf32, #tpu.memory_space<vmem>> -> memref<200x32xf32, #tpu.memory_space<vmem>>
      tpu.enqueue_dma source(%dma_start3A_2545 : memref<200x32xf32, #tpu.memory_space<vmem>>) target(%dma_start3A_2542 : memref<200x32xf32, #tpu.memory_space<hbm>>) target_semaphore(%arg15 : memref<!tpu.dma_semaphore, #tpu.memory_space<semaphore_mem>>)
      %add3A_2546 = arith.constant 1 : i32
      %add3A_2547 = arith.addi %add3A_2501, %add3A_2546 : i32
      %dma_start3A_2548 = arith.constant 200 : i32
      %dma_start3A_2549 = arith.constant 0 : i32
      %dma_start3A_2550 = tpu.memref_slice %arg11[%dma_start3A_2548, %dma_start3A_2549] : memref<400x32xf32, #tpu.memory_space<vmem>> -> memref<200x32xf32, #tpu.memory_space<vmem>>
      %dma_start3A_2551 = arith.constant 0 : i32
      %dma_start3A_2552 = arith.constant 32 : i32
      %dma_start3A_2553 = tpu.memref_slice %arg6[%add3A_2547, %dma_start3A_2551, %dma_start3A_2552] : memref<4096x200x64xf32, #tpu.memory_space<hbm>> -> memref<1x200x32xf32, #tpu.memory_space<hbm>>
      %dma_start3A_2554 = tpu.memref_squeeze %dma_start3A_2553 : memref<1x200x32xf32, #tpu.memory_space<hbm>> -> memref<200x32xf32, #tpu.memory_space<hbm>>
      %dma_start3A_2555 = arith.constant 0 : i32
      %dma_start3A_2556 = arith.constant 32 : i32
      %dma_start3A_2557 = tpu.memref_slice %arg6[%add3A_2547, %dma_start3A_2555, %dma_start3A_2556] : memref<4096x200x64xf32, #tpu.memory_space<hbm>> -> memref<1x200x32xf32, #tpu.memory_space<hbm>>
      %dma_start3A_2558 = tpu.memref_squeeze %dma_start3A_2557 : memref<1x200x32xf32, #tpu.memory_space<hbm>> -> memref<200x32xf32, #tpu.memory_space<hbm>>
      %dma_start3A_2559 = arith.constant 200 : i32
      %dma_start3A_2560 = arith.constant 0 : i32
      %dma_start3A_2561 = tpu.memref_slice %arg11[%dma_start3A_2559, %dma_start3A_2560] : memref<400x32xf32, #tpu.memory_space<vmem>> -> memref<200x32xf32, #tpu.memory_space<vmem>>
      tpu.enqueue_dma source(%dma_start3A_2561 : memref<200x32xf32, #tpu.memory_space<vmem>>) target(%dma_start3A_2558 : memref<200x32xf32, #tpu.memory_space<hbm>>) target_semaphore(%arg15 : memref<!tpu.dma_semaphore, #tpu.memory_space<semaphore_mem>>)
      %dma_wait3A_2562 = arith.constant 0 : i32
      %dma_wait3A_2563 = arith.constant 0 : i32
      %dma_wait3A_2564 = tpu.memref_slice %arg4[%dma_wait3A_2562, %dma_wait3A_2563] : memref<1000000x32xf32, #tpu.memory_space<hbm>> -> memref<400x32xf32, #tpu.memory_space<hbm>>
      %dma_wait3A_2565 = arith.constant 0 : i32
      %dma_wait3A_2566 = arith.constant 0 : i32
      %dma_wait3A_2567 = tpu.memref_slice %arg4[%dma_wait3A_2565, %dma_wait3A_2566] : memref<1000000x32xf32, #tpu.memory_space<hbm>> -> memref<400x32xf32, #tpu.memory_space<hbm>>
      tpu.wait_dma2 semaphore(%arg14 : memref<!tpu.dma_semaphore, #tpu.memory_space<semaphore_mem>>) src(%dma_wait3A_2567 : memref<400x32xf32, #tpu.memory_space<hbm>>) dst(%arg10 : memref<400x32xf32, #tpu.memory_space<vmem>>)
      %dma_wait3A_2568 = arith.constant 0 : i32
      %dma_wait3A_2569 = arith.constant 0 : i32
      %dma_wait3A_2570 = tpu.memref_slice %arg5[%dma_wait3A_2568, %dma_wait3A_2569] : memref<1000000x32xf32, #tpu.memory_space<hbm>> -> memref<400x32xf32, #tpu.memory_space<hbm>>
      %dma_wait3A_2571 = arith.constant 0 : i32
      %dma_wait3A_2572 = arith.constant 0 : i32
      %dma_wait3A_2573 = tpu.memref_slice %arg5[%dma_wait3A_2571, %dma_wait3A_2572] : memref<1000000x32xf32, #tpu.memory_space<hbm>> -> memref<400x32xf32, #tpu.memory_space<hbm>>
      tpu.wait_dma2 semaphore(%arg14 : memref<!tpu.dma_semaphore, #tpu.memory_space<semaphore_mem>>) src(%dma_wait3A_2573 : memref<400x32xf32, #tpu.memory_space<hbm>>) dst(%arg12 : memref<400x32xf32, #tpu.memory_space<vmem>>)
      %add3A_2574 = arith.constant 1 : i32
      %add3A_2575 = arith.addi %add3A_1372, %add3A_2574 : i32
      %mul3A_2576 = arith.constant 2 : i32
      %mul3A_2577 = arith.muli %mul3A_2576, %add3A_2575 : i32
      %add3A_2578 = arith.addi %mul3A_2, %mul3A_2577 : i32
      %dma_start3A_2579 = arith.constant 0 : i32
      %dma_start3A_2580 = arith.constant 0 : i32
      %dma_start3A_2581 = tpu.memref_slice %arg10[%dma_start3A_2579, %dma_start3A_2580] : memref<400x32xf32, #tpu.memory_space<vmem>> -> memref<200x32xf32, #tpu.memory_space<vmem>>
      %dma_start3A_2582 = arith.constant 0 : i32
      %dma_start3A_2583 = arith.constant 0 : i32
      %dma_start3A_2584 = tpu.memref_slice %arg6[%add3A_2578, %dma_start3A_2582, %dma_start3A_2583] : memref<4096x200x64xf32, #tpu.memory_space<hbm>> -> memref<1x200x32xf32, #tpu.memory_space<hbm>>
      %dma_start3A_2585 = tpu.memref_squeeze %dma_start3A_2584 : memref<1x200x32xf32, #tpu.memory_space<hbm>> -> memref<200x32xf32, #tpu.memory_space<hbm>>
      %dma_start3A_2586 = arith.constant 0 : i32
      %dma_start3A_2587 = arith.constant 0 : i32
      %dma_start3A_2588 = tpu.memref_slice %arg6[%add3A_2578, %dma_start3A_2586, %dma_start3A_2587] : memref<4096x200x64xf32, #tpu.memory_space<hbm>> -> memref<1x200x32xf32, #tpu.memory_space<hbm>>
      %dma_start3A_2589 = tpu.memref_squeeze %dma_start3A_2588 : memref<1x200x32xf32, #tpu.memory_space<hbm>> -> memref<200x32xf32, #tpu.memory_space<hbm>>
      %dma_start3A_2590 = arith.constant 0 : i32
      %dma_start3A_2591 = arith.constant 0 : i32
      %dma_start3A_2592 = tpu.memref_slice %arg10[%dma_start3A_2590, %dma_start3A_2591] : memref<400x32xf32, #tpu.memory_space<vmem>> -> memref<200x32xf32, #tpu.memory_space<vmem>>
      tpu.enqueue_dma source(%dma_start3A_2592 : memref<200x32xf32, #tpu.memory_space<vmem>>) target(%dma_start3A_2589 : memref<200x32xf32, #tpu.memory_space<hbm>>) target_semaphore(%arg16 : memref<!tpu.dma_semaphore, #tpu.memory_space<semaphore_mem>>)
      %add3A_2593 = arith.constant 1 : i32
      %add3A_2594 = arith.addi %add3A_2578, %add3A_2593 : i32
      %dma_start3A_2595 = arith.constant 200 : i32
      %dma_start3A_2596 = arith.constant 0 : i32
      %dma_start3A_2597 = tpu.memref_slice %arg10[%dma_start3A_2595, %dma_start3A_2596] : memref<400x32xf32, #tpu.memory_space<vmem>> -> memref<200x32xf32, #tpu.memory_space<vmem>>
      %dma_start3A_2598 = arith.constant 0 : i32
      %dma_start3A_2599 = arith.constant 0 : i32
      %dma_start3A_2600 = tpu.memref_slice %arg6[%add3A_2594, %dma_start3A_2598, %dma_start3A_2599] : memref<4096x200x64xf32, #tpu.memory_space<hbm>> -> memref<1x200x32xf32, #tpu.memory_space<hbm>>
      %dma_start3A_2601 = tpu.memref_squeeze %dma_start3A_2600 : memref<1x200x32xf32, #tpu.memory_space<hbm>> -> memref<200x32xf32, #tpu.memory_space<hbm>>
      %dma_start3A_2602 = arith.constant 0 : i32
      %dma_start3A_2603 = arith.constant 0 : i32
      %dma_start3A_2604 = tpu.memref_slice %arg6[%add3A_2594, %dma_start3A_2602, %dma_start3A_2603] : memref<4096x200x64xf32, #tpu.memory_space<hbm>> -> memref<1x200x32xf32, #tpu.memory_space<hbm>>
      %dma_start3A_2605 = tpu.memref_squeeze %dma_start3A_2604 : memref<1x200x32xf32, #tpu.memory_space<hbm>> -> memref<200x32xf32, #tpu.memory_space<hbm>>
      %dma_start3A_2606 = arith.constant 200 : i32
      %dma_start3A_2607 = arith.constant 0 : i32
      %dma_start3A_2608 = tpu.memref_slice %arg10[%dma_start3A_2606, %dma_start3A_2607] : memref<400x32xf32, #tpu.memory_space<vmem>> -> memref<200x32xf32, #tpu.memory_space<vmem>>
      tpu.enqueue_dma source(%dma_start3A_2608 : memref<200x32xf32, #tpu.memory_space<vmem>>) target(%dma_start3A_2605 : memref<200x32xf32, #tpu.memory_space<hbm>>) target_semaphore(%arg16 : memref<!tpu.dma_semaphore, #tpu.memory_space<semaphore_mem>>)
      %dma_start3A_2609 = arith.constant 0 : i32
      %dma_start3A_2610 = arith.constant 0 : i32
      %dma_start3A_2611 = tpu.memref_slice %arg12[%dma_start3A_2609, %dma_start3A_2610] : memref<400x32xf32, #tpu.memory_space<vmem>> -> memref<200x32xf32, #tpu.memory_space<vmem>>
      %dma_start3A_2612 = arith.constant 0 : i32
      %dma_start3A_2613 = arith.constant 32 : i32
      %dma_start3A_2614 = tpu.memref_slice %arg6[%add3A_2578, %dma_start3A_2612, %dma_start3A_2613] : memref<4096x200x64xf32, #tpu.memory_space<hbm>> -> memref<1x200x32xf32, #tpu.memory_space<hbm>>
      %dma_start3A_2615 = tpu.memref_squeeze %dma_start3A_2614 : memref<1x200x32xf32, #tpu.memory_space<hbm>> -> memref<200x32xf32, #tpu.memory_space<hbm>>
      %dma_start3A_2616 = arith.constant 0 : i32
      %dma_start3A_2617 = arith.constant 32 : i32
      %dma_start3A_2618 = tpu.memref_slice %arg6[%add3A_2578, %dma_start3A_2616, %dma_start3A_2617] : memref<4096x200x64xf32, #tpu.memory_space<hbm>> -> memref<1x200x32xf32, #tpu.memory_space<hbm>>
      %dma_start3A_2619 = tpu.memref_squeeze %dma_start3A_2618 : memref<1x200x32xf32, #tpu.memory_space<hbm>> -> memref<200x32xf32, #tpu.memory_space<hbm>>
      %dma_start3A_2620 = arith.constant 0 : i32
      %dma_start3A_2621 = arith.constant 0 : i32
      %dma_start3A_2622 = tpu.memref_slice %arg12[%dma_start3A_2620, %dma_start3A_2621] : memref<400x32xf32, #tpu.memory_space<vmem>> -> memref<200x32xf32, #tpu.memory_space<vmem>>
      tpu.enqueue_dma source(%dma_start3A_2622 : memref<200x32xf32, #tpu.memory_space<vmem>>) target(%dma_start3A_2619 : memref<200x32xf32, #tpu.memory_space<hbm>>) target_semaphore(%arg16 : memref<!tpu.dma_semaphore, #tpu.memory_space<semaphore_mem>>)
      %add3A_2623 = arith.constant 1 : i32
      %add3A_2624 = arith.addi %add3A_2578, %add3A_2623 : i32
      %dma_start3A_2625 = arith.constant 200 : i32
      %dma_start3A_2626 = arith.constant 0 : i32
      %dma_start3A_2627 = tpu.memref_slice %arg12[%dma_start3A_2625, %dma_start3A_2626] : memref<400x32xf32, #tpu.memory_space<vmem>> -> memref<200x32xf32, #tpu.memory_space<vmem>>
      %dma_start3A_2628 = arith.constant 0 : i32
      %dma_start3A_2629 = arith.constant 32 : i32
      %dma_start3A_2630 = tpu.memref_slice %arg6[%add3A_2624, %dma_start3A_2628, %dma_start3A_2629] : memref<4096x200x64xf32, #tpu.memory_space<hbm>> -> memref<1x200x32xf32, #tpu.memory_space<hbm>>
      %dma_start3A_2631 = tpu.memref_squeeze %dma_start3A_2630 : memref<1x200x32xf32, #tpu.memory_space<hbm>> -> memref<200x32xf32, #tpu.memory_space<hbm>>
      %dma_start3A_2632 = arith.constant 0 : i32
      %dma_start3A_2633 = arith.constant 32 : i32
      %dma_start3A_2634 = tpu.memref_slice %arg6[%add3A_2624, %dma_start3A_2632, %dma_start3A_2633] : memref<4096x200x64xf32, #tpu.memory_space<hbm>> -> memref<1x200x32xf32, #tpu.memory_space<hbm>>
      %dma_start3A_2635 = tpu.memref_squeeze %dma_start3A_2634 : memref<1x200x32xf32, #tpu.memory_space<hbm>> -> memref<200x32xf32, #tpu.memory_space<hbm>>
      %dma_start3A_2636 = arith.constant 200 : i32
      %dma_start3A_2637 = arith.constant 0 : i32
      %dma_start3A_2638 = tpu.memref_slice %arg12[%dma_start3A_2636, %dma_start3A_2637] : memref<400x32xf32, #tpu.memory_space<vmem>> -> memref<200x32xf32, #tpu.memory_space<vmem>>
      tpu.enqueue_dma source(%dma_start3A_2638 : memref<200x32xf32, #tpu.memory_space<vmem>>) target(%dma_start3A_2635 : memref<200x32xf32, #tpu.memory_space<hbm>>) target_semaphore(%arg16 : memref<!tpu.dma_semaphore, #tpu.memory_space<semaphore_mem>>)
    }
    %scan3A_1255 = arith.constant 31 : i32
    %dma_wait3A_1256 = arith.constant 0 : i32
    %dma_wait3A_1257 = arith.constant 0 : i32
    %dma_wait3A_1258 = tpu.memref_slice %arg9[%dma_wait3A_1256, %dma_wait3A_1257] : memref<400x32xf32, #tpu.memory_space<vmem>> -> memref<200x32xf32, #tpu.memory_space<vmem>>
    %dma_wait3A_1259 = arith.constant 0 : i32
    %dma_wait3A_1260 = arith.constant 0 : i32
    %dma_wait3A_1261 = tpu.memref_slice %arg6[%mul3A_2, %dma_wait3A_1259, %dma_wait3A_1260] : memref<4096x200x64xf32, #tpu.memory_space<hbm>> -> memref<1x200x32xf32, #tpu.memory_space<hbm>>
    %dma_wait3A_1262 = tpu.memref_squeeze %dma_wait3A_1261 : memref<1x200x32xf32, #tpu.memory_space<hbm>> -> memref<200x32xf32, #tpu.memory_space<hbm>>
    %dma_wait3A_1263 = arith.constant 0 : i32
    %dma_wait3A_1264 = arith.constant 0 : i32
    %dma_wait3A_1265 = tpu.memref_slice %arg6[%mul3A_2, %dma_wait3A_1263, %dma_wait3A_1264] : memref<4096x200x64xf32, #tpu.memory_space<hbm>> -> memref<1x200x32xf32, #tpu.memory_space<hbm>>
    %dma_wait3A_1266 = tpu.memref_squeeze %dma_wait3A_1265 : memref<1x200x32xf32, #tpu.memory_space<hbm>> -> memref<200x32xf32, #tpu.memory_space<hbm>>
    %dma_wait3A_1267 = arith.constant 0 : i32
    %dma_wait3A_1268 = arith.constant 0 : i32
    %dma_wait3A_1269 = tpu.memref_slice %arg9[%dma_wait3A_1267, %dma_wait3A_1268] : memref<400x32xf32, #tpu.memory_space<vmem>> -> memref<200x32xf32, #tpu.memory_space<vmem>>
    tpu.wait_dma2 semaphore(%arg15 : memref<!tpu.dma_semaphore, #tpu.memory_space<semaphore_mem>>) src(%dma_wait3A_1269 : memref<200x32xf32, #tpu.memory_space<vmem>>) dst(%dma_wait3A_1266 : memref<200x32xf32, #tpu.memory_space<hbm>>)
    %dma_wait3A_1270 = arith.constant 0 : i32
    %dma_wait3A_1271 = arith.constant 0 : i32
    %dma_wait3A_1272 = tpu.memref_slice %arg11[%dma_wait3A_1270, %dma_wait3A_1271] : memref<400x32xf32, #tpu.memory_space<vmem>> -> memref<200x32xf32, #tpu.memory_space<vmem>>
    %dma_wait3A_1273 = arith.constant 0 : i32
    %dma_wait3A_1274 = arith.constant 32 : i32
    %dma_wait3A_1275 = tpu.memref_slice %arg6[%mul3A_2, %dma_wait3A_1273, %dma_wait3A_1274] : memref<4096x200x64xf32, #tpu.memory_space<hbm>> -> memref<1x200x32xf32, #tpu.memory_space<hbm>>
    %dma_wait3A_1276 = tpu.memref_squeeze %dma_wait3A_1275 : memref<1x200x32xf32, #tpu.memory_space<hbm>> -> memref<200x32xf32, #tpu.memory_space<hbm>>
    %dma_wait3A_1277 = arith.constant 0 : i32
    %dma_wait3A_1278 = arith.constant 32 : i32
    %dma_wait3A_1279 = tpu.memref_slice %arg6[%mul3A_2, %dma_wait3A_1277, %dma_wait3A_1278] : memref<4096x200x64xf32, #tpu.memory_space<hbm>> -> memref<1x200x32xf32, #tpu.memory_space<hbm>>
    %dma_wait3A_1280 = tpu.memref_squeeze %dma_wait3A_1279 : memref<1x200x32xf32, #tpu.memory_space<hbm>> -> memref<200x32xf32, #tpu.memory_space<hbm>>
    %dma_wait3A_1281 = arith.constant 0 : i32
    %dma_wait3A_1282 = arith.constant 0 : i32
    %dma_wait3A_1283 = tpu.memref_slice %arg11[%dma_wait3A_1281, %dma_wait3A_1282] : memref<400x32xf32, #tpu.memory_space<vmem>> -> memref<200x32xf32, #tpu.memory_space<vmem>>
    tpu.wait_dma2 semaphore(%arg15 : memref<!tpu.dma_semaphore, #tpu.memory_space<semaphore_mem>>) src(%dma_wait3A_1283 : memref<200x32xf32, #tpu.memory_space<vmem>>) dst(%dma_wait3A_1280 : memref<200x32xf32, #tpu.memory_space<hbm>>)
    %dma_wait3A_1284 = arith.constant 0 : i32
    %dma_wait3A_1285 = arith.constant 0 : i32
    %dma_wait3A_1286 = tpu.memref_slice %arg9[%dma_wait3A_1284, %dma_wait3A_1285] : memref<400x32xf32, #tpu.memory_space<vmem>> -> memref<200x32xf32, #tpu.memory_space<vmem>>
    %dma_wait3A_1287 = arith.constant 0 : i32
    %dma_wait3A_1288 = arith.constant 0 : i32
    %dma_wait3A_1289 = tpu.memref_slice %arg6[%mul3A_2, %dma_wait3A_1287, %dma_wait3A_1288] : memref<4096x200x64xf32, #tpu.memory_space<hbm>> -> memref<1x200x32xf32, #tpu.memory_space<hbm>>
    %dma_wait3A_1290 = tpu.memref_squeeze %dma_wait3A_1289 : memref<1x200x32xf32, #tpu.memory_space<hbm>> -> memref<200x32xf32, #tpu.memory_space<hbm>>
    %dma_wait3A_1291 = arith.constant 0 : i32
    %dma_wait3A_1292 = arith.constant 0 : i32
    %dma_wait3A_1293 = tpu.memref_slice %arg6[%mul3A_2, %dma_wait3A_1291, %dma_wait3A_1292] : memref<4096x200x64xf32, #tpu.memory_space<hbm>> -> memref<1x200x32xf32, #tpu.memory_space<hbm>>
    %dma_wait3A_1294 = tpu.memref_squeeze %dma_wait3A_1293 : memref<1x200x32xf32, #tpu.memory_space<hbm>> -> memref<200x32xf32, #tpu.memory_space<hbm>>
    %dma_wait3A_1295 = arith.constant 0 : i32
    %dma_wait3A_1296 = arith.constant 0 : i32
    %dma_wait3A_1297 = tpu.memref_slice %arg9[%dma_wait3A_1295, %dma_wait3A_1296] : memref<400x32xf32, #tpu.memory_space<vmem>> -> memref<200x32xf32, #tpu.memory_space<vmem>>
    tpu.wait_dma2 semaphore(%arg15 : memref<!tpu.dma_semaphore, #tpu.memory_space<semaphore_mem>>) src(%dma_wait3A_1297 : memref<200x32xf32, #tpu.memory_space<vmem>>) dst(%dma_wait3A_1294 : memref<200x32xf32, #tpu.memory_space<hbm>>)
    %dma_wait3A_1298 = arith.constant 0 : i32
    %dma_wait3A_1299 = arith.constant 0 : i32
    %dma_wait3A_1300 = tpu.memref_slice %arg11[%dma_wait3A_1298, %dma_wait3A_1299] : memref<400x32xf32, #tpu.memory_space<vmem>> -> memref<200x32xf32, #tpu.memory_space<vmem>>
    %dma_wait3A_1301 = arith.constant 0 : i32
    %dma_wait3A_1302 = arith.constant 32 : i32
    %dma_wait3A_1303 = tpu.memref_slice %arg6[%mul3A_2, %dma_wait3A_1301, %dma_wait3A_1302] : memref<4096x200x64xf32, #tpu.memory_space<hbm>> -> memref<1x200x32xf32, #tpu.memory_space<hbm>>
    %dma_wait3A_1304 = tpu.memref_squeeze %dma_wait3A_1303 : memref<1x200x32xf32, #tpu.memory_space<hbm>> -> memref<200x32xf32, #tpu.memory_space<hbm>>
    %dma_wait3A_1305 = arith.constant 0 : i32
    %dma_wait3A_1306 = arith.constant 32 : i32
    %dma_wait3A_1307 = tpu.memref_slice %arg6[%mul3A_2, %dma_wait3A_1305, %dma_wait3A_1306] : memref<4096x200x64xf32, #tpu.memory_space<hbm>> -> memref<1x200x32xf32, #tpu.memory_space<hbm>>
    %dma_wait3A_1308 = tpu.memref_squeeze %dma_wait3A_1307 : memref<1x200x32xf32, #tpu.memory_space<hbm>> -> memref<200x32xf32, #tpu.memory_space<hbm>>
    %dma_wait3A_1309 = arith.constant 0 : i32
    %dma_wait3A_1310 = arith.constant 0 : i32
    %dma_wait3A_1311 = tpu.memref_slice %arg11[%dma_wait3A_1309, %dma_wait3A_1310] : memref<400x32xf32, #tpu.memory_space<vmem>> -> memref<200x32xf32, #tpu.memory_space<vmem>>
    tpu.wait_dma2 semaphore(%arg15 : memref<!tpu.dma_semaphore, #tpu.memory_space<semaphore_mem>>) src(%dma_wait3A_1311 : memref<200x32xf32, #tpu.memory_space<vmem>>) dst(%dma_wait3A_1308 : memref<200x32xf32, #tpu.memory_space<hbm>>)
    %dma_wait3A_1312 = arith.constant 0 : i32
    %dma_wait3A_1313 = arith.constant 0 : i32
    %dma_wait3A_1314 = tpu.memref_slice %arg10[%dma_wait3A_1312, %dma_wait3A_1313] : memref<400x32xf32, #tpu.memory_space<vmem>> -> memref<200x32xf32, #tpu.memory_space<vmem>>
    %dma_wait3A_1315 = arith.constant 0 : i32
    %dma_wait3A_1316 = arith.constant 0 : i32
    %dma_wait3A_1317 = tpu.memref_slice %arg6[%mul3A_2, %dma_wait3A_1315, %dma_wait3A_1316] : memref<4096x200x64xf32, #tpu.memory_space<hbm>> -> memref<1x200x32xf32, #tpu.memory_space<hbm>>
    %dma_wait3A_1318 = tpu.memref_squeeze %dma_wait3A_1317 : memref<1x200x32xf32, #tpu.memory_space<hbm>> -> memref<200x32xf32, #tpu.memory_space<hbm>>
    %dma_wait3A_1319 = arith.constant 0 : i32
    %dma_wait3A_1320 = arith.constant 0 : i32
    %dma_wait3A_1321 = tpu.memref_slice %arg6[%mul3A_2, %dma_wait3A_1319, %dma_wait3A_1320] : memref<4096x200x64xf32, #tpu.memory_space<hbm>> -> memref<1x200x32xf32, #tpu.memory_space<hbm>>
    %dma_wait3A_1322 = tpu.memref_squeeze %dma_wait3A_1321 : memref<1x200x32xf32, #tpu.memory_space<hbm>> -> memref<200x32xf32, #tpu.memory_space<hbm>>
    %dma_wait3A_1323 = arith.constant 0 : i32
    %dma_wait3A_1324 = arith.constant 0 : i32
    %dma_wait3A_1325 = tpu.memref_slice %arg10[%dma_wait3A_1323, %dma_wait3A_1324] : memref<400x32xf32, #tpu.memory_space<vmem>> -> memref<200x32xf32, #tpu.memory_space<vmem>>
    tpu.wait_dma2 semaphore(%arg16 : memref<!tpu.dma_semaphore, #tpu.memory_space<semaphore_mem>>) src(%dma_wait3A_1325 : memref<200x32xf32, #tpu.memory_space<vmem>>) dst(%dma_wait3A_1322 : memref<200x32xf32, #tpu.memory_space<hbm>>)
    %dma_wait3A_1326 = arith.constant 0 : i32
    %dma_wait3A_1327 = arith.constant 0 : i32
    %dma_wait3A_1328 = tpu.memref_slice %arg12[%dma_wait3A_1326, %dma_wait3A_1327] : memref<400x32xf32, #tpu.memory_space<vmem>> -> memref<200x32xf32, #tpu.memory_space<vmem>>
    %dma_wait3A_1329 = arith.constant 0 : i32
    %dma_wait3A_1330 = arith.constant 32 : i32
    %dma_wait3A_1331 = tpu.memref_slice %arg6[%mul3A_2, %dma_wait3A_1329, %dma_wait3A_1330] : memref<4096x200x64xf32, #tpu.memory_space<hbm>> -> memref<1x200x32xf32, #tpu.memory_space<hbm>>
    %dma_wait3A_1332 = tpu.memref_squeeze %dma_wait3A_1331 : memref<1x200x32xf32, #tpu.memory_space<hbm>> -> memref<200x32xf32, #tpu.memory_space<hbm>>
    %dma_wait3A_1333 = arith.constant 0 : i32
    %dma_wait3A_1334 = arith.constant 32 : i32
    %dma_wait3A_1335 = tpu.memref_slice %arg6[%mul3A_2, %dma_wait3A_1333, %dma_wait3A_1334] : memref<4096x200x64xf32, #tpu.memory_space<hbm>> -> memref<1x200x32xf32, #tpu.memory_space<hbm>>
    %dma_wait3A_1336 = tpu.memref_squeeze %dma_wait3A_1335 : memref<1x200x32xf32, #tpu.memory_space<hbm>> -> memref<200x32xf32, #tpu.memory_space<hbm>>
    %dma_wait3A_1337 = arith.constant 0 : i32
    %dma_wait3A_1338 = arith.constant 0 : i32
    %dma_wait3A_1339 = tpu.memref_slice %arg12[%dma_wait3A_1337, %dma_wait3A_1338] : memref<400x32xf32, #tpu.memory_space<vmem>> -> memref<200x32xf32, #tpu.memory_space<vmem>>
    tpu.wait_dma2 semaphore(%arg16 : memref<!tpu.dma_semaphore, #tpu.memory_space<semaphore_mem>>) src(%dma_wait3A_1339 : memref<200x32xf32, #tpu.memory_space<vmem>>) dst(%dma_wait3A_1336 : memref<200x32xf32, #tpu.memory_space<hbm>>)
    %dma_wait3A_1340 = arith.constant 0 : i32
    %dma_wait3A_1341 = arith.constant 0 : i32
    %dma_wait3A_1342 = tpu.memref_slice %arg10[%dma_wait3A_1340, %dma_wait3A_1341] : memref<400x32xf32, #tpu.memory_space<vmem>> -> memref<200x32xf32, #tpu.memory_space<vmem>>
    %dma_wait3A_1343 = arith.constant 0 : i32
    %dma_wait3A_1344 = arith.constant 0 : i32
    %dma_wait3A_1345 = tpu.memref_slice %arg6[%mul3A_2, %dma_wait3A_1343, %dma_wait3A_1344] : memref<4096x200x64xf32, #tpu.memory_space<hbm>> -> memref<1x200x32xf32, #tpu.memory_space<hbm>>
    %dma_wait3A_1346 = tpu.memref_squeeze %dma_wait3A_1345 : memref<1x200x32xf32, #tpu.memory_space<hbm>> -> memref<200x32xf32, #tpu.memory_space<hbm>>
    %dma_wait3A_1347 = arith.constant 0 : i32
    %dma_wait3A_1348 = arith.constant 0 : i32
    %dma_wait3A_1349 = tpu.memref_slice %arg6[%mul3A_2, %dma_wait3A_1347, %dma_wait3A_1348] : memref<4096x200x64xf32, #tpu.memory_space<hbm>> -> memref<1x200x32xf32, #tpu.memory_space<hbm>>
    %dma_wait3A_1350 = tpu.memref_squeeze %dma_wait3A_1349 : memref<1x200x32xf32, #tpu.memory_space<hbm>> -> memref<200x32xf32, #tpu.memory_space<hbm>>
    %dma_wait3A_1351 = arith.constant 0 : i32
    %dma_wait3A_1352 = arith.constant 0 : i32
    %dma_wait3A_1353 = tpu.memref_slice %arg10[%dma_wait3A_1351, %dma_wait3A_1352] : memref<400x32xf32, #tpu.memory_space<vmem>> -> memref<200x32xf32, #tpu.memory_space<vmem>>
    tpu.wait_dma2 semaphore(%arg16 : memref<!tpu.dma_semaphore, #tpu.memory_space<semaphore_mem>>) src(%dma_wait3A_1353 : memref<200x32xf32, #tpu.memory_space<vmem>>) dst(%dma_wait3A_1350 : memref<200x32xf32, #tpu.memory_space<hbm>>)
    %dma_wait3A_1354 = arith.constant 0 : i32
    %dma_wait3A_1355 = arith.constant 0 : i32
    %dma_wait3A_1356 = tpu.memref_slice %arg12[%dma_wait3A_1354, %dma_wait3A_1355] : memref<400x32xf32, #tpu.memory_space<vmem>> -> memref<200x32xf32, #tpu.memory_space<vmem>>
    %dma_wait3A_1357 = arith.constant 0 : i32
    %dma_wait3A_1358 = arith.constant 32 : i32
    %dma_wait3A_1359 = tpu.memref_slice %arg6[%mul3A_2, %dma_wait3A_1357, %dma_wait3A_1358] : memref<4096x200x64xf32, #tpu.memory_space<hbm>> -> memref<1x200x32xf32, #tpu.memory_space<hbm>>
    %dma_wait3A_1360 = tpu.memref_squeeze %dma_wait3A_1359 : memref<1x200x32xf32, #tpu.memory_space<hbm>> -> memref<200x32xf32, #tpu.memory_space<hbm>>
    %dma_wait3A_1361 = arith.constant 0 : i32
    %dma_wait3A_1362 = arith.constant 32 : i32
    %dma_wait3A_1363 = tpu.memref_slice %arg6[%mul3A_2, %dma_wait3A_1361, %dma_wait3A_1362] : memref<4096x200x64xf32, #tpu.memory_space<hbm>> -> memref<1x200x32xf32, #tpu.memory_space<hbm>>
    %dma_wait3A_1364 = tpu.memref_squeeze %dma_wait3A_1363 : memref<1x200x32xf32, #tpu.memory_space<hbm>> -> memref<200x32xf32, #tpu.memory_space<hbm>>
    %dma_wait3A_1365 = arith.constant 0 : i32
    %dma_wait3A_1366 = arith.constant 0 : i32
    %dma_wait3A_1367 = tpu.memref_slice %arg12[%dma_wait3A_1365, %dma_wait3A_1366] : memref<400x32xf32, #tpu.memory_space<vmem>> -> memref<200x32xf32, #tpu.memory_space<vmem>>
    tpu.wait_dma2 semaphore(%arg16 : memref<!tpu.dma_semaphore, #tpu.memory_space<semaphore_mem>>) src(%dma_wait3A_1367 : memref<200x32xf32, #tpu.memory_space<vmem>>) dst(%dma_wait3A_1364 : memref<200x32xf32, #tpu.memory_space<hbm>>)
    return
  }
}

</mosaic_0001>

<sc_bundles>
// kernel: kernel.3.cloned.1.call-start
scs
__scs_entry_jumppad:
0x0: {  	(pc) =	sbr.rel $0x88, $3  }
0x1: {  	(tag) =	ssettag $0x0;
	lr =	simm.s32 $0x1  }
0x2: {  	[smem:$0x3F9D] =	sst lr;
	_ =	strace $0xD0000000  }
0x3: {  	_ = 	snop  }
0x4: {  	_ = 	snop  }
0x5: {  	_ = 	snop  }
0x6: {  	_ = 	snop  }
0x7: {  	_ = 	snop  }
__scs_overlays_trampoline_lowered:
0x8: {  	[smem:$0x3FAC] =	sst s0  }
0x9: {  	[smem:$0x3FAD] =	sst s1  }
0xa: {  	[smem:$0x3FAE] =	sst s2  }
0xb: {  	[smem:$0x3FAF] =	sst s3  }
0xc: {  	[smem:$0x3FB0] =	sst s4  }
0xd: {  	[smem:$0x3FB1] =	sst s5  }
0xe: {  	[smem:$0x3FB2] =	sst s6  }
0xf: {  	[smem:$0x3FB3] =	sst s7  }
0x10: {  	[smem:$0x3FB4] =	sst s8  }
0x11: {  	[smem:$0x3FB5] =	sst s9;
	s0 =	simm.s32 @!p0 $0x0  }
0x12: {  	s1 =	sld [smem:$0x3F9B];
	s0 =	simm.s32 @p0 $0x1  }
0x13: {  	[smem:$0x3FB6] =	sst s0;
	s0 =	simm.s32 @!p1 $0x0  }
0x14: {  	s2 =	sld [smem:$0x3F9A];
	s0 =	simm.s32 @p1 $0x1  }
0x15: {  	[smem:$0x3FB7] =	sst s0;
	s0 =	simm.s32 @!p2 $0x0  }
0x16: {  	s3 =	sld [smem:$0x3FDB];
	s0 =	simm.s32 @p2 $0x1  }
0x17: {  	s4 =	simm.s32 $0x1BF5;
	[smem:$0x3FB9] =	sst s0  }
0x18: {  	s0 =	sld [smem:$0x3F9C];
	_ =	swait.ge [sflag:s4], $0x0  }
0x19: {  	s7 =	sld [smem:$0x3F9D]  }
0x1a: {  	s8 =	sadd.s32 $0xFFFFE003, lr  }
0x1b: {  	s9 =	sadd.s32 $0xFFFFFEF7, lr;
	s5 =	simm.s32 $0xFFFFFFFF;
	p2 =	slt.u32 s8, $0xFFFFF086  }
0x1c: {  	p1 =	slt.u32 s9, $0xF7A;
	s5 =	simm.s32 @!p2 $0x0  }
0x1d: {  	s5 =	simm.s32 @p1 $0x1;
	p0 =	seq.s32 s7, s2  }
0x1e: {  	s7 =	smul.u32 @!p0 $0xF7A, s2;
	p2 =	seq.s32 @!p0 s5, $0x0  }
0x1f: {  	s9 =	smul.u32 $0xF7A, s1;
	s8 =	simm.s32 @!p0 $0x1BF5;
	p2 =	por !p2, p0  }
0x20: {  	[sflag:s8] =	ssyncset.s32 @!p0 $0xFFFFF086;
	s6 =	sadd.s32 @!p0 s3, s7;
	s7 =	simm.s32 @!p0 $0x108  }
0x21: {  	s3 =	sadd.s32 s3, s9;
	s6 =	sadd.s32 @!p0 $0x88, s6;
	s7 =	simm.s32 @p2 $0x1082  }
0x22: {  	[simem:s7], [sflag:s8] =	dma.local @!p0 [hbm:s6], $0xF7A  }
0x23: {  	s9 =	sor.u32 $0xD0000000, s2;
	s6 =	simm.s32 $0x108;
	_ =	swait.ge @!p0 [sflag:s8], $0x0  }
0x24: {  	s3 =	sadd.s32 $0x88, s3;
	s6 =	simm.s32 @!p1 $0x1082;
	[sflag:s4] =	ssyncset.s32 $0xFFFFF086  }
0x25: {  	[simem:s6], [sflag:s4] =	dma.local [hbm:s3], $0xF7A  }
0x26: {  	[smem:$0x3F9D] =	sst s1;
	(tag) =	ssettag s2;
	_ =	strace s9  }
0x27: {  	s1 =	sld [smem:$0x3FAD]  }
0x28: {  	s2 =	sld [smem:$0x3FAE]  }
0x29: {  	s4 =	sld [smem:$0x3FB0]  }
0x2a: {  	p0 =	seq.s32 s5, $0x0;
	s5 =	sld [smem:$0x3FB1]  }
0x2b: {  	s6 =	sld [smem:$0x3FB2]  }
0x2c: {  	s7 =	sld [smem:$0x3FB3]  }
0x2d: {  	s3 =	simm.s32 $0x108;
	s8 =	sld [smem:$0x3FB4]  }
0x2e: {  	s3 =	simm.s32 @!p0 $0x1082;
	s9 =	sld [smem:$0x3FB5]  }
0x2f: {  	lr =	sadd.s32 s0, s3;
	s0 =	sld [smem:$0x3FAC]  }
0x30: {  	s3 =	sld [smem:$0x3FAF]  }
0x31: {  	[smem:$0x3FB8] =	sst s10  }
0x32: {  	s10 =	sld [smem:$0x3FB6];
	_ =	sdelay $0x3  }
0x33: {  	p0 =	seq.s32 s10, $0x1;
	s10 =	sld [smem:$0x3FB8];
	_ =	sdelay $0x3  }
0x34: {  	[smem:$0x3FB8] =	sst s10  }
0x35: {  	s10 =	sld [smem:$0x3FB7];
	_ =	sdelay $0x3  }
0x36: {  	p1 =	seq.s32 s10, $0x1;
	s10 =	sld [smem:$0x3FB8];
	_ =	sdelay $0x3  }
0x37: {  	[smem:$0x3FB8] =	sst s10  }
0x38: {  	s10 =	sld [smem:$0x3FB9]  }
0x39: {  	_ = 	snop;
	(pc) =	sbr.ind lr, $3  }
0x3a: {  	_ = 	snop  }
0x3b: {  	_ = 	snop  }
0x3c: {  	p2 =	seq.s32 s10, $0x1;
	s10 =	sld [smem:$0x3FB8]  }
0x3d: {  	_ =	shalt  }
0x3e: {  	_ =	shalt  }
0x3f: {  	_ =	shalt  }
0x40: {  	_ =	shalt  }
0x41: {  	_ =	shalt  }
0x42: {  	_ =	shalt  }
0x43: {  	_ =	shalt  }
0x44: {  	_ =	shalt  }
0x45: {  	_ =	shalt  }
0x46: {  	_ =	shalt  }
0x47: {  	_ =	shalt  }
0x48: {  	_ =	shalt  }
0x49: {  	_ =	shalt  }
0x4a: {  	_ =	shalt  }
0x4b: {  	_ =	shalt  }
0x4c: {  	_ =	shalt  }
0x4d: {  	_ =	shalt  }
0x4e: {  	_ =	shalt  }
0x4f: {  	_ =	shalt  }
0x50: {  	_ =	shalt  }
0x51: {  	_ =	shalt  }
0x52: {  	_ =	shalt  }
0x53: {  	_ =	shalt  }
0x54: {  	_ =	shalt  }
0x55: {  	_ =	shalt  }
0x56: {  	_ =	shalt  }
0x57: {  	_ =	shalt  }
0x58: {  	_ =	shalt  }
0x59: {  	_ =	shalt  }
0x5a: {  	_ =	shalt  }
0x5b: {  	_ =	shalt  }
0x5c: {  	_ =	shalt  }
0x5d: {  	_ =	shalt  }
0x5e: {  	_ =	shalt  }
0x5f: {  	_ =	shalt  }
0x60: {  	_ =	shalt  }
0x61: {  	_ =	shalt  }
0x62: {  	_ =	shalt  }
0x63: {  	_ =	shalt  }
0x64: {  	_ =	shalt  }
0x65: {  	_ =	shalt  }
0x66: {  	_ =	shalt  }
0x67: {  	_ =	shalt  }
0x68: {  	_ =	shalt  }
0x69: {  	_ =	shalt  }
0x6a: {  	_ =	shalt  }
0x6b: {  	_ =	shalt  }
0x6c: {  	_ =	shalt  }
0x6d: {  	_ =	shalt  }
0x6e: {  	_ =	shalt  }
0x6f: {  	_ =	shalt  }
0x70: {  	_ =	shalt  }
0x71: {  	_ =	shalt  }
0x72: {  	_ =	shalt  }
0x73: {  	_ =	shalt  }
0x74: {  	_ =	shalt  }
0x75: {  	_ =	shalt  }
0x76: {  	_ =	shalt  }
0x77: {  	_ =	shalt  }
0x78: {  	_ =	shalt  }
0x79: {  	_ =	shalt  }
0x7a: {  	_ =	shalt  }
0x7b: {  	_ =	shalt  }
0x7c: {  	_ =	shalt  }
0x7d: {  	_ =	shalt  }
0x7e: {  	_ =	shalt  }
0x7f: {  	_ =	shalt  }
0x80: {  	_ =	shalt  }
0x81: {  	_ =	shalt  }
0x82: {  	_ =	shalt  }
0x83: {  	_ =	shalt  }
0x84: {  	_ =	shalt  }
0x85: {  	_ =	shalt  }
0x86: {  	_ =	shalt  }
0x87: {  	_ =	shalt  }
.Lfunc_end0:
.L_simem_size_0:
called_computation.1_lowered:
.L_overlay_start_0:
0x88: {  	s2 =	sld [smem:$0x3FD9]  }
0x89: {  	s3 =	sld [smem:$0x3FFE];
	_ =	sdelay $0x1  }
0x8a: {  	s1 =	srdreg.scid  }
0x8b: {  	s0 =	sand.u32 $0x1, s1  }
0x8c: {  	s17 =	sshll.u32 s0, $0xA;
	s2 =	sadd.s32 s3, s2  }
0x8d: {  	s2 =	sadd.s32 s2, s17  }
0x8e: {  	[smem:$0x3FC4] =	sst s2  }
0x8f: {  	_ = 	snop  }
0x90: {  	s2 =	sld [smem:$0x3FD0];
	(tm) =	ssettm $0x1  }
0x91: {  	s18 =	sld [smem:$0x3FFB];
	_ =	sdelay $0x3  }
0x92: {  	_ =	strace s18  }
0x93: {  	s3 =	sld [smem:$0x3FFC];
	_ =	sdelay $0x3  }
0x94: {  	_ =	strace s3  }
0x95: {  	s3 =	sld [smem:$0x3FFD];
	_ =	sdelay $0x3  }
0x96: {  	_ =	strace s3  }
0x97: {  	_ =	strace $0x8FFFFFFF  }
0x98: {  	s19 =	sld [smem:$0x3FDB];
	_ =	sdelay $0x1  }
0x99: {  	s4 =	simm.s32 $_scs_section_size  }
0x9a: {  	s5 =	simm.s32 $_size__tile_overlayer_lowered;
	s6 =	simm.s32 $_tile_overlayer_lowered  }
0x9b: {  	s22 =	simm.s32 $0x1BFF;
	s21 =	sshll.u32 s6, $0x1;
	s3 =	sadd.s32 s4, s19  }
0x9c: {  	s7 =	simm.s32 $0x0;
	s20 =	sshll.u32 s5, $0x1;
	s5 =	sadd.s32 s21, s3  }
0x9d: {  	[timem:s7], [sflag:s22] =	dma.local [hbm:s5], s20  }
0x9e: {  	_ =	swait.ge [sflag:s22], s20  }
0x9f: {  	s4 =	ssub.s32 $0x0, s20;
	[sflag:s22] =	ssyncset.done $0x0  }
0xa0: {  	[sflag:s22] =	ssyncadd.s32 s4;
	_ =	sdelay $0x1  }
0xa1: {  	s23 =	simm.s32 $0x1B8B  }
0xa2: {  	_ =	swait.ge [sflag:s23], $0x1  }
0xa3: {  	[sflag:s23] =	ssyncset.done $0x0  }
0xa4: {  	s25 =	simm.s32 $0x1B8E;
	s24 =	sld [smem:$0x3FFE];
	[sflag:s23] =	ssyncadd.s32 $0xFFFFFFFF  }
0xa5: {  	s26 =	simm.s32 $execute0_lowered;
	[smem:$0x3FD2] =	sst s25  }
0xa6: {  	s5 =	sshll.u32 s26, $0x1;
	_ =	strace $0x80000046;
	[dreg:$0x1] =	wrdreg $0xFFFFFFFF  }
0xa7: {  	s28 =	simm.s32 $_size_execute0_lowered;
	s3 =	sadd.s32 s3, s5;
	[dreg:$0x0] =	wrdreg $0x0  }
0xa8: {  	s5 =	sshll.u32 s28, $0x1;
	[dreg:$0x2] =	wrdreg s3  }
0xa9: {  	[dreg:$0x3] =	wrdreg s5  }
0xaa: {  	[dreg:$0x4] =	wrdreg $0xC0  }
0xab: {  	_ =	task [dreg:s7], $0x5FFFF  }
0xac: {  	[dreg:$0x1] =	wrdreg $0xFFFFFFFF  }
0xad: {  	[dreg:$0x0] =	wrdreg $0x60  }
0xae: {  	[dreg:$0x2] =	wrdreg s24  }
0xaf: {  	[dreg:$0x3] =	wrdreg s2  }
0xb0: {  	[dreg:$0x4] =	wrdreg $0x9  }
0xb1: {  	_ =	task.clear_ibuf [dreg:s7], $0x5FFFF;
	_ =	strace $0x90000046  }
0xb2: {  	s29 =	simm.s32 $0x9;
	_ =	strace $0x80000048  }
0xb3: {  	_ =	swait.ge [sflag:s29], $0x1  }
0xb4: {  	[sflag:s29] =	ssyncadd.s32 $0xFFFFFFFF  }
0xb5: {  	_ =	strace $0x90000048  }
0xb6: {  	_ =	sfence  }
0xb7: {  	s30 =	sld [smem:$0x0];
	_ =	sdelay $0x2  }
0xb8: {  	s31 =	sshll.u32 s1, $0xD;
	s1 =	sshrl.u32 s1, $0x2  }
0xb9: {  	s3 =	sand.u32 $0x4000, s31;
	s1 =	sadd.s32 s1, s30  }
0xba: {  	s0 =	sor.u32 s3, s0;
	s1 =	sshll.u32 s1, $0x11  }
0xbb: {  	s0 =	sor.u32 s1, s0  }
0xbc: {  	s0 =	sadd.s32 $0x8F2B, s0  }
0xbd: {  	[sflag:s0] =	ssyncadd.remote.s32 $0x1  }
0xbe: {  	_ =	sfence.sel $0xFFFF  }
0xbf: {  	[dreg:$0x0] =	wrdreg $0xFFFFFFFF;
	(pc) =	sbr.abs _section_cstart, $3  }
0xc0: {  	[dreg:$0x1] =	wrdreg $0xFFFFFFFF  }
0xc1: {  	_ =	task.clear_ibuf [dreg:s7], $0x2FFFF;
	_ =	strace $0x9FFFFFFF  }
0xc2: {  	(tm) =	ssettm $0x7FFFFFFF  }
0xc3: {  	_ =	shalt  }
tec
execute0_lowered:
.L_overlay_start_1:
0x0: {  	(tag) =	ssettag $0x1  }
0x1: {  	s0 =	srdreg.scid  }
0x2: {  	s10 =	stileid.u32;
	s1 =	rddreg [dreg:$0x0]  }
0x3: {  	s5 =	rddreg [dreg:$0x1];
	s29 =	simm.s32 $0xC800;
	s30 =	simm.s32 $0x13C00  }
0x4: {  	s31 =	simm.s32 $0xDA00;
	s28 =	simm.s32 $0x4;
	s23 =	smul.u32 $0x320000, s10  }
0x5: {  	s0 =	sand.u32 $0x1, s0;
	s2 =	sshll.u32 s10, $0x1;
	s20 =	smul.u32 $0x64000, s10  }
0x6: {  	s10 =	simm.s32 $0xCE00;
	s4 =	sor.u32 s0, s2;
	s25 =	smul.u32 $0x190000, s0  }
0x7: {  	s2 =	simm.s32 $0x0;
	s7 =	ssub.s32 $0x2, s0;
	s0 =	smul.u32 $0x32000, s0  }
0x8: {  	s3 =	smul.u32 $0xC80, s4;
	[smem:$0x7FF] =	sst s2;
	s8 =	sshrl.u32 s7, $0x1  }
0x9: {  	s9 =	smul.u32 $0x32000, s4;
	s4 =	sadd.s32 $0xF43000, s1;
	s22 =	sadd.s32 s20, s5  }
0xa: {  	s20 =	simm.s32 $0x40;
	_ =	strace $0x80000047;
	s14 =	sadd.s32 s25, s23  }
0xb: {  	s0 =	sadd.s32 s0, s22;
	s22 =	simm.s32 $0x13600;
	s6 =	sadd.s32 s3, s1  }
0xc: {  	s3 =	sadd.s32 $0x1313A00, s1;
	s9 =	sadd.s32 s5, s9;
	[dreg:$0x5] =	wrdreg s0  }
0xd: {  	s1 =	ssub.s32 s7, s8;
	s24 =	sadd.s32 $0x19C00, s6;
	[dreg:$0x9] =	wrdreg s9  }
0xe: {  	s17 =	sor.u32 $0xFA00, s14;
	s6 =	sadd.s32 $0xC00, s6;
	[dreg:$0x8] =	wrdreg s24  }
0xf: {  	s19 =	sor.u32 $0xFA20, s14;
	s26 =	sadd.s32 $0x640, s9;
	[dreg:$0xa] =	wrdreg s6  }
0x10: {  	s23 =	sadd.s32 $0x15E20, s14;
	s11 =	sadd.s32 $0x4, s9;
	[dreg:$0xb] =	wrdreg s26  }
0x11: {  	s12 =	sadd.s32 $0x644, s9;
	s13 =	sadd.s32 $0xC80, s9;
	[dreg:$0xc] =	wrdreg s11  }
0x12: {  	s15 =	sadd.s32 $0x12C0, s9;
	s16 =	sadd.s32 $0xC84, s9;
	[dreg:$0xd] =	wrdreg s12  }
0x13: {  	s18 =	sadd.s32 $0x12C4, s9;
	s7 =	sshrl.u32 s17, $0x3;
	[dreg:$0xe] =	wrdreg s13  }
0x14: {  	s8 =	sshrl.u32 s19, $0x3;
	s1 =	smax.u32 s1, $0x1;
	[dreg:$0xf] =	wrdreg s15  }
0x15: {  	s19 =	simm.s32 $0x12C00;
	s9 =	simm.s32 $0x13000;
	[dreg:$0x10] =	wrdreg s16  }
0x16: {  	[dreg:$0x11] =	wrdreg s18;
	s7 =	sadd.s32 s7, s5;
	s21 =	sadd.s32 s8, s5  }
0x17: {  	s24 =	sshrl.u32 s23, $0x3;
	s6 =	sadd.s32 $0x15E00, s14;
	[dreg:$0x12] =	wrdreg s1  }
0x18: {  	s8 =	simm.s32 $0xCC00;
	s11 =	simm.s32 $0x13200;
	s12 =	simm.s32 $0xD000  }
0x19: {  	s13 =	simm.s32 $0x13400;
	s18 =	simm.s32 $0xD600;
	s14 =	simm.s32 $0x13A00  }
0x1a: {  	s15 =	simm.s32 $0xD800;
	s16 =	simm.s32 $0x20;
	[dreg:$0x3] =	wrdreg s7  }
0x1b: {  	s23 =	simm.s32 $0x2;
	s1 =	simm.s32 $0x0;
	[dreg:$0x4] =	wrdreg s21  }
0x1c: {  	s25 =	sadd.s32 s24, s5;
	s6 =	sshrl.u32 s6, $0x3;
	s7 =	simm.s32 $0x12E00  }
0x1d: {  	s21 =	simm.s32 $0xD200;
	s24 =	simm.s32 $0xD400;
	[dreg:$0x6] =	wrdreg s25  }
0x1e: {  	s26 =	sadd.s32 s6, s5;
	s5 =	simm.s32 $0xCA00;
	s25 =	simm.s32 $0x13800  }
0x1f: {  	vm0 =	vmmov $0xffff;
	s6 =	simm.s32 $0x1;
	[dreg:$0x7] =	wrdreg s26;
	s26 =	simm.s32 $0x3  }
.LBB2_1:
0x20: {  	[dreg:$0x13] =	wrdreg s1  }
0x21: {  	s0 =	rddreg [dreg:$0x8];
	s1 =	simm.s32 $0x5  }
0x22: {  	[tilespmem:s2], [sflag:$0x5] =	stream.linear.gather [hbm4b:s0+s2], $0x6400, $0x38;
	[tilespmem:$0x19000] =	vst v63  }
0x23: {  	_ =	swait.ge [sflag:s1], $0x6400  }
0x24: {  	[sflag:s1] =	ssyncset.done $0x0  }
0x25: {  	s17 =	simm.s32 $0x6400;
	s0 =	rddreg [dreg:$0xa];
	[sflag:s1] =	ssyncadd.s32 $0xFFFF9C00  }
0x26: {  	[tilespmem:s17], [sflag:$0x5] =	stream.linear.gather [hbm4b:s0+s2], $0x6400, $0x38;
	[tilespmem:$0x19000] =	vst v63  }
0x27: {  	_ =	swait.ge [sflag:s1], $0x6400  }
0x28: {  	[sflag:s1] =	ssyncset.done $0x0  }
0x29: {  	[sflag:s1] =	ssyncadd.s32 $0xFFFF9C00  }
0x2a: {  	v0 =	vld [tilespmem:$0x0];
	_ =	sdelay $0x7  }
0x2b: {  	[tilespmem:s29], [sflag:$0x1] =	stream.indirect_vreg.gather [hbm4b:s3+s2], $0x20, v0, vm0, $0xb8;
	[tilespmem:$0x19000] =	vst v63  }
0x2c: {  	v0 =	vld [tilespmem:$0x6400];
	_ =	sdelay $0x7  }
0x2d: {  	[tilespmem:s19], [sflag:$0x1] =	stream.indirect_vreg.gather [hbm4b:s4+s2], $0x20, v0, vm0, $0xb8;
	[tilespmem:$0x19000] =	vst v63  }
0x2e: {  	v0 =	vld [tilespmem:$0x10];
	_ =	sdelay $0x7  }
0x2f: {  	[tilespmem:s5], [sflag:$0x1] =	stream.indirect_vreg.gather [hbm4b:s3+s2], $0x20, v0, vm0, $0xb8;
	[tilespmem:$0x19000] =	vst v63  }
0x30: {  	v0 =	vld [tilespmem:$0x6410];
	_ =	sdelay $0x7  }
0x31: {  	[tilespmem:s7], [sflag:$0x1] =	stream.indirect_vreg.gather [hbm4b:s4+s2], $0x20, v0, vm0, $0xb8;
	[tilespmem:$0x19000] =	vst v63  }
0x32: {  	v0 =	vld [tilespmem:$0x20];
	_ =	sdelay $0x7  }
0x33: {  	[tilespmem:s8], [sflag:$0x1] =	stream.indirect_vreg.gather [hbm4b:s3+s2], $0x20, v0, vm0, $0xb8;
	[tilespmem:$0x19000] =	vst v63  }
0x34: {  	v0 =	vld [tilespmem:$0x6420];
	_ =	sdelay $0x7  }
0x35: {  	[tilespmem:s9], [sflag:$0x1] =	stream.indirect_vreg.gather [hbm4b:s4+s2], $0x20, v0, vm0, $0xb8;
	[tilespmem:$0x19000] =	vst v63  }
0x36: {  	v0 =	vld [tilespmem:$0x30];
	_ =	sdelay $0x7  }
0x37: {  	[tilespmem:s10], [sflag:$0x1] =	stream.indirect_vreg.gather [hbm4b:s3+s2], $0x20, v0, vm0, $0xb8;
	[tilespmem:$0x19000] =	vst v63  }
0x38: {  	v0 =	vld [tilespmem:$0x6430];
	_ =	sdelay $0x7  }
0x39: {  	[tilespmem:s11], [sflag:$0x1] =	stream.indirect_vreg.gather [hbm4b:s4+s2], $0x20, v0, vm0, $0xb8;
	[tilespmem:$0x19000] =	vst v63  }
0x3a: {  	v0 =	vld [tilespmem:$0x40];
	_ =	sdelay $0x7  }
0x3b: {  	[tilespmem:s12], [sflag:$0x1] =	stream.indirect_vreg.gather [hbm4b:s3+s2], $0x20, v0, vm0, $0xb8;
	[tilespmem:$0x19000] =	vst v63  }
0x3c: {  	v0 =	vld [tilespmem:$0x6440];
	_ =	sdelay $0x7  }
0x3d: {  	[tilespmem:s13], [sflag:$0x1] =	stream.indirect_vreg.gather [hbm4b:s4+s2], $0x20, v0, vm0, $0xb8;
	[tilespmem:$0x19000] =	vst v63  }
0x3e: {  	v0 =	vld [tilespmem:$0x50];
	_ =	sdelay $0x7  }
0x3f: {  	[tilespmem:s21], [sflag:$0x1] =	stream.indirect_vreg.gather [hbm4b:s3+s2], $0x20, v0, vm0, $0xb8;
	[tilespmem:$0x19000] =	vst v63  }
0x40: {  	v0 =	vld [tilespmem:$0x6450];
	_ =	sdelay $0x7  }
0x41: {  	[tilespmem:s22], [sflag:$0x1] =	stream.indirect_vreg.gather [hbm4b:s4+s2], $0x20, v0, vm0, $0xb8;
	[tilespmem:$0x19000] =	vst v63  }
0x42: {  	v0 =	vld [tilespmem:$0x60];
	_ =	sdelay $0x7  }
0x43: {  	[tilespmem:s24], [sflag:$0x1] =	stream.indirect_vreg.gather [hbm4b:s3+s2], $0x20, v0, vm0, $0xb8;
	[tilespmem:$0x19000] =	vst v63  }
0x44: {  	v0 =	vld [tilespmem:$0x6460];
	_ =	sdelay $0x7  }
0x45: {  	[tilespmem:s25], [sflag:$0x1] =	stream.indirect_vreg.gather [hbm4b:s4+s2], $0x20, v0, vm0, $0xb8;
	[tilespmem:$0x19000] =	vst v63  }
0x46: {  	v0 =	vld [tilespmem:$0x70];
	_ =	sdelay $0x7  }
0x47: {  	[tilespmem:s18], [sflag:$0x1] =	stream.indirect_vreg.gather [hbm4b:s3+s2], $0x20, v0, vm0, $0xb8;
	[tilespmem:$0x19000] =	vst v63  }
0x48: {  	v0 =	vld [tilespmem:$0x6470];
	_ =	sdelay $0x7  }
0x49: {  	[tilespmem:s14], [sflag:$0x1] =	stream.indirect_vreg.gather [hbm4b:s4+s2], $0x20, v0, vm0, $0xb8;
	[tilespmem:$0x19000] =	vst v63  }
0x4a: {  	v0 =	vld [tilespmem:$0x80];
	_ =	sdelay $0x7  }
0x4b: {  	[tilespmem:s15], [sflag:$0x1] =	stream.indirect_vreg.gather [hbm4b:s3+s2], $0x20, v0, vm0, $0xb8;
	[tilespmem:$0x19000] =	vst v63  }
0x4c: {  	v0 =	vld [tilespmem:$0x6480];
	_ =	sdelay $0x7  }
0x4d: {  	[tilespmem:s30], [sflag:$0x1] =	stream.indirect_vreg.gather [hbm4b:s4+s2], $0x20, v0, vm0, $0xb8;
	[tilespmem:$0x19000] =	vst v63  }
0x4e: {  	v0 =	vld [tilespmem:$0x90];
	_ =	sdelay $0x7  }
0x4f: {  	[tilespmem:s31], [sflag:$0x1] =	stream.indirect_vreg.gather [hbm4b:s3+s2], $0x20, v0, vm0, $0xb8;
	[tilespmem:$0x19000] =	vst v63  }
0x50: {  	v0 =	vld [tilespmem:$0x6490];
	_ =	sdelay $0x6  }
0x51: {  	s8 =	simm.s32 $0x13E00  }
0x52: {  	[tilespmem:s8], [sflag:$0x1] =	stream.indirect_vreg.gather [hbm4b:s4+s2], $0x20, v0, vm0, $0xb8;
	[tilespmem:$0x19000] =	vst v63  }
0x53: {  	v0 =	vld [tilespmem:$0xA0];
	_ =	sdelay $0x6  }
0x54: {  	s9 =	simm.s32 $0xDC00  }
0x55: {  	[tilespmem:s9], [sflag:$0x1] =	stream.indirect_vreg.gather [hbm4b:s3+s2], $0x20, v0, vm0, $0xb8;
	[tilespmem:$0x19000] =	vst v63  }
0x56: {  	v0 =	vld [tilespmem:$0x64A0];
	_ =	sdelay $0x6  }
0x57: {  	s10 =	simm.s32 $0x14000  }
0x58: {  	[tilespmem:s10], [sflag:$0x1] =	stream.indirect_vreg.gather [hbm4b:s4+s2], $0x20, v0, vm0, $0xb8;
	[tilespmem:$0x19000] =	vst v63  }
0x59: {  	v0 =	vld [tilespmem:$0xB0];
	_ =	sdelay $0x6  }
0x5a: {  	s11 =	simm.s32 $0xDE00  }
0x5b: {  	[tilespmem:s11], [sflag:$0x1] =	stream.indirect_vreg.gather [hbm4b:s3+s2], $0x20, v0, vm0, $0xb8;
	[tilespmem:$0x19000] =	vst v63  }
0x5c: {  	v0 =	vld [tilespmem:$0x64B0];
	_ =	sdelay $0x6  }
0x5d: {  	s12 =	simm.s32 $0x14200  }
0x5e: {  	[tilespmem:s12], [sflag:$0x1] =	stream.indirect_vreg.gather [hbm4b:s4+s2], $0x20, v0, vm0, $0xb8;
	[tilespmem:$0x19000] =	vst v63  }
0x5f: {  	v0 =	vld [tilespmem:$0xC0];
	_ =	sdelay $0x6  }
0x60: {  	s13 =	simm.s32 $0xE000  }
0x61: {  	[tilespmem:s13], [sflag:$0x1] =	stream.indirect_vreg.gather [hbm4b:s3+s2], $0x20, v0, vm0, $0xb8;
	[tilespmem:$0x19000] =	vst v63  }
0x62: {  	v0 =	vld [tilespmem:$0x64C0];
	_ =	sdelay $0x6  }
0x63: {  	s14 =	simm.s32 $0x14400  }
0x64: {  	[tilespmem:s14], [sflag:$0x1] =	stream.indirect_vreg.gather [hbm4b:s4+s2], $0x20, v0, vm0, $0xb8;
	[tilespmem:$0x19000] =	vst v63  }
0x65: {  	v0 =	vld [tilespmem:$0xD0];
	_ =	sdelay $0x6  }
0x66: {  	s15 =	simm.s32 $0xE200  }
0x67: {  	[tilespmem:s15], [sflag:$0x1] =	stream.indirect_vreg.gather [hbm4b:s3+s2], $0x20, v0, vm0, $0xb8;
	[tilespmem:$0x19000] =	vst v63  }
0x68: {  	v0 =	vld [tilespmem:$0x64D0];
	_ =	sdelay $0x6  }
0x69: {  	s18 =	simm.s32 $0x14600  }
0x6a: {  	[tilespmem:s18], [sflag:$0x1] =	stream.indirect_vreg.gather [hbm4b:s4+s2], $0x20, v0, vm0, $0xb8;
	[tilespmem:$0x19000] =	vst v63  }
0x6b: {  	v0 =	vld [tilespmem:$0xE0];
	_ =	sdelay $0x6  }
0x6c: {  	s21 =	simm.s32 $0xE400  }
0x6d: {  	[tilespmem:s21], [sflag:$0x1] =	stream.indirect_vreg.gather [hbm4b:s3+s2], $0x20, v0, vm0, $0xb8;
	[tilespmem:$0x19000] =	vst v63  }
0x6e: {  	v0 =	vld [tilespmem:$0x64E0];
	_ =	sdelay $0x6  }
0x6f: {  	s22 =	simm.s32 $0x14800  }
0x70: {  	[tilespmem:s22], [sflag:$0x1] =	stream.indirect_vreg.gather [hbm4b:s4+s2], $0x20, v0, vm0, $0xb8;
	[tilespmem:$0x19000] =	vst v63  }
0x71: {  	v0 =	vld [tilespmem:$0xF0];
	_ =	sdelay $0x6  }
0x72: {  	s24 =	simm.s32 $0xE600  }
0x73: {  	[tilespmem:s24], [sflag:$0x1] =	stream.indirect_vreg.gather [hbm4b:s3+s2], $0x20, v0, vm0, $0xb8;
	[tilespmem:$0x19000] =	vst v63  }
0x74: {  	v0 =	vld [tilespmem:$0x64F0];
	_ =	sdelay $0x6  }
0x75: {  	s25 =	simm.s32 $0x14A00  }
0x76: {  	[tilespmem:s25], [sflag:$0x1] =	stream.indirect_vreg.gather [hbm4b:s4+s2], $0x20, v0, vm0, $0xb8;
	[tilespmem:$0x19000] =	vst v63  }
0x77: {  	v0 =	vld [tilespmem:$0x100];
	_ =	sdelay $0x6  }
0x78: {  	s5 =	simm.s32 $0xE800  }
0x79: {  	[tilespmem:s5], [sflag:$0x1] =	stream.indirect_vreg.gather [hbm4b:s3+s2], $0x20, v0, vm0, $0xb8;
	[tilespmem:$0x19000] =	vst v63  }
0x7a: {  	v0 =	vld [tilespmem:$0x6500];
	_ =	sdelay $0x6  }
0x7b: {  	s7 =	simm.s32 $0x14C00  }
0x7c: {  	[tilespmem:s7], [sflag:$0x1] =	stream.indirect_vreg.gather [hbm4b:s4+s2], $0x20, v0, vm0, $0xb8;
	[tilespmem:$0x19000] =	vst v63  }
0x7d: {  	v0 =	vld [tilespmem:$0x110];
	_ =	sdelay $0x6  }
0x7e: {  	s8 =	simm.s32 $0xEA00  }
0x7f: {  	[tilespmem:s8], [sflag:$0x1] =	stream.indirect_vreg.gather [hbm4b:s3+s2], $0x20, v0, vm0, $0xb8;
	[tilespmem:$0x19000] =	vst v63  }
0x80: {  	v0 =	vld [tilespmem:$0x6510];
	_ =	sdelay $0x6  }
0x81: {  	s9 =	simm.s32 $0x14E00  }
0x82: {  	[tilespmem:s9], [sflag:$0x1] =	stream.indirect_vreg.gather [hbm4b:s4+s2], $0x20, v0, vm0, $0xb8;
	[tilespmem:$0x19000] =	vst v63  }
0x83: {  	v0 =	vld [tilespmem:$0x120];
	_ =	sdelay $0x6  }
0x84: {  	s10 =	simm.s32 $0xEC00  }
0x85: {  	[tilespmem:s10], [sflag:$0x1] =	stream.indirect_vreg.gather [hbm4b:s3+s2], $0x20, v0, vm0, $0xb8;
	[tilespmem:$0x19000] =	vst v63  }
0x86: {  	v0 =	vld [tilespmem:$0x6520];
	_ =	sdelay $0x6  }
0x87: {  	s11 =	simm.s32 $0x15000  }
0x88: {  	[tilespmem:s11], [sflag:$0x1] =	stream.indirect_vreg.gather [hbm4b:s4+s2], $0x20, v0, vm0, $0xb8;
	[tilespmem:$0x19000] =	vst v63  }
0x89: {  	v0 =	vld [tilespmem:$0x130];
	_ =	sdelay $0x6  }
0x8a: {  	s12 =	simm.s32 $0xEE00  }
0x8b: {  	[tilespmem:s12], [sflag:$0x1] =	stream.indirect_vreg.gather [hbm4b:s3+s2], $0x20, v0, vm0, $0xb8;
	[tilespmem:$0x19000] =	vst v63  }
0x8c: {  	v0 =	vld [tilespmem:$0x6530];
	_ =	sdelay $0x6  }
0x8d: {  	s13 =	simm.s32 $0x15200  }
0x8e: {  	[tilespmem:s13], [sflag:$0x1] =	stream.indirect_vreg.gather [hbm4b:s4+s2], $0x20, v0, vm0, $0xb8;
	[tilespmem:$0x19000] =	vst v63  }
0x8f: {  	v0 =	vld [tilespmem:$0x140];
	_ =	sdelay $0x6  }
0x90: {  	s14 =	simm.s32 $0xF000  }
0x91: {  	[tilespmem:s14], [sflag:$0x1] =	stream.indirect_vreg.gather [hbm4b:s3+s2], $0x20, v0, vm0, $0xb8;
	[tilespmem:$0x19000] =	vst v63  }
0x92: {  	v0 =	vld [tilespmem:$0x6540];
	_ =	sdelay $0x6  }
0x93: {  	s15 =	simm.s32 $0x15400  }
0x94: {  	[tilespmem:s15], [sflag:$0x1] =	stream.indirect_vreg.gather [hbm4b:s4+s2], $0x20, v0, vm0, $0xb8;
	[tilespmem:$0x19000] =	vst v63  }
0x95: {  	v0 =	vld [tilespmem:$0x150];
	_ =	sdelay $0x6  }
0x96: {  	s18 =	simm.s32 $0xF200  }
0x97: {  	[tilespmem:s18], [sflag:$0x1] =	stream.indirect_vreg.gather [hbm4b:s3+s2], $0x20, v0, vm0, $0xb8;
	[tilespmem:$0x19000] =	vst v63  }
0x98: {  	v0 =	vld [tilespmem:$0x6550];
	_ =	sdelay $0x6  }
0x99: {  	s21 =	simm.s32 $0x15600  }
0x9a: {  	[tilespmem:s21], [sflag:$0x1] =	stream.indirect_vreg.gather [hbm4b:s4+s2], $0x20, v0, vm0, $0xb8;
	[tilespmem:$0x19000] =	vst v63  }
0x9b: {  	v0 =	vld [tilespmem:$0x160];
	_ =	sdelay $0x6  }
0x9c: {  	s22 =	simm.s32 $0xF400  }
0x9d: {  	[tilespmem:s22], [sflag:$0x1] =	stream.indirect_vreg.gather [hbm4b:s3+s2], $0x20, v0, vm0, $0xb8;
	[tilespmem:$0x19000] =	vst v63  }
0x9e: {  	v0 =	vld [tilespmem:$0x6560];
	_ =	sdelay $0x6  }
0x9f: {  	s24 =	simm.s32 $0x15800  }
0xa0: {  	[tilespmem:s24], [sflag:$0x1] =	stream.indirect_vreg.gather [hbm4b:s4+s2], $0x20, v0, vm0, $0xb8;
	[tilespmem:$0x19000] =	vst v63  }
0xa1: {  	v0 =	vld [tilespmem:$0x170];
	_ =	sdelay $0x6  }
0xa2: {  	s25 =	simm.s32 $0xF600  }
0xa3: {  	[tilespmem:s25], [sflag:$0x1] =	stream.indirect_vreg.gather [hbm4b:s3+s2], $0x20, v0, vm0, $0xb8;
	[tilespmem:$0x19000] =	vst v63  }
0xa4: {  	v0 =	vld [tilespmem:$0x6570];
	_ =	sdelay $0x6  }
0xa5: {  	s5 =	simm.s32 $0x15A00  }
0xa6: {  	[tilespmem:s5], [sflag:$0x1] =	stream.indirect_vreg.gather [hbm4b:s4+s2], $0x20, v0, vm0, $0xb8;
	[tilespmem:$0x19000] =	vst v63  }
0xa7: {  	v0 =	vld [tilespmem:$0x180];
	_ =	sdelay $0x6  }
0xa8: {  	s7 =	simm.s32 $0xF800  }
0xa9: {  	[tilespmem:s7], [sflag:$0x1] =	stream.indirect_vreg.gather [hbm4b:s3+s2], $0x20, v0, vm0, $0xb8;
	[tilespmem:$0x19000] =	vst v63  }
0xaa: {  	v0 =	vld [tilespmem:$0x6580];
	_ =	sdelay $0x6  }
0xab: {  	s8 =	simm.s32 $0x15C00  }
0xac: {  	[tilespmem:s8], [sflag:$0x1] =	stream.indirect_vreg.gather [hbm4b:s4+s2], $0x20, v0, vm0, $0xb8;
	[tilespmem:$0x19000] =	vst v63  }
0xad: {  	v0 =	vld [tilespmem:$0x190];
	_ =	sdelay $0x6  }
0xae: {  	s17 =	simm.s32 $0xFA00  }
0xaf: {  	[tilespmem:s17], [sflag:$0x2] =	stream.indirect_vreg.gather [hbm4b:s3+s2], $0x20, v0, vm0, $0xb8;
	[tilespmem:$0x19000] =	vst v63  }
0xb0: {  	v0 =	vld [tilespmem:$0x6590];
	_ =	sdelay $0x6  }
0xb1: {  	s1 =	simm.s32 $0x15E00  }
0xb2: {  	[tilespmem:s1], [sflag:$0x2] =	stream.indirect_vreg.gather [hbm4b:s4+s2], $0x20, v0, vm0, $0xb8;
	[tilespmem:$0x19000] =	vst v63  }
0xb3: {  	v0 =	vld [tilespmem:$0x1A0];
	_ =	sdelay $0x6  }
0xb4: {  	s9 =	simm.s32 $0xFC00  }
0xb5: {  	[tilespmem:s9], [sflag:$0x2] =	stream.indirect_vreg.gather [hbm4b:s3+s2], $0x20, v0, vm0, $0xb8;
	[tilespmem:$0x19000] =	vst v63  }
0xb6: {  	v0 =	vld [tilespmem:$0x65A0];
	_ =	sdelay $0x6  }
0xb7: {  	s10 =	simm.s32 $0x16000  }
0xb8: {  	[tilespmem:s10], [sflag:$0x2] =	stream.indirect_vreg.gather [hbm4b:s4+s2], $0x20, v0, vm0, $0xb8;
	[tilespmem:$0x19000] =	vst v63  }
0xb9: {  	v0 =	vld [tilespmem:$0x1B0];
	_ =	sdelay $0x6  }
0xba: {  	s11 =	simm.s32 $0xFE00  }
0xbb: {  	[tilespmem:s11], [sflag:$0x2] =	stream.indirect_vreg.gather [hbm4b:s3+s2], $0x20, v0, vm0, $0xb8;
	[tilespmem:$0x19000] =	vst v63  }
0xbc: {  	v0 =	vld [tilespmem:$0x65B0];
	_ =	sdelay $0x6  }
0xbd: {  	s12 =	simm.s32 $0x16200  }
0xbe: {  	[tilespmem:s12], [sflag:$0x2] =	stream.indirect_vreg.gather [hbm4b:s4+s2], $0x20, v0, vm0, $0xb8;
	[tilespmem:$0x19000] =	vst v63  }
0xbf: {  	v0 =	vld [tilespmem:$0x1C0];
	_ =	sdelay $0x6  }
0xc0: {  	s13 =	simm.s32 $0x10000  }
0xc1: {  	[tilespmem:s13], [sflag:$0x2] =	stream.indirect_vreg.gather [hbm4b:s3+s2], $0x20, v0, vm0, $0xb8;
	[tilespmem:$0x19000] =	vst v63  }
0xc2: {  	v0 =	vld [tilespmem:$0x65C0];
	_ =	sdelay $0x6  }
0xc3: {  	s14 =	simm.s32 $0x16400  }
0xc4: {  	[tilespmem:s14], [sflag:$0x2] =	stream.indirect_vreg.gather [hbm4b:s4+s2], $0x20, v0, vm0, $0xb8;
	[tilespmem:$0x19000] =	vst v63  }
0xc5: {  	v0 =	vld [tilespmem:$0x1D0];
	_ =	sdelay $0x6  }
0xc6: {  	s15 =	simm.s32 $0x10200  }
0xc7: {  	[tilespmem:s15], [sflag:$0x2] =	stream.indirect_vreg.gather [hbm4b:s3+s2], $0x20, v0, vm0, $0xb8;
	[tilespmem:$0x19000] =	vst v63  }
0xc8: {  	v0 =	vld [tilespmem:$0x65D0];
	_ =	sdelay $0x6  }
0xc9: {  	s18 =	simm.s32 $0x16600  }
0xca: {  	[tilespmem:s18], [sflag:$0x2] =	stream.indirect_vreg.gather [hbm4b:s4+s2], $0x20, v0, vm0, $0xb8;
	[tilespmem:$0x19000] =	vst v63  }
0xcb: {  	v0 =	vld [tilespmem:$0x1E0];
	_ =	sdelay $0x6  }
0xcc: {  	s21 =	simm.s32 $0x10400  }
0xcd: {  	[tilespmem:s21], [sflag:$0x2] =	stream.indirect_vreg.gather [hbm4b:s3+s2], $0x20, v0, vm0, $0xb8;
	[tilespmem:$0x19000] =	vst v63  }
0xce: {  	v0 =	vld [tilespmem:$0x65E0];
	_ =	sdelay $0x6  }
0xcf: {  	s22 =	simm.s32 $0x16800  }
0xd0: {  	[tilespmem:s22], [sflag:$0x2] =	stream.indirect_vreg.gather [hbm4b:s4+s2], $0x20, v0, vm0, $0xb8;
	[tilespmem:$0x19000] =	vst v63  }
0xd1: {  	v0 =	vld [tilespmem:$0x1F0];
	_ =	sdelay $0x6  }
0xd2: {  	s24 =	simm.s32 $0x10600  }
0xd3: {  	[tilespmem:s24], [sflag:$0x2] =	stream.indirect_vreg.gather [hbm4b:s3+s2], $0x20, v0, vm0, $0xb8;
	[tilespmem:$0x19000] =	vst v63  }
0xd4: {  	v0 =	vld [tilespmem:$0x65F0];
	_ =	sdelay $0x6  }
0xd5: {  	s25 =	simm.s32 $0x16A00  }
0xd6: {  	[tilespmem:s25], [sflag:$0x2] =	stream.indirect_vreg.gather [hbm4b:s4+s2], $0x20, v0, vm0, $0xb8;
	[tilespmem:$0x19000] =	vst v63  }
0xd7: {  	v0 =	vld [tilespmem:$0x200];
	_ =	sdelay $0x6  }
0xd8: {  	s5 =	simm.s32 $0x10800  }
0xd9: {  	[tilespmem:s5], [sflag:$0x2] =	stream.indirect_vreg.gather [hbm4b:s3+s2], $0x20, v0, vm0, $0xb8;
	[tilespmem:$0x19000] =	vst v63  }
0xda: {  	v0 =	vld [tilespmem:$0x6600];
	_ =	sdelay $0x6  }
0xdb: {  	s7 =	simm.s32 $0x16C00  }
0xdc: {  	[tilespmem:s7], [sflag:$0x2] =	stream.indirect_vreg.gather [hbm4b:s4+s2], $0x20, v0, vm0, $0xb8;
	[tilespmem:$0x19000] =	vst v63  }
0xdd: {  	v0 =	vld [tilespmem:$0x210];
	_ =	sdelay $0x6  }
0xde: {  	s8 =	simm.s32 $0x10A00  }
0xdf: {  	[tilespmem:s8], [sflag:$0x2] =	stream.indirect_vreg.gather [hbm4b:s3+s2], $0x20, v0, vm0, $0xb8;
	[tilespmem:$0x19000] =	vst v63  }
0xe0: {  	v0 =	vld [tilespmem:$0x6610];
	_ =	sdelay $0x6  }
0xe1: {  	s9 =	simm.s32 $0x16E00  }
0xe2: {  	[tilespmem:s9], [sflag:$0x2] =	stream.indirect_vreg.gather [hbm4b:s4+s2], $0x20, v0, vm0, $0xb8;
	[tilespmem:$0x19000] =	vst v63  }
0xe3: {  	v0 =	vld [tilespmem:$0x220];
	_ =	sdelay $0x6  }
0xe4: {  	s10 =	simm.s32 $0x10C00  }
0xe5: {  	[tilespmem:s10], [sflag:$0x2] =	stream.indirect_vreg.gather [hbm4b:s3+s2], $0x20, v0, vm0, $0xb8;
	[tilespmem:$0x19000] =	vst v63  }
0xe6: {  	v0 =	vld [tilespmem:$0x6620];
	_ =	sdelay $0x6  }
0xe7: {  	s11 =	simm.s32 $0x17000  }
0xe8: {  	[tilespmem:s11], [sflag:$0x2] =	stream.indirect_vreg.gather [hbm4b:s4+s2], $0x20, v0, vm0, $0xb8;
	[tilespmem:$0x19000] =	vst v63  }
0xe9: {  	v0 =	vld [tilespmem:$0x230];
	_ =	sdelay $0x6  }
0xea: {  	s12 =	simm.s32 $0x10E00  }
0xeb: {  	[tilespmem:s12], [sflag:$0x2] =	stream.indirect_vreg.gather [hbm4b:s3+s2], $0x20, v0, vm0, $0xb8;
	[tilespmem:$0x19000] =	vst v63  }
0xec: {  	v0 =	vld [tilespmem:$0x6630];
	_ =	sdelay $0x6  }
0xed: {  	s13 =	simm.s32 $0x17200  }
0xee: {  	[tilespmem:s13], [sflag:$0x2] =	stream.indirect_vreg.gather [hbm4b:s4+s2], $0x20, v0, vm0, $0xb8;
	[tilespmem:$0x19000] =	vst v63  }
0xef: {  	v0 =	vld [tilespmem:$0x240];
	_ =	sdelay $0x6  }
0xf0: {  	s14 =	simm.s32 $0x11000  }
0xf1: {  	[tilespmem:s14], [sflag:$0x2] =	stream.indirect_vreg.gather [hbm4b:s3+s2], $0x20, v0, vm0, $0xb8;
	[tilespmem:$0x19000] =	vst v63  }
0xf2: {  	v0 =	vld [tilespmem:$0x6640];
	_ =	sdelay $0x6  }
0xf3: {  	s15 =	simm.s32 $0x17400  }
0xf4: {  	[tilespmem:s15], [sflag:$0x2] =	stream.indirect_vreg.gather [hbm4b:s4+s2], $0x20, v0, vm0, $0xb8;
	[tilespmem:$0x19000] =	vst v63  }
0xf5: {  	v0 =	vld [tilespmem:$0x250];
	_ =	sdelay $0x6  }
0xf6: {  	s18 =	simm.s32 $0x11200  }
0xf7: {  	[tilespmem:s18], [sflag:$0x2] =	stream.indirect_vreg.gather [hbm4b:s3+s2], $0x20, v0, vm0, $0xb8;
	[tilespmem:$0x19000] =	vst v63  }
0xf8: {  	v0 =	vld [tilespmem:$0x6650];
	_ =	sdelay $0x6  }
0xf9: {  	s21 =	simm.s32 $0x17600  }
0xfa: {  	[tilespmem:s21], [sflag:$0x2] =	stream.indirect_vreg.gather [hbm4b:s4+s2], $0x20, v0, vm0, $0xb8;
	[tilespmem:$0x19000] =	vst v63  }
0xfb: {  	v0 =	vld [tilespmem:$0x260];
	_ =	sdelay $0x6  }
0xfc: {  	s22 =	simm.s32 $0x11400  }
0xfd: {  	[tilespmem:s22], [sflag:$0x2] =	stream.indirect_vreg.gather [hbm4b:s3+s2], $0x20, v0, vm0, $0xb8;
	[tilespmem:$0x19000] =	vst v63  }
0xfe: {  	v0 =	vld [tilespmem:$0x6660];
	_ =	sdelay $0x6  }
0xff: {  	s24 =	simm.s32 $0x17800  }
0x100: {  	[tilespmem:s24], [sflag:$0x2] =	stream.indirect_vreg.gather [hbm4b:s4+s2], $0x20, v0, vm0, $0xb8;
	[tilespmem:$0x19000] =	vst v63  }
0x101: {  	v0 =	vld [tilespmem:$0x270];
	_ =	sdelay $0x6  }
0x102: {  	s25 =	simm.s32 $0x11600  }
0x103: {  	[tilespmem:s25], [sflag:$0x2] =	stream.indirect_vreg.gather [hbm4b:s3+s2], $0x20, v0, vm0, $0xb8;
	[tilespmem:$0x19000] =	vst v63  }
0x104: {  	v0 =	vld [tilespmem:$0x6670];
	_ =	sdelay $0x6  }
0x105: {  	s5 =	simm.s32 $0x17A00  }
0x106: {  	[tilespmem:s5], [sflag:$0x2] =	stream.indirect_vreg.gather [hbm4b:s4+s2], $0x20, v0, vm0, $0xb8;
	[tilespmem:$0x19000] =	vst v63  }
0x107: {  	v0 =	vld [tilespmem:$0x280];
	_ =	sdelay $0x6  }
0x108: {  	s7 =	simm.s32 $0x11800  }
0x109: {  	[tilespmem:s7], [sflag:$0x2] =	stream.indirect_vreg.gather [hbm4b:s3+s2], $0x20, v0, vm0, $0xb8;
	[tilespmem:$0x19000] =	vst v63  }
0x10a: {  	v0 =	vld [tilespmem:$0x6680];
	_ =	sdelay $0x6  }
0x10b: {  	s8 =	simm.s32 $0x17C00  }
0x10c: {  	[tilespmem:s8], [sflag:$0x2] =	stream.indirect_vreg.gather [hbm4b:s4+s2], $0x20, v0, vm0, $0xb8;
	[tilespmem:$0x19000] =	vst v63  }
0x10d: {  	v0 =	vld [tilespmem:$0x290];
	_ =	sdelay $0x6  }
0x10e: {  	s9 =	simm.s32 $0x11A00  }
0x10f: {  	[tilespmem:s9], [sflag:$0x2] =	stream.indirect_vreg.gather [hbm4b:s3+s2], $0x20, v0, vm0, $0xb8;
	[tilespmem:$0x19000] =	vst v63  }
0x110: {  	v0 =	vld [tilespmem:$0x6690];
	_ =	sdelay $0x6  }
0x111: {  	s10 =	simm.s32 $0x17E00  }
0x112: {  	[tilespmem:s10], [sflag:$0x2] =	stream.indirect_vreg.gather [hbm4b:s4+s2], $0x20, v0, vm0, $0xb8;
	[tilespmem:$0x19000] =	vst v63  }
0x113: {  	v0 =	vld [tilespmem:$0x2A0];
	_ =	sdelay $0x6  }
0x114: {  	s11 =	simm.s32 $0x11C00  }
0x115: {  	[tilespmem:s11], [sflag:$0x2] =	stream.indirect_vreg.gather [hbm4b:s3+s2], $0x20, v0, vm0, $0xb8;
	[tilespmem:$0x19000] =	vst v63  }
0x116: {  	v0 =	vld [tilespmem:$0x66A0];
	_ =	sdelay $0x6  }
0x117: {  	s12 =	simm.s32 $0x18000  }
0x118: {  	[tilespmem:s12], [sflag:$0x2] =	stream.indirect_vreg.gather [hbm4b:s4+s2], $0x20, v0, vm0, $0xb8;
	[tilespmem:$0x19000] =	vst v63  }
0x119: {  	v0 =	vld [tilespmem:$0x2B0];
	_ =	sdelay $0x6  }
0x11a: {  	s13 =	simm.s32 $0x11E00  }
0x11b: {  	[tilespmem:s13], [sflag:$0x2] =	stream.indirect_vreg.gather [hbm4b:s3+s2], $0x20, v0, vm0, $0xb8;
	[tilespmem:$0x19000] =	vst v63  }
0x11c: {  	v0 =	vld [tilespmem:$0x66B0];
	_ =	sdelay $0x6  }
0x11d: {  	s14 =	simm.s32 $0x18200  }
0x11e: {  	[tilespmem:s14], [sflag:$0x2] =	stream.indirect_vreg.gather [hbm4b:s4+s2], $0x20, v0, vm0, $0xb8;
	[tilespmem:$0x19000] =	vst v63  }
0x11f: {  	v0 =	vld [tilespmem:$0x2C0];
	_ =	sdelay $0x6  }
0x120: {  	s15 =	simm.s32 $0x12000  }
0x121: {  	[tilespmem:s15], [sflag:$0x2] =	stream.indirect_vreg.gather [hbm4b:s3+s2], $0x20, v0, vm0, $0xb8;
	[tilespmem:$0x19000] =	vst v63  }
0x122: {  	v0 =	vld [tilespmem:$0x66C0];
	_ =	sdelay $0x6  }
0x123: {  	s18 =	simm.s32 $0x18400  }
0x124: {  	[tilespmem:s18], [sflag:$0x2] =	stream.indirect_vreg.gather [hbm4b:s4+s2], $0x20, v0, vm0, $0xb8;
	[tilespmem:$0x19000] =	vst v63  }
0x125: {  	v0 =	vld [tilespmem:$0x2D0];
	_ =	sdelay $0x6  }
0x126: {  	s21 =	simm.s32 $0x12200  }
0x127: {  	[tilespmem:s21], [sflag:$0x2] =	stream.indirect_vreg.gather [hbm4b:s3+s2], $0x20, v0, vm0, $0xb8;
	[tilespmem:$0x19000] =	vst v63  }
0x128: {  	v0 =	vld [tilespmem:$0x66D0];
	_ =	sdelay $0x6  }
0x129: {  	s22 =	simm.s32 $0x18600  }
0x12a: {  	[tilespmem:s22], [sflag:$0x2] =	stream.indirect_vreg.gather [hbm4b:s4+s2], $0x20, v0, vm0, $0xb8;
	[tilespmem:$0x19000] =	vst v63  }
0x12b: {  	v0 =	vld [tilespmem:$0x2E0];
	_ =	sdelay $0x6  }
0x12c: {  	s24 =	simm.s32 $0x12400  }
0x12d: {  	[tilespmem:s24], [sflag:$0x2] =	stream.indirect_vreg.gather [hbm4b:s3+s2], $0x20, v0, vm0, $0xb8;
	[tilespmem:$0x19000] =	vst v63  }
0x12e: {  	v0 =	vld [tilespmem:$0x66E0];
	_ =	sdelay $0x6  }
0x12f: {  	s25 =	simm.s32 $0x18800  }
0x130: {  	[tilespmem:s25], [sflag:$0x2] =	stream.indirect_vreg.gather [hbm4b:s4+s2], $0x20, v0, vm0, $0xb8;
	[tilespmem:$0x19000] =	vst v63  }
0x131: {  	v0 =	vld [tilespmem:$0x2F0];
	_ =	sdelay $0x6  }
0x132: {  	s5 =	simm.s32 $0x12600  }
0x133: {  	[tilespmem:s5], [sflag:$0x2] =	stream.indirect_vreg.gather [hbm4b:s3+s2], $0x20, v0, vm0, $0xb8;
	[tilespmem:$0x19000] =	vst v63  }
0x134: {  	v0 =	vld [tilespmem:$0x66F0];
	_ =	sdelay $0x6  }
0x135: {  	s7 =	simm.s32 $0x18A00  }
0x136: {  	[tilespmem:s7], [sflag:$0x2] =	stream.indirect_vreg.gather [hbm4b:s4+s2], $0x20, v0, vm0, $0xb8;
	[tilespmem:$0x19000] =	vst v63  }
0x137: {  	v0 =	vld [tilespmem:$0x300];
	_ =	sdelay $0x6  }
0x138: {  	s8 =	simm.s32 $0x12800  }
0x139: {  	[tilespmem:s8], [sflag:$0x2] =	stream.indirect_vreg.gather [hbm4b:s3+s2], $0x20, v0, vm0, $0xb8;
	[tilespmem:$0x19000] =	vst v63  }
0x13a: {  	v0 =	vld [tilespmem:$0x6700];
	_ =	sdelay $0x6  }
0x13b: {  	s9 =	simm.s32 $0x18C00  }
0x13c: {  	[tilespmem:s9], [sflag:$0x2] =	stream.indirect_vreg.gather [hbm4b:s4+s2], $0x20, v0, vm0, $0xb8;
	[tilespmem:$0x19000] =	vst v63  }
0x13d: {  	v0 =	vld [tilespmem:$0x310];
	_ =	sdelay $0x6  }
0x13e: {  	s10 =	simm.s32 $0x12A00  }
0x13f: {  	[tilespmem:s10], [sflag:$0x2] =	stream.indirect_vreg.gather [hbm4b:s3+s2], $0x20, v0, vm0, $0xb8;
	[tilespmem:$0x19000] =	vst v63  }
0x140: {  	v0 =	vld [tilespmem:$0x6710];
	_ =	sdelay $0x6  }
0x141: {  	s11 =	simm.s32 $0x18E00  }
0x142: {  	[tilespmem:s11], [sflag:$0x2] =	stream.indirect_vreg.gather [hbm4b:s4+s2], $0x20, v0, vm0, $0xb8;
	[tilespmem:$0x19000] =	vst v63  }
0x143: {  	_ =	swait.ge [sflag:s6], $0x3200  }
0x144: {  	[sflag:s6] =	ssyncset.done $0x0  }
0x145: {  	[sflag:s6] =	ssyncadd.s32 $0xFFFFCE00  }
0x146: {  	_ =	swait.ge [sflag:s6], $0x3200  }
0x147: {  	[sflag:s6] =	ssyncset.done $0x0  }
0x148: {  	s12 =	rddreg [dreg:$0x9];
	[sflag:s6] =	ssyncadd.s32 $0xFFFFCE00  }
0x149: {  	[hbm4b:s12+s16] =	stream.strided.scatter [tilespmem:s29], [sflag:$0x3], $0x1900, s20, s16, $0x38;
	[tilespmem:$0x19000] =	vst v63  }
0x14a: {  	s14 =	simm.s32 $0xE100;
	s13 =	rddreg [dreg:$0xb]  }
0x14b: {  	[hbm4b:s13+s16] =	stream.strided.scatter [tilespmem:s14], [sflag:$0x3], $0x1900, s20, s16, $0x38;
	[tilespmem:$0x19000] =	vst v63  }
0x14c: {  	s15 =	rddreg [dreg:$0xc]  }
0x14d: {  	[hbm4b:s15+s16] =	stream.strided.scatter [tilespmem:s19], [sflag:$0x3], $0x1900, s20, s16, $0x38;
	[tilespmem:$0x19000] =	vst v63  }
0x14e: {  	s18 =	rddreg [dreg:$0xd];
	s19 =	simm.s32 $0x14500  }
0x14f: {  	[hbm4b:s18+s16] =	stream.strided.scatter [tilespmem:s19], [sflag:$0x3], $0x1900, s20, s16, $0x38;
	[tilespmem:$0x19000] =	vst v63  }
0x150: {  	_ =	swait.ge [sflag:s23], $0x3200  }
0x151: {  	s30 =	simm.s32 $0x6A30;
	[sflag:s23] =	ssyncset.done $0x0  }
0x152: {  	s31 =	simm.s32 $0x0;
	s5 =	simm.s32 $0xD800;
	[sflag:s23] =	ssyncadd.s32 $0xFFFFCE00  }
0x153: {  	s7 =	simm.s32 $0x13C00;
	s8 =	simm.s32 $0xDA00;
	_ =	swait.ge [sflag:s23], $0x3200  }
0x154: {  	s11 =	simm.s32 $0x11300;
	s12 =	simm.s32 $0x17700;
	[sflag:s23] =	ssyncset.done $0x0  }
0x155: {  	s29 =	simm.s32 $0x630;
	s21 =	rddreg [dreg:$0xe];
	[sflag:s23] =	ssyncadd.s32 $0xFFFFCE00  }
0x156: {  	[hbm4b:s21+s16] =	stream.strided.scatter [tilespmem:s17], [sflag:$0x4], $0x1900, s20, s16, $0x38;
	[tilespmem:$0x19000] =	vst v63  }
0x157: {  	s13 =	simm.s32 $0x13400;
	s14 =	simm.s32 $0x12C00;
	s22 =	rddreg [dreg:$0xf]  }
0x158: {  	[hbm4b:s22+s16] =	stream.strided.scatter [tilespmem:s11], [sflag:$0x4], $0x1900, s20, s16, $0x38;
	[tilespmem:$0x19000] =	vst v63  }
0x159: {  	s15 =	simm.s32 $0x13A00;
	s18 =	simm.s32 $0xD600;
	s24 =	rddreg [dreg:$0x10]  }
0x15a: {  	[hbm4b:s24+s16] =	stream.strided.scatter [tilespmem:s1], [sflag:$0x4], $0x1900, s20, s16, $0x38;
	[tilespmem:$0x19000] =	vst v63  }
0x15b: {  	s19 =	simm.s32 $0xC800;
	s25 =	rddreg [dreg:$0x11];
	s21 =	simm.s32 $0xD200  }
0x15c: {  	[hbm4b:s25+s16] =	stream.strided.scatter [tilespmem:s12], [sflag:$0x4], $0x1900, s20, s16, $0x38;
	[tilespmem:$0x19000] =	vst v63  }
0x15d: {  	s22 =	simm.s32 $0x13600;
	s24 =	simm.s32 $0xD400;
	s25 =	simm.s32 $0x13800  }
.LBB2_2:
0x15e: {  	_ =	swait.ge [sflag:s26], $0x1900  }
0x15f: {  	[sflag:s26] =	ssyncset.done $0x0  }
0x160: {  	[sflag:s26] =	ssyncadd.s32 $0xFFFFE700  }
0x161: {  	_ =	swait.ge [sflag:s26], $0x1900  }
0x162: {  	[sflag:s26] =	ssyncset.done $0x0  }
0x163: {  	[sflag:s26] =	ssyncadd.s32 $0xFFFFE700  }
0x164: {  	_ =	swait.ge [sflag:s26], $0x1900  }
0x165: {  	[sflag:s26] =	ssyncset.done $0x0  }
0x166: {  	[sflag:s26] =	ssyncadd.s32 $0xFFFFE700  }
0x167: {  	_ =	swait.ge [sflag:s26], $0x1900  }
0x168: {  	[sflag:s26] =	ssyncset.done $0x0  }
0x169: {  	[sflag:s26] =	ssyncadd.s32 $0xFFFFE700  }
0x16a: {  	v0 =	vld [tilespmem:s29+$0xFFFFFCF0];
	_ =	sdelay $0x7  }
0x16b: {  	[tilespmem:s19], [sflag:$0x1] =	stream.indirect_vreg.gather [hbm4b:s3+s2], $0x20, v0, vm0, $0xb8;
	[tilespmem:$0x19000] =	vst v63  }
0x16c: {  	v0 =	vld [tilespmem:s30+$0xFFFFFCF0];
	_ =	sdelay $0x7  }
0x16d: {  	[tilespmem:s14], [sflag:$0x1] =	stream.indirect_vreg.gather [hbm4b:s4+s2], $0x20, v0, vm0, $0xb8;
	[tilespmem:$0x19000] =	vst v63  }
0x16e: {  	v0 =	vld [tilespmem:s29+$0xFFFFFD00];
	_ =	sdelay $0x6  }
0x16f: {  	s0 =	simm.s32 $0xCA00  }
0x170: {  	[tilespmem:s0], [sflag:$0x1] =	stream.indirect_vreg.gather [hbm4b:s3+s2], $0x20, v0, vm0, $0xb8;
	[tilespmem:$0x19000] =	vst v63  }
0x171: {  	v0 =	vld [tilespmem:s30+$0xFFFFFD00];
	_ =	sdelay $0x6  }
0x172: {  	s10 =	simm.s32 $0x12E00  }
0x173: {  	[tilespmem:s10], [sflag:$0x1] =	stream.indirect_vreg.gather [hbm4b:s4+s2], $0x20, v0, vm0, $0xb8;
	[tilespmem:$0x19000] =	vst v63  }
0x174: {  	v0 =	vld [tilespmem:s29+$0xFFFFFD10];
	_ =	sdelay $0x6  }
0x175: {  	s9 =	simm.s32 $0xCC00  }
0x176: {  	[tilespmem:s9], [sflag:$0x1] =	stream.indirect_vreg.gather [hbm4b:s3+s2], $0x20, v0, vm0, $0xb8;
	[tilespmem:$0x19000] =	vst v63  }
0x177: {  	v0 =	vld [tilespmem:s30+$0xFFFFFD10];
	_ =	sdelay $0x6  }
0x178: {  	s10 =	simm.s32 $0x13000  }
0x179: {  	[tilespmem:s10], [sflag:$0x1] =	stream.indirect_vreg.gather [hbm4b:s4+s2], $0x20, v0, vm0, $0xb8;
	[tilespmem:$0x19000] =	vst v63  }
0x17a: {  	v0 =	vld [tilespmem:s29+$0xFFFFFD20];
	_ =	sdelay $0x6  }
0x17b: {  	s9 =	simm.s32 $0xCE00  }
0x17c: {  	[tilespmem:s9], [sflag:$0x1] =	stream.indirect_vreg.gather [hbm4b:s3+s2], $0x20, v0, vm0, $0xb8;
	[tilespmem:$0x19000] =	vst v63  }
0x17d: {  	v0 =	vld [tilespmem:s30+$0xFFFFFD20];
	_ =	sdelay $0x6  }
0x17e: {  	s10 =	simm.s32 $0x13200  }
0x17f: {  	[tilespmem:s10], [sflag:$0x1] =	stream.indirect_vreg.gather [hbm4b:s4+s2], $0x20, v0, vm0, $0xb8;
	[tilespmem:$0x19000] =	vst v63  }
0x180: {  	v0 =	vld [tilespmem:s29+$0xFFFFFD30];
	_ =	sdelay $0x6  }
0x181: {  	s9 =	simm.s32 $0xD000  }
0x182: {  	[tilespmem:s9], [sflag:$0x1] =	stream.indirect_vreg.gather [hbm4b:s3+s2], $0x20, v0, vm0, $0xb8;
	[tilespmem:$0x19000] =	vst v63  }
0x183: {  	v0 =	vld [tilespmem:s30+$0xFFFFFD30];
	_ =	sdelay $0x7  }
0x184: {  	[tilespmem:s13], [sflag:$0x1] =	stream.indirect_vreg.gather [hbm4b:s4+s2], $0x20, v0, vm0, $0xb8;
	[tilespmem:$0x19000] =	vst v63  }
0x185: {  	v0 =	vld [tilespmem:s29+$0xFFFFFD40];
	_ =	sdelay $0x7  }
0x186: {  	[tilespmem:s21], [sflag:$0x1] =	stream.indirect_vreg.gather [hbm4b:s3+s2], $0x20, v0, vm0, $0xb8;
	[tilespmem:$0x19000] =	vst v63  }
0x187: {  	v0 =	vld [tilespmem:s30+$0xFFFFFD40];
	_ =	sdelay $0x7  }
0x188: {  	[tilespmem:s22], [sflag:$0x1] =	stream.indirect_vreg.gather [hbm4b:s4+s2], $0x20, v0, vm0, $0xb8;
	[tilespmem:$0x19000] =	vst v63  }
0x189: {  	v0 =	vld [tilespmem:s29+$0xFFFFFD50];
	_ =	sdelay $0x7  }
0x18a: {  	[tilespmem:s24], [sflag:$0x1] =	stream.indirect_vreg.gather [hbm4b:s3+s2], $0x20, v0, vm0, $0xb8;
	[tilespmem:$0x19000] =	vst v63  }
0x18b: {  	v0 =	vld [tilespmem:s30+$0xFFFFFD50];
	_ =	sdelay $0x7  }
0x18c: {  	[tilespmem:s25], [sflag:$0x1] =	stream.indirect_vreg.gather [hbm4b:s4+s2], $0x20, v0, vm0, $0xb8;
	[tilespmem:$0x19000] =	vst v63  }
0x18d: {  	v0 =	vld [tilespmem:s29+$0xFFFFFD60];
	_ =	sdelay $0x7  }
0x18e: {  	[tilespmem:s18], [sflag:$0x1] =	stream.indirect_vreg.gather [hbm4b:s3+s2], $0x20, v0, vm0, $0xb8;
	[tilespmem:$0x19000] =	vst v63  }
0x18f: {  	v0 =	vld [tilespmem:s30+$0xFFFFFD60];
	_ =	sdelay $0x7  }
0x190: {  	[tilespmem:s15], [sflag:$0x1] =	stream.indirect_vreg.gather [hbm4b:s4+s2], $0x20, v0, vm0, $0xb8;
	[tilespmem:$0x19000] =	vst v63  }
0x191: {  	v0 =	vld [tilespmem:s29+$0xFFFFFD70];
	_ =	sdelay $0x7  }
0x192: {  	[tilespmem:s5], [sflag:$0x1] =	stream.indirect_vreg.gather [hbm4b:s3+s2], $0x20, v0, vm0, $0xb8;
	[tilespmem:$0x19000] =	vst v63  }
0x193: {  	v0 =	vld [tilespmem:s30+$0xFFFFFD70];
	_ =	sdelay $0x7  }
0x194: {  	[tilespmem:s7], [sflag:$0x1] =	stream.indirect_vreg.gather [hbm4b:s4+s2], $0x20, v0, vm0, $0xb8;
	[tilespmem:$0x19000] =	vst v63  }
0x195: {  	v0 =	vld [tilespmem:s29+$0xFFFFFD80];
	_ =	sdelay $0x7  }
0x196: {  	[tilespmem:s8], [sflag:$0x1] =	stream.indirect_vreg.gather [hbm4b:s3+s2], $0x20, v0, vm0, $0xb8;
	[tilespmem:$0x19000] =	vst v63  }
0x197: {  	v0 =	vld [tilespmem:s30+$0xFFFFFD80];
	_ =	sdelay $0x6  }
0x198: {  	s10 =	simm.s32 $0x13E00  }
0x199: {  	[tilespmem:s10], [sflag:$0x1] =	stream.indirect_vreg.gather [hbm4b:s4+s2], $0x20, v0, vm0, $0xb8;
	[tilespmem:$0x19000] =	vst v63  }
0x19a: {  	v0 =	vld [tilespmem:s29+$0xFFFFFD90];
	_ =	sdelay $0x6  }
0x19b: {  	s9 =	simm.s32 $0xDC00  }
0x19c: {  	[tilespmem:s9], [sflag:$0x1] =	stream.indirect_vreg.gather [hbm4b:s3+s2], $0x20, v0, vm0, $0xb8;
	[tilespmem:$0x19000] =	vst v63  }
0x19d: {  	v0 =	vld [tilespmem:s30+$0xFFFFFD90];
	_ =	sdelay $0x6  }
0x19e: {  	s10 =	simm.s32 $0x14000  }
0x19f: {  	[tilespmem:s10], [sflag:$0x1] =	stream.indirect_vreg.gather [hbm4b:s4+s2], $0x20, v0, vm0, $0xb8;
	[tilespmem:$0x19000] =	vst v63  }
0x1a0: {  	v0 =	vld [tilespmem:s29+$0xFFFFFDA0];
	_ =	sdelay $0x6  }
0x1a1: {  	s9 =	simm.s32 $0xDE00  }
0x1a2: {  	[tilespmem:s9], [sflag:$0x1] =	stream.indirect_vreg.gather [hbm4b:s3+s2], $0x20, v0, vm0, $0xb8;
	[tilespmem:$0x19000] =	vst v63  }
0x1a3: {  	v0 =	vld [tilespmem:s30+$0xFFFFFDA0];
	_ =	sdelay $0x6  }
0x1a4: {  	s10 =	simm.s32 $0x14200  }
0x1a5: {  	[tilespmem:s10], [sflag:$0x1] =	stream.indirect_vreg.gather [hbm4b:s4+s2], $0x20, v0, vm0, $0xb8;
	[tilespmem:$0x19000] =	vst v63  }
0x1a6: {  	v0 =	vld [tilespmem:s29+$0xFFFFFDB0];
	_ =	sdelay $0x6  }
0x1a7: {  	s9 =	simm.s32 $0xE000  }
0x1a8: {  	[tilespmem:s9], [sflag:$0x1] =	stream.indirect_vreg.gather [hbm4b:s3+s2], $0x20, v0, vm0, $0xb8;
	[tilespmem:$0x19000] =	vst v63  }
0x1a9: {  	v0 =	vld [tilespmem:s30+$0xFFFFFDB0];
	_ =	sdelay $0x6  }
0x1aa: {  	s10 =	simm.s32 $0x14400  }
0x1ab: {  	[tilespmem:s10], [sflag:$0x1] =	stream.indirect_vreg.gather [hbm4b:s4+s2], $0x20, v0, vm0, $0xb8;
	[tilespmem:$0x19000] =	vst v63  }
0x1ac: {  	v0 =	vld [tilespmem:s29+$0xFFFFFDC0];
	_ =	sdelay $0x6  }
0x1ad: {  	s9 =	simm.s32 $0xE200  }
0x1ae: {  	[tilespmem:s9], [sflag:$0x1] =	stream.indirect_vreg.gather [hbm4b:s3+s2], $0x20, v0, vm0, $0xb8;
	[tilespmem:$0x19000] =	vst v63  }
0x1af: {  	v0 =	vld [tilespmem:s30+$0xFFFFFDC0];
	_ =	sdelay $0x6  }
0x1b0: {  	s10 =	simm.s32 $0x14600  }
0x1b1: {  	[tilespmem:s10], [sflag:$0x1] =	stream.indirect_vreg.gather [hbm4b:s4+s2], $0x20, v0, vm0, $0xb8;
	[tilespmem:$0x19000] =	vst v63  }
0x1b2: {  	v0 =	vld [tilespmem:s29+$0xFFFFFDD0];
	_ =	sdelay $0x6  }
0x1b3: {  	s9 =	simm.s32 $0xE400  }
0x1b4: {  	[tilespmem:s9], [sflag:$0x1] =	stream.indirect_vreg.gather [hbm4b:s3+s2], $0x20, v0, vm0, $0xb8;
	[tilespmem:$0x19000] =	vst v63  }
0x1b5: {  	v0 =	vld [tilespmem:s30+$0xFFFFFDD0];
	_ =	sdelay $0x6  }
0x1b6: {  	s10 =	simm.s32 $0x14800  }
0x1b7: {  	[tilespmem:s10], [sflag:$0x1] =	stream.indirect_vreg.gather [hbm4b:s4+s2], $0x20, v0, vm0, $0xb8;
	[tilespmem:$0x19000] =	vst v63  }
0x1b8: {  	v0 =	vld [tilespmem:s29+$0xFFFFFDE0];
	_ =	sdelay $0x6  }
0x1b9: {  	s9 =	simm.s32 $0xE600  }
0x1ba: {  	[tilespmem:s9], [sflag:$0x1] =	stream.indirect_vreg.gather [hbm4b:s3+s2], $0x20, v0, vm0, $0xb8;
	[tilespmem:$0x19000] =	vst v63  }
0x1bb: {  	v0 =	vld [tilespmem:s30+$0xFFFFFDE0];
	_ =	sdelay $0x6  }
0x1bc: {  	s10 =	simm.s32 $0x14A00  }
0x1bd: {  	[tilespmem:s10], [sflag:$0x1] =	stream.indirect_vreg.gather [hbm4b:s4+s2], $0x20, v0, vm0, $0xb8;
	[tilespmem:$0x19000] =	vst v63  }
0x1be: {  	v0 =	vld [tilespmem:s29+$0xFFFFFDF0];
	_ =	sdelay $0x6  }
0x1bf: {  	s9 =	simm.s32 $0xE800  }
0x1c0: {  	[tilespmem:s9], [sflag:$0x1] =	stream.indirect_vreg.gather [hbm4b:s3+s2], $0x20, v0, vm0, $0xb8;
	[tilespmem:$0x19000] =	vst v63  }
0x1c1: {  	v0 =	vld [tilespmem:s30+$0xFFFFFDF0];
	_ =	sdelay $0x6  }
0x1c2: {  	s10 =	simm.s32 $0x14C00  }
0x1c3: {  	[tilespmem:s10], [sflag:$0x1] =	stream.indirect_vreg.gather [hbm4b:s4+s2], $0x20, v0, vm0, $0xb8;
	[tilespmem:$0x19000] =	vst v63  }
0x1c4: {  	v0 =	vld [tilespmem:s29+$0xFFFFFE00];
	_ =	sdelay $0x6  }
0x1c5: {  	s9 =	simm.s32 $0xEA00  }
0x1c6: {  	[tilespmem:s9], [sflag:$0x1] =	stream.indirect_vreg.gather [hbm4b:s3+s2], $0x20, v0, vm0, $0xb8;
	[tilespmem:$0x19000] =	vst v63  }
0x1c7: {  	v0 =	vld [tilespmem:s30+$0xFFFFFE00];
	_ =	sdelay $0x6  }
0x1c8: {  	s10 =	simm.s32 $0x14E00  }
0x1c9: {  	[tilespmem:s10], [sflag:$0x1] =	stream.indirect_vreg.gather [hbm4b:s4+s2], $0x20, v0, vm0, $0xb8;
	[tilespmem:$0x19000] =	vst v63  }
0x1ca: {  	v0 =	vld [tilespmem:s29+$0xFFFFFE10];
	_ =	sdelay $0x6  }
0x1cb: {  	s9 =	simm.s32 $0xEC00  }
0x1cc: {  	[tilespmem:s9], [sflag:$0x1] =	stream.indirect_vreg.gather [hbm4b:s3+s2], $0x20, v0, vm0, $0xb8;
	[tilespmem:$0x19000] =	vst v63  }
0x1cd: {  	v0 =	vld [tilespmem:s30+$0xFFFFFE10];
	_ =	sdelay $0x6  }
0x1ce: {  	s10 =	simm.s32 $0x15000  }
0x1cf: {  	[tilespmem:s10], [sflag:$0x1] =	stream.indirect_vreg.gather [hbm4b:s4+s2], $0x20, v0, vm0, $0xb8;
	[tilespmem:$0x19000] =	vst v63  }
0x1d0: {  	v0 =	vld [tilespmem:s29+$0xFFFFFE20];
	_ =	sdelay $0x6  }
0x1d1: {  	s9 =	simm.s32 $0xEE00  }
0x1d2: {  	[tilespmem:s9], [sflag:$0x1] =	stream.indirect_vreg.gather [hbm4b:s3+s2], $0x20, v0, vm0, $0xb8;
	[tilespmem:$0x19000] =	vst v63  }
0x1d3: {  	v0 =	vld [tilespmem:s30+$0xFFFFFE20];
	_ =	sdelay $0x6  }
0x1d4: {  	s10 =	simm.s32 $0x15200  }
0x1d5: {  	[tilespmem:s10], [sflag:$0x1] =	stream.indirect_vreg.gather [hbm4b:s4+s2], $0x20, v0, vm0, $0xb8;
	[tilespmem:$0x19000] =	vst v63  }
0x1d6: {  	v0 =	vld [tilespmem:s29+$0xFFFFFE30];
	_ =	sdelay $0x6  }
0x1d7: {  	s9 =	simm.s32 $0xF000  }
0x1d8: {  	[tilespmem:s9], [sflag:$0x1] =	stream.indirect_vreg.gather [hbm4b:s3+s2], $0x20, v0, vm0, $0xb8;
	[tilespmem:$0x19000] =	vst v63  }
0x1d9: {  	v0 =	vld [tilespmem:s30+$0xFFFFFE30];
	_ =	sdelay $0x6  }
0x1da: {  	s10 =	simm.s32 $0x15400  }
0x1db: {  	[tilespmem:s10], [sflag:$0x1] =	stream.indirect_vreg.gather [hbm4b:s4+s2], $0x20, v0, vm0, $0xb8;
	[tilespmem:$0x19000] =	vst v63  }
0x1dc: {  	v0 =	vld [tilespmem:s29+$0xFFFFFE40];
	_ =	sdelay $0x6  }
0x1dd: {  	s9 =	simm.s32 $0xF200  }
0x1de: {  	[tilespmem:s9], [sflag:$0x1] =	stream.indirect_vreg.gather [hbm4b:s3+s2], $0x20, v0, vm0, $0xb8;
	[tilespmem:$0x19000] =	vst v63  }
0x1df: {  	v0 =	vld [tilespmem:s30+$0xFFFFFE40];
	_ =	sdelay $0x6  }
0x1e0: {  	s10 =	simm.s32 $0x15600  }
0x1e1: {  	[tilespmem:s10], [sflag:$0x1] =	stream.indirect_vreg.gather [hbm4b:s4+s2], $0x20, v0, vm0, $0xb8;
	[tilespmem:$0x19000] =	vst v63  }
0x1e2: {  	v0 =	vld [tilespmem:s29+$0xFFFFFE50];
	_ =	sdelay $0x6  }
0x1e3: {  	s9 =	simm.s32 $0xF400  }
0x1e4: {  	[tilespmem:s9], [sflag:$0x1] =	stream.indirect_vreg.gather [hbm4b:s3+s2], $0x20, v0, vm0, $0xb8;
	[tilespmem:$0x19000] =	vst v63  }
0x1e5: {  	v0 =	vld [tilespmem:s30+$0xFFFFFE50];
	_ =	sdelay $0x6  }
0x1e6: {  	s10 =	simm.s32 $0x15800  }
0x1e7: {  	[tilespmem:s10], [sflag:$0x1] =	stream.indirect_vreg.gather [hbm4b:s4+s2], $0x20, v0, vm0, $0xb8;
	[tilespmem:$0x19000] =	vst v63  }
0x1e8: {  	v0 =	vld [tilespmem:s29+$0xFFFFFE60];
	_ =	sdelay $0x6  }
0x1e9: {  	s9 =	simm.s32 $0xF600  }
0x1ea: {  	[tilespmem:s9], [sflag:$0x1] =	stream.indirect_vreg.gather [hbm4b:s3+s2], $0x20, v0, vm0, $0xb8;
	[tilespmem:$0x19000] =	vst v63  }
0x1eb: {  	v0 =	vld [tilespmem:s30+$0xFFFFFE60];
	_ =	sdelay $0x6  }
0x1ec: {  	s10 =	simm.s32 $0x15A00  }
0x1ed: {  	[tilespmem:s10], [sflag:$0x1] =	stream.indirect_vreg.gather [hbm4b:s4+s2], $0x20, v0, vm0, $0xb8;
	[tilespmem:$0x19000] =	vst v63  }
0x1ee: {  	v0 =	vld [tilespmem:s29+$0xFFFFFE70];
	_ =	sdelay $0x6  }
0x1ef: {  	s9 =	simm.s32 $0xF800  }
0x1f0: {  	[tilespmem:s9], [sflag:$0x1] =	stream.indirect_vreg.gather [hbm4b:s3+s2], $0x20, v0, vm0, $0xb8;
	[tilespmem:$0x19000] =	vst v63  }
0x1f1: {  	v0 =	vld [tilespmem:s30+$0xFFFFFE70];
	_ =	sdelay $0x6  }
0x1f2: {  	s10 =	simm.s32 $0x15C00  }
0x1f3: {  	[tilespmem:s10], [sflag:$0x1] =	stream.indirect_vreg.gather [hbm4b:s4+s2], $0x20, v0, vm0, $0xb8;
	[tilespmem:$0x19000] =	vst v63  }
0x1f4: {  	_ =	swait.ge [sflag:s28], $0x1900  }
0x1f5: {  	[sflag:s28] =	ssyncset.done $0x0  }
0x1f6: {  	[sflag:s28] =	ssyncadd.s32 $0xFFFFE700  }
0x1f7: {  	_ =	swait.ge [sflag:s28], $0x1900  }
0x1f8: {  	[sflag:s28] =	ssyncset.done $0x0  }
0x1f9: {  	[sflag:s28] =	ssyncadd.s32 $0xFFFFE700  }
0x1fa: {  	_ =	swait.ge [sflag:s28], $0x1900  }
0x1fb: {  	[sflag:s28] =	ssyncset.done $0x0  }
0x1fc: {  	[sflag:s28] =	ssyncadd.s32 $0xFFFFE700  }
0x1fd: {  	_ =	swait.ge [sflag:s28], $0x1900  }
0x1fe: {  	[sflag:s28] =	ssyncset.done $0x0  }
0x1ff: {  	[sflag:s28] =	ssyncadd.s32 $0xFFFFE700  }
0x200: {  	v63 =	vld [tilespmem:s29+$0xFFFFFE80];
	_ =	sdelay $0x7  }
0x201: {  	[tilespmem:s17], [sflag:$0x2] =	stream.indirect_vreg.gather [hbm4b:s3+s2], $0x20, v63, vm0, $0xb8;
	[tilespmem:$0x19000] =	vst v63  }
0x202: {  	v0 =	vld [tilespmem:s30+$0xFFFFFE80];
	_ =	sdelay $0x7  }
0x203: {  	[tilespmem:s1], [sflag:$0x2] =	stream.indirect_vreg.gather [hbm4b:s4+s2], $0x20, v0, vm0, $0xb8;
	[tilespmem:$0x19000] =	vst v63  }
0x204: {  	v0 =	vld [tilespmem:s29+$0xFFFFFE90];
	_ =	sdelay $0x6  }
0x205: {  	s1 =	simm.s32 $0xFC00  }
0x206: {  	[tilespmem:s1], [sflag:$0x2] =	stream.indirect_vreg.gather [hbm4b:s3+s2], $0x20, v0, vm0, $0xb8;
	[tilespmem:$0x19000] =	vst v63  }
0x207: {  	v0 =	vld [tilespmem:s30+$0xFFFFFE90];
	_ =	sdelay $0x6  }
0x208: {  	s9 =	simm.s32 $0x16000  }
0x209: {  	[tilespmem:s9], [sflag:$0x2] =	stream.indirect_vreg.gather [hbm4b:s4+s2], $0x20, v0, vm0, $0xb8;
	[tilespmem:$0x19000] =	vst v63  }
0x20a: {  	v0 =	vld [tilespmem:s29+$0xFFFFFEA0];
	_ =	sdelay $0x6  }
0x20b: {  	s10 =	simm.s32 $0xFE00  }
0x20c: {  	[tilespmem:s10], [sflag:$0x2] =	stream.indirect_vreg.gather [hbm4b:s3+s2], $0x20, v0, vm0, $0xb8;
	[tilespmem:$0x19000] =	vst v63  }
0x20d: {  	v0 =	vld [tilespmem:s30+$0xFFFFFEA0];
	_ =	sdelay $0x6  }
0x20e: {  	s17 =	simm.s32 $0x16200  }
0x20f: {  	[tilespmem:s17], [sflag:$0x2] =	stream.indirect_vreg.gather [hbm4b:s4+s2], $0x20, v0, vm0, $0xb8;
	[tilespmem:$0x19000] =	vst v63  }
0x210: {  	v0 =	vld [tilespmem:s29+$0xFFFFFEB0];
	_ =	sdelay $0x6  }
0x211: {  	s1 =	simm.s32 $0x10000  }
0x212: {  	[tilespmem:s1], [sflag:$0x2] =	stream.indirect_vreg.gather [hbm4b:s3+s2], $0x20, v0, vm0, $0xb8;
	[tilespmem:$0x19000] =	vst v63  }
0x213: {  	v0 =	vld [tilespmem:s30+$0xFFFFFEB0];
	_ =	sdelay $0x6  }
0x214: {  	s9 =	simm.s32 $0x16400  }
0x215: {  	[tilespmem:s9], [sflag:$0x2] =	stream.indirect_vreg.gather [hbm4b:s4+s2], $0x20, v0, vm0, $0xb8;
	[tilespmem:$0x19000] =	vst v63  }
0x216: {  	v0 =	vld [tilespmem:s29+$0xFFFFFEC0];
	_ =	sdelay $0x6  }
0x217: {  	s10 =	simm.s32 $0x10200  }
0x218: {  	[tilespmem:s10], [sflag:$0x2] =	stream.indirect_vreg.gather [hbm4b:s3+s2], $0x20, v0, vm0, $0xb8;
	[tilespmem:$0x19000] =	vst v63  }
0x219: {  	v0 =	vld [tilespmem:s30+$0xFFFFFEC0];
	_ =	sdelay $0x6  }
0x21a: {  	s17 =	simm.s32 $0x16600  }
0x21b: {  	[tilespmem:s17], [sflag:$0x2] =	stream.indirect_vreg.gather [hbm4b:s4+s2], $0x20, v0, vm0, $0xb8;
	[tilespmem:$0x19000] =	vst v63  }
0x21c: {  	v0 =	vld [tilespmem:s29+$0xFFFFFED0];
	_ =	sdelay $0x6  }
0x21d: {  	s1 =	simm.s32 $0x10400  }
0x21e: {  	[tilespmem:s1], [sflag:$0x2] =	stream.indirect_vreg.gather [hbm4b:s3+s2], $0x20, v0, vm0, $0xb8;
	[tilespmem:$0x19000] =	vst v63  }
0x21f: {  	v0 =	vld [tilespmem:s30+$0xFFFFFED0];
	_ =	sdelay $0x6  }
0x220: {  	s9 =	simm.s32 $0x16800  }
0x221: {  	[tilespmem:s9], [sflag:$0x2] =	stream.indirect_vreg.gather [hbm4b:s4+s2], $0x20, v0, vm0, $0xb8;
	[tilespmem:$0x19000] =	vst v63  }
0x222: {  	v0 =	vld [tilespmem:s29+$0xFFFFFEE0];
	_ =	sdelay $0x6  }
0x223: {  	s10 =	simm.s32 $0x10600  }
0x224: {  	[tilespmem:s10], [sflag:$0x2] =	stream.indirect_vreg.gather [hbm4b:s3+s2], $0x20, v0, vm0, $0xb8;
	[tilespmem:$0x19000] =	vst v63  }
0x225: {  	v0 =	vld [tilespmem:s30+$0xFFFFFEE0];
	_ =	sdelay $0x6  }
0x226: {  	s17 =	simm.s32 $0x16A00  }
0x227: {  	[tilespmem:s17], [sflag:$0x2] =	stream.indirect_vreg.gather [hbm4b:s4+s2], $0x20, v0, vm0, $0xb8;
	[tilespmem:$0x19000] =	vst v63  }
0x228: {  	v0 =	vld [tilespmem:s29+$0xFFFFFEF0];
	_ =	sdelay $0x6  }
0x229: {  	s1 =	simm.s32 $0x10800  }
0x22a: {  	[tilespmem:s1], [sflag:$0x2] =	stream.indirect_vreg.gather [hbm4b:s3+s2], $0x20, v0, vm0, $0xb8;
	[tilespmem:$0x19000] =	vst v63  }
0x22b: {  	v0 =	vld [tilespmem:s30+$0xFFFFFEF0];
	_ =	sdelay $0x6  }
0x22c: {  	s9 =	simm.s32 $0x16C00  }
0x22d: {  	[tilespmem:s9], [sflag:$0x2] =	stream.indirect_vreg.gather [hbm4b:s4+s2], $0x20, v0, vm0, $0xb8;
	[tilespmem:$0x19000] =	vst v63  }
0x22e: {  	v0 =	vld [tilespmem:s29+$0xFFFFFF00];
	_ =	sdelay $0x6  }
0x22f: {  	s10 =	simm.s32 $0x10A00  }
0x230: {  	[tilespmem:s10], [sflag:$0x2] =	stream.indirect_vreg.gather [hbm4b:s3+s2], $0x20, v0, vm0, $0xb8;
	[tilespmem:$0x19000] =	vst v63  }
0x231: {  	v0 =	vld [tilespmem:s30+$0xFFFFFF00];
	_ =	sdelay $0x6  }
0x232: {  	s17 =	simm.s32 $0x16E00  }
0x233: {  	[tilespmem:s17], [sflag:$0x2] =	stream.indirect_vreg.gather [hbm4b:s4+s2], $0x20, v0, vm0, $0xb8;
	[tilespmem:$0x19000] =	vst v63  }
0x234: {  	v0 =	vld [tilespmem:s29+$0xFFFFFF10];
	_ =	sdelay $0x6  }
0x235: {  	s1 =	simm.s32 $0x10C00  }
0x236: {  	[tilespmem:s1], [sflag:$0x2] =	stream.indirect_vreg.gather [hbm4b:s3+s2], $0x20, v0, vm0, $0xb8;
	[tilespmem:$0x19000] =	vst v63  }
0x237: {  	v0 =	vld [tilespmem:s30+$0xFFFFFF10];
	_ =	sdelay $0x6  }
0x238: {  	s9 =	simm.s32 $0x17000  }
0x239: {  	[tilespmem:s9], [sflag:$0x2] =	stream.indirect_vreg.gather [hbm4b:s4+s2], $0x20, v0, vm0, $0xb8;
	[tilespmem:$0x19000] =	vst v63  }
0x23a: {  	v0 =	vld [tilespmem:s29+$0xFFFFFF20];
	_ =	sdelay $0x6  }
0x23b: {  	s10 =	simm.s32 $0x10E00  }
0x23c: {  	[tilespmem:s10], [sflag:$0x2] =	stream.indirect_vreg.gather [hbm4b:s3+s2], $0x20, v0, vm0, $0xb8;
	[tilespmem:$0x19000] =	vst v63  }
0x23d: {  	v0 =	vld [tilespmem:s30+$0xFFFFFF20];
	_ =	sdelay $0x6  }
0x23e: {  	s17 =	simm.s32 $0x17200  }
0x23f: {  	[tilespmem:s17], [sflag:$0x2] =	stream.indirect_vreg.gather [hbm4b:s4+s2], $0x20, v0, vm0, $0xb8;
	[tilespmem:$0x19000] =	vst v63  }
0x240: {  	v0 =	vld [tilespmem:s29+$0xFFFFFF30];
	_ =	sdelay $0x6  }
0x241: {  	s1 =	simm.s32 $0x11000  }
0x242: {  	[tilespmem:s1], [sflag:$0x2] =	stream.indirect_vreg.gather [hbm4b:s3+s2], $0x20, v0, vm0, $0xb8;
	[tilespmem:$0x19000] =	vst v63  }
0x243: {  	v0 =	vld [tilespmem:s30+$0xFFFFFF30];
	_ =	sdelay $0x6  }
0x244: {  	s9 =	simm.s32 $0x17400  }
0x245: {  	[tilespmem:s9], [sflag:$0x2] =	stream.indirect_vreg.gather [hbm4b:s4+s2], $0x20, v0, vm0, $0xb8;
	[tilespmem:$0x19000] =	vst v63  }
0x246: {  	v0 =	vld [tilespmem:s29+$0xFFFFFF40];
	_ =	sdelay $0x6  }
0x247: {  	s10 =	simm.s32 $0x11200  }
0x248: {  	[tilespmem:s10], [sflag:$0x2] =	stream.indirect_vreg.gather [hbm4b:s3+s2], $0x20, v0, vm0, $0xb8;
	[tilespmem:$0x19000] =	vst v63  }
0x249: {  	v0 =	vld [tilespmem:s30+$0xFFFFFF40];
	_ =	sdelay $0x6  }
0x24a: {  	s17 =	simm.s32 $0x17600  }
0x24b: {  	[tilespmem:s17], [sflag:$0x2] =	stream.indirect_vreg.gather [hbm4b:s4+s2], $0x20, v0, vm0, $0xb8;
	[tilespmem:$0x19000] =	vst v63  }
0x24c: {  	v0 =	vld [tilespmem:s29+$0xFFFFFF50];
	_ =	sdelay $0x6  }
0x24d: {  	s1 =	simm.s32 $0x11400  }
0x24e: {  	[tilespmem:s1], [sflag:$0x2] =	stream.indirect_vreg.gather [hbm4b:s3+s2], $0x20, v0, vm0, $0xb8;
	[tilespmem:$0x19000] =	vst v63  }
0x24f: {  	v0 =	vld [tilespmem:s30+$0xFFFFFF50];
	_ =	sdelay $0x6  }
0x250: {  	s9 =	simm.s32 $0x17800  }
0x251: {  	[tilespmem:s9], [sflag:$0x2] =	stream.indirect_vreg.gather [hbm4b:s4+s2], $0x20, v0, vm0, $0xb8;
	[tilespmem:$0x19000] =	vst v63  }
0x252: {  	v0 =	vld [tilespmem:s29+$0xFFFFFF60];
	_ =	sdelay $0x6  }
0x253: {  	s10 =	simm.s32 $0x11600  }
0x254: {  	[tilespmem:s10], [sflag:$0x2] =	stream.indirect_vreg.gather [hbm4b:s3+s2], $0x20, v0, vm0, $0xb8;
	[tilespmem:$0x19000] =	vst v63  }
0x255: {  	v0 =	vld [tilespmem:s30+$0xFFFFFF60];
	_ =	sdelay $0x6  }
0x256: {  	s17 =	simm.s32 $0x17A00  }
0x257: {  	[tilespmem:s17], [sflag:$0x2] =	stream.indirect_vreg.gather [hbm4b:s4+s2], $0x20, v0, vm0, $0xb8;
	[tilespmem:$0x19000] =	vst v63  }
0x258: {  	v0 =	vld [tilespmem:s29+$0xFFFFFF70];
	_ =	sdelay $0x6  }
0x259: {  	s1 =	simm.s32 $0x11800  }
0x25a: {  	[tilespmem:s1], [sflag:$0x2] =	stream.indirect_vreg.gather [hbm4b:s3+s2], $0x20, v0, vm0, $0xb8;
	[tilespmem:$0x19000] =	vst v63  }
0x25b: {  	v0 =	vld [tilespmem:s30+$0xFFFFFF70];
	_ =	sdelay $0x6  }
0x25c: {  	s9 =	simm.s32 $0x17C00  }
0x25d: {  	[tilespmem:s9], [sflag:$0x2] =	stream.indirect_vreg.gather [hbm4b:s4+s2], $0x20, v0, vm0, $0xb8;
	[tilespmem:$0x19000] =	vst v63  }
0x25e: {  	v0 =	vld [tilespmem:s29+$0xFFFFFF80];
	_ =	sdelay $0x6  }
0x25f: {  	s10 =	simm.s32 $0x11A00  }
0x260: {  	[tilespmem:s10], [sflag:$0x2] =	stream.indirect_vreg.gather [hbm4b:s3+s2], $0x20, v0, vm0, $0xb8;
	[tilespmem:$0x19000] =	vst v63  }
0x261: {  	v0 =	vld [tilespmem:s30+$0xFFFFFF80];
	_ =	sdelay $0x6  }
0x262: {  	s17 =	simm.s32 $0x17E00  }
0x263: {  	[tilespmem:s17], [sflag:$0x2] =	stream.indirect_vreg.gather [hbm4b:s4+s2], $0x20, v0, vm0, $0xb8;
	[tilespmem:$0x19000] =	vst v63  }
0x264: {  	v0 =	vld [tilespmem:s29+$0xFFFFFF90];
	_ =	sdelay $0x6  }
0x265: {  	s1 =	simm.s32 $0x11C00  }
0x266: {  	[tilespmem:s1], [sflag:$0x2] =	stream.indirect_vreg.gather [hbm4b:s3+s2], $0x20, v0, vm0, $0xb8;
	[tilespmem:$0x19000] =	vst v63  }
0x267: {  	v0 =	vld [tilespmem:s30+$0xFFFFFF90];
	_ =	sdelay $0x6  }
0x268: {  	s9 =	simm.s32 $0x18000  }
0x269: {  	[tilespmem:s9], [sflag:$0x2] =	stream.indirect_vreg.gather [hbm4b:s4+s2], $0x20, v0, vm0, $0xb8;
	[tilespmem:$0x19000] =	vst v63  }
0x26a: {  	v0 =	vld [tilespmem:s29+$0xFFFFFFA0];
	_ =	sdelay $0x6  }
0x26b: {  	s10 =	simm.s32 $0x11E00  }
0x26c: {  	[tilespmem:s10], [sflag:$0x2] =	stream.indirect_vreg.gather [hbm4b:s3+s2], $0x20, v0, vm0, $0xb8;
	[tilespmem:$0x19000] =	vst v63  }
0x26d: {  	v0 =	vld [tilespmem:s30+$0xFFFFFFA0];
	_ =	sdelay $0x6  }
0x26e: {  	s17 =	simm.s32 $0x18200  }
0x26f: {  	[tilespmem:s17], [sflag:$0x2] =	stream.indirect_vreg.gather [hbm4b:s4+s2], $0x20, v0, vm0, $0xb8;
	[tilespmem:$0x19000] =	vst v63  }
0x270: {  	v0 =	vld [tilespmem:s29+$0xFFFFFFB0];
	_ =	sdelay $0x6  }
0x271: {  	s1 =	simm.s32 $0x12000  }
0x272: {  	[tilespmem:s1], [sflag:$0x2] =	stream.indirect_vreg.gather [hbm4b:s3+s2], $0x20, v0, vm0, $0xb8;
	[tilespmem:$0x19000] =	vst v63  }
0x273: {  	v0 =	vld [tilespmem:s30+$0xFFFFFFB0];
	_ =	sdelay $0x6  }
0x274: {  	s9 =	simm.s32 $0x18400  }
0x275: {  	[tilespmem:s9], [sflag:$0x2] =	stream.indirect_vreg.gather [hbm4b:s4+s2], $0x20, v0, vm0, $0xb8;
	[tilespmem:$0x19000] =	vst v63  }
0x276: {  	v0 =	vld [tilespmem:s29+$0xFFFFFFC0];
	_ =	sdelay $0x6  }
0x277: {  	s10 =	simm.s32 $0x12200  }
0x278: {  	[tilespmem:s10], [sflag:$0x2] =	stream.indirect_vreg.gather [hbm4b:s3+s2], $0x20, v0, vm0, $0xb8;
	[tilespmem:$0x19000] =	vst v63  }
0x279: {  	v0 =	vld [tilespmem:s30+$0xFFFFFFC0];
	_ =	sdelay $0x6  }
0x27a: {  	s17 =	simm.s32 $0x18600  }
0x27b: {  	[tilespmem:s17], [sflag:$0x2] =	stream.indirect_vreg.gather [hbm4b:s4+s2], $0x20, v0, vm0, $0xb8;
	[tilespmem:$0x19000] =	vst v63  }
0x27c: {  	v0 =	vld [tilespmem:s29+$0xFFFFFFD0];
	_ =	sdelay $0x6  }
0x27d: {  	s1 =	simm.s32 $0x12400  }
0x27e: {  	[tilespmem:s1], [sflag:$0x2] =	stream.indirect_vreg.gather [hbm4b:s3+s2], $0x20, v0, vm0, $0xb8;
	[tilespmem:$0x19000] =	vst v63  }
0x27f: {  	v0 =	vld [tilespmem:s30+$0xFFFFFFD0];
	_ =	sdelay $0x6  }
0x280: {  	s9 =	simm.s32 $0x18800  }
0x281: {  	[tilespmem:s9], [sflag:$0x2] =	stream.indirect_vreg.gather [hbm4b:s4+s2], $0x20, v0, vm0, $0xb8;
	[tilespmem:$0x19000] =	vst v63  }
0x282: {  	v0 =	vld [tilespmem:s29+$0xFFFFFFE0];
	_ =	sdelay $0x6  }
0x283: {  	s10 =	simm.s32 $0x12600  }
0x284: {  	[tilespmem:s10], [sflag:$0x2] =	stream.indirect_vreg.gather [hbm4b:s3+s2], $0x20, v0, vm0, $0xb8;
	[tilespmem:$0x19000] =	vst v63  }
0x285: {  	v0 =	vld [tilespmem:s30+$0xFFFFFFE0];
	_ =	sdelay $0x6  }
0x286: {  	s17 =	simm.s32 $0x18A00  }
0x287: {  	[tilespmem:s17], [sflag:$0x2] =	stream.indirect_vreg.gather [hbm4b:s4+s2], $0x20, v0, vm0, $0xb8;
	[tilespmem:$0x19000] =	vst v63  }
0x288: {  	v0 =	vld [tilespmem:s29+$0xFFFFFFF0];
	_ =	sdelay $0x6  }
0x289: {  	s1 =	simm.s32 $0x12800  }
0x28a: {  	[tilespmem:s1], [sflag:$0x2] =	stream.indirect_vreg.gather [hbm4b:s3+s2], $0x20, v0, vm0, $0xb8;
	[tilespmem:$0x19000] =	vst v63  }
0x28b: {  	v0 =	vld [tilespmem:s30+$0xFFFFFFF0];
	_ =	sdelay $0x6  }
0x28c: {  	s9 =	simm.s32 $0x18C00  }
0x28d: {  	[tilespmem:s9], [sflag:$0x2] =	stream.indirect_vreg.gather [hbm4b:s4+s2], $0x20, v0, vm0, $0xb8;
	[tilespmem:$0x19000] =	vst v63  }
0x28e: {  	v0 =	vld [tilespmem:s29+$0x0];
	_ =	sdelay $0x6  }
0x28f: {  	s10 =	simm.s32 $0x12A00  }
0x290: {  	[tilespmem:s10], [sflag:$0x2] =	stream.indirect_vreg.gather [hbm4b:s3+s2], $0x20, v0, vm0, $0xb8;
	[tilespmem:$0x19000] =	vst v63  }
0x291: {  	v0 =	vld [tilespmem:s30+$0x0];
	_ =	sdelay $0x6  }
0x292: {  	s17 =	simm.s32 $0x18E00  }
0x293: {  	[tilespmem:s17], [sflag:$0x2] =	stream.indirect_vreg.gather [hbm4b:s4+s2], $0x20, v0, vm0, $0xb8;
	[tilespmem:$0x19000] =	vst v63  }
0x294: {  	_ =	swait.ge [sflag:s6], $0x3200  }
0x295: {  	[sflag:s6] =	ssyncset.done $0x0  }
0x296: {  	[sflag:s6] =	ssyncadd.s32 $0xFFFFCE00  }
0x297: {  	_ =	swait.ge [sflag:s6], $0x3200  }
0x298: {  	s0 =	rddreg [dreg:$0x5]  }
0x299: {  	[sflag:s6] =	ssyncset.done $0x0;
	s1 =	sadd.s32 s31, s0  }
0x29a: {  	s0 =	rddreg [dreg:$0x3];
	[sflag:s6] =	ssyncadd.s32 $0xFFFFCE00;
	s17 =	sadd.s32 $0x1900, s1  }
0x29b: {  	[hbm4b:s17+s16] =	stream.strided.scatter [tilespmem:s19], [sflag:$0x3], $0x1900, s20, s16, $0x38;
	[tilespmem:$0x19000] =	vst v63  }
0x29c: {  	s0 =	sadd.s32 s31, s0;
	s17 =	simm.s32 $0xE100  }
0x29d: {  	[hbm4b:s0+s16] =	stream.strided.scatter [tilespmem:s17], [sflag:$0x3], $0x1900, s20, s16, $0x38;
	[tilespmem:$0x19000] =	vst v63  }
0x29e: {  	s0 =	rddreg [dreg:$0x4];
	s17 =	sadd.s32 $0x1904, s1  }
0x29f: {  	[hbm4b:s17+s16] =	stream.strided.scatter [tilespmem:s14], [sflag:$0x3], $0x1900, s20, s16, $0x38;
	[tilespmem:$0x19000] =	vst v63  }
0x2a0: {  	s0 =	sadd.s32 s31, s0;
	s17 =	simm.s32 $0x14500  }
0x2a1: {  	[hbm4b:s0+s16] =	stream.strided.scatter [tilespmem:s17], [sflag:$0x3], $0x1900, s20, s16, $0x38;
	[tilespmem:$0x19000] =	vst v63  }
0x2a2: {  	_ =	swait.ge [sflag:s23], $0x3200  }
0x2a3: {  	[sflag:s23] =	ssyncset.done $0x0  }
0x2a4: {  	[sflag:s23] =	ssyncadd.s32 $0xFFFFCE00  }
0x2a5: {  	_ =	swait.ge [sflag:s23], $0x3200  }
0x2a6: {  	s9 =	simm.s32 $0xFA00;
	[sflag:s23] =	ssyncset.done $0x0  }
0x2a7: {  	s17 =	sadd.s32 $0x2580, s1;
	s0 =	rddreg [dreg:$0x7];
	[sflag:s23] =	ssyncadd.s32 $0xFFFFCE00  }
0x2a8: {  	[hbm4b:s17+s16] =	stream.strided.scatter [tilespmem:s9], [sflag:$0x4], $0x1900, s20, s16, $0x38;
	[tilespmem:$0x19000] =	vst v63  }
0x2a9: {  	p0 =	sne.s32 s31, $0x2EE00;
	s29 =	sadd.s32 $0x320, s29;
	s0 =	sadd.s32 s31, s0  }
0x2aa: {  	[hbm4b:s0+s16] =	stream.strided.scatter [tilespmem:s11], [sflag:$0x4], $0x1900, s20, s16, $0x38;
	[tilespmem:$0x19000] =	vst v63  }
.Ltmp0:
0x2ab: {  	s10 =	simm.s32 $0x15E00;
	s30 =	sadd.s32 $0x320, s30;
	(pc) =	sbr.rel @p0 .LBB2_2-.Ltmp0, $4  }
0x2ac: {  	s1 =	sadd.s32 $0x2584, s1;
	s17 =	simm.s32 $0xFA00;
	s9 =	rddreg [dreg:$0x6]  }
0x2ad: {  	[hbm4b:s1+s16] =	stream.strided.scatter [tilespmem:s10], [sflag:$0x4], $0x1900, s20, s16, $0x38;
	[tilespmem:$0x19000] =	vst v63  }
0x2ae: {  	s0 =	sadd.s32 s31, s9;
	s31 =	sadd.s32 $0x1900, s31;
	s1 =	simm.s32 $0x15E00  }
0x2af: {  	[hbm4b:s0+s16] =	stream.strided.scatter [tilespmem:s12], [sflag:$0x4], $0x1900, s20, s16, $0x38;
	[tilespmem:$0x19000] =	vst v63  }
0x2b0: {  	_ =	swait.ge [sflag:s26], $0x1900  }
0x2b1: {  	[sflag:s26] =	ssyncset.done $0x0  }
0x2b2: {  	[sflag:s26] =	ssyncadd.s32 $0xFFFFE700  }
0x2b3: {  	_ =	swait.ge [sflag:s26], $0x1900  }
0x2b4: {  	[sflag:s26] =	ssyncset.done $0x0  }
0x2b5: {  	[sflag:s26] =	ssyncadd.s32 $0xFFFFE700  }
0x2b6: {  	_ =	swait.ge [sflag:s26], $0x1900  }
0x2b7: {  	[sflag:s26] =	ssyncset.done $0x0  }
0x2b8: {  	[sflag:s26] =	ssyncadd.s32 $0xFFFFE700  }
0x2b9: {  	_ =	swait.ge [sflag:s26], $0x1900  }
0x2ba: {  	[sflag:s26] =	ssyncset.done $0x0  }
0x2bb: {  	[sflag:s26] =	ssyncadd.s32 $0xFFFFE700  }
0x2bc: {  	_ =	swait.ge [sflag:s28], $0x1900  }
0x2bd: {  	[sflag:s28] =	ssyncset.done $0x0  }
0x2be: {  	[sflag:s28] =	ssyncadd.s32 $0xFFFFE700  }
0x2bf: {  	_ =	swait.ge [sflag:s28], $0x1900  }
0x2c0: {  	[sflag:s28] =	ssyncset.done $0x0  }
0x2c1: {  	[sflag:s28] =	ssyncadd.s32 $0xFFFFE700  }
0x2c2: {  	_ =	swait.ge [sflag:s28], $0x1900  }
0x2c3: {  	[sflag:s28] =	ssyncset.done $0x0  }
0x2c4: {  	[sflag:s28] =	ssyncadd.s32 $0xFFFFE700  }
0x2c5: {  	s5 =	simm.s32 $0xCA00;
	s7 =	simm.s32 $0x12E00;
	_ =	swait.ge [sflag:s28], $0x1900  }
0x2c6: {  	s8 =	simm.s32 $0xCC00;
	s9 =	simm.s32 $0x13000;
	s1 =	rddreg [dreg:$0x13]  }
0x2c7: {  	s10 =	simm.s32 $0xCE00;
	s0 =	rddreg [dreg:$0x12];
	s1 =	sadd.s32 $0x1, s1  }
0x2c8: {  	s11 =	simm.s32 $0x13200;
	s12 =	simm.s32 $0xD000;
	p0 =	sne.s32 s1, s0  }
.Ltmp1:
0x2c9: {  	s13 =	simm.s32 $0x13400;
	s21 =	simm.s32 $0xD200;
	(pc) =	sbr.rel @p0 .LBB2_1-.Ltmp1, $4  }
0x2ca: {  	s22 =	simm.s32 $0x13600;
	s24 =	simm.s32 $0xD400;
	s25 =	simm.s32 $0x13800  }
0x2cb: {  	s18 =	simm.s32 $0xD600;
	s29 =	simm.s32 $0xC800;
	s19 =	simm.s32 $0x12C00  }
0x2cc: {  	s14 =	simm.s32 $0x13A00;
	s15 =	simm.s32 $0xD800;
	[sflag:s28] =	ssyncset.done $0x0  }
0x2cd: {  	s30 =	simm.s32 $0x13C00;
	s31 =	simm.s32 $0xDA00;
	[sflag:s28] =	ssyncadd.s32 $0xFFFFE700  }
0x2ce: {  	_ =	sfence.sel $0x180000  }
0x2cf: {  	[bflag:$0x0] =	sbarrier.arrive $0xFFFF  }
0x2d0: {  	_ =	strace $0x90000047  }
0x2d1: {  	s0 =	stileid.u32;
	[bflag:$0x2] =	sbarrier.arrive $0xFFFF  }
0x2d2: {  	p0 =	sne.s32 s0, $0x0;
	s0 =	rddreg [dreg:$0x2]  }
0x2d3: {  	s0 =	sadd.s32 @!p0 $0x100000, s0  }
0x2d4: {  	[sflag:s0] =	ssyncadd.tile.s32 @!p0 $0x1;
	_ =	shalt  }
.Lfunc_end2:
_tile_overlayer_lowered:
.L_overlay_start_2:
0x2d5: {  	(tag) =	ssettag $0x2  }
0x2d6: {  	s0 =	rddreg [dreg:$0x0];
	s2 =	stileid.u32  }
0x2d7: {  	s1 =	rddreg [dreg:$0x1];
	p0 =	sne.s32 s2, $0x0  }
0x2d8: {  	s3 =	rddreg [dreg:$0x2];
	[bflag:$0x3] =	sbarrier.arrive $0xFFFF;
	s2 =	simm.s32 @!p0 $0x1C05  }
0x2d9: {  	[timem:s3], [sflag:s2] =	dma.local @!p0 [hbm:s0], s1  }
0x2da: {  	s0 =	simm.s32 @!p0 $0x5  }
0x2db: {  	_ =	swait.ge @!p0 [sflag:s0], s1  }
0x2dc: {  	s1 =	ssub.s32 @!p0 $0x0, s1;
	[sflag:s0] =	ssyncset.done @!p0 $0x0  }
0x2dd: {  	[sflag:s0] =	ssyncadd.s32 @!p0 s1  }
0x2de: {  	[bflag:$0x3] =	sbarrier.arrive $0xFFFF  }
0x2df: {  	_ =	shalt  }

// kernel: sparse-core-data-format-call.cloned.1.call-start
scs
called_computation_lowered:
.L_overlay_start_0:
0x0: {  	s2 =	sld [smem:$0x3FD9]  }
0x1: {  	s3 =	sld [smem:$0x3FFE];
	_ =	sdelay $0x1  }
0x2: {  	s1 =	srdreg.scid  }
0x3: {  	s0 =	sand.u32 $0x1, s1  }
0x4: {  	s18 =	sshll.u32 s0, $0xA;
	s2 =	sadd.s32 s3, s2  }
0x5: {  	s2 =	sadd.s32 s2, s18  }
0x6: {  	[smem:$0x3FC4] =	sst s2  }
0x7: {  	_ = 	snop  }
0x8: {  	s2 =	sld [smem:$0x3FD0];
	(tm) =	ssettm $0x1  }
0x9: {  	s19 =	sld [smem:$0x3FFB];
	_ =	sdelay $0x3  }
0xa: {  	_ =	strace s19  }
0xb: {  	s3 =	sld [smem:$0x3FFC];
	_ =	sdelay $0x3  }
0xc: {  	_ =	strace s3  }
0xd: {  	s3 =	sld [smem:$0x3FFD];
	_ =	sdelay $0x3  }
0xe: {  	_ =	strace s3  }
0xf: {  	_ =	strace $0x8FFFFFFF  }
0x10: {  	s20 =	sld [smem:$0x3FDB];
	_ =	sdelay $0x1  }
0x11: {  	s4 =	simm.s32 $_scs_section_size  }
0x12: {  	s5 =	simm.s32 $_size__tile_overlayer_lowered;
	s6 =	simm.s32 $_tile_overlayer_lowered  }
0x13: {  	s23 =	simm.s32 $0x1BFF;
	s22 =	sshll.u32 s6, $0x1;
	s3 =	sadd.s32 s4, s20  }
0x14: {  	s7 =	simm.s32 $0x0;
	s21 =	sshll.u32 s5, $0x1;
	s5 =	sadd.s32 s22, s3  }
0x15: {  	[timem:s7], [sflag:s23] =	dma.local [hbm:s5], s21  }
0x16: {  	_ =	swait.ge [sflag:s23], s21  }
0x17: {  	s4 =	ssub.s32 $0x0, s21;
	[sflag:s23] =	ssyncset.done $0x0  }
0x18: {  	[sflag:s23] =	ssyncadd.s32 s4;
	_ =	sdelay $0x1  }
0x19: {  	s24 =	simm.s32 $0x1B8B  }
0x1a: {  	_ =	swait.ge [sflag:s24], $0x1  }
0x1b: {  	[sflag:s24] =	ssyncset.done $0x0  }
0x1c: {  	s26 =	simm.s32 $0x1B8E;
	s25 =	sld [smem:$0x3FFE];
	[sflag:s24] =	ssyncadd.s32 $0xFFFFFFFF  }
0x1d: {  	s27 =	simm.s32 $execute0_lowered;
	[smem:$0x3FD2] =	sst s26  }
0x1e: {  	s5 =	sshll.u32 s27, $0x1;
	_ =	strace $0x80000049;
	[dreg:$0x1] =	wrdreg $0xFFFFFFFF  }
0x1f: {  	s28 =	simm.s32 $_size_execute0_lowered;
	s3 =	sadd.s32 s3, s5;
	[dreg:$0x0] =	wrdreg $0x0  }
0x20: {  	s5 =	sshll.u32 s28, $0x1;
	[dreg:$0x2] =	wrdreg s3  }
0x21: {  	[dreg:$0x3] =	wrdreg s5  }
0x22: {  	[dreg:$0x4] =	wrdreg $0xC0  }
0x23: {  	_ =	task [dreg:s7], $0x5FFFF  }
0x24: {  	[dreg:$0x1] =	wrdreg $0xFFFFFFFF  }
0x25: {  	[dreg:$0x0] =	wrdreg $0x60  }
0x26: {  	[dreg:$0x2] =	wrdreg s25  }
0x27: {  	[dreg:$0x3] =	wrdreg s2  }
0x28: {  	[dreg:$0x4] =	wrdreg $0x9  }
0x29: {  	_ =	task.clear_ibuf [dreg:s7], $0x5FFFF;
	_ =	strace $0x90000049  }
0x2a: {  	s29 =	simm.s32 $0x9;
	_ =	strace $0x8000004B  }
0x2b: {  	_ =	swait.ge [sflag:s29], $0x1  }
0x2c: {  	[sflag:s29] =	ssyncadd.s32 $0xFFFFFFFF  }
0x2d: {  	_ =	strace $0x9000004B  }
0x2e: {  	_ =	sfence  }
0x2f: {  	s30 =	sld [smem:$0x0];
	_ =	sdelay $0x2  }
0x30: {  	s31 =	sshll.u32 s1, $0xD;
	s1 =	sshrl.u32 s1, $0x2  }
0x31: {  	s3 =	sand.u32 $0x4000, s31;
	s1 =	sadd.s32 s1, s30  }
0x32: {  	s0 =	sor.u32 s3, s0;
	s1 =	sshll.u32 s1, $0x11  }
0x33: {  	s0 =	sor.u32 s1, s0  }
0x34: {  	s0 =	sadd.s32 $0x8F2B, s0  }
0x35: {  	[sflag:s0] =	ssyncadd.remote.s32 $0x1  }
0x36: {  	_ =	sfence.sel $0xFFFF  }
0x37: {  	[dreg:$0x0] =	wrdreg $0xFFFFFFFF;
	(pc) =	sbr.abs _section_cstart, $3  }
0x38: {  	[dreg:$0x1] =	wrdreg $0xFFFFFFFF  }
0x39: {  	_ =	task.clear_ibuf [dreg:s7], $0x2FFFF;
	_ =	strace $0x9FFFFFFF  }
0x3a: {  	(tm) =	ssettm $0x7FFFFFFF  }
0x3b: {  	_ =	shalt  }
tec
execute0_lowered:
.L_overlay_start_1:
0x0: {  	(tag) =	ssettag $0x1  }
0x1: {  	s0 =	srdreg.scid  }
0x2: {  	s1 =	sshll.u32 s0, $0x4  }
0x3: {  	s0 =	stileid.u32;
	s1 =	sand.u32 $0x10, s1  }
0x4: {  	s1 =	sor.u32 s0, s1  }
0x5: {  	s6 =	rddreg [dreg:$0x0];
	s4 =	simm.s32 $0x1;
	s2 =	sshll.u32 s1, $0x7  }
0x6: {  	s7 =	simm.s32 $0x2;
	s12 =	simm.s32 $0x0;
	s1 =	ssub.s32 $0x1000, s2  }
0x7: {  	s8 =	simm.s32 $0x8000;
	s13 =	simm.s32 $0x0;
	s3 =	sand.u32 $0xF80, s1  }
0x8: {  	s9 =	simm.s32 $0x0;
	s5 =	sshrl.u32 s1, $0xC;
	p0 =	sne.s32 s3, $0x0  }
.Ltmp0:
0x9: {  	s1 =	rddreg [dreg:$0x2];
	s4 =	simm.s32 @!p0 $0x0;
	(pc) =	sbr.rel .LBB1_1-.Ltmp0, $4  }
0xa: {  	s11 =	simm.s32 $0x0;
	s3 =	rddreg [dreg:$0x1];
	s5 =	sadd.s32 s4, s5  }
0xb: {  	_ =	strace $0x8000004A;
	s4 =	simm.s32 $0x1;
	s5 =	smul.u32 $0xC8, s5  }
0xc: {  	s6 =	sadd.s32 $0xC00, s6;
	s10 =	smov.u32 s2;
	[sflag:s4] =	ssyncpa.u1 $0x0  }
0xd: {  	p0 =	por $0x0, $0x0;
	[sflag:s7] =	ssyncpa.u1 $0x0;
	s7 =	sor.u32 $0x1, s5  }
.LBB1_4:
0xe: {  	s16 =	sshll.u32 s13, $0x3;
	s17 =	sand.u32 $0x78, s13  }
0xf: {  	s30 =	sand.u32 $0x7E00, s13;
	s12 =	sshll.u32 s12, $0xF;
	s16 =	sand.u32 $0xC00, s16  }
0x10: {  	[tilespmem:s15+$0x810 ss:$0x81] =	vst.msk $0xffff, v2;
	s31 =	sand.u32 $0x7, s13;
	s16 =	sor.u32 s17, s16;
	s17 =	sadd.s32 s3, s30  }
0x11: {  	[tilespmem:s15+$0x1020 ss:$0x81] =	vst.msk $0xffff, v0;
	s13 =	sshll.u32 s31, $0x12;
	s12 =	sadd.s32 s12, s17;
	s16 =	sshrl.u32 s16, $0x3  }
0x12: {  	[tilespmem:s15+$0x0 ss:$0x81] =	vst.msk $0xffff, v1;
	s13 =	sor.u32 $0x400, s13;
	s12 =	sadd.s32 s16, s12  }
0x13: {  	[hbm4b:s12+s13] =	stream.strided.scatter [tilespmem:s14], [sflag:$0x2], $0x2000, s8, s13, $0x20;
	[tilespmem:$0x8080] =	vst v63  }
.LBB1_5:
0x14: {  	s14 =	sadd.s32 $0x1, s9  }
0x15: {  	s12 =	sadd.s32 $0x1000, s10;
	s16 =	smov.u32 s10;
	p2 =	sgt.s32 s14, $0xC7  }
0x16: {  	s16 =	smov.u32 @p2 s12  }
0x17: {  	s14 =	simm.s32 @p2 $0x0;
	p2 =	sgt.s32 s16, $0xFFF  }
0x18: {  	s16 =	smov.u32 @p2 s2;
	p2 =	sne.s32 s11, s7  }
.Ltmp1:
0x19: {  	p1 =	slt.u32 s11, $0x2;
	(pc) =	sbr.rel @!p2 .LBB1_6-.Ltmp1, $4  }
0x1a: {  	s15 =	simm.s32 @!p1 $0x2  }
0x1b: {  	s13 =	smov.u32 s10;
	p0 =	por !p0, !p0;
	_ =	swait.ge @!p1 [sflag:s15], $0x2000  }
0x1c: {  	s12 =	smov.u32 s9;
	[sflag:s15] =	ssyncset.done @!p1 $0x0;
	s9 =	smov.u32 s14  }
0x1d: {  	s11 =	sadd.s32 $0x1, s11;
	[sflag:s15] =	ssyncadd.s32 @!p1 $0xFFFFE000;
	s10 =	smov.u32 s16  }
.LBB1_1:
0x1e: {  	p1 =	sge.u32 s11, s5  }
0x1f: {  	s14 =	sand.u32 @!p1 $0x1FFFFFF, s9  }
0x20: {  	s15 =	smulhi.u32 @!p1 $0x147AE15, s14;
	_ =	sdelay $0x1  }
0x21: {  	s15 =	smul.u32 @!p1 $0xC8, s15  }
0x22: {  	s16 =	sxor.u32 @!p1 $0xFFFFFFFF, s11;
	s17 =	smul.u32 @!p1 $0xC80, s10  }
0x23: {  	s31 =	sadd.s32 $0xFFFFFFFF, s11;
	s16 =	sshll.u32 @!p1 s16, $0xD;
	s14 =	ssub.s32 @!p1 s14, s15  }
0x24: {  	s15 =	sand.u32 @!p1 $0x2000, s16;
	s16 =	sadd.s32 @!p1 s6, s17;
	s14 =	sshll.u32 @!p1 s14, $0x4  }
0x25: {  	s17 =	simm.s32 @!p1 $0x6400;
	s14 =	sadd.s32 @!p1 s14, s16;
	s16 =	simm.s32 @!p1 $0x40  }
0x26: {  	[tilespmem:s15], [sflag:$0x1] =	stream.strided.gather @!p1 [hbm4b:s14+s16], $0x2000, s17, s16, $0x38;
	[tilespmem:$0x8080] =	vst v63  }
0x27: {  	p1 =	sge.u32 s31, s5  }
.Ltmp2:
0x28: {  	_ = 	snop;
	(pc) =	sbr.rel @p1 .LBB1_5-.Ltmp2, $1  }
0x29: {  	_ =	sdelay $0x3  }
0x2a: {  	s14 =	simm.s32 $0x1  }
0x2b: {  	_ =	swait.ge [sflag:s4], $0x2000;
	s14 =	simm.s32 @!p0 $0x0  }
0x2c: {  	[sflag:s4] =	ssyncset.done $0x0;
	s15 =	sshll.u32 s14, $0xD  }
0x2d: {  	[sflag:s4] =	ssyncadd.s32 $0xFFFFE000;
	s18 =	sor.u32 $0x20, s15  }
0x2e: {  	s14 =	smul.u32 $0x8100, s14;
	v3 =	vld [tilespmem:s18+$0x10]  }
0x2f: {  	s30 =	sand.u32 $0x1, s11;
	v2 =	vld [tilespmem:s18+$0xFFFFFFF0]  }
0x30: {  	s15 =	smul.u32 $0x8100, s30;
	s14 =	sshrl.u32 s14, $0x2;
	v0 =	vld [tilespmem:s18+$0x0]  }
0x31: {  	v1 =	vld [tilespmem:s18+$0xFFFFFFE0];
	s16 =	sor.u32 $0x4000, s14  }
0x32: {  	s31 =	sshrl.u32 s15, $0x2;
	s15 =	sadd.s32 $0x0, s16  }
0x33: {  	s17 =	simm.s32 $0x4;
	s18 =	sadd.s32 $0x40, s18;
	s14 =	sor.u32 $0x4000, s31;
	[tilespmem:s15+$0x1830 ss:$0x81] =	vst.msk $0xffff, v3  }
.LBB1_3:
0x34: {  	v3 =	vld [tilespmem:s18+$0x10];
	p1 =	sne.s32 s17, $0x1FC;
	[tilespmem:s15+$0x810 ss:$0x81] =	vst.msk $0xffff, v2;
	s19 =	smov.u32 s17;
	s17 =	sadd.s32 $0x4, s17  }
.Ltmp3:
0x35: {  	v2 =	vld [tilespmem:s18+$0xFFFFFFF0];
	[tilespmem:s15+$0x1020 ss:$0x81] =	vst.msk $0xffff, v0;
	(pc) =	sbr.rel @p1 .LBB1_3-.Ltmp3, $4  }
0x36: {  	v0 =	vld [tilespmem:s18+$0x0];
	[tilespmem:s15+$0x0 ss:$0x81] =	vst.msk $0xffff, v1  }
0x37: {  	s15 =	sshra.s32 s19, $0x2;
	v1 =	vld [tilespmem:s18+$0xFFFFFFE0]  }
0x38: {  	s15 =	sadd.s32 s15, s16  }
0x39: {  	s18 =	sadd.s32 $0x40, s18;
	[tilespmem:s15+$0x1830 ss:$0x81] =	vst.msk $0xffff, v3  }
.Ltmp4:
0x3a: {  	_ = 	snop;
	(pc) =	sbr.rel .LBB1_4-.Ltmp4, $1  }
0x3b: {  	_ =	sdelay $0x3  }
.LBB1_6:
0x3c: {  	_ =	sfence.sel $0x180000  }
0x3d: {  	s2 =	simm.s32 $0x1;
	[bflag:$0x0] =	sbarrier.arrive $0xFFFF  }
0x3e: {  	s31 =	simm.s32 $0x2;
	[sflag:s2] =	ssyncpa.u1 $0x1  }
0x3f: {  	[sflag:s31] =	ssyncpa.u1 $0x1  }
0x40: {  	p0 =	sne.s32 s0, $0x0;
	_ =	strace $0x9000004A  }
0x41: {  	s0 =	sadd.s32 @!p0 $0x100000, s1;
	[bflag:$0x2] =	sbarrier.arrive $0xFFFF  }
0x42: {  	[sflag:s0] =	ssyncadd.tile.s32 @!p0 $0x1;
	_ =	shalt  }
.Lfunc_end1:
_tile_overlayer_lowered:
.L_overlay_start_2:
0x43: {  	(tag) =	ssettag $0x2  }
0x44: {  	s0 =	rddreg [dreg:$0x0];
	s2 =	stileid.u32  }
0x45: {  	s1 =	rddreg [dreg:$0x1];
	p0 =	sne.s32 s2, $0x0  }
0x46: {  	s3 =	rddreg [dreg:$0x2];
	[bflag:$0x3] =	sbarrier.arrive $0xFFFF;
	s2 =	simm.s32 @!p0 $0x1C01  }
0x47: {  	[timem:s3], [sflag:s2] =	dma.local @!p0 [hbm:s0], s1  }
0x48: {  	s0 =	simm.s32 @!p0 $0x1  }
0x49: {  	_ =	swait.ge @!p0 [sflag:s0], s1  }
0x4a: {  	s1 =	ssub.s32 @!p0 $0x0, s1;
	[sflag:s0] =	ssyncset.done @!p0 $0x0  }
0x4b: {  	[sflag:s0] =	ssyncadd.s32 @!p0 s1  }
0x4c: {  	[bflag:$0x3] =	sbarrier.arrive $0xFFFF  }
0x4d: {  	_ =	shalt  }

</sc_bundles>
